<compile_context>
chip_gen: v7x
topology: tpu7x:2x2x1
jax: 0.10.2.dev20260603
libtpu: 0.0.44.dev20260713+nightly
codegen_flags: <defaults>
</compile_context>

<pallas_src>
import functools
import math

import jax
import jax.numpy as jnp
from jax import lax
from jax.experimental import pallas as pl
from jax.experimental.pallas import tpu as pltpu
from jax.experimental.pallas import tpu_sc as plsc

H = 128
NUM_RBF = 32
N_NODES = 10000
N_EDGES = 320000

NP = 10240



def _node_body(x_ref, vecf_ref, w1_ref, b1_ref, w2_ref, b2_ref, g_ref, b_ref,
               out_ref, *, block_rows):
    x = x_ref[...]
    mu = jnp.mean(x, axis=-1, keepdims=True)
    var = jnp.mean((x - mu) ** 2, axis=-1, keepdims=True)
    xn = (x - mu) * lax.rsqrt(var + 1e-5) * g_ref[...] + b_ref[...]
    t = jnp.dot(xn, w1_ref[...], preferred_element_type=jnp.float32) + b1_ref[...]
    t = jax.nn.silu(t) * (1.0 / 0.6)
    xh = jnp.dot(t, w2_ref[...], preferred_element_type=jnp.float32) + b2_ref[...]
    row = pl.program_id(0) * block_rows + lax.broadcasted_iota(
        jnp.int32, (block_rows, 1), 0)
    xh = jnp.where(row < N_NODES, xh, 0.0)
    out_ref[:, :3 * H] = xh
    out_ref[:, 3 * H:] = jnp.where(row < N_NODES, vecf_ref[...], 0.0)


def _make_nodetab(xp, vecfp):
    blk = 1024
    grid = NP // blk
    return pl.pallas_call(
        functools.partial(_node_body, block_rows=blk),
        grid=(grid,),
        in_specs=[
            pl.BlockSpec((blk, H), lambda i: (i, 0)),
            pl.BlockSpec((blk, 3 * H), lambda i: (i, 0)),
            pl.BlockSpec((H, H), lambda i: (0, 0)),
            pl.BlockSpec((H,), lambda i: (0,)),
            pl.BlockSpec((H, 3 * H), lambda i: (0, 0)),
            pl.BlockSpec((3 * H,), lambda i: (0,)),
            pl.BlockSpec((H,), lambda i: (0,)),
            pl.BlockSpec((H,), lambda i: (0,)),
        ],
        out_specs=pl.BlockSpec((blk, 6 * H), lambda i: (i, 0)),
        out_shape=jax.ShapeDtypeStruct((NP, 6 * H), jnp.float32),
    )


def _edge_body(rbf_ref, w_ref, b_ref, evp_ref, out_ref):
    blk = rbf_ref.shape[0]
    out_ref[:, :3 * H] = jnp.dot(rbf_ref[...], w_ref[...],
                                 preferred_element_type=jnp.float32) + b_ref[...]
    out_ref[:, 3 * H:3 * H + 16] = evp_ref[...]
    out_ref[:, 3 * H + 16:] = jnp.zeros((blk, 512 - 3 * H - 16), jnp.float32)


def _make_edgetab():
    blk = 3200
    grid = N_EDGES // blk
    return pl.pallas_call(
        _edge_body,
        grid=(grid,),
        in_specs=[
            pl.BlockSpec((blk, NUM_RBF), lambda i: (i, 0)),
            pl.BlockSpec((NUM_RBF, 3 * H), lambda i: (0, 0)),
            pl.BlockSpec((3 * H,), lambda i: (0,)),
            pl.BlockSpec((blk, 16), lambda i: (i, 0)),
        ],
        out_specs=pl.BlockSpec((blk, 512), lambda i: (i, 0)),
        out_shape=jax.ShapeDtypeStruct((N_EDGES, 512), jnp.float32),
    )


def kernel(x, vec, edge_index, edge_rbf, edge_vector, W1, b1, W2, b2, Wrbf,
           brbf, ln_g, ln_b):
    inv3 = 1.0 / math.sqrt(3.0)
    invh = 1.0 / math.sqrt(float(H))
    s = jnp.concatenate([
        jnp.full((H,), 1.0, jnp.float32),
        jnp.full((H,), inv3 * invh, jnp.float32),
        jnp.full((H,), invh, jnp.float32),
    ])
    Wrbf_s = Wrbf * s[None, :]
    brbf_s = brbf * s

    xp = jnp.pad(x, ((0, NP - N_NODES), (0, 0)))
    vecfp = jnp.pad(vec.reshape(N_NODES, 3 * H), ((0, NP - N_NODES), (0, 0)))
    evp = jnp.pad(edge_vector, ((0, 0), (0, 13)))

    nodetab = _make_nodetab(xp, vecfp)(
        xp, vecfp, W1, b1, W2, b2, ln_g, ln_b)
    edgetab = _make_edgetab()(edge_rbf, Wrbf_s, brbf_s, evp)

    src = edge_index[0].astype(jnp.int32)
    dst = edge_index[1].astype(jnp.int32)

    zrows = jnp.zeros((ROWS, 512), jnp.float32)
    Y = _sc_edge_kernel()(nodetab, edgetab, dst, src, zrows)

    dx = Y[:N_NODES, :H]
    dvec = Y[:N_NODES, H:].reshape(N_NODES, 3, H)
    return (dx, dvec)



NC = 2
NS = 16
NW = NC * NS
P = 2
ROWS = NP // (NW * P)
CHUNK = 3200
NCHUNK = N_EDGES // CHUNK
G = 8


def _sc_body(nodetab, edgetab, dst_hbm, src_hbm, zrows_hbm, y_hbm,
             acc, sel_dst, sel_src, sel_eid,
             dstb0, srcb0, dstb1, srcb1,
             node_v0, edge_v0, node_v1, edge_v1, kref,
             sn0, se0, sn1, se1, sc0, sc1):
    c = lax.axis_index("c")
    s = lax.axis_index("s")
    z16 = jnp.zeros((16,), jnp.int32)
    gbufs = ((node_v0, edge_v0, sn0, se0), (node_v1, edge_v1, sn1, se1))
    cbufs = ((dstb0, srcb0, sc0), (dstb1, srcb1, sc1))

    def chunk_refs(ch, cbuf):
        db, sb, sem = cbuf
        return ((dst_hbm.at[pl.ds(ch * CHUNK, CHUNK)], db, sem),
                (src_hbm.at[pl.ds(ch * CHUNK, CHUNK)], sb, sem))

    def chunk_start(ch, cbuf):
        for srcr, dstr, sem in chunk_refs(ch, cbuf):
            pltpu.async_copy(srcr, dstr, sem)

    def chunk_wait(ch, cbuf):
        for srcr, dstr, sem in chunk_refs(ch, cbuf):
            pltpu.make_async_copy(srcr, dstr, sem).wait()

    def gather_refs(b, buf):
        nv, ev_, s1, s2 = buf
        return ((nodetab.at[sel_src.at[pl.ds(b * G, G)]], nv, s1),
                (edgetab.at[sel_eid.at[pl.ds(b * G, G)]], ev_, s2))

    def gather_start(b, buf):
        for srcr, dstr, sem in gather_refs(b, buf):
            pltpu.async_copy(srcr, dstr, sem)

    def gather_wait(b, buf):
        for srcr, dstr, sem in gather_refs(b, buf):
            pltpu.make_async_copy(srcr, dstr, sem).wait()

    def run_filter(base, lo, db, sb):
        def filt(i, ptr):
            ms = []
            total = jnp.int32(0)
            for j in range(8):
                dl = db[pl.ds(i * 128 + j * 16, 16)] - lo
                m = (dl >= 0) & (dl < ROWS)
                cnt = plsc.all_reduce_population_count(m)[0]
                ms.append((m, dl, cnt))
                total = total + cnt

            def hit():
                q = ptr
                for j, (m, dl, cnt) in enumerate(ms):
                    s16 = sb[pl.ds(i * 128 + j * 16, 16)]
                    pos = q + plsc.cumsum(m.astype(jnp.int32)) - 1
                    plsc.store_scatter(sel_dst, [pos], dl, mask=m)
                    plsc.store_scatter(sel_src, [pos], s16, mask=m)
                    eid = base + i * 128 + j * 16 + lax.iota(jnp.int32, 16)
                    plsc.store_scatter(sel_eid, [pos], eid, mask=m)
                    q = q + cnt
                return q

            return lax.cond(total > 0, hit, lambda: ptr)

        return lax.fori_loop(0, CHUNK // 128, filt, jnp.int32(0))

    def compute(b, buf):
        nv, ev_, _, _ = buf

        @plsc.parallel_loop(0, G, unroll=6)
        def body(g):
            g16 = jnp.full((16,), g, jnp.int32)
            drow = sel_dst[pl.ds(b * G + g, 16)][0]
            ev = [plsc.load_gather(
                ev_, [g16, jnp.full((16,), 3 * H + d, jnp.int32)])
                for d in range(3)]
            for k in range(H // 16):
                o = k * 16
                xh1 = nv[g, pl.ds(o, 16)]
                xh2 = nv[g, pl.ds(H + o, 16)]
                xh3 = nv[g, pl.ds(2 * H + o, 16)]
                r1 = ev_[g, pl.ds(o, 16)]
                r2 = ev_[g, pl.ds(H + o, 16)]
                r3 = ev_[g, pl.ds(2 * H + o, 16)]
                a = xh2 * r2
                bb = xh3 * r3
                plsc.addupdate(acc.at[drow, pl.ds(o, 16)], xh1 * r1)
                for d in range(3):
                    vd = nv[g, pl.ds(3 * H + d * H + o, 16)]
                    plsc.addupdate(acc.at[drow, pl.ds(H + d * H + o, 16)],
                                   vd * a + ev[d] * bb)

    def pass_body(p, _):
        w = p * NW + s * NC + c
        lo = w * ROWS
        pltpu.sync_copy(zrows_hbm, acc)
        chunk_start(0, cbufs[0])

        def chunk_body(ch, _):
            base = ch * CHUNK
            for cpar in range(2):
                @pl.when(ch % 2 == cpar)
                def _():
                    @pl.when(ch + 1 < NCHUNK)
                    def _():
                        chunk_start(ch + 1, cbufs[1 - cpar])
                    chunk_wait(ch, cbufs[cpar])
                    kref[0] = run_filter(base, lo, cbufs[cpar][0],
                                         cbufs[cpar][1])
            K = kref[0]
            sel_dst[pl.ds(K, 16)] = z16
            sel_src[pl.ds(K, 16)] = z16 + N_NODES
            sel_eid[pl.ds(K, 16)] = z16
            nb = (K + G - 1) // G

            @pl.when(nb > 0)
            def _():
                gather_start(0, gbufs[0])

            def batch(b, _):
                for par in range(2):
                    @pl.when(b % 2 == par)
                    def _():
                        @pl.when(b + 1 < nb)
                        def _():
                            gather_start(b + 1, gbufs[1 - par])
                        gather_wait(b, gbufs[par])
                        compute(b, gbufs[par])
                return 0

            lax.fori_loop(0, nb, batch, 0)
            return 0

        lax.fori_loop(0, NCHUNK, chunk_body, 0)
        pltpu.sync_copy(acc, y_hbm.at[pl.ds(lo, ROWS)])
        return 0

    lax.fori_loop(0, P, pass_body, 0)


def _sc_edge_kernel():
    return pl.kernel(
        _sc_body,
        out_type=jax.ShapeDtypeStruct((NP, 512), jnp.float32),
        mesh=plsc.VectorSubcoreMesh(core_axis_name="c", subcore_axis_name="s"),
        scratch_types=[
            pltpu.VMEM((ROWS, 512), jnp.float32),
            pltpu.VMEM((CHUNK + 32,), jnp.int32),
            pltpu.VMEM((CHUNK + 32,), jnp.int32),
            pltpu.VMEM((CHUNK + 32,), jnp.int32),
            pltpu.VMEM((CHUNK,), jnp.int32),
            pltpu.VMEM((CHUNK,), jnp.int32),
            pltpu.VMEM((CHUNK,), jnp.int32),
            pltpu.VMEM((CHUNK,), jnp.int32),
            pltpu.VMEM((G, 6 * H), jnp.float32),
            pltpu.VMEM((G, 512), jnp.float32),
            pltpu.VMEM((G, 6 * H), jnp.float32),
            pltpu.VMEM((G, 512), jnp.float32),
            pltpu.SMEM((1,), jnp.int32),
            pltpu.SemaphoreType.DMA,
            pltpu.SemaphoreType.DMA,
            pltpu.SemaphoreType.DMA,
            pltpu.SemaphoreType.DMA,
            pltpu.SemaphoreType.DMA,
            pltpu.SemaphoreType.DMA,
        ],
        compiler_params=pltpu.CompilerParams(needs_layout_passes=False),
    )

# --- scband reference (transcript-rebuilt; emitter-appended) ---
"""Pipeline reference for scband-pai-nn-66640712564908 (READ-ONLY COPY).

The authoritative reference and input builder live on the scoring server;
editing this copy changes nothing except your own understanding.
"""

import jax, jax.numpy as jnp
import numpy as np
import math

H = 128
NUM_RBF = 32
N_NODES = 10000
N_EDGES = 320000

def setup_inputs(seed: int = 0) -> dict:
    key = jax.random.key(seed)
    ks = jax.random.split(key, 16)
    x = jax.random.normal(ks[0], (N_NODES, H), dtype=jnp.float32)
    vec = jax.random.normal(ks[1], (N_NODES, 3, H), dtype=jnp.float32)
    edge_index = jax.random.randint(ks[2], (2, N_EDGES), 0, N_NODES, dtype=jnp.int64)
    edge_rbf = jax.random.uniform(ks[3], (N_EDGES, NUM_RBF), dtype=jnp.float32)
    edge_vector = jax.random.normal(ks[4], (N_EDGES, 3), dtype=jnp.float32)
    # learned params (PaiNNMessage): x_proj = Linear(H,H) + ScaledSiLU + Linear(H,3H); rbf_proj = Linear(NUM_RBF,3H); LayerNorm(H)
    s1 = math.sqrt(6.0 / (H + H))
    s2 = math.sqrt(6.0 / (H + 3 * H))
    s3 = math.sqrt(6.0 / (NUM_RBF + 3 * H))
    W1 = jax.random.uniform(ks[5], (H, H), minval=-s1, maxval=s1, dtype=jnp.float32)
    b1 = jnp.zeros((H,), dtype=jnp.float32)
    W2 = jax.random.uniform(ks[6], (H, 3 * H), minval=-s2, maxval=s2, dtype=jnp.float32)
    b2 = jnp.zeros((3 * H,), dtype=jnp.float32)
    Wrbf = jax.random.uniform(ks[7], (NUM_RBF, 3 * H), minval=-s3, maxval=s3, dtype=jnp.float32)
    brbf = jnp.zeros((3 * H,), dtype=jnp.float32)
    ln_g = jnp.ones((H,), dtype=jnp.float32)
    ln_b = jnp.zeros((H,), dtype=jnp.float32)
    return {"x": x, "vec": vec, "edge_index": edge_index, "edge_rbf": edge_rbf, "edge_vector": edge_vector, "W1": W1, "b1": b1, "W2": W2, "b2": b2, "Wrbf": Wrbf, "brbf": brbf, "ln_g": ln_g, "ln_b": ln_b}

def reference(x, vec, edge_index, edge_rbf, edge_vector, W1, b1, W2, b2, Wrbf, brbf, ln_g, ln_b):
    inv_sqrt_3 = 1.0 / math.sqrt(3.0)
    inv_sqrt_h = 1.0 / math.sqrt(float(H))
    # LayerNorm
    mu = jnp.mean(x, axis=-1, keepdims=True)
    var = jnp.mean((x - mu) ** 2, axis=-1, keepdims=True)
    xn = (x - mu) / jnp.sqrt(var + 1e-5) * ln_g + ln_b
    # x_proj: Linear -> ScaledSiLU -> Linear
    t = xn @ W1 + b1
    t = jax.nn.silu(t) * (1.0 / 0.6)
    xh = t @ W2 + b2  # [N, 3H]
    # rbf_proj
    rbfh = edge_rbf @ Wrbf + brbf  # [E, 3H]
    src = edge_index[0]
    dst = edge_index[1]
    xh_j = jnp.take(xh, src, axis=0)      # gather [E, 3H]
    vec_j = jnp.take(vec, src, axis=0)    # gather [E, 3, H]
    m = xh_j * rbfh
    xm, xh2, xh3 = m[:, :H], m[:, H:2 * H], m[:, 2 * H:]
    xh2 = xh2 * inv_sqrt_3
    vecm = vec_j * xh2[:, None, :] + xh3[:, None, :] * edge_vector[:, :, None]
    vecm = vecm * inv_sqrt_h
    dx = jax.ops.segment_sum(xm, dst, num_segments=N_NODES)
    dvec = jax.ops.segment_sum(vecm, dst, num_segments=N_NODES)
    return (dx, dvec)

if __name__ == "__main__":
    import jax
    _d = setup_inputs()
    print(jax.jit(kernel)(*tuple(_d.values())))

</pallas_src>

<mosaic_0001>
#map = affine_map<(d0, d1) -> (0, 0)>
#map1 = affine_map<(d0, d1) -> (0)>
module attributes {stable_mosaic.version = 14 : i64} {
  func.func @_sc_body(%arg0: i32, %arg1: i32, %arg2: memref<10240x768xf32, #tpu.memory_space<hbm>>, %arg3: memref<320000x512xf32, #tpu.memory_space<hbm>>, %arg4: memref<320000xi32, #tpu.memory_space<hbm>>, %arg5: memref<320000xi32, #tpu.memory_space<hbm>>, %arg6: memref<160x512xf32, #tpu.memory_space<hbm>>, %arg7: memref<10240x512xf32, #tpu.memory_space<hbm>>, %arg8: memref<160x512xf32, #tpu.memory_space<vmem>>, %arg9: memref<3232xi32, #tpu.memory_space<vmem>>, %arg10: memref<3232xi32, #tpu.memory_space<vmem>>, %arg11: memref<3232xi32, #tpu.memory_space<vmem>>, %arg12: memref<3200xi32, #tpu.memory_space<vmem>>, %arg13: memref<3200xi32, #tpu.memory_space<vmem>>, %arg14: memref<3200xi32, #tpu.memory_space<vmem>>, %arg15: memref<3200xi32, #tpu.memory_space<vmem>>, %arg16: memref<8x768xf32, #tpu.memory_space<vmem>>, %arg17: memref<8x512xf32, #tpu.memory_space<vmem>>, %arg18: memref<8x768xf32, #tpu.memory_space<vmem>>, %arg19: memref<8x512xf32, #tpu.memory_space<vmem>>, %arg20: memref<1xi32, #tpu.memory_space<smem>>, %arg21: memref<!tpu.dma_semaphore, #tpu.memory_space<semaphore_mem>>, %arg22: memref<!tpu.dma_semaphore, #tpu.memory_space<semaphore_mem>>, %arg23: memref<!tpu.dma_semaphore, #tpu.memory_space<semaphore_mem>>, %arg24: memref<!tpu.dma_semaphore, #tpu.memory_space<semaphore_mem>>, %arg25: memref<!tpu.dma_semaphore, #tpu.memory_space<semaphore_mem>>, %arg26: memref<!tpu.dma_semaphore, #tpu.memory_space<semaphore_mem>>) attributes {dimension_semantics = [#tpu.dimension_semantics<core_parallel>, #tpu.dimension_semantics<subcore_parallel>], iteration_bounds = array<i64: 2, 16>, scalar_prefetch = 0 : i64, scratch_operands = 19 : i64, tpu.core_type = #tpu.core_type<sc_vector_subcore>, window_params = [{transform_indices = #map}, {transform_indices = #map}, {transform_indices = #map1}, {transform_indices = #map1}, {transform_indices = #map}, {transform_indices = #map}]} {
    %broadcast_in_dim3A = arith.constant 0 : i32
    %broadcast_in_dim3A_0 = vector.broadcast %broadcast_in_dim3A : i32 to vector<16xi32>
    %scan3A = arith.constant 0 : i32
    %scan3A_1 = arith.constant 0 : i32
    %scan3A_2 = arith.constant 2 : i32
    %scan3A_3 = arith.addi %scan3A_1, %scan3A_2 : i32
    %scan3A_4 = arith.constant 1 : i32
    %scan3A_5 = scf.for %scan3A_7 = %scan3A_1 to %scan3A_3 step %scan3A_4 iter_args(%scan3A_8 = %scan3A) -> (i32)  : i32 {
      %mul3A = arith.constant 32 : i32
      %mul3A_9 = arith.muli %scan3A_7, %mul3A : i32
      %mul3A_10 = arith.constant 2 : i32
      %mul3A_11 = arith.muli %arg1, %mul3A_10 : i32
      %add3A = arith.addi %mul3A_9, %mul3A_11 : i32
      %add3A_12 = arith.addi %add3A, %arg0 : i32
      %mul3A_13 = arith.constant 160 : i32
      %mul3A_14 = arith.muli %add3A_12, %mul3A_13 : i32
      "tpu.region"() ({
        %run_scoped3A = tpu.sem_alloc : memref<!tpu.dma_semaphore, #tpu.memory_space<semaphore_mem>>
        tpu.enqueue_dma source(%arg6 : memref<160x512xf32, #tpu.memory_space<hbm>>) target(%arg8 : memref<160x512xf32, #tpu.memory_space<vmem>>) target_semaphore(%run_scoped3A : memref<!tpu.dma_semaphore, #tpu.memory_space<semaphore_mem>>)
        tpu.wait_dma2 semaphore(%run_scoped3A : memref<!tpu.dma_semaphore, #tpu.memory_space<semaphore_mem>>) src(%arg6 : memref<160x512xf32, #tpu.memory_space<hbm>>) dst(%arg8 : memref<160x512xf32, #tpu.memory_space<vmem>>)
        tpu.yield
      }) : () -> ()
      %dma_start3A = arith.constant 0 : i32
      %dma_start3A_15 = tpu.memref_slice %arg4[%dma_start3A] : memref<320000xi32, #tpu.memory_space<hbm>> -> memref<3200xi32, #tpu.memory_space<hbm>>
      %dma_start3A_16 = arith.constant 0 : i32
      %dma_start3A_17 = tpu.memref_slice %arg4[%dma_start3A_16] : memref<320000xi32, #tpu.memory_space<hbm>> -> memref<3200xi32, #tpu.memory_space<hbm>>
      tpu.enqueue_dma source(%dma_start3A_17 : memref<3200xi32, #tpu.memory_space<hbm>>) target(%arg12 : memref<3200xi32, #tpu.memory_space<vmem>>) target_semaphore(%arg25 : memref<!tpu.dma_semaphore, #tpu.memory_space<semaphore_mem>>)
      %dma_start3A_18 = arith.constant 0 : i32
      %dma_start3A_19 = tpu.memref_slice %arg5[%dma_start3A_18] : memref<320000xi32, #tpu.memory_space<hbm>> -> memref<3200xi32, #tpu.memory_space<hbm>>
      %dma_start3A_20 = arith.constant 0 : i32
      %dma_start3A_21 = tpu.memref_slice %arg5[%dma_start3A_20] : memref<320000xi32, #tpu.memory_space<hbm>> -> memref<3200xi32, #tpu.memory_space<hbm>>
      tpu.enqueue_dma source(%dma_start3A_21 : memref<3200xi32, #tpu.memory_space<hbm>>) target(%arg13 : memref<3200xi32, #tpu.memory_space<vmem>>) target_semaphore(%arg25 : memref<!tpu.dma_semaphore, #tpu.memory_space<semaphore_mem>>)
      %scan3A_22 = arith.constant 0 : i32
      %scan3A_23 = arith.constant 0 : i32
      %scan3A_24 = arith.constant 100 : i32
      %scan3A_25 = arith.addi %scan3A_23, %scan3A_24 : i32
      %scan3A_26 = arith.constant 1 : i32
      %scan3A_27 = scf.for %scan3A_30 = %scan3A_23 to %scan3A_25 step %scan3A_26 iter_args(%scan3A_31 = %scan3A_22) -> (i32)  : i32 {
        %mul3A_32 = arith.constant 3200 : i32
        %mul3A_33 = arith.muli %scan3A_30, %mul3A_32 : i32
        %jit3A = arith.constant 2 : i32
        %eq3A = arith.constant 0 : i32
        %eq3A_34 = arith.cmpi eq, %jit3A, %eq3A : i32
        %jit3A_35 = arith.constant 1 : i32
        %select_n3A = arith.select %eq3A_34, %jit3A_35, %jit3A : i32
        %rem3A = arith.remsi %scan3A_30, %select_n3A : i32
        %ne3A = arith.constant 0 : i32
        %ne3A_36 = arith.cmpi ne, %rem3A, %ne3A : i32
        %lt3A = arith.constant 0 : i32
        %lt3A_37 = arith.cmpi slt, %rem3A, %lt3A : i32
        %lt3A_38 = arith.constant 0 : i32
        %lt3A_39 = arith.cmpi slt, %select_n3A, %lt3A_38 : i32
        %ne3A_40 = arith.xori %lt3A_37, %lt3A_39 : i1
        %and3A = arith.andi %ne3A_40, %ne3A_36 : i1
        %add3A_41 = arith.addi %rem3A, %select_n3A : i32
        %select_n3A_42 = arith.select %and3A, %add3A_41, %rem3A : i32
        %eq3A_43 = arith.constant 0 : i32
        %eq3A_44 = arith.cmpi eq, %select_n3A_42, %eq3A_43 : i32
        %convert_element_type3A = arith.extui %eq3A_44 : i1 to i32
        %cond3A = arith.constant 0 : i32
        %cond3A_45 = arith.cmpi ne, %convert_element_type3A, %cond3A : i32
        scf.if %cond3A_45 {
          %add3A_118 = arith.constant 1 : i32
          %add3A_119 = arith.addi %scan3A_30, %add3A_118 : i32
          %lt3A_120 = arith.constant 100 : i32
          %lt3A_121 = arith.cmpi slt, %add3A_119, %lt3A_120 : i32
          %convert_element_type3A_122 = arith.extui %lt3A_121 : i1 to i32
          %cond3A_123 = arith.constant 0 : i32
          %cond3A_124 = arith.cmpi ne, %convert_element_type3A_122, %cond3A_123 : i32
          scf.if %cond3A_124 {
            %add3A_142 = arith.constant 1 : i32
            %add3A_143 = arith.addi %scan3A_30, %add3A_142 : i32
            %mul3A_144 = arith.constant 3200 : i32
            %mul3A_145 = arith.muli %add3A_143, %mul3A_144 : i32
            %mul3A_146 = arith.constant 3200 : i32
            %mul3A_147 = arith.muli %add3A_143, %mul3A_146 : i32
            %dma_start3A_148 = tpu.memref_slice %arg4[%mul3A_145] : memref<320000xi32, #tpu.memory_space<hbm>> -> memref<3200xi32, #tpu.memory_space<hbm>>
            %dma_start3A_149 = tpu.memref_slice %arg4[%mul3A_145] : memref<320000xi32, #tpu.memory_space<hbm>> -> memref<3200xi32, #tpu.memory_space<hbm>>
            tpu.enqueue_dma source(%dma_start3A_149 : memref<3200xi32, #tpu.memory_space<hbm>>) target(%arg14 : memref<3200xi32, #tpu.memory_space<vmem>>) target_semaphore(%arg26 : memref<!tpu.dma_semaphore, #tpu.memory_space<semaphore_mem>>)
            %dma_start3A_150 = tpu.memref_slice %arg5[%mul3A_147] : memref<320000xi32, #tpu.memory_space<hbm>> -> memref<3200xi32, #tpu.memory_space<hbm>>
            %dma_start3A_151 = tpu.memref_slice %arg5[%mul3A_147] : memref<320000xi32, #tpu.memory_space<hbm>> -> memref<3200xi32, #tpu.memory_space<hbm>>
            tpu.enqueue_dma source(%dma_start3A_151 : memref<3200xi32, #tpu.memory_space<hbm>>) target(%arg15 : memref<3200xi32, #tpu.memory_space<vmem>>) target_semaphore(%arg26 : memref<!tpu.dma_semaphore, #tpu.memory_space<semaphore_mem>>)
          } else {
          }
          %mul3A_125 = arith.constant 3200 : i32
          %mul3A_126 = arith.muli %scan3A_30, %mul3A_125 : i32
          %mul3A_127 = arith.constant 3200 : i32
          %mul3A_128 = arith.muli %scan3A_30, %mul3A_127 : i32
          %dma_wait3A = tpu.memref_slice %arg4[%mul3A_126] : memref<320000xi32, #tpu.memory_space<hbm>> -> memref<3200xi32, #tpu.memory_space<hbm>>
          %dma_wait3A_129 = tpu.memref_slice %arg4[%mul3A_126] : memref<320000xi32, #tpu.memory_space<hbm>> -> memref<3200xi32, #tpu.memory_space<hbm>>
          tpu.wait_dma2 semaphore(%arg25 : memref<!tpu.dma_semaphore, #tpu.memory_space<semaphore_mem>>) src(%dma_wait3A_129 : memref<3200xi32, #tpu.memory_space<hbm>>) dst(%arg12 : memref<3200xi32, #tpu.memory_space<vmem>>)
          %dma_wait3A_130 = tpu.memref_slice %arg5[%mul3A_128] : memref<320000xi32, #tpu.memory_space<hbm>> -> memref<3200xi32, #tpu.memory_space<hbm>>
          %dma_wait3A_131 = tpu.memref_slice %arg5[%mul3A_128] : memref<320000xi32, #tpu.memory_space<hbm>> -> memref<3200xi32, #tpu.memory_space<hbm>>
          tpu.wait_dma2 semaphore(%arg25 : memref<!tpu.dma_semaphore, #tpu.memory_space<semaphore_mem>>) src(%dma_wait3A_131 : memref<3200xi32, #tpu.memory_space<hbm>>) dst(%arg13 : memref<3200xi32, #tpu.memory_space<vmem>>)
          %scan3A_132 = arith.constant 0 : i32
          %scan3A_133 = arith.constant 0 : i32
          %scan3A_134 = arith.constant 25 : i32
          %scan3A_135 = arith.addi %scan3A_133, %scan3A_134 : i32
          %scan3A_136 = arith.constant 1 : i32
          %scan3A_137 = scf.for %scan3A_142 = %scan3A_133 to %scan3A_135 step %scan3A_136 iter_args(%scan3A_143 = %scan3A_132) -> (i32)  : i32 {
            %mul3A_144 = arith.constant 128 : i32
            %mul3A_145 = arith.muli %scan3A_142, %mul3A_144 : i32
            %add3A_146 = arith.constant 0 : i32
            %add3A_147 = arith.addi %mul3A_145, %add3A_146 : i32
            %get3A_148 = arith.index_cast %add3A_147 : i32 to index
            %get3A_149 = tpu.vector_load %arg12[%get3A_148] {strides = array<i32>} : memref<3200xi32, #tpu.memory_space<vmem>>, vector<16xi32>,
            %sub3A_150 = vector.broadcast %mul3A_14 : i32 to vector<16xi32>
            %sub3A_151 = arith.subi %get3A_149, %sub3A_150 : vector<16xi32>
            %ge3A = arith.constant 0 : i32
            %ge3A_152 = vector.broadcast %ge3A : i32 to vector<16xi32>
            %ge3A_153 = arith.cmpi sge, %sub3A_151, %ge3A_152 : vector<16xi32>
            %lt3A_154 = arith.constant 160 : i32
            %lt3A_155 = vector.broadcast %lt3A_154 : i32 to vector<16xi32>
            %lt3A_156 = arith.cmpi slt, %sub3A_151, %lt3A_155 : vector<16xi32>
            %and3A_157 = arith.andi %ge3A_153, %lt3A_156 : vector<16xi1>
            %all_reduce_population_count3A = tpu.all_reduce %and3A_157 {dim = 0 : i64, kind = #tpu.reduction_kind<sum>} : vector<16xi1> -> vector<16xi32>
            %slice3A = vector.extract_strided_slice %all_reduce_population_count3A {offsets = [0], sizes = [1], strides = [1]} : vector<16xi32> to vector<1xi32>
            %squeeze3A = vector.extract %slice3A[0] : i32 from vector<1xi32>
            %add3A_158 = arith.constant 0 : i32
            %add3A_159 = arith.addi %add3A_158, %squeeze3A : i32
            %mul3A_160 = arith.constant 128 : i32
            %mul3A_161 = arith.muli %scan3A_142, %mul3A_160 : i32
            %add3A_162 = arith.constant 16 : i32
            %add3A_163 = arith.addi %mul3A_161, %add3A_162 : i32
            %get3A_164 = arith.index_cast %add3A_163 : i32 to index
            %get3A_165 = tpu.vector_load %arg12[%get3A_164] {strides = array<i32>} : memref<3200xi32, #tpu.memory_space<vmem>>, vector<16xi32>,
            %sub3A_166 = vector.broadcast %mul3A_14 : i32 to vector<16xi32>
            %sub3A_167 = arith.subi %get3A_165, %sub3A_166 : vector<16xi32>
            %ge3A_168 = arith.constant 0 : i32
            %ge3A_169 = vector.broadcast %ge3A_168 : i32 to vector<16xi32>
            %ge3A_170 = arith.cmpi sge, %sub3A_167, %ge3A_169 : vector<16xi32>
            %lt3A_171 = arith.constant 160 : i32
            %lt3A_172 = vector.broadcast %lt3A_171 : i32 to vector<16xi32>
            %lt3A_173 = arith.cmpi slt, %sub3A_167, %lt3A_172 : vector<16xi32>
            %and3A_174 = arith.andi %ge3A_170, %lt3A_173 : vector<16xi1>
            %all_reduce_population_count3A_175 = tpu.all_reduce %and3A_174 {dim = 0 : i64, kind = #tpu.reduction_kind<sum>} : vector<16xi1> -> vector<16xi32>
            %slice3A_176 = vector.extract_strided_slice %all_reduce_population_count3A_175 {offsets = [0], sizes = [1], strides = [1]} : vector<16xi32> to vector<1xi32>
            %squeeze3A_177 = vector.extract %slice3A_176[0] : i32 from vector<1xi32>
            %add3A_178 = arith.addi %add3A_159, %squeeze3A_177 : i32
            %mul3A_179 = arith.constant 128 : i32
            %mul3A_180 = arith.muli %scan3A_142, %mul3A_179 : i32
            %add3A_181 = arith.constant 32 : i32
            %add3A_182 = arith.addi %mul3A_180, %add3A_181 : i32
            %get3A_183 = arith.index_cast %add3A_182 : i32 to index
            %get3A_184 = tpu.vector_load %arg12[%get3A_183] {strides = array<i32>} : memref<3200xi32, #tpu.memory_space<vmem>>, vector<16xi32>,
            %sub3A_185 = vector.broadcast %mul3A_14 : i32 to vector<16xi32>
            %sub3A_186 = arith.subi %get3A_184, %sub3A_185 : vector<16xi32>
            %ge3A_187 = arith.constant 0 : i32
            %ge3A_188 = vector.broadcast %ge3A_187 : i32 to vector<16xi32>
            %ge3A_189 = arith.cmpi sge, %sub3A_186, %ge3A_188 : vector<16xi32>
            %lt3A_190 = arith.constant 160 : i32
            %lt3A_191 = vector.broadcast %lt3A_190 : i32 to vector<16xi32>
            %lt3A_192 = arith.cmpi slt, %sub3A_186, %lt3A_191 : vector<16xi32>
            %and3A_193 = arith.andi %ge3A_189, %lt3A_192 : vector<16xi1>
            %all_reduce_population_count3A_194 = tpu.all_reduce %and3A_193 {dim = 0 : i64, kind = #tpu.reduction_kind<sum>} : vector<16xi1> -> vector<16xi32>
            %slice3A_195 = vector.extract_strided_slice %all_reduce_population_count3A_194 {offsets = [0], sizes = [1], strides = [1]} : vector<16xi32> to vector<1xi32>
            %squeeze3A_196 = vector.extract %slice3A_195[0] : i32 from vector<1xi32>
            %add3A_197 = arith.addi %add3A_178, %squeeze3A_196 : i32
            %mul3A_198 = arith.constant 128 : i32
            %mul3A_199 = arith.muli %scan3A_142, %mul3A_198 : i32
            %add3A_200 = arith.constant 48 : i32
            %add3A_201 = arith.addi %mul3A_199, %add3A_200 : i32
            %get3A_202 = arith.index_cast %add3A_201 : i32 to index
            %get3A_203 = tpu.vector_load %arg12[%get3A_202] {strides = array<i32>} : memref<3200xi32, #tpu.memory_space<vmem>>, vector<16xi32>,
            %sub3A_204 = vector.broadcast %mul3A_14 : i32 to vector<16xi32>
            %sub3A_205 = arith.subi %get3A_203, %sub3A_204 : vector<16xi32>
            %ge3A_206 = arith.constant 0 : i32
            %ge3A_207 = vector.broadcast %ge3A_206 : i32 to vector<16xi32>
            %ge3A_208 = arith.cmpi sge, %sub3A_205, %ge3A_207 : vector<16xi32>
            %lt3A_209 = arith.constant 160 : i32
            %lt3A_210 = vector.broadcast %lt3A_209 : i32 to vector<16xi32>
            %lt3A_211 = arith.cmpi slt, %sub3A_205, %lt3A_210 : vector<16xi32>
            %and3A_212 = arith.andi %ge3A_208, %lt3A_211 : vector<16xi1>
            %all_reduce_population_count3A_213 = tpu.all_reduce %and3A_212 {dim = 0 : i64, kind = #tpu.reduction_kind<sum>} : vector<16xi1> -> vector<16xi32>
            %slice3A_214 = vector.extract_strided_slice %all_reduce_population_count3A_213 {offsets = [0], sizes = [1], strides = [1]} : vector<16xi32> to vector<1xi32>
            %squeeze3A_215 = vector.extract %slice3A_214[0] : i32 from vector<1xi32>
            %add3A_216 = arith.addi %add3A_197, %squeeze3A_215 : i32
            %mul3A_217 = arith.constant 128 : i32
            %mul3A_218 = arith.muli %scan3A_142, %mul3A_217 : i32
            %add3A_219 = arith.constant 64 : i32
            %add3A_220 = arith.addi %mul3A_218, %add3A_219 : i32
            %get3A_221 = arith.index_cast %add3A_220 : i32 to index
            %get3A_222 = tpu.vector_load %arg12[%get3A_221] {strides = array<i32>} : memref<3200xi32, #tpu.memory_space<vmem>>, vector<16xi32>,
            %sub3A_223 = vector.broadcast %mul3A_14 : i32 to vector<16xi32>
            %sub3A_224 = arith.subi %get3A_222, %sub3A_223 : vector<16xi32>
            %ge3A_225 = arith.constant 0 : i32
            %ge3A_226 = vector.broadcast %ge3A_225 : i32 to vector<16xi32>
            %ge3A_227 = arith.cmpi sge, %sub3A_224, %ge3A_226 : vector<16xi32>
            %lt3A_228 = arith.constant 160 : i32
            %lt3A_229 = vector.broadcast %lt3A_228 : i32 to vector<16xi32>
            %lt3A_230 = arith.cmpi slt, %sub3A_224, %lt3A_229 : vector<16xi32>
            %and3A_231 = arith.andi %ge3A_227, %lt3A_230 : vector<16xi1>
            %all_reduce_population_count3A_232 = tpu.all_reduce %and3A_231 {dim = 0 : i64, kind = #tpu.reduction_kind<sum>} : vector<16xi1> -> vector<16xi32>
            %slice3A_233 = vector.extract_strided_slice %all_reduce_population_count3A_232 {offsets = [0], sizes = [1], strides = [1]} : vector<16xi32> to vector<1xi32>
            %squeeze3A_234 = vector.extract %slice3A_233[0] : i32 from vector<1xi32>
            %add3A_235 = arith.addi %add3A_216, %squeeze3A_234 : i32
            %mul3A_236 = arith.constant 128 : i32
            %mul3A_237 = arith.muli %scan3A_142, %mul3A_236 : i32
            %add3A_238 = arith.constant 80 : i32
            %add3A_239 = arith.addi %mul3A_237, %add3A_238 : i32
            %get3A_240 = arith.index_cast %add3A_239 : i32 to index
            %get3A_241 = tpu.vector_load %arg12[%get3A_240] {strides = array<i32>} : memref<3200xi32, #tpu.memory_space<vmem>>, vector<16xi32>,
            %sub3A_242 = vector.broadcast %mul3A_14 : i32 to vector<16xi32>
            %sub3A_243 = arith.subi %get3A_241, %sub3A_242 : vector<16xi32>
            %ge3A_244 = arith.constant 0 : i32
            %ge3A_245 = vector.broadcast %ge3A_244 : i32 to vector<16xi32>
            %ge3A_246 = arith.cmpi sge, %sub3A_243, %ge3A_245 : vector<16xi32>
            %lt3A_247 = arith.constant 160 : i32
            %lt3A_248 = vector.broadcast %lt3A_247 : i32 to vector<16xi32>
            %lt3A_249 = arith.cmpi slt, %sub3A_243, %lt3A_248 : vector<16xi32>
            %and3A_250 = arith.andi %ge3A_246, %lt3A_249 : vector<16xi1>
            %all_reduce_population_count3A_251 = tpu.all_reduce %and3A_250 {dim = 0 : i64, kind = #tpu.reduction_kind<sum>} : vector<16xi1> -> vector<16xi32>
            %slice3A_252 = vector.extract_strided_slice %all_reduce_population_count3A_251 {offsets = [0], sizes = [1], strides = [1]} : vector<16xi32> to vector<1xi32>
            %squeeze3A_253 = vector.extract %slice3A_252[0] : i32 from vector<1xi32>
            %add3A_254 = arith.addi %add3A_235, %squeeze3A_253 : i32
            %mul3A_255 = arith.constant 128 : i32
            %mul3A_256 = arith.muli %scan3A_142, %mul3A_255 : i32
            %add3A_257 = arith.constant 96 : i32
            %add3A_258 = arith.addi %mul3A_256, %add3A_257 : i32
            %get3A_259 = arith.index_cast %add3A_258 : i32 to index
            %get3A_260 = tpu.vector_load %arg12[%get3A_259] {strides = array<i32>} : memref<3200xi32, #tpu.memory_space<vmem>>, vector<16xi32>,
            %sub3A_261 = vector.broadcast %mul3A_14 : i32 to vector<16xi32>
            %sub3A_262 = arith.subi %get3A_260, %sub3A_261 : vector<16xi32>
            %ge3A_263 = arith.constant 0 : i32
            %ge3A_264 = vector.broadcast %ge3A_263 : i32 to vector<16xi32>
            %ge3A_265 = arith.cmpi sge, %sub3A_262, %ge3A_264 : vector<16xi32>
            %lt3A_266 = arith.constant 160 : i32
            %lt3A_267 = vector.broadcast %lt3A_266 : i32 to vector<16xi32>
            %lt3A_268 = arith.cmpi slt, %sub3A_262, %lt3A_267 : vector<16xi32>
            %and3A_269 = arith.andi %ge3A_265, %lt3A_268 : vector<16xi1>
            %all_reduce_population_count3A_270 = tpu.all_reduce %and3A_269 {dim = 0 : i64, kind = #tpu.reduction_kind<sum>} : vector<16xi1> -> vector<16xi32>
            %slice3A_271 = vector.extract_strided_slice %all_reduce_population_count3A_270 {offsets = [0], sizes = [1], strides = [1]} : vector<16xi32> to vector<1xi32>
            %squeeze3A_272 = vector.extract %slice3A_271[0] : i32 from vector<1xi32>
            %add3A_273 = arith.addi %add3A_254, %squeeze3A_272 : i32
            %mul3A_274 = arith.constant 128 : i32
            %mul3A_275 = arith.muli %scan3A_142, %mul3A_274 : i32
            %add3A_276 = arith.constant 112 : i32
            %add3A_277 = arith.addi %mul3A_275, %add3A_276 : i32
            %get3A_278 = arith.index_cast %add3A_277 : i32 to index
            %get3A_279 = tpu.vector_load %arg12[%get3A_278] {strides = array<i32>} : memref<3200xi32, #tpu.memory_space<vmem>>, vector<16xi32>,
            %sub3A_280 = vector.broadcast %mul3A_14 : i32 to vector<16xi32>
            %sub3A_281 = arith.subi %get3A_279, %sub3A_280 : vector<16xi32>
            %ge3A_282 = arith.constant 0 : i32
            %ge3A_283 = vector.broadcast %ge3A_282 : i32 to vector<16xi32>
            %ge3A_284 = arith.cmpi sge, %sub3A_281, %ge3A_283 : vector<16xi32>
            %lt3A_285 = arith.constant 160 : i32
            %lt3A_286 = vector.broadcast %lt3A_285 : i32 to vector<16xi32>
            %lt3A_287 = arith.cmpi slt, %sub3A_281, %lt3A_286 : vector<16xi32>
            %and3A_288 = arith.andi %ge3A_284, %lt3A_287 : vector<16xi1>
            %all_reduce_population_count3A_289 = tpu.all_reduce %and3A_288 {dim = 0 : i64, kind = #tpu.reduction_kind<sum>} : vector<16xi1> -> vector<16xi32>
            %slice3A_290 = vector.extract_strided_slice %all_reduce_population_count3A_289 {offsets = [0], sizes = [1], strides = [1]} : vector<16xi32> to vector<1xi32>
            %squeeze3A_291 = vector.extract %slice3A_290[0] : i32 from vector<1xi32>
            %add3A_292 = arith.addi %add3A_273, %squeeze3A_291 : i32
            %gt3A_293 = arith.constant 0 : i32
            %gt3A_294 = arith.cmpi sgt, %add3A_292, %gt3A_293 : i32
            %convert_element_type3A_295 = arith.extui %gt3A_294 : i1 to i32
            %cond3A_296 = arith.constant 0 : i32
            %cond3A_297 = arith.cmpi ne, %convert_element_type3A_295, %cond3A_296 : i32
            %cond3A_298 = scf.if %cond3A_297 -> (i32) {
              %mul3A_299 = arith.constant 128 : i32
              %mul3A_300 = arith.muli %scan3A_142, %mul3A_299 : i32
              %add3A_301 = arith.constant 0 : i32
              %add3A_302 = arith.addi %mul3A_300, %add3A_301 : i32
              %get3A_303 = arith.index_cast %add3A_302 : i32 to index
              %get3A_304 = tpu.vector_load %arg13[%get3A_303] {strides = array<i32>} : memref<3200xi32, #tpu.memory_space<vmem>>, vector<16xi32>,
              %convert_element_type3A_305 = arith.extui %and3A_157 : vector<16xi1> to vector<16xi32>
              %broadcast_in_dim3A_306 = arith.constant true
              %broadcast_in_dim3A_307 = vector.broadcast %broadcast_in_dim3A_306 : i1 to vector<16xi1>
              %masked_cumsum3A = tpu.scan <sum>, %convert_element_type3A_305 masked %broadcast_in_dim3A_307 : vector<16xi32>, vector<16xi1> -> vector<16xi32>
              %add3A_308 = vector.broadcast %scan3A_143 : i32 to vector<16xi32>
              %add3A_309 = arith.addi %add3A_308, %masked_cumsum3A : vector<16xi32>
              %sub3A_310 = arith.constant 1 : i32
              %sub3A_311 = vector.broadcast %sub3A_310 : i32 to vector<16xi32>
              %sub3A_312 = arith.subi %add3A_309, %sub3A_311 : vector<16xi32>
              tpu.vector_store_idx %arg9[%sub3A_312], %sub3A_151 masked %and3A_157 : memref<3232xi32, #tpu.memory_space<vmem>>[vector<16xi32>], vector<16xi32>, vector<16xi1>
              tpu.vector_store_idx %arg10[%sub3A_312], %get3A_304 masked %and3A_157 : memref<3232xi32, #tpu.memory_space<vmem>>[vector<16xi32>], vector<16xi32>, vector<16xi1>
              %mul3A_313 = arith.constant 128 : i32
              %mul3A_314 = arith.muli %scan3A_142, %mul3A_313 : i32
              %add3A_315 = arith.addi %mul3A_33, %mul3A_314 : i32
              %add3A_316 = arith.constant 0 : i32
              %add3A_317 = arith.addi %add3A_315, %add3A_316 : i32
              %iota3A = tpu.iota {dimensions = array<i32: 0>} : vector<16xi32>
              %add3A_318 = vector.broadcast %add3A_317 : i32 to vector<16xi32>
              %add3A_319 = arith.addi %add3A_318, %iota3A : vector<16xi32>
              tpu.vector_store_idx %arg11[%sub3A_312], %add3A_319 masked %and3A_157 : memref<3232xi32, #tpu.memory_space<vmem>>[vector<16xi32>], vector<16xi32>, vector<16xi1>
              %add3A_320 = arith.addi %scan3A_143, %squeeze3A : i32
              %mul3A_321 = arith.constant 128 : i32
              %mul3A_322 = arith.muli %scan3A_142, %mul3A_321 : i32
              %add3A_323 = arith.constant 16 : i32
              %add3A_324 = arith.addi %mul3A_322, %add3A_323 : i32
              %get3A_325 = arith.index_cast %add3A_324 : i32 to index
              %get3A_326 = tpu.vector_load %arg13[%get3A_325] {strides = array<i32>} : memref<3200xi32, #tpu.memory_space<vmem>>, vector<16xi32>,
              %convert_element_type3A_327 = arith.extui %and3A_174 : vector<16xi1> to vector<16xi32>
              %broadcast_in_dim3A_328 = arith.constant true
              %broadcast_in_dim3A_329 = vector.broadcast %broadcast_in_dim3A_328 : i1 to vector<16xi1>
              %masked_cumsum3A_330 = tpu.scan <sum>, %convert_element_type3A_327 masked %broadcast_in_dim3A_329 : vector<16xi32>, vector<16xi1> -> vector<16xi32>
              %add3A_331 = vector.broadcast %add3A_320 : i32 to vector<16xi32>
              %add3A_332 = arith.addi %add3A_331, %masked_cumsum3A_330 : vector<16xi32>
              %sub3A_333 = arith.constant 1 : i32
              %sub3A_334 = vector.broadcast %sub3A_333 : i32 to vector<16xi32>
              %sub3A_335 = arith.subi %add3A_332, %sub3A_334 : vector<16xi32>
              tpu.vector_store_idx %arg9[%sub3A_335], %sub3A_167 masked %and3A_174 : memref<3232xi32, #tpu.memory_space<vmem>>[vector<16xi32>], vector<16xi32>, vector<16xi1>
              tpu.vector_store_idx %arg10[%sub3A_335], %get3A_326 masked %and3A_174 : memref<3232xi32, #tpu.memory_space<vmem>>[vector<16xi32>], vector<16xi32>, vector<16xi1>
              %mul3A_336 = arith.constant 128 : i32
              %mul3A_337 = arith.muli %scan3A_142, %mul3A_336 : i32
              %add3A_338 = arith.addi %mul3A_33, %mul3A_337 : i32
              %add3A_339 = arith.constant 16 : i32
              %add3A_340 = arith.addi %add3A_338, %add3A_339 : i32
              %iota3A_341 = tpu.iota {dimensions = array<i32: 0>} : vector<16xi32>
              %add3A_342 = vector.broadcast %add3A_340 : i32 to vector<16xi32>
              %add3A_343 = arith.addi %add3A_342, %iota3A_341 : vector<16xi32>
              tpu.vector_store_idx %arg11[%sub3A_335], %add3A_343 masked %and3A_174 : memref<3232xi32, #tpu.memory_space<vmem>>[vector<16xi32>], vector<16xi32>, vector<16xi1>
              %add3A_344 = arith.addi %add3A_320, %squeeze3A_177 : i32
              %mul3A_345 = arith.constant 128 : i32
              %mul3A_346 = arith.muli %scan3A_142, %mul3A_345 : i32
              %add3A_347 = arith.constant 32 : i32
              %add3A_348 = arith.addi %mul3A_346, %add3A_347 : i32
              %get3A_349 = arith.index_cast %add3A_348 : i32 to index
              %get3A_350 = tpu.vector_load %arg13[%get3A_349] {strides = array<i32>} : memref<3200xi32, #tpu.memory_space<vmem>>, vector<16xi32>,
              %convert_element_type3A_351 = arith.extui %and3A_193 : vector<16xi1> to vector<16xi32>
              %broadcast_in_dim3A_352 = arith.constant true
              %broadcast_in_dim3A_353 = vector.broadcast %broadcast_in_dim3A_352 : i1 to vector<16xi1>
              %masked_cumsum3A_354 = tpu.scan <sum>, %convert_element_type3A_351 masked %broadcast_in_dim3A_353 : vector<16xi32>, vector<16xi1> -> vector<16xi32>
              %add3A_355 = vector.broadcast %add3A_344 : i32 to vector<16xi32>
              %add3A_356 = arith.addi %add3A_355, %masked_cumsum3A_354 : vector<16xi32>
              %sub3A_357 = arith.constant 1 : i32
              %sub3A_358 = vector.broadcast %sub3A_357 : i32 to vector<16xi32>
              %sub3A_359 = arith.subi %add3A_356, %sub3A_358 : vector<16xi32>
              tpu.vector_store_idx %arg9[%sub3A_359], %sub3A_186 masked %and3A_193 : memref<3232xi32, #tpu.memory_space<vmem>>[vector<16xi32>], vector<16xi32>, vector<16xi1>
              tpu.vector_store_idx %arg10[%sub3A_359], %get3A_350 masked %and3A_193 : memref<3232xi32, #tpu.memory_space<vmem>>[vector<16xi32>], vector<16xi32>, vector<16xi1>
              %mul3A_360 = arith.constant 128 : i32
              %mul3A_361 = arith.muli %scan3A_142, %mul3A_360 : i32
              %add3A_362 = arith.addi %mul3A_33, %mul3A_361 : i32
              %add3A_363 = arith.constant 32 : i32
              %add3A_364 = arith.addi %add3A_362, %add3A_363 : i32
              %iota3A_365 = tpu.iota {dimensions = array<i32: 0>} : vector<16xi32>
              %add3A_366 = vector.broadcast %add3A_364 : i32 to vector<16xi32>
              %add3A_367 = arith.addi %add3A_366, %iota3A_365 : vector<16xi32>
              tpu.vector_store_idx %arg11[%sub3A_359], %add3A_367 masked %and3A_193 : memref<3232xi32, #tpu.memory_space<vmem>>[vector<16xi32>], vector<16xi32>, vector<16xi1>
              %add3A_368 = arith.addi %add3A_344, %squeeze3A_196 : i32
              %mul3A_369 = arith.constant 128 : i32
              %mul3A_370 = arith.muli %scan3A_142, %mul3A_369 : i32
              %add3A_371 = arith.constant 48 : i32
              %add3A_372 = arith.addi %mul3A_370, %add3A_371 : i32
              %get3A_373 = arith.index_cast %add3A_372 : i32 to index
              %get3A_374 = tpu.vector_load %arg13[%get3A_373] {strides = array<i32>} : memref<3200xi32, #tpu.memory_space<vmem>>, vector<16xi32>,
              %convert_element_type3A_375 = arith.extui %and3A_212 : vector<16xi1> to vector<16xi32>
              %broadcast_in_dim3A_376 = arith.constant true
              %broadcast_in_dim3A_377 = vector.broadcast %broadcast_in_dim3A_376 : i1 to vector<16xi1>
              %masked_cumsum3A_378 = tpu.scan <sum>, %convert_element_type3A_375 masked %broadcast_in_dim3A_377 : vector<16xi32>, vector<16xi1> -> vector<16xi32>
              %add3A_379 = vector.broadcast %add3A_368 : i32 to vector<16xi32>
              %add3A_380 = arith.addi %add3A_379, %masked_cumsum3A_378 : vector<16xi32>
              %sub3A_381 = arith.constant 1 : i32
              %sub3A_382 = vector.broadcast %sub3A_381 : i32 to vector<16xi32>
              %sub3A_383 = arith.subi %add3A_380, %sub3A_382 : vector<16xi32>
              tpu.vector_store_idx %arg9[%sub3A_383], %sub3A_205 masked %and3A_212 : memref<3232xi32, #tpu.memory_space<vmem>>[vector<16xi32>], vector<16xi32>, vector<16xi1>
              tpu.vector_store_idx %arg10[%sub3A_383], %get3A_374 masked %and3A_212 : memref<3232xi32, #tpu.memory_space<vmem>>[vector<16xi32>], vector<16xi32>, vector<16xi1>
              %mul3A_384 = arith.constant 128 : i32
              %mul3A_385 = arith.muli %scan3A_142, %mul3A_384 : i32
              %add3A_386 = arith.addi %mul3A_33, %mul3A_385 : i32
              %add3A_387 = arith.constant 48 : i32
              %add3A_388 = arith.addi %add3A_386, %add3A_387 : i32
              %iota3A_389 = tpu.iota {dimensions = array<i32: 0>} : vector<16xi32>
              %add3A_390 = vector.broadcast %add3A_388 : i32 to vector<16xi32>
              %add3A_391 = arith.addi %add3A_390, %iota3A_389 : vector<16xi32>
              tpu.vector_store_idx %arg11[%sub3A_383], %add3A_391 masked %and3A_212 : memref<3232xi32, #tpu.memory_space<vmem>>[vector<16xi32>], vector<16xi32>, vector<16xi1>
              %add3A_392 = arith.addi %add3A_368, %squeeze3A_215 : i32
              %mul3A_393 = arith.constant 128 : i32
              %mul3A_394 = arith.muli %scan3A_142, %mul3A_393 : i32
              %add3A_395 = arith.constant 64 : i32
              %add3A_396 = arith.addi %mul3A_394, %add3A_395 : i32
              %get3A_397 = arith.index_cast %add3A_396 : i32 to index
              %get3A_398 = tpu.vector_load %arg13[%get3A_397] {strides = array<i32>} : memref<3200xi32, #tpu.memory_space<vmem>>, vector<16xi32>,
              %convert_element_type3A_399 = arith.extui %and3A_231 : vector<16xi1> to vector<16xi32>
              %broadcast_in_dim3A_400 = arith.constant true
              %broadcast_in_dim3A_401 = vector.broadcast %broadcast_in_dim3A_400 : i1 to vector<16xi1>
              %masked_cumsum3A_402 = tpu.scan <sum>, %convert_element_type3A_399 masked %broadcast_in_dim3A_401 : vector<16xi32>, vector<16xi1> -> vector<16xi32>
              %add3A_403 = vector.broadcast %add3A_392 : i32 to vector<16xi32>
              %add3A_404 = arith.addi %add3A_403, %masked_cumsum3A_402 : vector<16xi32>
              %sub3A_405 = arith.constant 1 : i32
              %sub3A_406 = vector.broadcast %sub3A_405 : i32 to vector<16xi32>
              %sub3A_407 = arith.subi %add3A_404, %sub3A_406 : vector<16xi32>
              tpu.vector_store_idx %arg9[%sub3A_407], %sub3A_224 masked %and3A_231 : memref<3232xi32, #tpu.memory_space<vmem>>[vector<16xi32>], vector<16xi32>, vector<16xi1>
              tpu.vector_store_idx %arg10[%sub3A_407], %get3A_398 masked %and3A_231 : memref<3232xi32, #tpu.memory_space<vmem>>[vector<16xi32>], vector<16xi32>, vector<16xi1>
              %mul3A_408 = arith.constant 128 : i32
              %mul3A_409 = arith.muli %scan3A_142, %mul3A_408 : i32
              %add3A_410 = arith.addi %mul3A_33, %mul3A_409 : i32
              %add3A_411 = arith.constant 64 : i32
              %add3A_412 = arith.addi %add3A_410, %add3A_411 : i32
              %iota3A_413 = tpu.iota {dimensions = array<i32: 0>} : vector<16xi32>
              %add3A_414 = vector.broadcast %add3A_412 : i32 to vector<16xi32>
              %add3A_415 = arith.addi %add3A_414, %iota3A_413 : vector<16xi32>
              tpu.vector_store_idx %arg11[%sub3A_407], %add3A_415 masked %and3A_231 : memref<3232xi32, #tpu.memory_space<vmem>>[vector<16xi32>], vector<16xi32>, vector<16xi1>
              %add3A_416 = arith.addi %add3A_392, %squeeze3A_234 : i32
              %mul3A_417 = arith.constant 128 : i32
              %mul3A_418 = arith.muli %scan3A_142, %mul3A_417 : i32
              %add3A_419 = arith.constant 80 : i32
              %add3A_420 = arith.addi %mul3A_418, %add3A_419 : i32
              %get3A_421 = arith.index_cast %add3A_420 : i32 to index
              %get3A_422 = tpu.vector_load %arg13[%get3A_421] {strides = array<i32>} : memref<3200xi32, #tpu.memory_space<vmem>>, vector<16xi32>,
              %convert_element_type3A_423 = arith.extui %and3A_250 : vector<16xi1> to vector<16xi32>
              %broadcast_in_dim3A_424 = arith.constant true
              %broadcast_in_dim3A_425 = vector.broadcast %broadcast_in_dim3A_424 : i1 to vector<16xi1>
              %masked_cumsum3A_426 = tpu.scan <sum>, %convert_element_type3A_423 masked %broadcast_in_dim3A_425 : vector<16xi32>, vector<16xi1> -> vector<16xi32>
              %add3A_427 = vector.broadcast %add3A_416 : i32 to vector<16xi32>
              %add3A_428 = arith.addi %add3A_427, %masked_cumsum3A_426 : vector<16xi32>
              %sub3A_429 = arith.constant 1 : i32
              %sub3A_430 = vector.broadcast %sub3A_429 : i32 to vector<16xi32>
              %sub3A_431 = arith.subi %add3A_428, %sub3A_430 : vector<16xi32>
              tpu.vector_store_idx %arg9[%sub3A_431], %sub3A_243 masked %and3A_250 : memref<3232xi32, #tpu.memory_space<vmem>>[vector<16xi32>], vector<16xi32>, vector<16xi1>
              tpu.vector_store_idx %arg10[%sub3A_431], %get3A_422 masked %and3A_250 : memref<3232xi32, #tpu.memory_space<vmem>>[vector<16xi32>], vector<16xi32>, vector<16xi1>
              %mul3A_432 = arith.constant 128 : i32
              %mul3A_433 = arith.muli %scan3A_142, %mul3A_432 : i32
              %add3A_434 = arith.addi %mul3A_33, %mul3A_433 : i32
              %add3A_435 = arith.constant 80 : i32
              %add3A_436 = arith.addi %add3A_434, %add3A_435 : i32
              %iota3A_437 = tpu.iota {dimensions = array<i32: 0>} : vector<16xi32>
              %add3A_438 = vector.broadcast %add3A_436 : i32 to vector<16xi32>
              %add3A_439 = arith.addi %add3A_438, %iota3A_437 : vector<16xi32>
              tpu.vector_store_idx %arg11[%sub3A_431], %add3A_439 masked %and3A_250 : memref<3232xi32, #tpu.memory_space<vmem>>[vector<16xi32>], vector<16xi32>, vector<16xi1>
              %add3A_440 = arith.addi %add3A_416, %squeeze3A_253 : i32
              %mul3A_441 = arith.constant 128 : i32
              %mul3A_442 = arith.muli %scan3A_142, %mul3A_441 : i32
              %add3A_443 = arith.constant 96 : i32
              %add3A_444 = arith.addi %mul3A_442, %add3A_443 : i32
              %get3A_445 = arith.index_cast %add3A_444 : i32 to index
              %get3A_446 = tpu.vector_load %arg13[%get3A_445] {strides = array<i32>} : memref<3200xi32, #tpu.memory_space<vmem>>, vector<16xi32>,
              %convert_element_type3A_447 = arith.extui %and3A_269 : vector<16xi1> to vector<16xi32>
              %broadcast_in_dim3A_448 = arith.constant true
              %broadcast_in_dim3A_449 = vector.broadcast %broadcast_in_dim3A_448 : i1 to vector<16xi1>
              %masked_cumsum3A_450 = tpu.scan <sum>, %convert_element_type3A_447 masked %broadcast_in_dim3A_449 : vector<16xi32>, vector<16xi1> -> vector<16xi32>
              %add3A_451 = vector.broadcast %add3A_440 : i32 to vector<16xi32>
              %add3A_452 = arith.addi %add3A_451, %masked_cumsum3A_450 : vector<16xi32>
              %sub3A_453 = arith.constant 1 : i32
              %sub3A_454 = vector.broadcast %sub3A_453 : i32 to vector<16xi32>
              %sub3A_455 = arith.subi %add3A_452, %sub3A_454 : vector<16xi32>
              tpu.vector_store_idx %arg9[%sub3A_455], %sub3A_262 masked %and3A_269 : memref<3232xi32, #tpu.memory_space<vmem>>[vector<16xi32>], vector<16xi32>, vector<16xi1>
              tpu.vector_store_idx %arg10[%sub3A_455], %get3A_446 masked %and3A_269 : memref<3232xi32, #tpu.memory_space<vmem>>[vector<16xi32>], vector<16xi32>, vector<16xi1>
              %mul3A_456 = arith.constant 128 : i32
              %mul3A_457 = arith.muli %scan3A_142, %mul3A_456 : i32
              %add3A_458 = arith.addi %mul3A_33, %mul3A_457 : i32
              %add3A_459 = arith.constant 96 : i32
              %add3A_460 = arith.addi %add3A_458, %add3A_459 : i32
              %iota3A_461 = tpu.iota {dimensions = array<i32: 0>} : vector<16xi32>
              %add3A_462 = vector.broadcast %add3A_460 : i32 to vector<16xi32>
              %add3A_463 = arith.addi %add3A_462, %iota3A_461 : vector<16xi32>
              tpu.vector_store_idx %arg11[%sub3A_455], %add3A_463 masked %and3A_269 : memref<3232xi32, #tpu.memory_space<vmem>>[vector<16xi32>], vector<16xi32>, vector<16xi1>
              %add3A_464 = arith.addi %add3A_440, %squeeze3A_272 : i32
              %mul3A_465 = arith.constant 128 : i32
              %mul3A_466 = arith.muli %scan3A_142, %mul3A_465 : i32
              %add3A_467 = arith.constant 112 : i32
              %add3A_468 = arith.addi %mul3A_466, %add3A_467 : i32
              %get3A_469 = arith.index_cast %add3A_468 : i32 to index
              %get3A_470 = tpu.vector_load %arg13[%get3A_469] {strides = array<i32>} : memref<3200xi32, #tpu.memory_space<vmem>>, vector<16xi32>,
              %convert_element_type3A_471 = arith.extui %and3A_288 : vector<16xi1> to vector<16xi32>
              %broadcast_in_dim3A_472 = arith.constant true
              %broadcast_in_dim3A_473 = vector.broadcast %broadcast_in_dim3A_472 : i1 to vector<16xi1>
              %masked_cumsum3A_474 = tpu.scan <sum>, %convert_element_type3A_471 masked %broadcast_in_dim3A_473 : vector<16xi32>, vector<16xi1> -> vector<16xi32>
              %add3A_475 = vector.broadcast %add3A_464 : i32 to vector<16xi32>
              %add3A_476 = arith.addi %add3A_475, %masked_cumsum3A_474 : vector<16xi32>
              %sub3A_477 = arith.constant 1 : i32
              %sub3A_478 = vector.broadcast %sub3A_477 : i32 to vector<16xi32>
              %sub3A_479 = arith.subi %add3A_476, %sub3A_478 : vector<16xi32>
              tpu.vector_store_idx %arg9[%sub3A_479], %sub3A_281 masked %and3A_288 : memref<3232xi32, #tpu.memory_space<vmem>>[vector<16xi32>], vector<16xi32>, vector<16xi1>
              tpu.vector_store_idx %arg10[%sub3A_479], %get3A_470 masked %and3A_288 : memref<3232xi32, #tpu.memory_space<vmem>>[vector<16xi32>], vector<16xi32>, vector<16xi1>
              %mul3A_480 = arith.constant 128 : i32
              %mul3A_481 = arith.muli %scan3A_142, %mul3A_480 : i32
              %add3A_482 = arith.addi %mul3A_33, %mul3A_481 : i32
              %add3A_483 = arith.constant 112 : i32
              %add3A_484 = arith.addi %add3A_482, %add3A_483 : i32
              %iota3A_485 = tpu.iota {dimensions = array<i32: 0>} : vector<16xi32>
              %add3A_486 = vector.broadcast %add3A_484 : i32 to vector<16xi32>
              %add3A_487 = arith.addi %add3A_486, %iota3A_485 : vector<16xi32>
              tpu.vector_store_idx %arg11[%sub3A_479], %add3A_487 masked %and3A_288 : memref<3232xi32, #tpu.memory_space<vmem>>[vector<16xi32>], vector<16xi32>, vector<16xi1>
              %add3A_488 = arith.addi %add3A_464, %squeeze3A_291 : i32
              scf.yield %add3A_488 : i32
            } else {
              scf.yield %scan3A_143 : i32
            }
            scf.yield %cond3A_298 : i32
          }
          %scan3A_138 = arith.constant 25 : i32
          %swap3A_139 = arith.constant 0 : i32
          %swap3A_140 = arith.index_cast %swap3A_139 : i32 to index
          %swap3A_141 = memref.load %arg20[%swap3A_140] : memref<1xi32, #tpu.memory_space<smem>>
          memref.store %scan3A_137, %arg20[%swap3A_140] : memref<1xi32, #tpu.memory_space<smem>>
        } else {
        }
        %jit3A_46 = arith.constant 2 : i32
        %eq3A_47 = arith.constant 0 : i32
        %eq3A_48 = arith.cmpi eq, %jit3A_46, %eq3A_47 : i32
        %jit3A_49 = arith.constant 1 : i32
        %select_n3A_50 = arith.select %eq3A_48, %jit3A_49, %jit3A_46 : i32
        %rem3A_51 = arith.remsi %scan3A_30, %select_n3A_50 : i32
        %ne3A_52 = arith.constant 0 : i32
        %ne3A_53 = arith.cmpi ne, %rem3A_51, %ne3A_52 : i32
        %lt3A_54 = arith.constant 0 : i32
        %lt3A_55 = arith.cmpi slt, %rem3A_51, %lt3A_54 : i32
        %lt3A_56 = arith.constant 0 : i32
        %lt3A_57 = arith.cmpi slt, %select_n3A_50, %lt3A_56 : i32
        %ne3A_58 = arith.xori %lt3A_55, %lt3A_57 : i1
        %and3A_59 = arith.andi %ne3A_58, %ne3A_53 : i1
        %add3A_60 = arith.addi %rem3A_51, %select_n3A_50 : i32
        %select_n3A_61 = arith.select %and3A_59, %add3A_60, %rem3A_51 : i32
        %eq3A_62 = arith.constant 1 : i32
        %eq3A_63 = arith.cmpi eq, %select_n3A_61, %eq3A_62 : i32
        %convert_element_type3A_64 = arith.extui %eq3A_63 : i1 to i32
        %cond3A_65 = arith.constant 0 : i32
        %cond3A_66 = arith.cmpi ne, %convert_element_type3A_64, %cond3A_65 : i32
        scf.if %cond3A_66 {
          %add3A_118 = arith.constant 1 : i32
          %add3A_119 = arith.addi %scan3A_30, %add3A_118 : i32
          %lt3A_120 = arith.constant 100 : i32
          %lt3A_121 = arith.cmpi slt, %add3A_119, %lt3A_120 : i32
          %convert_element_type3A_122 = arith.extui %lt3A_121 : i1 to i32
          %cond3A_123 = arith.constant 0 : i32
          %cond3A_124 = arith.cmpi ne, %convert_element_type3A_122, %cond3A_123 : i32
          scf.if %cond3A_124 {
            %add3A_142 = arith.constant 1 : i32
            %add3A_143 = arith.addi %scan3A_30, %add3A_142 : i32
            %mul3A_144 = arith.constant 3200 : i32
            %mul3A_145 = arith.muli %add3A_143, %mul3A_144 : i32
            %mul3A_146 = arith.constant 3200 : i32
            %mul3A_147 = arith.muli %add3A_143, %mul3A_146 : i32
            %dma_start3A_148 = tpu.memref_slice %arg4[%mul3A_145] : memref<320000xi32, #tpu.memory_space<hbm>> -> memref<3200xi32, #tpu.memory_space<hbm>>
            %dma_start3A_149 = tpu.memref_slice %arg4[%mul3A_145] : memref<320000xi32, #tpu.memory_space<hbm>> -> memref<3200xi32, #tpu.memory_space<hbm>>
            tpu.enqueue_dma source(%dma_start3A_149 : memref<3200xi32, #tpu.memory_space<hbm>>) target(%arg12 : memref<3200xi32, #tpu.memory_space<vmem>>) target_semaphore(%arg25 : memref<!tpu.dma_semaphore, #tpu.memory_space<semaphore_mem>>)
            %dma_start3A_150 = tpu.memref_slice %arg5[%mul3A_147] : memref<320000xi32, #tpu.memory_space<hbm>> -> memref<3200xi32, #tpu.memory_space<hbm>>
            %dma_start3A_151 = tpu.memref_slice %arg5[%mul3A_147] : memref<320000xi32, #tpu.memory_space<hbm>> -> memref<3200xi32, #tpu.memory_space<hbm>>
            tpu.enqueue_dma source(%dma_start3A_151 : memref<3200xi32, #tpu.memory_space<hbm>>) target(%arg13 : memref<3200xi32, #tpu.memory_space<vmem>>) target_semaphore(%arg25 : memref<!tpu.dma_semaphore, #tpu.memory_space<semaphore_mem>>)
          } else {
          }
          %mul3A_125 = arith.constant 3200 : i32
          %mul3A_126 = arith.muli %scan3A_30, %mul3A_125 : i32
          %mul3A_127 = arith.constant 3200 : i32
          %mul3A_128 = arith.muli %scan3A_30, %mul3A_127 : i32
          %dma_wait3A = tpu.memref_slice %arg4[%mul3A_126] : memref<320000xi32, #tpu.memory_space<hbm>> -> memref<3200xi32, #tpu.memory_space<hbm>>
          %dma_wait3A_129 = tpu.memref_slice %arg4[%mul3A_126] : memref<320000xi32, #tpu.memory_space<hbm>> -> memref<3200xi32, #tpu.memory_space<hbm>>
          tpu.wait_dma2 semaphore(%arg26 : memref<!tpu.dma_semaphore, #tpu.memory_space<semaphore_mem>>) src(%dma_wait3A_129 : memref<3200xi32, #tpu.memory_space<hbm>>) dst(%arg14 : memref<3200xi32, #tpu.memory_space<vmem>>)
          %dma_wait3A_130 = tpu.memref_slice %arg5[%mul3A_128] : memref<320000xi32, #tpu.memory_space<hbm>> -> memref<3200xi32, #tpu.memory_space<hbm>>
          %dma_wait3A_131 = tpu.memref_slice %arg5[%mul3A_128] : memref<320000xi32, #tpu.memory_space<hbm>> -> memref<3200xi32, #tpu.memory_space<hbm>>
          tpu.wait_dma2 semaphore(%arg26 : memref<!tpu.dma_semaphore, #tpu.memory_space<semaphore_mem>>) src(%dma_wait3A_131 : memref<3200xi32, #tpu.memory_space<hbm>>) dst(%arg15 : memref<3200xi32, #tpu.memory_space<vmem>>)
          %scan3A_132 = arith.constant 0 : i32
          %scan3A_133 = arith.constant 0 : i32
          %scan3A_134 = arith.constant 25 : i32
          %scan3A_135 = arith.addi %scan3A_133, %scan3A_134 : i32
          %scan3A_136 = arith.constant 1 : i32
          %scan3A_137 = scf.for %scan3A_142 = %scan3A_133 to %scan3A_135 step %scan3A_136 iter_args(%scan3A_143 = %scan3A_132) -> (i32)  : i32 {
            %mul3A_144 = arith.constant 128 : i32
            %mul3A_145 = arith.muli %scan3A_142, %mul3A_144 : i32
            %add3A_146 = arith.constant 0 : i32
            %add3A_147 = arith.addi %mul3A_145, %add3A_146 : i32
            %get3A_148 = arith.index_cast %add3A_147 : i32 to index
            %get3A_149 = tpu.vector_load %arg14[%get3A_148] {strides = array<i32>} : memref<3200xi32, #tpu.memory_space<vmem>>, vector<16xi32>,
            %sub3A_150 = vector.broadcast %mul3A_14 : i32 to vector<16xi32>
            %sub3A_151 = arith.subi %get3A_149, %sub3A_150 : vector<16xi32>
            %ge3A = arith.constant 0 : i32
            %ge3A_152 = vector.broadcast %ge3A : i32 to vector<16xi32>
            %ge3A_153 = arith.cmpi sge, %sub3A_151, %ge3A_152 : vector<16xi32>
            %lt3A_154 = arith.constant 160 : i32
            %lt3A_155 = vector.broadcast %lt3A_154 : i32 to vector<16xi32>
            %lt3A_156 = arith.cmpi slt, %sub3A_151, %lt3A_155 : vector<16xi32>
            %and3A_157 = arith.andi %ge3A_153, %lt3A_156 : vector<16xi1>
            %all_reduce_population_count3A = tpu.all_reduce %and3A_157 {dim = 0 : i64, kind = #tpu.reduction_kind<sum>} : vector<16xi1> -> vector<16xi32>
            %slice3A = vector.extract_strided_slice %all_reduce_population_count3A {offsets = [0], sizes = [1], strides = [1]} : vector<16xi32> to vector<1xi32>
            %squeeze3A = vector.extract %slice3A[0] : i32 from vector<1xi32>
            %add3A_158 = arith.constant 0 : i32
            %add3A_159 = arith.addi %add3A_158, %squeeze3A : i32
            %mul3A_160 = arith.constant 128 : i32
            %mul3A_161 = arith.muli %scan3A_142, %mul3A_160 : i32
            %add3A_162 = arith.constant 16 : i32
            %add3A_163 = arith.addi %mul3A_161, %add3A_162 : i32
            %get3A_164 = arith.index_cast %add3A_163 : i32 to index
            %get3A_165 = tpu.vector_load %arg14[%get3A_164] {strides = array<i32>} : memref<3200xi32, #tpu.memory_space<vmem>>, vector<16xi32>,
            %sub3A_166 = vector.broadcast %mul3A_14 : i32 to vector<16xi32>
            %sub3A_167 = arith.subi %get3A_165, %sub3A_166 : vector<16xi32>
            %ge3A_168 = arith.constant 0 : i32
            %ge3A_169 = vector.broadcast %ge3A_168 : i32 to vector<16xi32>
            %ge3A_170 = arith.cmpi sge, %sub3A_167, %ge3A_169 : vector<16xi32>
            %lt3A_171 = arith.constant 160 : i32
            %lt3A_172 = vector.broadcast %lt3A_171 : i32 to vector<16xi32>
            %lt3A_173 = arith.cmpi slt, %sub3A_167, %lt3A_172 : vector<16xi32>
            %and3A_174 = arith.andi %ge3A_170, %lt3A_173 : vector<16xi1>
            %all_reduce_population_count3A_175 = tpu.all_reduce %and3A_174 {dim = 0 : i64, kind = #tpu.reduction_kind<sum>} : vector<16xi1> -> vector<16xi32>
            %slice3A_176 = vector.extract_strided_slice %all_reduce_population_count3A_175 {offsets = [0], sizes = [1], strides = [1]} : vector<16xi32> to vector<1xi32>
            %squeeze3A_177 = vector.extract %slice3A_176[0] : i32 from vector<1xi32>
            %add3A_178 = arith.addi %add3A_159, %squeeze3A_177 : i32
            %mul3A_179 = arith.constant 128 : i32
            %mul3A_180 = arith.muli %scan3A_142, %mul3A_179 : i32
            %add3A_181 = arith.constant 32 : i32
            %add3A_182 = arith.addi %mul3A_180, %add3A_181 : i32
            %get3A_183 = arith.index_cast %add3A_182 : i32 to index
            %get3A_184 = tpu.vector_load %arg14[%get3A_183] {strides = array<i32>} : memref<3200xi32, #tpu.memory_space<vmem>>, vector<16xi32>,
            %sub3A_185 = vector.broadcast %mul3A_14 : i32 to vector<16xi32>
            %sub3A_186 = arith.subi %get3A_184, %sub3A_185 : vector<16xi32>
            %ge3A_187 = arith.constant 0 : i32
            %ge3A_188 = vector.broadcast %ge3A_187 : i32 to vector<16xi32>
            %ge3A_189 = arith.cmpi sge, %sub3A_186, %ge3A_188 : vector<16xi32>
            %lt3A_190 = arith.constant 160 : i32
            %lt3A_191 = vector.broadcast %lt3A_190 : i32 to vector<16xi32>
            %lt3A_192 = arith.cmpi slt, %sub3A_186, %lt3A_191 : vector<16xi32>
            %and3A_193 = arith.andi %ge3A_189, %lt3A_192 : vector<16xi1>
            %all_reduce_population_count3A_194 = tpu.all_reduce %and3A_193 {dim = 0 : i64, kind = #tpu.reduction_kind<sum>} : vector<16xi1> -> vector<16xi32>
            %slice3A_195 = vector.extract_strided_slice %all_reduce_population_count3A_194 {offsets = [0], sizes = [1], strides = [1]} : vector<16xi32> to vector<1xi32>
            %squeeze3A_196 = vector.extract %slice3A_195[0] : i32 from vector<1xi32>
            %add3A_197 = arith.addi %add3A_178, %squeeze3A_196 : i32
            %mul3A_198 = arith.constant 128 : i32
            %mul3A_199 = arith.muli %scan3A_142, %mul3A_198 : i32
            %add3A_200 = arith.constant 48 : i32
            %add3A_201 = arith.addi %mul3A_199, %add3A_200 : i32
            %get3A_202 = arith.index_cast %add3A_201 : i32 to index
            %get3A_203 = tpu.vector_load %arg14[%get3A_202] {strides = array<i32>} : memref<3200xi32, #tpu.memory_space<vmem>>, vector<16xi32>,
            %sub3A_204 = vector.broadcast %mul3A_14 : i32 to vector<16xi32>
            %sub3A_205 = arith.subi %get3A_203, %sub3A_204 : vector<16xi32>
            %ge3A_206 = arith.constant 0 : i32
            %ge3A_207 = vector.broadcast %ge3A_206 : i32 to vector<16xi32>
            %ge3A_208 = arith.cmpi sge, %sub3A_205, %ge3A_207 : vector<16xi32>
            %lt3A_209 = arith.constant 160 : i32
            %lt3A_210 = vector.broadcast %lt3A_209 : i32 to vector<16xi32>
            %lt3A_211 = arith.cmpi slt, %sub3A_205, %lt3A_210 : vector<16xi32>
            %and3A_212 = arith.andi %ge3A_208, %lt3A_211 : vector<16xi1>
            %all_reduce_population_count3A_213 = tpu.all_reduce %and3A_212 {dim = 0 : i64, kind = #tpu.reduction_kind<sum>} : vector<16xi1> -> vector<16xi32>
            %slice3A_214 = vector.extract_strided_slice %all_reduce_population_count3A_213 {offsets = [0], sizes = [1], strides = [1]} : vector<16xi32> to vector<1xi32>
            %squeeze3A_215 = vector.extract %slice3A_214[0] : i32 from vector<1xi32>
            %add3A_216 = arith.addi %add3A_197, %squeeze3A_215 : i32
            %mul3A_217 = arith.constant 128 : i32
            %mul3A_218 = arith.muli %scan3A_142, %mul3A_217 : i32
            %add3A_219 = arith.constant 64 : i32
            %add3A_220 = arith.addi %mul3A_218, %add3A_219 : i32
            %get3A_221 = arith.index_cast %add3A_220 : i32 to index
            %get3A_222 = tpu.vector_load %arg14[%get3A_221] {strides = array<i32>} : memref<3200xi32, #tpu.memory_space<vmem>>, vector<16xi32>,
            %sub3A_223 = vector.broadcast %mul3A_14 : i32 to vector<16xi32>
            %sub3A_224 = arith.subi %get3A_222, %sub3A_223 : vector<16xi32>
            %ge3A_225 = arith.constant 0 : i32
            %ge3A_226 = vector.broadcast %ge3A_225 : i32 to vector<16xi32>
            %ge3A_227 = arith.cmpi sge, %sub3A_224, %ge3A_226 : vector<16xi32>
            %lt3A_228 = arith.constant 160 : i32
            %lt3A_229 = vector.broadcast %lt3A_228 : i32 to vector<16xi32>
            %lt3A_230 = arith.cmpi slt, %sub3A_224, %lt3A_229 : vector<16xi32>
            %and3A_231 = arith.andi %ge3A_227, %lt3A_230 : vector<16xi1>
            %all_reduce_population_count3A_232 = tpu.all_reduce %and3A_231 {dim = 0 : i64, kind = #tpu.reduction_kind<sum>} : vector<16xi1> -> vector<16xi32>
            %slice3A_233 = vector.extract_strided_slice %all_reduce_population_count3A_232 {offsets = [0], sizes = [1], strides = [1]} : vector<16xi32> to vector<1xi32>
            %squeeze3A_234 = vector.extract %slice3A_233[0] : i32 from vector<1xi32>
            %add3A_235 = arith.addi %add3A_216, %squeeze3A_234 : i32
            %mul3A_236 = arith.constant 128 : i32
            %mul3A_237 = arith.muli %scan3A_142, %mul3A_236 : i32
            %add3A_238 = arith.constant 80 : i32
            %add3A_239 = arith.addi %mul3A_237, %add3A_238 : i32
            %get3A_240 = arith.index_cast %add3A_239 : i32 to index
            %get3A_241 = tpu.vector_load %arg14[%get3A_240] {strides = array<i32>} : memref<3200xi32, #tpu.memory_space<vmem>>, vector<16xi32>,
            %sub3A_242 = vector.broadcast %mul3A_14 : i32 to vector<16xi32>
            %sub3A_243 = arith.subi %get3A_241, %sub3A_242 : vector<16xi32>
            %ge3A_244 = arith.constant 0 : i32
            %ge3A_245 = vector.broadcast %ge3A_244 : i32 to vector<16xi32>
            %ge3A_246 = arith.cmpi sge, %sub3A_243, %ge3A_245 : vector<16xi32>
            %lt3A_247 = arith.constant 160 : i32
            %lt3A_248 = vector.broadcast %lt3A_247 : i32 to vector<16xi32>
            %lt3A_249 = arith.cmpi slt, %sub3A_243, %lt3A_248 : vector<16xi32>
            %and3A_250 = arith.andi %ge3A_246, %lt3A_249 : vector<16xi1>
            %all_reduce_population_count3A_251 = tpu.all_reduce %and3A_250 {dim = 0 : i64, kind = #tpu.reduction_kind<sum>} : vector<16xi1> -> vector<16xi32>
            %slice3A_252 = vector.extract_strided_slice %all_reduce_population_count3A_251 {offsets = [0], sizes = [1], strides = [1]} : vector<16xi32> to vector<1xi32>
            %squeeze3A_253 = vector.extract %slice3A_252[0] : i32 from vector<1xi32>
            %add3A_254 = arith.addi %add3A_235, %squeeze3A_253 : i32
            %mul3A_255 = arith.constant 128 : i32
            %mul3A_256 = arith.muli %scan3A_142, %mul3A_255 : i32
            %add3A_257 = arith.constant 96 : i32
            %add3A_258 = arith.addi %mul3A_256, %add3A_257 : i32
            %get3A_259 = arith.index_cast %add3A_258 : i32 to index
            %get3A_260 = tpu.vector_load %arg14[%get3A_259] {strides = array<i32>} : memref<3200xi32, #tpu.memory_space<vmem>>, vector<16xi32>,
            %sub3A_261 = vector.broadcast %mul3A_14 : i32 to vector<16xi32>
            %sub3A_262 = arith.subi %get3A_260, %sub3A_261 : vector<16xi32>
            %ge3A_263 = arith.constant 0 : i32
            %ge3A_264 = vector.broadcast %ge3A_263 : i32 to vector<16xi32>
            %ge3A_265 = arith.cmpi sge, %sub3A_262, %ge3A_264 : vector<16xi32>
            %lt3A_266 = arith.constant 160 : i32
            %lt3A_267 = vector.broadcast %lt3A_266 : i32 to vector<16xi32>
            %lt3A_268 = arith.cmpi slt, %sub3A_262, %lt3A_267 : vector<16xi32>
            %and3A_269 = arith.andi %ge3A_265, %lt3A_268 : vector<16xi1>
            %all_reduce_population_count3A_270 = tpu.all_reduce %and3A_269 {dim = 0 : i64, kind = #tpu.reduction_kind<sum>} : vector<16xi1> -> vector<16xi32>
            %slice3A_271 = vector.extract_strided_slice %all_reduce_population_count3A_270 {offsets = [0], sizes = [1], strides = [1]} : vector<16xi32> to vector<1xi32>
            %squeeze3A_272 = vector.extract %slice3A_271[0] : i32 from vector<1xi32>
            %add3A_273 = arith.addi %add3A_254, %squeeze3A_272 : i32
            %mul3A_274 = arith.constant 128 : i32
            %mul3A_275 = arith.muli %scan3A_142, %mul3A_274 : i32
            %add3A_276 = arith.constant 112 : i32
            %add3A_277 = arith.addi %mul3A_275, %add3A_276 : i32
            %get3A_278 = arith.index_cast %add3A_277 : i32 to index
            %get3A_279 = tpu.vector_load %arg14[%get3A_278] {strides = array<i32>} : memref<3200xi32, #tpu.memory_space<vmem>>, vector<16xi32>,
            %sub3A_280 = vector.broadcast %mul3A_14 : i32 to vector<16xi32>
            %sub3A_281 = arith.subi %get3A_279, %sub3A_280 : vector<16xi32>
            %ge3A_282 = arith.constant 0 : i32
            %ge3A_283 = vector.broadcast %ge3A_282 : i32 to vector<16xi32>
            %ge3A_284 = arith.cmpi sge, %sub3A_281, %ge3A_283 : vector<16xi32>
            %lt3A_285 = arith.constant 160 : i32
            %lt3A_286 = vector.broadcast %lt3A_285 : i32 to vector<16xi32>
            %lt3A_287 = arith.cmpi slt, %sub3A_281, %lt3A_286 : vector<16xi32>
            %and3A_288 = arith.andi %ge3A_284, %lt3A_287 : vector<16xi1>
            %all_reduce_population_count3A_289 = tpu.all_reduce %and3A_288 {dim = 0 : i64, kind = #tpu.reduction_kind<sum>} : vector<16xi1> -> vector<16xi32>
            %slice3A_290 = vector.extract_strided_slice %all_reduce_population_count3A_289 {offsets = [0], sizes = [1], strides = [1]} : vector<16xi32> to vector<1xi32>
            %squeeze3A_291 = vector.extract %slice3A_290[0] : i32 from vector<1xi32>
            %add3A_292 = arith.addi %add3A_273, %squeeze3A_291 : i32
            %gt3A_293 = arith.constant 0 : i32
            %gt3A_294 = arith.cmpi sgt, %add3A_292, %gt3A_293 : i32
            %convert_element_type3A_295 = arith.extui %gt3A_294 : i1 to i32
            %cond3A_296 = arith.constant 0 : i32
            %cond3A_297 = arith.cmpi ne, %convert_element_type3A_295, %cond3A_296 : i32
            %cond3A_298 = scf.if %cond3A_297 -> (i32) {
              %mul3A_299 = arith.constant 128 : i32
              %mul3A_300 = arith.muli %scan3A_142, %mul3A_299 : i32
              %add3A_301 = arith.constant 0 : i32
              %add3A_302 = arith.addi %mul3A_300, %add3A_301 : i32
              %get3A_303 = arith.index_cast %add3A_302 : i32 to index
              %get3A_304 = tpu.vector_load %arg15[%get3A_303] {strides = array<i32>} : memref<3200xi32, #tpu.memory_space<vmem>>, vector<16xi32>,
              %convert_element_type3A_305 = arith.extui %and3A_157 : vector<16xi1> to vector<16xi32>
              %broadcast_in_dim3A_306 = arith.constant true
              %broadcast_in_dim3A_307 = vector.broadcast %broadcast_in_dim3A_306 : i1 to vector<16xi1>
              %masked_cumsum3A = tpu.scan <sum>, %convert_element_type3A_305 masked %broadcast_in_dim3A_307 : vector<16xi32>, vector<16xi1> -> vector<16xi32>
              %add3A_308 = vector.broadcast %scan3A_143 : i32 to vector<16xi32>
              %add3A_309 = arith.addi %add3A_308, %masked_cumsum3A : vector<16xi32>
              %sub3A_310 = arith.constant 1 : i32
              %sub3A_311 = vector.broadcast %sub3A_310 : i32 to vector<16xi32>
              %sub3A_312 = arith.subi %add3A_309, %sub3A_311 : vector<16xi32>
              tpu.vector_store_idx %arg9[%sub3A_312], %sub3A_151 masked %and3A_157 : memref<3232xi32, #tpu.memory_space<vmem>>[vector<16xi32>], vector<16xi32>, vector<16xi1>
              tpu.vector_store_idx %arg10[%sub3A_312], %get3A_304 masked %and3A_157 : memref<3232xi32, #tpu.memory_space<vmem>>[vector<16xi32>], vector<16xi32>, vector<16xi1>
              %mul3A_313 = arith.constant 128 : i32
              %mul3A_314 = arith.muli %scan3A_142, %mul3A_313 : i32
              %add3A_315 = arith.addi %mul3A_33, %mul3A_314 : i32
              %add3A_316 = arith.constant 0 : i32
              %add3A_317 = arith.addi %add3A_315, %add3A_316 : i32
              %iota3A = tpu.iota {dimensions = array<i32: 0>} : vector<16xi32>
              %add3A_318 = vector.broadcast %add3A_317 : i32 to vector<16xi32>
              %add3A_319 = arith.addi %add3A_318, %iota3A : vector<16xi32>
              tpu.vector_store_idx %arg11[%sub3A_312], %add3A_319 masked %and3A_157 : memref<3232xi32, #tpu.memory_space<vmem>>[vector<16xi32>], vector<16xi32>, vector<16xi1>
              %add3A_320 = arith.addi %scan3A_143, %squeeze3A : i32
              %mul3A_321 = arith.constant 128 : i32
              %mul3A_322 = arith.muli %scan3A_142, %mul3A_321 : i32
              %add3A_323 = arith.constant 16 : i32
              %add3A_324 = arith.addi %mul3A_322, %add3A_323 : i32
              %get3A_325 = arith.index_cast %add3A_324 : i32 to index
              %get3A_326 = tpu.vector_load %arg15[%get3A_325] {strides = array<i32>} : memref<3200xi32, #tpu.memory_space<vmem>>, vector<16xi32>,
              %convert_element_type3A_327 = arith.extui %and3A_174 : vector<16xi1> to vector<16xi32>
              %broadcast_in_dim3A_328 = arith.constant true
              %broadcast_in_dim3A_329 = vector.broadcast %broadcast_in_dim3A_328 : i1 to vector<16xi1>
              %masked_cumsum3A_330 = tpu.scan <sum>, %convert_element_type3A_327 masked %broadcast_in_dim3A_329 : vector<16xi32>, vector<16xi1> -> vector<16xi32>
              %add3A_331 = vector.broadcast %add3A_320 : i32 to vector<16xi32>
              %add3A_332 = arith.addi %add3A_331, %masked_cumsum3A_330 : vector<16xi32>
              %sub3A_333 = arith.constant 1 : i32
              %sub3A_334 = vector.broadcast %sub3A_333 : i32 to vector<16xi32>
              %sub3A_335 = arith.subi %add3A_332, %sub3A_334 : vector<16xi32>
              tpu.vector_store_idx %arg9[%sub3A_335], %sub3A_167 masked %and3A_174 : memref<3232xi32, #tpu.memory_space<vmem>>[vector<16xi32>], vector<16xi32>, vector<16xi1>
              tpu.vector_store_idx %arg10[%sub3A_335], %get3A_326 masked %and3A_174 : memref<3232xi32, #tpu.memory_space<vmem>>[vector<16xi32>], vector<16xi32>, vector<16xi1>
              %mul3A_336 = arith.constant 128 : i32
              %mul3A_337 = arith.muli %scan3A_142, %mul3A_336 : i32
              %add3A_338 = arith.addi %mul3A_33, %mul3A_337 : i32
              %add3A_339 = arith.constant 16 : i32
              %add3A_340 = arith.addi %add3A_338, %add3A_339 : i32
              %iota3A_341 = tpu.iota {dimensions = array<i32: 0>} : vector<16xi32>
              %add3A_342 = vector.broadcast %add3A_340 : i32 to vector<16xi32>
              %add3A_343 = arith.addi %add3A_342, %iota3A_341 : vector<16xi32>
              tpu.vector_store_idx %arg11[%sub3A_335], %add3A_343 masked %and3A_174 : memref<3232xi32, #tpu.memory_space<vmem>>[vector<16xi32>], vector<16xi32>, vector<16xi1>
              %add3A_344 = arith.addi %add3A_320, %squeeze3A_177 : i32
              %mul3A_345 = arith.constant 128 : i32
              %mul3A_346 = arith.muli %scan3A_142, %mul3A_345 : i32
              %add3A_347 = arith.constant 32 : i32
              %add3A_348 = arith.addi %mul3A_346, %add3A_347 : i32
              %get3A_349 = arith.index_cast %add3A_348 : i32 to index
              %get3A_350 = tpu.vector_load %arg15[%get3A_349] {strides = array<i32>} : memref<3200xi32, #tpu.memory_space<vmem>>, vector<16xi32>,
              %convert_element_type3A_351 = arith.extui %and3A_193 : vector<16xi1> to vector<16xi32>
              %broadcast_in_dim3A_352 = arith.constant true
              %broadcast_in_dim3A_353 = vector.broadcast %broadcast_in_dim3A_352 : i1 to vector<16xi1>
              %masked_cumsum3A_354 = tpu.scan <sum>, %convert_element_type3A_351 masked %broadcast_in_dim3A_353 : vector<16xi32>, vector<16xi1> -> vector<16xi32>
              %add3A_355 = vector.broadcast %add3A_344 : i32 to vector<16xi32>
              %add3A_356 = arith.addi %add3A_355, %masked_cumsum3A_354 : vector<16xi32>
              %sub3A_357 = arith.constant 1 : i32
              %sub3A_358 = vector.broadcast %sub3A_357 : i32 to vector<16xi32>
              %sub3A_359 = arith.subi %add3A_356, %sub3A_358 : vector<16xi32>
              tpu.vector_store_idx %arg9[%sub3A_359], %sub3A_186 masked %and3A_193 : memref<3232xi32, #tpu.memory_space<vmem>>[vector<16xi32>], vector<16xi32>, vector<16xi1>
              tpu.vector_store_idx %arg10[%sub3A_359], %get3A_350 masked %and3A_193 : memref<3232xi32, #tpu.memory_space<vmem>>[vector<16xi32>], vector<16xi32>, vector<16xi1>
              %mul3A_360 = arith.constant 128 : i32
              %mul3A_361 = arith.muli %scan3A_142, %mul3A_360 : i32
              %add3A_362 = arith.addi %mul3A_33, %mul3A_361 : i32
              %add3A_363 = arith.constant 32 : i32
              %add3A_364 = arith.addi %add3A_362, %add3A_363 : i32
              %iota3A_365 = tpu.iota {dimensions = array<i32: 0>} : vector<16xi32>
              %add3A_366 = vector.broadcast %add3A_364 : i32 to vector<16xi32>
              %add3A_367 = arith.addi %add3A_366, %iota3A_365 : vector<16xi32>
              tpu.vector_store_idx %arg11[%sub3A_359], %add3A_367 masked %and3A_193 : memref<3232xi32, #tpu.memory_space<vmem>>[vector<16xi32>], vector<16xi32>, vector<16xi1>
              %add3A_368 = arith.addi %add3A_344, %squeeze3A_196 : i32
              %mul3A_369 = arith.constant 128 : i32
              %mul3A_370 = arith.muli %scan3A_142, %mul3A_369 : i32
              %add3A_371 = arith.constant 48 : i32
              %add3A_372 = arith.addi %mul3A_370, %add3A_371 : i32
              %get3A_373 = arith.index_cast %add3A_372 : i32 to index
              %get3A_374 = tpu.vector_load %arg15[%get3A_373] {strides = array<i32>} : memref<3200xi32, #tpu.memory_space<vmem>>, vector<16xi32>,
              %convert_element_type3A_375 = arith.extui %and3A_212 : vector<16xi1> to vector<16xi32>
              %broadcast_in_dim3A_376 = arith.constant true
              %broadcast_in_dim3A_377 = vector.broadcast %broadcast_in_dim3A_376 : i1 to vector<16xi1>
              %masked_cumsum3A_378 = tpu.scan <sum>, %convert_element_type3A_375 masked %broadcast_in_dim3A_377 : vector<16xi32>, vector<16xi1> -> vector<16xi32>
              %add3A_379 = vector.broadcast %add3A_368 : i32 to vector<16xi32>
              %add3A_380 = arith.addi %add3A_379, %masked_cumsum3A_378 : vector<16xi32>
              %sub3A_381 = arith.constant 1 : i32
              %sub3A_382 = vector.broadcast %sub3A_381 : i32 to vector<16xi32>
              %sub3A_383 = arith.subi %add3A_380, %sub3A_382 : vector<16xi32>
              tpu.vector_store_idx %arg9[%sub3A_383], %sub3A_205 masked %and3A_212 : memref<3232xi32, #tpu.memory_space<vmem>>[vector<16xi32>], vector<16xi32>, vector<16xi1>
              tpu.vector_store_idx %arg10[%sub3A_383], %get3A_374 masked %and3A_212 : memref<3232xi32, #tpu.memory_space<vmem>>[vector<16xi32>], vector<16xi32>, vector<16xi1>
              %mul3A_384 = arith.constant 128 : i32
              %mul3A_385 = arith.muli %scan3A_142, %mul3A_384 : i32
              %add3A_386 = arith.addi %mul3A_33, %mul3A_385 : i32
              %add3A_387 = arith.constant 48 : i32
              %add3A_388 = arith.addi %add3A_386, %add3A_387 : i32
              %iota3A_389 = tpu.iota {dimensions = array<i32: 0>} : vector<16xi32>
              %add3A_390 = vector.broadcast %add3A_388 : i32 to vector<16xi32>
              %add3A_391 = arith.addi %add3A_390, %iota3A_389 : vector<16xi32>
              tpu.vector_store_idx %arg11[%sub3A_383], %add3A_391 masked %and3A_212 : memref<3232xi32, #tpu.memory_space<vmem>>[vector<16xi32>], vector<16xi32>, vector<16xi1>
              %add3A_392 = arith.addi %add3A_368, %squeeze3A_215 : i32
              %mul3A_393 = arith.constant 128 : i32
              %mul3A_394 = arith.muli %scan3A_142, %mul3A_393 : i32
              %add3A_395 = arith.constant 64 : i32
              %add3A_396 = arith.addi %mul3A_394, %add3A_395 : i32
              %get3A_397 = arith.index_cast %add3A_396 : i32 to index
              %get3A_398 = tpu.vector_load %arg15[%get3A_397] {strides = array<i32>} : memref<3200xi32, #tpu.memory_space<vmem>>, vector<16xi32>,
              %convert_element_type3A_399 = arith.extui %and3A_231 : vector<16xi1> to vector<16xi32>
              %broadcast_in_dim3A_400 = arith.constant true
              %broadcast_in_dim3A_401 = vector.broadcast %broadcast_in_dim3A_400 : i1 to vector<16xi1>
              %masked_cumsum3A_402 = tpu.scan <sum>, %convert_element_type3A_399 masked %broadcast_in_dim3A_401 : vector<16xi32>, vector<16xi1> -> vector<16xi32>
              %add3A_403 = vector.broadcast %add3A_392 : i32 to vector<16xi32>
              %add3A_404 = arith.addi %add3A_403, %masked_cumsum3A_402 : vector<16xi32>
              %sub3A_405 = arith.constant 1 : i32
              %sub3A_406 = vector.broadcast %sub3A_405 : i32 to vector<16xi32>
              %sub3A_407 = arith.subi %add3A_404, %sub3A_406 : vector<16xi32>
              tpu.vector_store_idx %arg9[%sub3A_407], %sub3A_224 masked %and3A_231 : memref<3232xi32, #tpu.memory_space<vmem>>[vector<16xi32>], vector<16xi32>, vector<16xi1>
              tpu.vector_store_idx %arg10[%sub3A_407], %get3A_398 masked %and3A_231 : memref<3232xi32, #tpu.memory_space<vmem>>[vector<16xi32>], vector<16xi32>, vector<16xi1>
              %mul3A_408 = arith.constant 128 : i32
              %mul3A_409 = arith.muli %scan3A_142, %mul3A_408 : i32
              %add3A_410 = arith.addi %mul3A_33, %mul3A_409 : i32
              %add3A_411 = arith.constant 64 : i32
              %add3A_412 = arith.addi %add3A_410, %add3A_411 : i32
              %iota3A_413 = tpu.iota {dimensions = array<i32: 0>} : vector<16xi32>
              %add3A_414 = vector.broadcast %add3A_412 : i32 to vector<16xi32>
              %add3A_415 = arith.addi %add3A_414, %iota3A_413 : vector<16xi32>
              tpu.vector_store_idx %arg11[%sub3A_407], %add3A_415 masked %and3A_231 : memref<3232xi32, #tpu.memory_space<vmem>>[vector<16xi32>], vector<16xi32>, vector<16xi1>
              %add3A_416 = arith.addi %add3A_392, %squeeze3A_234 : i32
              %mul3A_417 = arith.constant 128 : i32
              %mul3A_418 = arith.muli %scan3A_142, %mul3A_417 : i32
              %add3A_419 = arith.constant 80 : i32
              %add3A_420 = arith.addi %mul3A_418, %add3A_419 : i32
              %get3A_421 = arith.index_cast %add3A_420 : i32 to index
              %get3A_422 = tpu.vector_load %arg15[%get3A_421] {strides = array<i32>} : memref<3200xi32, #tpu.memory_space<vmem>>, vector<16xi32>,
              %convert_element_type3A_423 = arith.extui %and3A_250 : vector<16xi1> to vector<16xi32>
              %broadcast_in_dim3A_424 = arith.constant true
              %broadcast_in_dim3A_425 = vector.broadcast %broadcast_in_dim3A_424 : i1 to vector<16xi1>
              %masked_cumsum3A_426 = tpu.scan <sum>, %convert_element_type3A_423 masked %broadcast_in_dim3A_425 : vector<16xi32>, vector<16xi1> -> vector<16xi32>
              %add3A_427 = vector.broadcast %add3A_416 : i32 to vector<16xi32>
              %add3A_428 = arith.addi %add3A_427, %masked_cumsum3A_426 : vector<16xi32>
              %sub3A_429 = arith.constant 1 : i32
              %sub3A_430 = vector.broadcast %sub3A_429 : i32 to vector<16xi32>
              %sub3A_431 = arith.subi %add3A_428, %sub3A_430 : vector<16xi32>
              tpu.vector_store_idx %arg9[%sub3A_431], %sub3A_243 masked %and3A_250 : memref<3232xi32, #tpu.memory_space<vmem>>[vector<16xi32>], vector<16xi32>, vector<16xi1>
              tpu.vector_store_idx %arg10[%sub3A_431], %get3A_422 masked %and3A_250 : memref<3232xi32, #tpu.memory_space<vmem>>[vector<16xi32>], vector<16xi32>, vector<16xi1>
              %mul3A_432 = arith.constant 128 : i32
              %mul3A_433 = arith.muli %scan3A_142, %mul3A_432 : i32
              %add3A_434 = arith.addi %mul3A_33, %mul3A_433 : i32
              %add3A_435 = arith.constant 80 : i32
              %add3A_436 = arith.addi %add3A_434, %add3A_435 : i32
              %iota3A_437 = tpu.iota {dimensions = array<i32: 0>} : vector<16xi32>
              %add3A_438 = vector.broadcast %add3A_436 : i32 to vector<16xi32>
              %add3A_439 = arith.addi %add3A_438, %iota3A_437 : vector<16xi32>
              tpu.vector_store_idx %arg11[%sub3A_431], %add3A_439 masked %and3A_250 : memref<3232xi32, #tpu.memory_space<vmem>>[vector<16xi32>], vector<16xi32>, vector<16xi1>
              %add3A_440 = arith.addi %add3A_416, %squeeze3A_253 : i32
              %mul3A_441 = arith.constant 128 : i32
              %mul3A_442 = arith.muli %scan3A_142, %mul3A_441 : i32
              %add3A_443 = arith.constant 96 : i32
              %add3A_444 = arith.addi %mul3A_442, %add3A_443 : i32
              %get3A_445 = arith.index_cast %add3A_444 : i32 to index
              %get3A_446 = tpu.vector_load %arg15[%get3A_445] {strides = array<i32>} : memref<3200xi32, #tpu.memory_space<vmem>>, vector<16xi32>,
              %convert_element_type3A_447 = arith.extui %and3A_269 : vector<16xi1> to vector<16xi32>
              %broadcast_in_dim3A_448 = arith.constant true
              %broadcast_in_dim3A_449 = vector.broadcast %broadcast_in_dim3A_448 : i1 to vector<16xi1>
              %masked_cumsum3A_450 = tpu.scan <sum>, %convert_element_type3A_447 masked %broadcast_in_dim3A_449 : vector<16xi32>, vector<16xi1> -> vector<16xi32>
              %add3A_451 = vector.broadcast %add3A_440 : i32 to vector<16xi32>
              %add3A_452 = arith.addi %add3A_451, %masked_cumsum3A_450 : vector<16xi32>
              %sub3A_453 = arith.constant 1 : i32
              %sub3A_454 = vector.broadcast %sub3A_453 : i32 to vector<16xi32>
              %sub3A_455 = arith.subi %add3A_452, %sub3A_454 : vector<16xi32>
              tpu.vector_store_idx %arg9[%sub3A_455], %sub3A_262 masked %and3A_269 : memref<3232xi32, #tpu.memory_space<vmem>>[vector<16xi32>], vector<16xi32>, vector<16xi1>
              tpu.vector_store_idx %arg10[%sub3A_455], %get3A_446 masked %and3A_269 : memref<3232xi32, #tpu.memory_space<vmem>>[vector<16xi32>], vector<16xi32>, vector<16xi1>
              %mul3A_456 = arith.constant 128 : i32
              %mul3A_457 = arith.muli %scan3A_142, %mul3A_456 : i32
              %add3A_458 = arith.addi %mul3A_33, %mul3A_457 : i32
              %add3A_459 = arith.constant 96 : i32
              %add3A_460 = arith.addi %add3A_458, %add3A_459 : i32
              %iota3A_461 = tpu.iota {dimensions = array<i32: 0>} : vector<16xi32>
              %add3A_462 = vector.broadcast %add3A_460 : i32 to vector<16xi32>
              %add3A_463 = arith.addi %add3A_462, %iota3A_461 : vector<16xi32>
              tpu.vector_store_idx %arg11[%sub3A_455], %add3A_463 masked %and3A_269 : memref<3232xi32, #tpu.memory_space<vmem>>[vector<16xi32>], vector<16xi32>, vector<16xi1>
              %add3A_464 = arith.addi %add3A_440, %squeeze3A_272 : i32
              %mul3A_465 = arith.constant 128 : i32
              %mul3A_466 = arith.muli %scan3A_142, %mul3A_465 : i32
              %add3A_467 = arith.constant 112 : i32
              %add3A_468 = arith.addi %mul3A_466, %add3A_467 : i32
              %get3A_469 = arith.index_cast %add3A_468 : i32 to index
              %get3A_470 = tpu.vector_load %arg15[%get3A_469] {strides = array<i32>} : memref<3200xi32, #tpu.memory_space<vmem>>, vector<16xi32>,
              %convert_element_type3A_471 = arith.extui %and3A_288 : vector<16xi1> to vector<16xi32>
              %broadcast_in_dim3A_472 = arith.constant true
              %broadcast_in_dim3A_473 = vector.broadcast %broadcast_in_dim3A_472 : i1 to vector<16xi1>
              %masked_cumsum3A_474 = tpu.scan <sum>, %convert_element_type3A_471 masked %broadcast_in_dim3A_473 : vector<16xi32>, vector<16xi1> -> vector<16xi32>
              %add3A_475 = vector.broadcast %add3A_464 : i32 to vector<16xi32>
              %add3A_476 = arith.addi %add3A_475, %masked_cumsum3A_474 : vector<16xi32>
              %sub3A_477 = arith.constant 1 : i32
              %sub3A_478 = vector.broadcast %sub3A_477 : i32 to vector<16xi32>
              %sub3A_479 = arith.subi %add3A_476, %sub3A_478 : vector<16xi32>
              tpu.vector_store_idx %arg9[%sub3A_479], %sub3A_281 masked %and3A_288 : memref<3232xi32, #tpu.memory_space<vmem>>[vector<16xi32>], vector<16xi32>, vector<16xi1>
              tpu.vector_store_idx %arg10[%sub3A_479], %get3A_470 masked %and3A_288 : memref<3232xi32, #tpu.memory_space<vmem>>[vector<16xi32>], vector<16xi32>, vector<16xi1>
              %mul3A_480 = arith.constant 128 : i32
              %mul3A_481 = arith.muli %scan3A_142, %mul3A_480 : i32
              %add3A_482 = arith.addi %mul3A_33, %mul3A_481 : i32
              %add3A_483 = arith.constant 112 : i32
              %add3A_484 = arith.addi %add3A_482, %add3A_483 : i32
              %iota3A_485 = tpu.iota {dimensions = array<i32: 0>} : vector<16xi32>
              %add3A_486 = vector.broadcast %add3A_484 : i32 to vector<16xi32>
              %add3A_487 = arith.addi %add3A_486, %iota3A_485 : vector<16xi32>
              tpu.vector_store_idx %arg11[%sub3A_479], %add3A_487 masked %and3A_288 : memref<3232xi32, #tpu.memory_space<vmem>>[vector<16xi32>], vector<16xi32>, vector<16xi1>
              %add3A_488 = arith.addi %add3A_464, %squeeze3A_291 : i32
              scf.yield %add3A_488 : i32
            } else {
              scf.yield %scan3A_143 : i32
            }
            scf.yield %cond3A_298 : i32
          }
          %scan3A_138 = arith.constant 25 : i32
          %swap3A_139 = arith.constant 0 : i32
          %swap3A_140 = arith.index_cast %swap3A_139 : i32 to index
          %swap3A_141 = memref.load %arg20[%swap3A_140] : memref<1xi32, #tpu.memory_space<smem>>
          memref.store %scan3A_137, %arg20[%swap3A_140] : memref<1xi32, #tpu.memory_space<smem>>
        } else {
        }
        %get3A = arith.constant 0 : i32
        %get3A_67 = arith.index_cast %get3A : i32 to index
        %get3A_68 = memref.load %arg20[%get3A_67] : memref<1xi32, #tpu.memory_space<smem>>
        %swap3A = arith.index_cast %get3A_68 : i32 to index
        %swap3A_69 = tpu.vector_load %arg9[%swap3A] {strides = array<i32>} : memref<3232xi32, #tpu.memory_space<vmem>>, vector<16xi32>,
        tpu.vector_store %arg9[%swap3A], %broadcast_in_dim3A_0 {strides = array<i32>} : memref<3232xi32, #tpu.memory_space<vmem>>, vector<16xi32>,
        %add3A_70 = arith.constant 10000 : i32
        %add3A_71 = vector.broadcast %add3A_70 : i32 to vector<16xi32>
        %add3A_72 = arith.addi %broadcast_in_dim3A_0, %add3A_71 : vector<16xi32>
        %swap3A_73 = arith.index_cast %get3A_68 : i32 to index
        %swap3A_74 = tpu.vector_load %arg10[%swap3A_73] {strides = array<i32>} : memref<3232xi32, #tpu.memory_space<vmem>>, vector<16xi32>,
        tpu.vector_store %arg10[%swap3A_73], %add3A_72 {strides = array<i32>} : memref<3232xi32, #tpu.memory_space<vmem>>, vector<16xi32>,
        %swap3A_75 = arith.index_cast %get3A_68 : i32 to index
        %swap3A_76 = tpu.vector_load %arg11[%swap3A_75] {strides = array<i32>} : memref<3232xi32, #tpu.memory_space<vmem>>, vector<16xi32>,
        tpu.vector_store %arg11[%swap3A_75], %broadcast_in_dim3A_0 {strides = array<i32>} : memref<3232xi32, #tpu.memory_space<vmem>>, vector<16xi32>,
        %add3A_77 = arith.constant 8 : i32
        %add3A_78 = arith.addi %get3A_68, %add3A_77 : i32
        %sub3A = arith.constant 1 : i32
        %sub3A_79 = arith.subi %add3A_78, %sub3A : i32
        %jit3A_80 = arith.constant 8 : i32
        %div3A = arith.divsi %sub3A_79, %jit3A_80 : i32
        %sign3A = arith.constant 0 : i32
        %sign3A_81 = arith.cmpi sgt, %sub3A_79, %sign3A : i32
        %sign3A_82 = arith.extui %sign3A_81 : i1 to i32
        %sign3A_83 = arith.constant 0 : i32
        %sign3A_84 = arith.cmpi slt, %sub3A_79, %sign3A_83 : i32
        %sign3A_85 = arith.extui %sign3A_84 : i1 to i32
        %sign3A_86 = arith.subi %sign3A_82, %sign3A_85 : i32
        %sign3A_87 = arith.constant 0 : i32
        %sign3A_88 = arith.cmpi sgt, %jit3A_80, %sign3A_87 : i32
        %sign3A_89 = arith.extui %sign3A_88 : i1 to i32
        %sign3A_90 = arith.constant 0 : i32
        %sign3A_91 = arith.cmpi slt, %jit3A_80, %sign3A_90 : i32
        %sign3A_92 = arith.extui %sign3A_91 : i1 to i32
        %sign3A_93 = arith.subi %sign3A_89, %sign3A_92 : i32
        %ne3A_94 = arith.cmpi ne, %sign3A_86, %sign3A_93 : i32
        %rem3A_95 = arith.remsi %sub3A_79, %jit3A_80 : i32
        %ne3A_96 = arith.constant 0 : i32
        %ne3A_97 = arith.cmpi ne, %rem3A_95, %ne3A_96 : i32
        %and3A_98 = arith.andi %ne3A_94, %ne3A_97 : i1
        %sub3A_99 = arith.constant 1 : i32
        %sub3A_100 = arith.subi %div3A, %sub3A_99 : i32
        %select_n3A_101 = arith.select %and3A_98, %sub3A_100, %div3A : i32
        %gt3A = arith.constant 0 : i32
        %gt3A_102 = arith.cmpi sgt, %select_n3A_101, %gt3A : i32
        %convert_element_type3A_103 = arith.extui %gt3A_102 : i1 to i32
        %cond3A_104 = arith.constant 0 : i32
        %cond3A_105 = arith.cmpi ne, %convert_element_type3A_103, %cond3A_104 : i32
        scf.if %cond3A_105 {
          %dma_start3A_118 = arith.constant 0 : i32
          %dma_start3A_119 = tpu.memref_slice %arg10[%dma_start3A_118] : memref<3232xi32, #tpu.memory_space<vmem>> -> memref<8xi32, #tpu.memory_space<vmem>>
          %dma_start3A_120 = arith.constant 0 : i32
          %dma_start3A_121 = arith.constant 0 : i32
          %dma_start3A_122 = tpu.memref_slice %arg2[%dma_start3A_120, %dma_start3A_121] : memref<10240x768xf32, #tpu.memory_space<hbm>> -> memref<10240x768xf32, #tpu.memory_space<hbm>>
          tpu.enqueue_indirect_dma source(%dma_start3A_122 : memref<10240x768xf32, #tpu.memory_space<hbm>>) target(%arg16 : memref<8x768xf32, #tpu.memory_space<vmem>>) offsets(%dma_start3A_119 : memref<8xi32, #tpu.memory_space<vmem>>) semaphore(%arg21 : memref<!tpu.dma_semaphore, #tpu.memory_space<semaphore_mem>>)
          %dma_start3A_123 = arith.constant 0 : i32
          %dma_start3A_124 = tpu.memref_slice %arg11[%dma_start3A_123] : memref<3232xi32, #tpu.memory_space<vmem>> -> memref<8xi32, #tpu.memory_space<vmem>>
          %dma_start3A_125 = arith.constant 0 : i32
          %dma_start3A_126 = arith.constant 0 : i32
          %dma_start3A_127 = tpu.memref_slice %arg3[%dma_start3A_125, %dma_start3A_126] : memref<320000x512xf32, #tpu.memory_space<hbm>> -> memref<320000x512xf32, #tpu.memory_space<hbm>>
          tpu.enqueue_indirect_dma source(%dma_start3A_127 : memref<320000x512xf32, #tpu.memory_space<hbm>>) target(%arg17 : memref<8x512xf32, #tpu.memory_space<vmem>>) offsets(%dma_start3A_124 : memref<8xi32, #tpu.memory_space<vmem>>) semaphore(%arg22 : memref<!tpu.dma_semaphore, #tpu.memory_space<semaphore_mem>>)
        } else {
        }
        %while3A = arith.constant 0 : i32
        %while3A_106 = arith.constant 0 : i32
        %while3A_107 = arith.subi %select_n3A_101, %while3A : i32
        %while3A_108 = arith.addi %while3A, %while3A_107 : i32
        %while3A_109 = arith.constant 1 : i32
        %while3A_110 = arith.divsi %while3A_107, %while3A_109 : i32
        %while3A_111 = arith.muli %while3A_110, %while3A_109 : i32
        %while3A_112 = arith.addi %while3A, %while3A_111 : i32
        %while3A_113 = arith.constant 1 : i32
        %while3A_114 = scf.for %while3A_118 = %while3A to %while3A_112 step %while3A_113 iter_args(%while3A_119 = %while3A_106) -> (i32)  : i32 {
          %jit3A_120 = arith.constant 2 : i32
          %eq3A_121 = arith.constant 0 : i32
          %eq3A_122 = arith.cmpi eq, %jit3A_120, %eq3A_121 : i32
          %jit3A_123 = arith.constant 1 : i32
          %select_n3A_124 = arith.select %eq3A_122, %jit3A_123, %jit3A_120 : i32
          %rem3A_125 = arith.remsi %while3A_118, %select_n3A_124 : i32
          %ne3A_126 = arith.constant 0 : i32
          %ne3A_127 = arith.cmpi ne, %rem3A_125, %ne3A_126 : i32
          %lt3A_128 = arith.constant 0 : i32
          %lt3A_129 = arith.cmpi slt, %rem3A_125, %lt3A_128 : i32
          %lt3A_130 = arith.constant 0 : i32
          %lt3A_131 = arith.cmpi slt, %select_n3A_124, %lt3A_130 : i32
          %ne3A_132 = arith.xori %lt3A_129, %lt3A_131 : i1
          %and3A_133 = arith.andi %ne3A_132, %ne3A_127 : i1
          %add3A_134 = arith.addi %rem3A_125, %select_n3A_124 : i32
          %select_n3A_135 = arith.select %and3A_133, %add3A_134, %rem3A_125 : i32
          %eq3A_136 = arith.constant 0 : i32
          %eq3A_137 = arith.cmpi eq, %select_n3A_135, %eq3A_136 : i32
          %convert_element_type3A_138 = arith.extui %eq3A_137 : i1 to i32
          %cond3A_139 = arith.constant 0 : i32
          %cond3A_140 = arith.cmpi ne, %convert_element_type3A_138, %cond3A_139 : i32
          scf.if %cond3A_140 {
            %add3A_163 = arith.constant 1 : i32
            %add3A_164 = arith.addi %while3A_118, %add3A_163 : i32
            %lt3A_165 = arith.cmpi slt, %add3A_164, %select_n3A_101 : i32
            %convert_element_type3A_166 = arith.extui %lt3A_165 : i1 to i32
            %cond3A_167 = arith.constant 0 : i32
            %cond3A_168 = arith.cmpi ne, %convert_element_type3A_166, %cond3A_167 : i32
            scf.if %cond3A_168 {
              %add3A_182 = arith.constant 1 : i32
              %add3A_183 = arith.addi %while3A_118, %add3A_182 : i32
              %mul3A_184 = arith.constant 8 : i32
              %mul3A_185 = arith.muli %add3A_183, %mul3A_184 : i32
              %mul3A_186 = arith.constant 8 : i32
              %mul3A_187 = arith.muli %add3A_183, %mul3A_186 : i32
              %dma_start3A_188 = tpu.memref_slice %arg10[%mul3A_185] : memref<3232xi32, #tpu.memory_space<vmem>> -> memref<8xi32, #tpu.memory_space<vmem>>
              %dma_start3A_189 = arith.constant 0 : i32
              %dma_start3A_190 = arith.constant 0 : i32
              %dma_start3A_191 = tpu.memref_slice %arg2[%dma_start3A_189, %dma_start3A_190] : memref<10240x768xf32, #tpu.memory_space<hbm>> -> memref<10240x768xf32, #tpu.memory_space<hbm>>
              tpu.enqueue_indirect_dma source(%dma_start3A_191 : memref<10240x768xf32, #tpu.memory_space<hbm>>) target(%arg18 : memref<8x768xf32, #tpu.memory_space<vmem>>) offsets(%dma_start3A_188 : memref<8xi32, #tpu.memory_space<vmem>>) semaphore(%arg23 : memref<!tpu.dma_semaphore, #tpu.memory_space<semaphore_mem>>)
              %dma_start3A_192 = tpu.memref_slice %arg11[%mul3A_187] : memref<3232xi32, #tpu.memory_space<vmem>> -> memref<8xi32, #tpu.memory_space<vmem>>
              %dma_start3A_193 = arith.constant 0 : i32
              %dma_start3A_194 = arith.constant 0 : i32
              %dma_start3A_195 = tpu.memref_slice %arg3[%dma_start3A_193, %dma_start3A_194] : memref<320000x512xf32, #tpu.memory_space<hbm>> -> memref<320000x512xf32, #tpu.memory_space<hbm>>
              tpu.enqueue_indirect_dma source(%dma_start3A_195 : memref<320000x512xf32, #tpu.memory_space<hbm>>) target(%arg19 : memref<8x512xf32, #tpu.memory_space<vmem>>) offsets(%dma_start3A_192 : memref<8xi32, #tpu.memory_space<vmem>>) semaphore(%arg24 : memref<!tpu.dma_semaphore, #tpu.memory_space<semaphore_mem>>)
            } else {
            }
            %mul3A_169 = arith.constant 8 : i32
            %mul3A_170 = arith.muli %while3A_118, %mul3A_169 : i32
            %mul3A_171 = arith.constant 8 : i32
            %mul3A_172 = arith.muli %while3A_118, %mul3A_171 : i32
            %dma_wait3A = tpu.memref_slice %arg10[%mul3A_170] : memref<3232xi32, #tpu.memory_space<vmem>> -> memref<8xi32, #tpu.memory_space<vmem>>
            %dma_wait3A_173 = arith.constant 0 : i32
            %dma_wait3A_174 = arith.constant 0 : i32
            %dma_wait3A_175 = tpu.memref_slice %arg2[%dma_wait3A_173, %dma_wait3A_174] : memref<10240x768xf32, #tpu.memory_space<hbm>> -> memref<10240x768xf32, #tpu.memory_space<hbm>>
            tpu.wait_indirect_dma semaphore(%arg21 : memref<!tpu.dma_semaphore, #tpu.memory_space<semaphore_mem>>) src(%dma_wait3A_175 : memref<10240x768xf32, #tpu.memory_space<hbm>>) dst(%arg16 : memref<8x768xf32, #tpu.memory_space<vmem>>)
            %dma_wait3A_176 = tpu.memref_slice %arg11[%mul3A_172] : memref<3232xi32, #tpu.memory_space<vmem>> -> memref<8xi32, #tpu.memory_space<vmem>>
            %dma_wait3A_177 = arith.constant 0 : i32
            %dma_wait3A_178 = arith.constant 0 : i32
            %dma_wait3A_179 = tpu.memref_slice %arg3[%dma_wait3A_177, %dma_wait3A_178] : memref<320000x512xf32, #tpu.memory_space<hbm>> -> memref<320000x512xf32, #tpu.memory_space<hbm>>
            tpu.wait_indirect_dma semaphore(%arg22 : memref<!tpu.dma_semaphore, #tpu.memory_space<semaphore_mem>>) src(%dma_wait3A_179 : memref<320000x512xf32, #tpu.memory_space<hbm>>) dst(%arg17 : memref<8x512xf32, #tpu.memory_space<vmem>>)
            %parallel_loop3A = arith.constant 0 : i32
            %parallel_loop3A_180 = arith.constant 8 : i32
            %parallel_loop3A_181 = arith.constant 1 : i32
            scf.for %parallel_loop3A_182 = %parallel_loop3A to %parallel_loop3A_180 step %parallel_loop3A_181  : i32 {
              %parallel_loop3A_183 = vector.broadcast %parallel_loop3A_182 : i32 to vector<16xi32>
              %parallel_loop3A_184 = arith.constant 8 : i32
              %parallel_loop3A_185 = arith.muli %while3A_118, %parallel_loop3A_184 : i32
              %parallel_loop3A_186 = arith.addi %parallel_loop3A_185, %parallel_loop3A_182 : i32
              %parallel_loop3A_187 = arith.index_cast %parallel_loop3A_186 : i32 to index
              %parallel_loop3A_188 = tpu.vector_load %arg9[%parallel_loop3A_187] {strides = array<i32>} : memref<3232xi32, #tpu.memory_space<vmem>>, vector<16xi32>,
              %parallel_loop3A_189 = vector.extract_strided_slice %parallel_loop3A_188 {offsets = [0], sizes = [1], strides = [1]} : vector<16xi32> to vector<1xi32>
              %parallel_loop3A_190 = vector.extract %parallel_loop3A_189[0] : i32 from vector<1xi32>
              %parallel_loop3A_191 = arith.constant 384 : i32
              %parallel_loop3A_192 = vector.broadcast %parallel_loop3A_191 : i32 to vector<16xi32>
              %parallel_loop3A_193 = tpu.vector_load_idx %arg17[%parallel_loop3A_183, %parallel_loop3A_192] : memref<8x512xf32, #tpu.memory_space<vmem>>[vector<16xi32>, vector<16xi32>], vector<16xf32>,
              %parallel_loop3A_194 = arith.constant 385 : i32
              %parallel_loop3A_195 = vector.broadcast %parallel_loop3A_194 : i32 to vector<16xi32>
              %parallel_loop3A_196 = tpu.vector_load_idx %arg17[%parallel_loop3A_183, %parallel_loop3A_195] : memref<8x512xf32, #tpu.memory_space<vmem>>[vector<16xi32>, vector<16xi32>], vector<16xf32>,
              %parallel_loop3A_197 = arith.constant 386 : i32
              %parallel_loop3A_198 = vector.broadcast %parallel_loop3A_197 : i32 to vector<16xi32>
              %parallel_loop3A_199 = tpu.vector_load_idx %arg17[%parallel_loop3A_183, %parallel_loop3A_198] : memref<8x512xf32, #tpu.memory_space<vmem>>[vector<16xi32>, vector<16xi32>], vector<16xf32>,
              %parallel_loop3A_200 = arith.index_cast %parallel_loop3A_182 : i32 to index
              %parallel_loop3A_201 = arith.constant 0 : index
              %parallel_loop3A_202 = tpu.vector_load %arg16[%parallel_loop3A_200, %parallel_loop3A_201] {strides = array<i32>} : memref<8x768xf32, #tpu.memory_space<vmem>>, vector<16xf32>,
              %parallel_loop3A_203 = arith.index_cast %parallel_loop3A_182 : i32 to index
              %parallel_loop3A_204 = arith.constant 128 : index
              %parallel_loop3A_205 = tpu.vector_load %arg16[%parallel_loop3A_203, %parallel_loop3A_204] {strides = array<i32>} : memref<8x768xf32, #tpu.memory_space<vmem>>, vector<16xf32>,
              %parallel_loop3A_206 = arith.index_cast %parallel_loop3A_182 : i32 to index
              %parallel_loop3A_207 = arith.constant 256 : index
              %parallel_loop3A_208 = tpu.vector_load %arg16[%parallel_loop3A_206, %parallel_loop3A_207] {strides = array<i32>} : memref<8x768xf32, #tpu.memory_space<vmem>>, vector<16xf32>,
              %parallel_loop3A_209 = arith.index_cast %parallel_loop3A_182 : i32 to index
              %parallel_loop3A_210 = arith.constant 0 : index
              %parallel_loop3A_211 = tpu.vector_load %arg17[%parallel_loop3A_209, %parallel_loop3A_210] {strides = array<i32>} : memref<8x512xf32, #tpu.memory_space<vmem>>, vector<16xf32>,
              %parallel_loop3A_212 = arith.index_cast %parallel_loop3A_182 : i32 to index
              %parallel_loop3A_213 = arith.constant 128 : index
              %parallel_loop3A_214 = tpu.vector_load %arg17[%parallel_loop3A_212, %parallel_loop3A_213] {strides = array<i32>} : memref<8x512xf32, #tpu.memory_space<vmem>>, vector<16xf32>,
              %parallel_loop3A_215 = arith.index_cast %parallel_loop3A_182 : i32 to index
              %parallel_loop3A_216 = arith.constant 256 : index
              %parallel_loop3A_217 = tpu.vector_load %arg17[%parallel_loop3A_215, %parallel_loop3A_216] {strides = array<i32>} : memref<8x512xf32, #tpu.memory_space<vmem>>, vector<16xf32>,
              %parallel_loop3A_218 = arith.mulf %parallel_loop3A_205, %parallel_loop3A_214 : vector<16xf32>
              %parallel_loop3A_219 = arith.mulf %parallel_loop3A_208, %parallel_loop3A_217 : vector<16xf32>
              %parallel_loop3A_220 = arith.mulf %parallel_loop3A_202, %parallel_loop3A_211 : vector<16xf32>
              %parallel_loop3A_221 = arith.index_cast %parallel_loop3A_190 : i32 to index
              %parallel_loop3A_222 = arith.constant 0 : index
              %parallel_loop3A_223 = tpu.vector_load %arg8[%parallel_loop3A_221, %parallel_loop3A_222] {strides = array<i32>} : memref<160x512xf32, #tpu.memory_space<vmem>>, vector<16xf32>,
              tpu.vector_store %arg8[%parallel_loop3A_221, %parallel_loop3A_222], %parallel_loop3A_220 {add = true, strides = array<i32>} : memref<160x512xf32, #tpu.memory_space<vmem>>, vector<16xf32>,
              %parallel_loop3A_224 = arith.index_cast %parallel_loop3A_182 : i32 to index
              %parallel_loop3A_225 = arith.constant 384 : index
              %parallel_loop3A_226 = tpu.vector_load %arg16[%parallel_loop3A_224, %parallel_loop3A_225] {strides = array<i32>} : memref<8x768xf32, #tpu.memory_space<vmem>>, vector<16xf32>,
              %parallel_loop3A_227 = arith.mulf %parallel_loop3A_226, %parallel_loop3A_218 : vector<16xf32>
              %parallel_loop3A_228 = arith.mulf %parallel_loop3A_193, %parallel_loop3A_219 : vector<16xf32>
              %parallel_loop3A_229 = arith.addf %parallel_loop3A_227, %parallel_loop3A_228 : vector<16xf32>
              %parallel_loop3A_230 = arith.index_cast %parallel_loop3A_190 : i32 to index
              %parallel_loop3A_231 = arith.constant 128 : index
              %parallel_loop3A_232 = tpu.vector_load %arg8[%parallel_loop3A_230, %parallel_loop3A_231] {strides = array<i32>} : memref<160x512xf32, #tpu.memory_space<vmem>>, vector<16xf32>,
              tpu.vector_store %arg8[%parallel_loop3A_230, %parallel_loop3A_231], %parallel_loop3A_229 {add = true, strides = array<i32>} : memref<160x512xf32, #tpu.memory_space<vmem>>, vector<16xf32>,
              %parallel_loop3A_233 = arith.index_cast %parallel_loop3A_182 : i32 to index
              %parallel_loop3A_234 = arith.constant 512 : index
              %parallel_loop3A_235 = tpu.vector_load %arg16[%parallel_loop3A_233, %parallel_loop3A_234] {strides = array<i32>} : memref<8x768xf32, #tpu.memory_space<vmem>>, vector<16xf32>,
              %parallel_loop3A_236 = arith.mulf %parallel_loop3A_235, %parallel_loop3A_218 : vector<16xf32>
              %parallel_loop3A_237 = arith.mulf %parallel_loop3A_196, %parallel_loop3A_219 : vector<16xf32>
              %parallel_loop3A_238 = arith.addf %parallel_loop3A_236, %parallel_loop3A_237 : vector<16xf32>
              %parallel_loop3A_239 = arith.index_cast %parallel_loop3A_190 : i32 to index
              %parallel_loop3A_240 = arith.constant 256 : index
              %parallel_loop3A_241 = tpu.vector_load %arg8[%parallel_loop3A_239, %parallel_loop3A_240] {strides = array<i32>} : memref<160x512xf32, #tpu.memory_space<vmem>>, vector<16xf32>,
              tpu.vector_store %arg8[%parallel_loop3A_239, %parallel_loop3A_240], %parallel_loop3A_238 {add = true, strides = array<i32>} : memref<160x512xf32, #tpu.memory_space<vmem>>, vector<16xf32>,
              %parallel_loop3A_242 = arith.index_cast %parallel_loop3A_182 : i32 to index
              %parallel_loop3A_243 = arith.constant 640 : index
              %parallel_loop3A_244 = tpu.vector_load %arg16[%parallel_loop3A_242, %parallel_loop3A_243] {strides = array<i32>} : memref<8x768xf32, #tpu.memory_space<vmem>>, vector<16xf32>,
              %parallel_loop3A_245 = arith.mulf %parallel_loop3A_244, %parallel_loop3A_218 : vector<16xf32>
              %parallel_loop3A_246 = arith.mulf %parallel_loop3A_199, %parallel_loop3A_219 : vector<16xf32>
              %parallel_loop3A_247 = arith.addf %parallel_loop3A_245, %parallel_loop3A_246 : vector<16xf32>
              %parallel_loop3A_248 = arith.index_cast %parallel_loop3A_190 : i32 to index
              %parallel_loop3A_249 = arith.constant 384 : index
              %parallel_loop3A_250 = tpu.vector_load %arg8[%parallel_loop3A_248, %parallel_loop3A_249] {strides = array<i32>} : memref<160x512xf32, #tpu.memory_space<vmem>>, vector<16xf32>,
              tpu.vector_store %arg8[%parallel_loop3A_248, %parallel_loop3A_249], %parallel_loop3A_247 {add = true, strides = array<i32>} : memref<160x512xf32, #tpu.memory_space<vmem>>, vector<16xf32>,
              %parallel_loop3A_251 = arith.index_cast %parallel_loop3A_182 : i32 to index
              %parallel_loop3A_252 = arith.constant 16 : index
              %parallel_loop3A_253 = tpu.vector_load %arg16[%parallel_loop3A_251, %parallel_loop3A_252] {strides = array<i32>} : memref<8x768xf32, #tpu.memory_space<vmem>>, vector<16xf32>,
              %parallel_loop3A_254 = arith.index_cast %parallel_loop3A_182 : i32 to index
              %parallel_loop3A_255 = arith.constant 144 : index
              %parallel_loop3A_256 = tpu.vector_load %arg16[%parallel_loop3A_254, %parallel_loop3A_255] {strides = array<i32>} : memref<8x768xf32, #tpu.memory_space<vmem>>, vector<16xf32>,
              %parallel_loop3A_257 = arith.index_cast %parallel_loop3A_182 : i32 to index
              %parallel_loop3A_258 = arith.constant 272 : index
              %parallel_loop3A_259 = tpu.vector_load %arg16[%parallel_loop3A_257, %parallel_loop3A_258] {strides = array<i32>} : memref<8x768xf32, #tpu.memory_space<vmem>>, vector<16xf32>,
              %parallel_loop3A_260 = arith.index_cast %parallel_loop3A_182 : i32 to index
              %parallel_loop3A_261 = arith.constant 16 : index
              %parallel_loop3A_262 = tpu.vector_load %arg17[%parallel_loop3A_260, %parallel_loop3A_261] {strides = array<i32>} : memref<8x512xf32, #tpu.memory_space<vmem>>, vector<16xf32>,
              %parallel_loop3A_263 = arith.index_cast %parallel_loop3A_182 : i32 to index
              %parallel_loop3A_264 = arith.constant 144 : index
              %parallel_loop3A_265 = tpu.vector_load %arg17[%parallel_loop3A_263, %parallel_loop3A_264] {strides = array<i32>} : memref<8x512xf32, #tpu.memory_space<vmem>>, vector<16xf32>,
              %parallel_loop3A_266 = arith.index_cast %parallel_loop3A_182 : i32 to index
              %parallel_loop3A_267 = arith.constant 272 : index
              %parallel_loop3A_268 = tpu.vector_load %arg17[%parallel_loop3A_266, %parallel_loop3A_267] {strides = array<i32>} : memref<8x512xf32, #tpu.memory_space<vmem>>, vector<16xf32>,
              %parallel_loop3A_269 = arith.mulf %parallel_loop3A_256, %parallel_loop3A_265 : vector<16xf32>
              %parallel_loop3A_270 = arith.mulf %parallel_loop3A_259, %parallel_loop3A_268 : vector<16xf32>
              %parallel_loop3A_271 = arith.mulf %parallel_loop3A_253, %parallel_loop3A_262 : vector<16xf32>
              %parallel_loop3A_272 = arith.index_cast %parallel_loop3A_190 : i32 to index
              %parallel_loop3A_273 = arith.constant 16 : index
              %parallel_loop3A_274 = tpu.vector_load %arg8[%parallel_loop3A_272, %parallel_loop3A_273] {strides = array<i32>} : memref<160x512xf32, #tpu.memory_space<vmem>>, vector<16xf32>,
              tpu.vector_store %arg8[%parallel_loop3A_272, %parallel_loop3A_273], %parallel_loop3A_271 {add = true, strides = array<i32>} : memref<160x512xf32, #tpu.memory_space<vmem>>, vector<16xf32>,
              %parallel_loop3A_275 = arith.index_cast %parallel_loop3A_182 : i32 to index
              %parallel_loop3A_276 = arith.constant 400 : index
              %parallel_loop3A_277 = tpu.vector_load %arg16[%parallel_loop3A_275, %parallel_loop3A_276] {strides = array<i32>} : memref<8x768xf32, #tpu.memory_space<vmem>>, vector<16xf32>,
              %parallel_loop3A_278 = arith.mulf %parallel_loop3A_277, %parallel_loop3A_269 : vector<16xf32>
              %parallel_loop3A_279 = arith.mulf %parallel_loop3A_193, %parallel_loop3A_270 : vector<16xf32>
              %parallel_loop3A_280 = arith.addf %parallel_loop3A_278, %parallel_loop3A_279 : vector<16xf32>
              %parallel_loop3A_281 = arith.index_cast %parallel_loop3A_190 : i32 to index
              %parallel_loop3A_282 = arith.constant 144 : index
              %parallel_loop3A_283 = tpu.vector_load %arg8[%parallel_loop3A_281, %parallel_loop3A_282] {strides = array<i32>} : memref<160x512xf32, #tpu.memory_space<vmem>>, vector<16xf32>,
              tpu.vector_store %arg8[%parallel_loop3A_281, %parallel_loop3A_282], %parallel_loop3A_280 {add = true, strides = array<i32>} : memref<160x512xf32, #tpu.memory_space<vmem>>, vector<16xf32>,
              %parallel_loop3A_284 = arith.index_cast %parallel_loop3A_182 : i32 to index
              %parallel_loop3A_285 = arith.constant 528 : index
              %parallel_loop3A_286 = tpu.vector_load %arg16[%parallel_loop3A_284, %parallel_loop3A_285] {strides = array<i32>} : memref<8x768xf32, #tpu.memory_space<vmem>>, vector<16xf32>,
              %parallel_loop3A_287 = arith.mulf %parallel_loop3A_286, %parallel_loop3A_269 : vector<16xf32>
              %parallel_loop3A_288 = arith.mulf %parallel_loop3A_196, %parallel_loop3A_270 : vector<16xf32>
              %parallel_loop3A_289 = arith.addf %parallel_loop3A_287, %parallel_loop3A_288 : vector<16xf32>
              %parallel_loop3A_290 = arith.index_cast %parallel_loop3A_190 : i32 to index
              %parallel_loop3A_291 = arith.constant 272 : index
              %parallel_loop3A_292 = tpu.vector_load %arg8[%parallel_loop3A_290, %parallel_loop3A_291] {strides = array<i32>} : memref<160x512xf32, #tpu.memory_space<vmem>>, vector<16xf32>,
              tpu.vector_store %arg8[%parallel_loop3A_290, %parallel_loop3A_291], %parallel_loop3A_289 {add = true, strides = array<i32>} : memref<160x512xf32, #tpu.memory_space<vmem>>, vector<16xf32>,
              %parallel_loop3A_293 = arith.index_cast %parallel_loop3A_182 : i32 to index
              %parallel_loop3A_294 = arith.constant 656 : index
              %parallel_loop3A_295 = tpu.vector_load %arg16[%parallel_loop3A_293, %parallel_loop3A_294] {strides = array<i32>} : memref<8x768xf32, #tpu.memory_space<vmem>>, vector<16xf32>,
              %parallel_loop3A_296 = arith.mulf %parallel_loop3A_295, %parallel_loop3A_269 : vector<16xf32>
              %parallel_loop3A_297 = arith.mulf %parallel_loop3A_199, %parallel_loop3A_270 : vector<16xf32>
              %parallel_loop3A_298 = arith.addf %parallel_loop3A_296, %parallel_loop3A_297 : vector<16xf32>
              %parallel_loop3A_299 = arith.index_cast %parallel_loop3A_190 : i32 to index
              %parallel_loop3A_300 = arith.constant 400 : index
              %parallel_loop3A_301 = tpu.vector_load %arg8[%parallel_loop3A_299, %parallel_loop3A_300] {strides = array<i32>} : memref<160x512xf32, #tpu.memory_space<vmem>>, vector<16xf32>,
              tpu.vector_store %arg8[%parallel_loop3A_299, %parallel_loop3A_300], %parallel_loop3A_298 {add = true, strides = array<i32>} : memref<160x512xf32, #tpu.memory_space<vmem>>, vector<16xf32>,
              %parallel_loop3A_302 = arith.index_cast %parallel_loop3A_182 : i32 to index
              %parallel_loop3A_303 = arith.constant 32 : index
              %parallel_loop3A_304 = tpu.vector_load %arg16[%parallel_loop3A_302, %parallel_loop3A_303] {strides = array<i32>} : memref<8x768xf32, #tpu.memory_space<vmem>>, vector<16xf32>,
              %parallel_loop3A_305 = arith.index_cast %parallel_loop3A_182 : i32 to index
              %parallel_loop3A_306 = arith.constant 160 : index
              %parallel_loop3A_307 = tpu.vector_load %arg16[%parallel_loop3A_305, %parallel_loop3A_306] {strides = array<i32>} : memref<8x768xf32, #tpu.memory_space<vmem>>, vector<16xf32>,
              %parallel_loop3A_308 = arith.index_cast %parallel_loop3A_182 : i32 to index
              %parallel_loop3A_309 = arith.constant 288 : index
              %parallel_loop3A_310 = tpu.vector_load %arg16[%parallel_loop3A_308, %parallel_loop3A_309] {strides = array<i32>} : memref<8x768xf32, #tpu.memory_space<vmem>>, vector<16xf32>,
              %parallel_loop3A_311 = arith.index_cast %parallel_loop3A_182 : i32 to index
              %parallel_loop3A_312 = arith.constant 32 : index
              %parallel_loop3A_313 = tpu.vector_load %arg17[%parallel_loop3A_311, %parallel_loop3A_312] {strides = array<i32>} : memref<8x512xf32, #tpu.memory_space<vmem>>, vector<16xf32>,
              %parallel_loop3A_314 = arith.index_cast %parallel_loop3A_182 : i32 to index
              %parallel_loop3A_315 = arith.constant 160 : index
              %parallel_loop3A_316 = tpu.vector_load %arg17[%parallel_loop3A_314, %parallel_loop3A_315] {strides = array<i32>} : memref<8x512xf32, #tpu.memory_space<vmem>>, vector<16xf32>,
              %parallel_loop3A_317 = arith.index_cast %parallel_loop3A_182 : i32 to index
              %parallel_loop3A_318 = arith.constant 288 : index
              %parallel_loop3A_319 = tpu.vector_load %arg17[%parallel_loop3A_317, %parallel_loop3A_318] {strides = array<i32>} : memref<8x512xf32, #tpu.memory_space<vmem>>, vector<16xf32>,
              %parallel_loop3A_320 = arith.mulf %parallel_loop3A_307, %parallel_loop3A_316 : vector<16xf32>
              %parallel_loop3A_321 = arith.mulf %parallel_loop3A_310, %parallel_loop3A_319 : vector<16xf32>
              %parallel_loop3A_322 = arith.mulf %parallel_loop3A_304, %parallel_loop3A_313 : vector<16xf32>
              %parallel_loop3A_323 = arith.index_cast %parallel_loop3A_190 : i32 to index
              %parallel_loop3A_324 = arith.constant 32 : index
              %parallel_loop3A_325 = tpu.vector_load %arg8[%parallel_loop3A_323, %parallel_loop3A_324] {strides = array<i32>} : memref<160x512xf32, #tpu.memory_space<vmem>>, vector<16xf32>,
              tpu.vector_store %arg8[%parallel_loop3A_323, %parallel_loop3A_324], %parallel_loop3A_322 {add = true, strides = array<i32>} : memref<160x512xf32, #tpu.memory_space<vmem>>, vector<16xf32>,
              %parallel_loop3A_326 = arith.index_cast %parallel_loop3A_182 : i32 to index
              %parallel_loop3A_327 = arith.constant 416 : index
              %parallel_loop3A_328 = tpu.vector_load %arg16[%parallel_loop3A_326, %parallel_loop3A_327] {strides = array<i32>} : memref<8x768xf32, #tpu.memory_space<vmem>>, vector<16xf32>,
              %parallel_loop3A_329 = arith.mulf %parallel_loop3A_328, %parallel_loop3A_320 : vector<16xf32>
              %parallel_loop3A_330 = arith.mulf %parallel_loop3A_193, %parallel_loop3A_321 : vector<16xf32>
              %parallel_loop3A_331 = arith.addf %parallel_loop3A_329, %parallel_loop3A_330 : vector<16xf32>
              %parallel_loop3A_332 = arith.index_cast %parallel_loop3A_190 : i32 to index
              %parallel_loop3A_333 = arith.constant 160 : index
              %parallel_loop3A_334 = tpu.vector_load %arg8[%parallel_loop3A_332, %parallel_loop3A_333] {strides = array<i32>} : memref<160x512xf32, #tpu.memory_space<vmem>>, vector<16xf32>,
              tpu.vector_store %arg8[%parallel_loop3A_332, %parallel_loop3A_333], %parallel_loop3A_331 {add = true, strides = array<i32>} : memref<160x512xf32, #tpu.memory_space<vmem>>, vector<16xf32>,
              %parallel_loop3A_335 = arith.index_cast %parallel_loop3A_182 : i32 to index
              %parallel_loop3A_336 = arith.constant 544 : index
              %parallel_loop3A_337 = tpu.vector_load %arg16[%parallel_loop3A_335, %parallel_loop3A_336] {strides = array<i32>} : memref<8x768xf32, #tpu.memory_space<vmem>>, vector<16xf32>,
              %parallel_loop3A_338 = arith.mulf %parallel_loop3A_337, %parallel_loop3A_320 : vector<16xf32>
              %parallel_loop3A_339 = arith.mulf %parallel_loop3A_196, %parallel_loop3A_321 : vector<16xf32>
              %parallel_loop3A_340 = arith.addf %parallel_loop3A_338, %parallel_loop3A_339 : vector<16xf32>
              %parallel_loop3A_341 = arith.index_cast %parallel_loop3A_190 : i32 to index
              %parallel_loop3A_342 = arith.constant 288 : index
              %parallel_loop3A_343 = tpu.vector_load %arg8[%parallel_loop3A_341, %parallel_loop3A_342] {strides = array<i32>} : memref<160x512xf32, #tpu.memory_space<vmem>>, vector<16xf32>,
              tpu.vector_store %arg8[%parallel_loop3A_341, %parallel_loop3A_342], %parallel_loop3A_340 {add = true, strides = array<i32>} : memref<160x512xf32, #tpu.memory_space<vmem>>, vector<16xf32>,
              %parallel_loop3A_344 = arith.index_cast %parallel_loop3A_182 : i32 to index
              %parallel_loop3A_345 = arith.constant 672 : index
              %parallel_loop3A_346 = tpu.vector_load %arg16[%parallel_loop3A_344, %parallel_loop3A_345] {strides = array<i32>} : memref<8x768xf32, #tpu.memory_space<vmem>>, vector<16xf32>,
              %parallel_loop3A_347 = arith.mulf %parallel_loop3A_346, %parallel_loop3A_320 : vector<16xf32>
              %parallel_loop3A_348 = arith.mulf %parallel_loop3A_199, %parallel_loop3A_321 : vector<16xf32>
              %parallel_loop3A_349 = arith.addf %parallel_loop3A_347, %parallel_loop3A_348 : vector<16xf32>
              %parallel_loop3A_350 = arith.index_cast %parallel_loop3A_190 : i32 to index
              %parallel_loop3A_351 = arith.constant 416 : index
              %parallel_loop3A_352 = tpu.vector_load %arg8[%parallel_loop3A_350, %parallel_loop3A_351] {strides = array<i32>} : memref<160x512xf32, #tpu.memory_space<vmem>>, vector<16xf32>,
              tpu.vector_store %arg8[%parallel_loop3A_350, %parallel_loop3A_351], %parallel_loop3A_349 {add = true, strides = array<i32>} : memref<160x512xf32, #tpu.memory_space<vmem>>, vector<16xf32>,
              %parallel_loop3A_353 = arith.index_cast %parallel_loop3A_182 : i32 to index
              %parallel_loop3A_354 = arith.constant 48 : index
              %parallel_loop3A_355 = tpu.vector_load %arg16[%parallel_loop3A_353, %parallel_loop3A_354] {strides = array<i32>} : memref<8x768xf32, #tpu.memory_space<vmem>>, vector<16xf32>,
              %parallel_loop3A_356 = arith.index_cast %parallel_loop3A_182 : i32 to index
              %parallel_loop3A_357 = arith.constant 176 : index
              %parallel_loop3A_358 = tpu.vector_load %arg16[%parallel_loop3A_356, %parallel_loop3A_357] {strides = array<i32>} : memref<8x768xf32, #tpu.memory_space<vmem>>, vector<16xf32>,
              %parallel_loop3A_359 = arith.index_cast %parallel_loop3A_182 : i32 to index
              %parallel_loop3A_360 = arith.constant 304 : index
              %parallel_loop3A_361 = tpu.vector_load %arg16[%parallel_loop3A_359, %parallel_loop3A_360] {strides = array<i32>} : memref<8x768xf32, #tpu.memory_space<vmem>>, vector<16xf32>,
              %parallel_loop3A_362 = arith.index_cast %parallel_loop3A_182 : i32 to index
              %parallel_loop3A_363 = arith.constant 48 : index
              %parallel_loop3A_364 = tpu.vector_load %arg17[%parallel_loop3A_362, %parallel_loop3A_363] {strides = array<i32>} : memref<8x512xf32, #tpu.memory_space<vmem>>, vector<16xf32>,
              %parallel_loop3A_365 = arith.index_cast %parallel_loop3A_182 : i32 to index
              %parallel_loop3A_366 = arith.constant 176 : index
              %parallel_loop3A_367 = tpu.vector_load %arg17[%parallel_loop3A_365, %parallel_loop3A_366] {strides = array<i32>} : memref<8x512xf32, #tpu.memory_space<vmem>>, vector<16xf32>,
              %parallel_loop3A_368 = arith.index_cast %parallel_loop3A_182 : i32 to index
              %parallel_loop3A_369 = arith.constant 304 : index
              %parallel_loop3A_370 = tpu.vector_load %arg17[%parallel_loop3A_368, %parallel_loop3A_369] {strides = array<i32>} : memref<8x512xf32, #tpu.memory_space<vmem>>, vector<16xf32>,
              %parallel_loop3A_371 = arith.mulf %parallel_loop3A_358, %parallel_loop3A_367 : vector<16xf32>
              %parallel_loop3A_372 = arith.mulf %parallel_loop3A_361, %parallel_loop3A_370 : vector<16xf32>
              %parallel_loop3A_373 = arith.mulf %parallel_loop3A_355, %parallel_loop3A_364 : vector<16xf32>
              %parallel_loop3A_374 = arith.index_cast %parallel_loop3A_190 : i32 to index
              %parallel_loop3A_375 = arith.constant 48 : index
              %parallel_loop3A_376 = tpu.vector_load %arg8[%parallel_loop3A_374, %parallel_loop3A_375] {strides = array<i32>} : memref<160x512xf32, #tpu.memory_space<vmem>>, vector<16xf32>,
              tpu.vector_store %arg8[%parallel_loop3A_374, %parallel_loop3A_375], %parallel_loop3A_373 {add = true, strides = array<i32>} : memref<160x512xf32, #tpu.memory_space<vmem>>, vector<16xf32>,
              %parallel_loop3A_377 = arith.index_cast %parallel_loop3A_182 : i32 to index
              %parallel_loop3A_378 = arith.constant 432 : index
              %parallel_loop3A_379 = tpu.vector_load %arg16[%parallel_loop3A_377, %parallel_loop3A_378] {strides = array<i32>} : memref<8x768xf32, #tpu.memory_space<vmem>>, vector<16xf32>,
              %parallel_loop3A_380 = arith.mulf %parallel_loop3A_379, %parallel_loop3A_371 : vector<16xf32>
              %parallel_loop3A_381 = arith.mulf %parallel_loop3A_193, %parallel_loop3A_372 : vector<16xf32>
              %parallel_loop3A_382 = arith.addf %parallel_loop3A_380, %parallel_loop3A_381 : vector<16xf32>
              %parallel_loop3A_383 = arith.index_cast %parallel_loop3A_190 : i32 to index
              %parallel_loop3A_384 = arith.constant 176 : index
              %parallel_loop3A_385 = tpu.vector_load %arg8[%parallel_loop3A_383, %parallel_loop3A_384] {strides = array<i32>} : memref<160x512xf32, #tpu.memory_space<vmem>>, vector<16xf32>,
              tpu.vector_store %arg8[%parallel_loop3A_383, %parallel_loop3A_384], %parallel_loop3A_382 {add = true, strides = array<i32>} : memref<160x512xf32, #tpu.memory_space<vmem>>, vector<16xf32>,
              %parallel_loop3A_386 = arith.index_cast %parallel_loop3A_182 : i32 to index
              %parallel_loop3A_387 = arith.constant 560 : index
              %parallel_loop3A_388 = tpu.vector_load %arg16[%parallel_loop3A_386, %parallel_loop3A_387] {strides = array<i32>} : memref<8x768xf32, #tpu.memory_space<vmem>>, vector<16xf32>,
              %parallel_loop3A_389 = arith.mulf %parallel_loop3A_388, %parallel_loop3A_371 : vector<16xf32>
              %parallel_loop3A_390 = arith.mulf %parallel_loop3A_196, %parallel_loop3A_372 : vector<16xf32>
              %parallel_loop3A_391 = arith.addf %parallel_loop3A_389, %parallel_loop3A_390 : vector<16xf32>
              %parallel_loop3A_392 = arith.index_cast %parallel_loop3A_190 : i32 to index
              %parallel_loop3A_393 = arith.constant 304 : index
              %parallel_loop3A_394 = tpu.vector_load %arg8[%parallel_loop3A_392, %parallel_loop3A_393] {strides = array<i32>} : memref<160x512xf32, #tpu.memory_space<vmem>>, vector<16xf32>,
              tpu.vector_store %arg8[%parallel_loop3A_392, %parallel_loop3A_393], %parallel_loop3A_391 {add = true, strides = array<i32>} : memref<160x512xf32, #tpu.memory_space<vmem>>, vector<16xf32>,
              %parallel_loop3A_395 = arith.index_cast %parallel_loop3A_182 : i32 to index
              %parallel_loop3A_396 = arith.constant 688 : index
              %parallel_loop3A_397 = tpu.vector_load %arg16[%parallel_loop3A_395, %parallel_loop3A_396] {strides = array<i32>} : memref<8x768xf32, #tpu.memory_space<vmem>>, vector<16xf32>,
              %parallel_loop3A_398 = arith.mulf %parallel_loop3A_397, %parallel_loop3A_371 : vector<16xf32>
              %parallel_loop3A_399 = arith.mulf %parallel_loop3A_199, %parallel_loop3A_372 : vector<16xf32>
              %parallel_loop3A_400 = arith.addf %parallel_loop3A_398, %parallel_loop3A_399 : vector<16xf32>
              %parallel_loop3A_401 = arith.index_cast %parallel_loop3A_190 : i32 to index
              %parallel_loop3A_402 = arith.constant 432 : index
              %parallel_loop3A_403 = tpu.vector_load %arg8[%parallel_loop3A_401, %parallel_loop3A_402] {strides = array<i32>} : memref<160x512xf32, #tpu.memory_space<vmem>>, vector<16xf32>,
              tpu.vector_store %arg8[%parallel_loop3A_401, %parallel_loop3A_402], %parallel_loop3A_400 {add = true, strides = array<i32>} : memref<160x512xf32, #tpu.memory_space<vmem>>, vector<16xf32>,
              %parallel_loop3A_404 = arith.index_cast %parallel_loop3A_182 : i32 to index
              %parallel_loop3A_405 = arith.constant 64 : index
              %parallel_loop3A_406 = tpu.vector_load %arg16[%parallel_loop3A_404, %parallel_loop3A_405] {strides = array<i32>} : memref<8x768xf32, #tpu.memory_space<vmem>>, vector<16xf32>,
              %parallel_loop3A_407 = arith.index_cast %parallel_loop3A_182 : i32 to index
              %parallel_loop3A_408 = arith.constant 192 : index
              %parallel_loop3A_409 = tpu.vector_load %arg16[%parallel_loop3A_407, %parallel_loop3A_408] {strides = array<i32>} : memref<8x768xf32, #tpu.memory_space<vmem>>, vector<16xf32>,
              %parallel_loop3A_410 = arith.index_cast %parallel_loop3A_182 : i32 to index
              %parallel_loop3A_411 = arith.constant 320 : index
              %parallel_loop3A_412 = tpu.vector_load %arg16[%parallel_loop3A_410, %parallel_loop3A_411] {strides = array<i32>} : memref<8x768xf32, #tpu.memory_space<vmem>>, vector<16xf32>,
              %parallel_loop3A_413 = arith.index_cast %parallel_loop3A_182 : i32 to index
              %parallel_loop3A_414 = arith.constant 64 : index
              %parallel_loop3A_415 = tpu.vector_load %arg17[%parallel_loop3A_413, %parallel_loop3A_414] {strides = array<i32>} : memref<8x512xf32, #tpu.memory_space<vmem>>, vector<16xf32>,
              %parallel_loop3A_416 = arith.index_cast %parallel_loop3A_182 : i32 to index
              %parallel_loop3A_417 = arith.constant 192 : index
              %parallel_loop3A_418 = tpu.vector_load %arg17[%parallel_loop3A_416, %parallel_loop3A_417] {strides = array<i32>} : memref<8x512xf32, #tpu.memory_space<vmem>>, vector<16xf32>,
              %parallel_loop3A_419 = arith.index_cast %parallel_loop3A_182 : i32 to index
              %parallel_loop3A_420 = arith.constant 320 : index
              %parallel_loop3A_421 = tpu.vector_load %arg17[%parallel_loop3A_419, %parallel_loop3A_420] {strides = array<i32>} : memref<8x512xf32, #tpu.memory_space<vmem>>, vector<16xf32>,
              %parallel_loop3A_422 = arith.mulf %parallel_loop3A_409, %parallel_loop3A_418 : vector<16xf32>
              %parallel_loop3A_423 = arith.mulf %parallel_loop3A_412, %parallel_loop3A_421 : vector<16xf32>
              %parallel_loop3A_424 = arith.mulf %parallel_loop3A_406, %parallel_loop3A_415 : vector<16xf32>
              %parallel_loop3A_425 = arith.index_cast %parallel_loop3A_190 : i32 to index
              %parallel_loop3A_426 = arith.constant 64 : index
              %parallel_loop3A_427 = tpu.vector_load %arg8[%parallel_loop3A_425, %parallel_loop3A_426] {strides = array<i32>} : memref<160x512xf32, #tpu.memory_space<vmem>>, vector<16xf32>,
              tpu.vector_store %arg8[%parallel_loop3A_425, %parallel_loop3A_426], %parallel_loop3A_424 {add = true, strides = array<i32>} : memref<160x512xf32, #tpu.memory_space<vmem>>, vector<16xf32>,
              %parallel_loop3A_428 = arith.index_cast %parallel_loop3A_182 : i32 to index
              %parallel_loop3A_429 = arith.constant 448 : index
              %parallel_loop3A_430 = tpu.vector_load %arg16[%parallel_loop3A_428, %parallel_loop3A_429] {strides = array<i32>} : memref<8x768xf32, #tpu.memory_space<vmem>>, vector<16xf32>,
              %parallel_loop3A_431 = arith.mulf %parallel_loop3A_430, %parallel_loop3A_422 : vector<16xf32>
              %parallel_loop3A_432 = arith.mulf %parallel_loop3A_193, %parallel_loop3A_423 : vector<16xf32>
              %parallel_loop3A_433 = arith.addf %parallel_loop3A_431, %parallel_loop3A_432 : vector<16xf32>
              %parallel_loop3A_434 = arith.index_cast %parallel_loop3A_190 : i32 to index
              %parallel_loop3A_435 = arith.constant 192 : index
              %parallel_loop3A_436 = tpu.vector_load %arg8[%parallel_loop3A_434, %parallel_loop3A_435] {strides = array<i32>} : memref<160x512xf32, #tpu.memory_space<vmem>>, vector<16xf32>,
              tpu.vector_store %arg8[%parallel_loop3A_434, %parallel_loop3A_435], %parallel_loop3A_433 {add = true, strides = array<i32>} : memref<160x512xf32, #tpu.memory_space<vmem>>, vector<16xf32>,
              %parallel_loop3A_437 = arith.index_cast %parallel_loop3A_182 : i32 to index
              %parallel_loop3A_438 = arith.constant 576 : index
              %parallel_loop3A_439 = tpu.vector_load %arg16[%parallel_loop3A_437, %parallel_loop3A_438] {strides = array<i32>} : memref<8x768xf32, #tpu.memory_space<vmem>>, vector<16xf32>,
              %parallel_loop3A_440 = arith.mulf %parallel_loop3A_439, %parallel_loop3A_422 : vector<16xf32>
              %parallel_loop3A_441 = arith.mulf %parallel_loop3A_196, %parallel_loop3A_423 : vector<16xf32>
              %parallel_loop3A_442 = arith.addf %parallel_loop3A_440, %parallel_loop3A_441 : vector<16xf32>
              %parallel_loop3A_443 = arith.index_cast %parallel_loop3A_190 : i32 to index
              %parallel_loop3A_444 = arith.constant 320 : index
              %parallel_loop3A_445 = tpu.vector_load %arg8[%parallel_loop3A_443, %parallel_loop3A_444] {strides = array<i32>} : memref<160x512xf32, #tpu.memory_space<vmem>>, vector<16xf32>,
              tpu.vector_store %arg8[%parallel_loop3A_443, %parallel_loop3A_444], %parallel_loop3A_442 {add = true, strides = array<i32>} : memref<160x512xf32, #tpu.memory_space<vmem>>, vector<16xf32>,
              %parallel_loop3A_446 = arith.index_cast %parallel_loop3A_182 : i32 to index
              %parallel_loop3A_447 = arith.constant 704 : index
              %parallel_loop3A_448 = tpu.vector_load %arg16[%parallel_loop3A_446, %parallel_loop3A_447] {strides = array<i32>} : memref<8x768xf32, #tpu.memory_space<vmem>>, vector<16xf32>,
              %parallel_loop3A_449 = arith.mulf %parallel_loop3A_448, %parallel_loop3A_422 : vector<16xf32>
              %parallel_loop3A_450 = arith.mulf %parallel_loop3A_199, %parallel_loop3A_423 : vector<16xf32>
              %parallel_loop3A_451 = arith.addf %parallel_loop3A_449, %parallel_loop3A_450 : vector<16xf32>
              %parallel_loop3A_452 = arith.index_cast %parallel_loop3A_190 : i32 to index
              %parallel_loop3A_453 = arith.constant 448 : index
              %parallel_loop3A_454 = tpu.vector_load %arg8[%parallel_loop3A_452, %parallel_loop3A_453] {strides = array<i32>} : memref<160x512xf32, #tpu.memory_space<vmem>>, vector<16xf32>,
              tpu.vector_store %arg8[%parallel_loop3A_452, %parallel_loop3A_453], %parallel_loop3A_451 {add = true, strides = array<i32>} : memref<160x512xf32, #tpu.memory_space<vmem>>, vector<16xf32>,
              %parallel_loop3A_455 = arith.index_cast %parallel_loop3A_182 : i32 to index
              %parallel_loop3A_456 = arith.constant 80 : index
              %parallel_loop3A_457 = tpu.vector_load %arg16[%parallel_loop3A_455, %parallel_loop3A_456] {strides = array<i32>} : memref<8x768xf32, #tpu.memory_space<vmem>>, vector<16xf32>,
              %parallel_loop3A_458 = arith.index_cast %parallel_loop3A_182 : i32 to index
              %parallel_loop3A_459 = arith.constant 208 : index
              %parallel_loop3A_460 = tpu.vector_load %arg16[%parallel_loop3A_458, %parallel_loop3A_459] {strides = array<i32>} : memref<8x768xf32, #tpu.memory_space<vmem>>, vector<16xf32>,
              %parallel_loop3A_461 = arith.index_cast %parallel_loop3A_182 : i32 to index
              %parallel_loop3A_462 = arith.constant 336 : index
              %parallel_loop3A_463 = tpu.vector_load %arg16[%parallel_loop3A_461, %parallel_loop3A_462] {strides = array<i32>} : memref<8x768xf32, #tpu.memory_space<vmem>>, vector<16xf32>,
              %parallel_loop3A_464 = arith.index_cast %parallel_loop3A_182 : i32 to index
              %parallel_loop3A_465 = arith.constant 80 : index
              %parallel_loop3A_466 = tpu.vector_load %arg17[%parallel_loop3A_464, %parallel_loop3A_465] {strides = array<i32>} : memref<8x512xf32, #tpu.memory_space<vmem>>, vector<16xf32>,
              %parallel_loop3A_467 = arith.index_cast %parallel_loop3A_182 : i32 to index
              %parallel_loop3A_468 = arith.constant 208 : index
              %parallel_loop3A_469 = tpu.vector_load %arg17[%parallel_loop3A_467, %parallel_loop3A_468] {strides = array<i32>} : memref<8x512xf32, #tpu.memory_space<vmem>>, vector<16xf32>,
              %parallel_loop3A_470 = arith.index_cast %parallel_loop3A_182 : i32 to index
              %parallel_loop3A_471 = arith.constant 336 : index
              %parallel_loop3A_472 = tpu.vector_load %arg17[%parallel_loop3A_470, %parallel_loop3A_471] {strides = array<i32>} : memref<8x512xf32, #tpu.memory_space<vmem>>, vector<16xf32>,
              %parallel_loop3A_473 = arith.mulf %parallel_loop3A_460, %parallel_loop3A_469 : vector<16xf32>
              %parallel_loop3A_474 = arith.mulf %parallel_loop3A_463, %parallel_loop3A_472 : vector<16xf32>
              %parallel_loop3A_475 = arith.mulf %parallel_loop3A_457, %parallel_loop3A_466 : vector<16xf32>
              %parallel_loop3A_476 = arith.index_cast %parallel_loop3A_190 : i32 to index
              %parallel_loop3A_477 = arith.constant 80 : index
              %parallel_loop3A_478 = tpu.vector_load %arg8[%parallel_loop3A_476, %parallel_loop3A_477] {strides = array<i32>} : memref<160x512xf32, #tpu.memory_space<vmem>>, vector<16xf32>,
              tpu.vector_store %arg8[%parallel_loop3A_476, %parallel_loop3A_477], %parallel_loop3A_475 {add = true, strides = array<i32>} : memref<160x512xf32, #tpu.memory_space<vmem>>, vector<16xf32>,
              %parallel_loop3A_479 = arith.index_cast %parallel_loop3A_182 : i32 to index
              %parallel_loop3A_480 = arith.constant 464 : index
              %parallel_loop3A_481 = tpu.vector_load %arg16[%parallel_loop3A_479, %parallel_loop3A_480] {strides = array<i32>} : memref<8x768xf32, #tpu.memory_space<vmem>>, vector<16xf32>,
              %parallel_loop3A_482 = arith.mulf %parallel_loop3A_481, %parallel_loop3A_473 : vector<16xf32>
              %parallel_loop3A_483 = arith.mulf %parallel_loop3A_193, %parallel_loop3A_474 : vector<16xf32>
              %parallel_loop3A_484 = arith.addf %parallel_loop3A_482, %parallel_loop3A_483 : vector<16xf32>
              %parallel_loop3A_485 = arith.index_cast %parallel_loop3A_190 : i32 to index
              %parallel_loop3A_486 = arith.constant 208 : index
              %parallel_loop3A_487 = tpu.vector_load %arg8[%parallel_loop3A_485, %parallel_loop3A_486] {strides = array<i32>} : memref<160x512xf32, #tpu.memory_space<vmem>>, vector<16xf32>,
              tpu.vector_store %arg8[%parallel_loop3A_485, %parallel_loop3A_486], %parallel_loop3A_484 {add = true, strides = array<i32>} : memref<160x512xf32, #tpu.memory_space<vmem>>, vector<16xf32>,
              %parallel_loop3A_488 = arith.index_cast %parallel_loop3A_182 : i32 to index
              %parallel_loop3A_489 = arith.constant 592 : index
              %parallel_loop3A_490 = tpu.vector_load %arg16[%parallel_loop3A_488, %parallel_loop3A_489] {strides = array<i32>} : memref<8x768xf32, #tpu.memory_space<vmem>>, vector<16xf32>,
              %parallel_loop3A_491 = arith.mulf %parallel_loop3A_490, %parallel_loop3A_473 : vector<16xf32>
              %parallel_loop3A_492 = arith.mulf %parallel_loop3A_196, %parallel_loop3A_474 : vector<16xf32>
              %parallel_loop3A_493 = arith.addf %parallel_loop3A_491, %parallel_loop3A_492 : vector<16xf32>
              %parallel_loop3A_494 = arith.index_cast %parallel_loop3A_190 : i32 to index
              %parallel_loop3A_495 = arith.constant 336 : index
              %parallel_loop3A_496 = tpu.vector_load %arg8[%parallel_loop3A_494, %parallel_loop3A_495] {strides = array<i32>} : memref<160x512xf32, #tpu.memory_space<vmem>>, vector<16xf32>,
              tpu.vector_store %arg8[%parallel_loop3A_494, %parallel_loop3A_495], %parallel_loop3A_493 {add = true, strides = array<i32>} : memref<160x512xf32, #tpu.memory_space<vmem>>, vector<16xf32>,
              %parallel_loop3A_497 = arith.index_cast %parallel_loop3A_182 : i32 to index
              %parallel_loop3A_498 = arith.constant 720 : index
              %parallel_loop3A_499 = tpu.vector_load %arg16[%parallel_loop3A_497, %parallel_loop3A_498] {strides = array<i32>} : memref<8x768xf32, #tpu.memory_space<vmem>>, vector<16xf32>,
              %parallel_loop3A_500 = arith.mulf %parallel_loop3A_499, %parallel_loop3A_473 : vector<16xf32>
              %parallel_loop3A_501 = arith.mulf %parallel_loop3A_199, %parallel_loop3A_474 : vector<16xf32>
              %parallel_loop3A_502 = arith.addf %parallel_loop3A_500, %parallel_loop3A_501 : vector<16xf32>
              %parallel_loop3A_503 = arith.index_cast %parallel_loop3A_190 : i32 to index
              %parallel_loop3A_504 = arith.constant 464 : index
              %parallel_loop3A_505 = tpu.vector_load %arg8[%parallel_loop3A_503, %parallel_loop3A_504] {strides = array<i32>} : memref<160x512xf32, #tpu.memory_space<vmem>>, vector<16xf32>,
              tpu.vector_store %arg8[%parallel_loop3A_503, %parallel_loop3A_504], %parallel_loop3A_502 {add = true, strides = array<i32>} : memref<160x512xf32, #tpu.memory_space<vmem>>, vector<16xf32>,
              %parallel_loop3A_506 = arith.index_cast %parallel_loop3A_182 : i32 to index
              %parallel_loop3A_507 = arith.constant 96 : index
              %parallel_loop3A_508 = tpu.vector_load %arg16[%parallel_loop3A_506, %parallel_loop3A_507] {strides = array<i32>} : memref<8x768xf32, #tpu.memory_space<vmem>>, vector<16xf32>,
              %parallel_loop3A_509 = arith.index_cast %parallel_loop3A_182 : i32 to index
              %parallel_loop3A_510 = arith.constant 224 : index
              %parallel_loop3A_511 = tpu.vector_load %arg16[%parallel_loop3A_509, %parallel_loop3A_510] {strides = array<i32>} : memref<8x768xf32, #tpu.memory_space<vmem>>, vector<16xf32>,
              %parallel_loop3A_512 = arith.index_cast %parallel_loop3A_182 : i32 to index
              %parallel_loop3A_513 = arith.constant 352 : index
              %parallel_loop3A_514 = tpu.vector_load %arg16[%parallel_loop3A_512, %parallel_loop3A_513] {strides = array<i32>} : memref<8x768xf32, #tpu.memory_space<vmem>>, vector<16xf32>,
              %parallel_loop3A_515 = arith.index_cast %parallel_loop3A_182 : i32 to index
              %parallel_loop3A_516 = arith.constant 96 : index
              %parallel_loop3A_517 = tpu.vector_load %arg17[%parallel_loop3A_515, %parallel_loop3A_516] {strides = array<i32>} : memref<8x512xf32, #tpu.memory_space<vmem>>, vector<16xf32>,
              %parallel_loop3A_518 = arith.index_cast %parallel_loop3A_182 : i32 to index
              %parallel_loop3A_519 = arith.constant 224 : index
              %parallel_loop3A_520 = tpu.vector_load %arg17[%parallel_loop3A_518, %parallel_loop3A_519] {strides = array<i32>} : memref<8x512xf32, #tpu.memory_space<vmem>>, vector<16xf32>,
              %parallel_loop3A_521 = arith.index_cast %parallel_loop3A_182 : i32 to index
              %parallel_loop3A_522 = arith.constant 352 : index
              %parallel_loop3A_523 = tpu.vector_load %arg17[%parallel_loop3A_521, %parallel_loop3A_522] {strides = array<i32>} : memref<8x512xf32, #tpu.memory_space<vmem>>, vector<16xf32>,
              %parallel_loop3A_524 = arith.mulf %parallel_loop3A_511, %parallel_loop3A_520 : vector<16xf32>
              %parallel_loop3A_525 = arith.mulf %parallel_loop3A_514, %parallel_loop3A_523 : vector<16xf32>
              %parallel_loop3A_526 = arith.mulf %parallel_loop3A_508, %parallel_loop3A_517 : vector<16xf32>
              %parallel_loop3A_527 = arith.index_cast %parallel_loop3A_190 : i32 to index
              %parallel_loop3A_528 = arith.constant 96 : index
              %parallel_loop3A_529 = tpu.vector_load %arg8[%parallel_loop3A_527, %parallel_loop3A_528] {strides = array<i32>} : memref<160x512xf32, #tpu.memory_space<vmem>>, vector<16xf32>,
              tpu.vector_store %arg8[%parallel_loop3A_527, %parallel_loop3A_528], %parallel_loop3A_526 {add = true, strides = array<i32>} : memref<160x512xf32, #tpu.memory_space<vmem>>, vector<16xf32>,
              %parallel_loop3A_530 = arith.index_cast %parallel_loop3A_182 : i32 to index
              %parallel_loop3A_531 = arith.constant 480 : index
              %parallel_loop3A_532 = tpu.vector_load %arg16[%parallel_loop3A_530, %parallel_loop3A_531] {strides = array<i32>} : memref<8x768xf32, #tpu.memory_space<vmem>>, vector<16xf32>,
              %parallel_loop3A_533 = arith.mulf %parallel_loop3A_532, %parallel_loop3A_524 : vector<16xf32>
              %parallel_loop3A_534 = arith.mulf %parallel_loop3A_193, %parallel_loop3A_525 : vector<16xf32>
              %parallel_loop3A_535 = arith.addf %parallel_loop3A_533, %parallel_loop3A_534 : vector<16xf32>
              %parallel_loop3A_536 = arith.index_cast %parallel_loop3A_190 : i32 to index
              %parallel_loop3A_537 = arith.constant 224 : index
              %parallel_loop3A_538 = tpu.vector_load %arg8[%parallel_loop3A_536, %parallel_loop3A_537] {strides = array<i32>} : memref<160x512xf32, #tpu.memory_space<vmem>>, vector<16xf32>,
              tpu.vector_store %arg8[%parallel_loop3A_536, %parallel_loop3A_537], %parallel_loop3A_535 {add = true, strides = array<i32>} : memref<160x512xf32, #tpu.memory_space<vmem>>, vector<16xf32>,
              %parallel_loop3A_539 = arith.index_cast %parallel_loop3A_182 : i32 to index
              %parallel_loop3A_540 = arith.constant 608 : index
              %parallel_loop3A_541 = tpu.vector_load %arg16[%parallel_loop3A_539, %parallel_loop3A_540] {strides = array<i32>} : memref<8x768xf32, #tpu.memory_space<vmem>>, vector<16xf32>,
              %parallel_loop3A_542 = arith.mulf %parallel_loop3A_541, %parallel_loop3A_524 : vector<16xf32>
              %parallel_loop3A_543 = arith.mulf %parallel_loop3A_196, %parallel_loop3A_525 : vector<16xf32>
              %parallel_loop3A_544 = arith.addf %parallel_loop3A_542, %parallel_loop3A_543 : vector<16xf32>
              %parallel_loop3A_545 = arith.index_cast %parallel_loop3A_190 : i32 to index
              %parallel_loop3A_546 = arith.constant 352 : index
              %parallel_loop3A_547 = tpu.vector_load %arg8[%parallel_loop3A_545, %parallel_loop3A_546] {strides = array<i32>} : memref<160x512xf32, #tpu.memory_space<vmem>>, vector<16xf32>,
              tpu.vector_store %arg8[%parallel_loop3A_545, %parallel_loop3A_546], %parallel_loop3A_544 {add = true, strides = array<i32>} : memref<160x512xf32, #tpu.memory_space<vmem>>, vector<16xf32>,
              %parallel_loop3A_548 = arith.index_cast %parallel_loop3A_182 : i32 to index
              %parallel_loop3A_549 = arith.constant 736 : index
              %parallel_loop3A_550 = tpu.vector_load %arg16[%parallel_loop3A_548, %parallel_loop3A_549] {strides = array<i32>} : memref<8x768xf32, #tpu.memory_space<vmem>>, vector<16xf32>,
              %parallel_loop3A_551 = arith.mulf %parallel_loop3A_550, %parallel_loop3A_524 : vector<16xf32>
              %parallel_loop3A_552 = arith.mulf %parallel_loop3A_199, %parallel_loop3A_525 : vector<16xf32>
              %parallel_loop3A_553 = arith.addf %parallel_loop3A_551, %parallel_loop3A_552 : vector<16xf32>
              %parallel_loop3A_554 = arith.index_cast %parallel_loop3A_190 : i32 to index
              %parallel_loop3A_555 = arith.constant 480 : index
              %parallel_loop3A_556 = tpu.vector_load %arg8[%parallel_loop3A_554, %parallel_loop3A_555] {strides = array<i32>} : memref<160x512xf32, #tpu.memory_space<vmem>>, vector<16xf32>,
              tpu.vector_store %arg8[%parallel_loop3A_554, %parallel_loop3A_555], %parallel_loop3A_553 {add = true, strides = array<i32>} : memref<160x512xf32, #tpu.memory_space<vmem>>, vector<16xf32>,
              %parallel_loop3A_557 = arith.index_cast %parallel_loop3A_182 : i32 to index
              %parallel_loop3A_558 = arith.constant 112 : index
              %parallel_loop3A_559 = tpu.vector_load %arg16[%parallel_loop3A_557, %parallel_loop3A_558] {strides = array<i32>} : memref<8x768xf32, #tpu.memory_space<vmem>>, vector<16xf32>,
              %parallel_loop3A_560 = arith.index_cast %parallel_loop3A_182 : i32 to index
              %parallel_loop3A_561 = arith.constant 240 : index
              %parallel_loop3A_562 = tpu.vector_load %arg16[%parallel_loop3A_560, %parallel_loop3A_561] {strides = array<i32>} : memref<8x768xf32, #tpu.memory_space<vmem>>, vector<16xf32>,
              %parallel_loop3A_563 = arith.index_cast %parallel_loop3A_182 : i32 to index
              %parallel_loop3A_564 = arith.constant 368 : index
              %parallel_loop3A_565 = tpu.vector_load %arg16[%parallel_loop3A_563, %parallel_loop3A_564] {strides = array<i32>} : memref<8x768xf32, #tpu.memory_space<vmem>>, vector<16xf32>,
              %parallel_loop3A_566 = arith.index_cast %parallel_loop3A_182 : i32 to index
              %parallel_loop3A_567 = arith.constant 112 : index
              %parallel_loop3A_568 = tpu.vector_load %arg17[%parallel_loop3A_566, %parallel_loop3A_567] {strides = array<i32>} : memref<8x512xf32, #tpu.memory_space<vmem>>, vector<16xf32>,
              %parallel_loop3A_569 = arith.index_cast %parallel_loop3A_182 : i32 to index
              %parallel_loop3A_570 = arith.constant 240 : index
              %parallel_loop3A_571 = tpu.vector_load %arg17[%parallel_loop3A_569, %parallel_loop3A_570] {strides = array<i32>} : memref<8x512xf32, #tpu.memory_space<vmem>>, vector<16xf32>,
              %parallel_loop3A_572 = arith.index_cast %parallel_loop3A_182 : i32 to index
              %parallel_loop3A_573 = arith.constant 368 : index
              %parallel_loop3A_574 = tpu.vector_load %arg17[%parallel_loop3A_572, %parallel_loop3A_573] {strides = array<i32>} : memref<8x512xf32, #tpu.memory_space<vmem>>, vector<16xf32>,
              %parallel_loop3A_575 = arith.mulf %parallel_loop3A_562, %parallel_loop3A_571 : vector<16xf32>
              %parallel_loop3A_576 = arith.mulf %parallel_loop3A_565, %parallel_loop3A_574 : vector<16xf32>
              %parallel_loop3A_577 = arith.mulf %parallel_loop3A_559, %parallel_loop3A_568 : vector<16xf32>
              %parallel_loop3A_578 = arith.index_cast %parallel_loop3A_190 : i32 to index
              %parallel_loop3A_579 = arith.constant 112 : index
              %parallel_loop3A_580 = tpu.vector_load %arg8[%parallel_loop3A_578, %parallel_loop3A_579] {strides = array<i32>} : memref<160x512xf32, #tpu.memory_space<vmem>>, vector<16xf32>,
              tpu.vector_store %arg8[%parallel_loop3A_578, %parallel_loop3A_579], %parallel_loop3A_577 {add = true, strides = array<i32>} : memref<160x512xf32, #tpu.memory_space<vmem>>, vector<16xf32>,
              %parallel_loop3A_581 = arith.index_cast %parallel_loop3A_182 : i32 to index
              %parallel_loop3A_582 = arith.constant 496 : index
              %parallel_loop3A_583 = tpu.vector_load %arg16[%parallel_loop3A_581, %parallel_loop3A_582] {strides = array<i32>} : memref<8x768xf32, #tpu.memory_space<vmem>>, vector<16xf32>,
              %parallel_loop3A_584 = arith.mulf %parallel_loop3A_583, %parallel_loop3A_575 : vector<16xf32>
              %parallel_loop3A_585 = arith.mulf %parallel_loop3A_193, %parallel_loop3A_576 : vector<16xf32>
              %parallel_loop3A_586 = arith.addf %parallel_loop3A_584, %parallel_loop3A_585 : vector<16xf32>
              %parallel_loop3A_587 = arith.index_cast %parallel_loop3A_190 : i32 to index
              %parallel_loop3A_588 = arith.constant 240 : index
              %parallel_loop3A_589 = tpu.vector_load %arg8[%parallel_loop3A_587, %parallel_loop3A_588] {strides = array<i32>} : memref<160x512xf32, #tpu.memory_space<vmem>>, vector<16xf32>,
              tpu.vector_store %arg8[%parallel_loop3A_587, %parallel_loop3A_588], %parallel_loop3A_586 {add = true, strides = array<i32>} : memref<160x512xf32, #tpu.memory_space<vmem>>, vector<16xf32>,
              %parallel_loop3A_590 = arith.index_cast %parallel_loop3A_182 : i32 to index
              %parallel_loop3A_591 = arith.constant 624 : index
              %parallel_loop3A_592 = tpu.vector_load %arg16[%parallel_loop3A_590, %parallel_loop3A_591] {strides = array<i32>} : memref<8x768xf32, #tpu.memory_space<vmem>>, vector<16xf32>,
              %parallel_loop3A_593 = arith.mulf %parallel_loop3A_592, %parallel_loop3A_575 : vector<16xf32>
              %parallel_loop3A_594 = arith.mulf %parallel_loop3A_196, %parallel_loop3A_576 : vector<16xf32>
              %parallel_loop3A_595 = arith.addf %parallel_loop3A_593, %parallel_loop3A_594 : vector<16xf32>
              %parallel_loop3A_596 = arith.index_cast %parallel_loop3A_190 : i32 to index
              %parallel_loop3A_597 = arith.constant 368 : index
              %parallel_loop3A_598 = tpu.vector_load %arg8[%parallel_loop3A_596, %parallel_loop3A_597] {strides = array<i32>} : memref<160x512xf32, #tpu.memory_space<vmem>>, vector<16xf32>,
              tpu.vector_store %arg8[%parallel_loop3A_596, %parallel_loop3A_597], %parallel_loop3A_595 {add = true, strides = array<i32>} : memref<160x512xf32, #tpu.memory_space<vmem>>, vector<16xf32>,
              %parallel_loop3A_599 = arith.index_cast %parallel_loop3A_182 : i32 to index
              %parallel_loop3A_600 = arith.constant 752 : index
              %parallel_loop3A_601 = tpu.vector_load %arg16[%parallel_loop3A_599, %parallel_loop3A_600] {strides = array<i32>} : memref<8x768xf32, #tpu.memory_space<vmem>>, vector<16xf32>,
              %parallel_loop3A_602 = arith.mulf %parallel_loop3A_601, %parallel_loop3A_575 : vector<16xf32>
              %parallel_loop3A_603 = arith.mulf %parallel_loop3A_199, %parallel_loop3A_576 : vector<16xf32>
              %parallel_loop3A_604 = arith.addf %parallel_loop3A_602, %parallel_loop3A_603 : vector<16xf32>
              %parallel_loop3A_605 = arith.index_cast %parallel_loop3A_190 : i32 to index
              %parallel_loop3A_606 = arith.constant 496 : index
              %parallel_loop3A_607 = tpu.vector_load %arg8[%parallel_loop3A_605, %parallel_loop3A_606] {strides = array<i32>} : memref<160x512xf32, #tpu.memory_space<vmem>>, vector<16xf32>,
              tpu.vector_store %arg8[%parallel_loop3A_605, %parallel_loop3A_606], %parallel_loop3A_604 {add = true, strides = array<i32>} : memref<160x512xf32, #tpu.memory_space<vmem>>, vector<16xf32>,
            } {sc.loop_unroll_factor = 6 : i64, sc.parallel_access}
          } else {
          }
          %jit3A_141 = arith.constant 2 : i32
          %eq3A_142 = arith.constant 0 : i32
          %eq3A_143 = arith.cmpi eq, %jit3A_141, %eq3A_142 : i32
          %jit3A_144 = arith.constant 1 : i32
          %select_n3A_145 = arith.select %eq3A_143, %jit3A_144, %jit3A_141 : i32
          %rem3A_146 = arith.remsi %while3A_118, %select_n3A_145 : i32
          %ne3A_147 = arith.constant 0 : i32
          %ne3A_148 = arith.cmpi ne, %rem3A_146, %ne3A_147 : i32
          %lt3A_149 = arith.constant 0 : i32
          %lt3A_150 = arith.cmpi slt, %rem3A_146, %lt3A_149 : i32
          %lt3A_151 = arith.constant 0 : i32
          %lt3A_152 = arith.cmpi slt, %select_n3A_145, %lt3A_151 : i32
          %ne3A_153 = arith.xori %lt3A_150, %lt3A_152 : i1
          %and3A_154 = arith.andi %ne3A_153, %ne3A_148 : i1
          %add3A_155 = arith.addi %rem3A_146, %select_n3A_145 : i32
          %select_n3A_156 = arith.select %and3A_154, %add3A_155, %rem3A_146 : i32
          %eq3A_157 = arith.constant 1 : i32
          %eq3A_158 = arith.cmpi eq, %select_n3A_156, %eq3A_157 : i32
          %convert_element_type3A_159 = arith.extui %eq3A_158 : i1 to i32
          %cond3A_160 = arith.constant 0 : i32
          %cond3A_161 = arith.cmpi ne, %convert_element_type3A_159, %cond3A_160 : i32
          scf.if %cond3A_161 {
            %add3A_163 = arith.constant 1 : i32
            %add3A_164 = arith.addi %while3A_118, %add3A_163 : i32
            %lt3A_165 = arith.cmpi slt, %add3A_164, %select_n3A_101 : i32
            %convert_element_type3A_166 = arith.extui %lt3A_165 : i1 to i32
            %cond3A_167 = arith.constant 0 : i32
            %cond3A_168 = arith.cmpi ne, %convert_element_type3A_166, %cond3A_167 : i32
            scf.if %cond3A_168 {
              %add3A_182 = arith.constant 1 : i32
              %add3A_183 = arith.addi %while3A_118, %add3A_182 : i32
              %mul3A_184 = arith.constant 8 : i32
              %mul3A_185 = arith.muli %add3A_183, %mul3A_184 : i32
              %mul3A_186 = arith.constant 8 : i32
              %mul3A_187 = arith.muli %add3A_183, %mul3A_186 : i32
              %dma_start3A_188 = tpu.memref_slice %arg10[%mul3A_185] : memref<3232xi32, #tpu.memory_space<vmem>> -> memref<8xi32, #tpu.memory_space<vmem>>
              %dma_start3A_189 = arith.constant 0 : i32
              %dma_start3A_190 = arith.constant 0 : i32
              %dma_start3A_191 = tpu.memref_slice %arg2[%dma_start3A_189, %dma_start3A_190] : memref<10240x768xf32, #tpu.memory_space<hbm>> -> memref<10240x768xf32, #tpu.memory_space<hbm>>
              tpu.enqueue_indirect_dma source(%dma_start3A_191 : memref<10240x768xf32, #tpu.memory_space<hbm>>) target(%arg16 : memref<8x768xf32, #tpu.memory_space<vmem>>) offsets(%dma_start3A_188 : memref<8xi32, #tpu.memory_space<vmem>>) semaphore(%arg21 : memref<!tpu.dma_semaphore, #tpu.memory_space<semaphore_mem>>)
              %dma_start3A_192 = tpu.memref_slice %arg11[%mul3A_187] : memref<3232xi32, #tpu.memory_space<vmem>> -> memref<8xi32, #tpu.memory_space<vmem>>
              %dma_start3A_193 = arith.constant 0 : i32
              %dma_start3A_194 = arith.constant 0 : i32
              %dma_start3A_195 = tpu.memref_slice %arg3[%dma_start3A_193, %dma_start3A_194] : memref<320000x512xf32, #tpu.memory_space<hbm>> -> memref<320000x512xf32, #tpu.memory_space<hbm>>
              tpu.enqueue_indirect_dma source(%dma_start3A_195 : memref<320000x512xf32, #tpu.memory_space<hbm>>) target(%arg17 : memref<8x512xf32, #tpu.memory_space<vmem>>) offsets(%dma_start3A_192 : memref<8xi32, #tpu.memory_space<vmem>>) semaphore(%arg22 : memref<!tpu.dma_semaphore, #tpu.memory_space<semaphore_mem>>)
            } else {
            }
            %mul3A_169 = arith.constant 8 : i32
            %mul3A_170 = arith.muli %while3A_118, %mul3A_169 : i32
            %mul3A_171 = arith.constant 8 : i32
            %mul3A_172 = arith.muli %while3A_118, %mul3A_171 : i32
            %dma_wait3A = tpu.memref_slice %arg10[%mul3A_170] : memref<3232xi32, #tpu.memory_space<vmem>> -> memref<8xi32, #tpu.memory_space<vmem>>
            %dma_wait3A_173 = arith.constant 0 : i32
            %dma_wait3A_174 = arith.constant 0 : i32
            %dma_wait3A_175 = tpu.memref_slice %arg2[%dma_wait3A_173, %dma_wait3A_174] : memref<10240x768xf32, #tpu.memory_space<hbm>> -> memref<10240x768xf32, #tpu.memory_space<hbm>>
            tpu.wait_indirect_dma semaphore(%arg23 : memref<!tpu.dma_semaphore, #tpu.memory_space<semaphore_mem>>) src(%dma_wait3A_175 : memref<10240x768xf32, #tpu.memory_space<hbm>>) dst(%arg18 : memref<8x768xf32, #tpu.memory_space<vmem>>)
            %dma_wait3A_176 = tpu.memref_slice %arg11[%mul3A_172] : memref<3232xi32, #tpu.memory_space<vmem>> -> memref<8xi32, #tpu.memory_space<vmem>>
            %dma_wait3A_177 = arith.constant 0 : i32
            %dma_wait3A_178 = arith.constant 0 : i32
            %dma_wait3A_179 = tpu.memref_slice %arg3[%dma_wait3A_177, %dma_wait3A_178] : memref<320000x512xf32, #tpu.memory_space<hbm>> -> memref<320000x512xf32, #tpu.memory_space<hbm>>
            tpu.wait_indirect_dma semaphore(%arg24 : memref<!tpu.dma_semaphore, #tpu.memory_space<semaphore_mem>>) src(%dma_wait3A_179 : memref<320000x512xf32, #tpu.memory_space<hbm>>) dst(%arg19 : memref<8x512xf32, #tpu.memory_space<vmem>>)
            %parallel_loop3A = arith.constant 0 : i32
            %parallel_loop3A_180 = arith.constant 8 : i32
            %parallel_loop3A_181 = arith.constant 1 : i32
            scf.for %parallel_loop3A_182 = %parallel_loop3A to %parallel_loop3A_180 step %parallel_loop3A_181  : i32 {
              %parallel_loop3A_183 = vector.broadcast %parallel_loop3A_182 : i32 to vector<16xi32>
              %parallel_loop3A_184 = arith.constant 8 : i32
              %parallel_loop3A_185 = arith.muli %while3A_118, %parallel_loop3A_184 : i32
              %parallel_loop3A_186 = arith.addi %parallel_loop3A_185, %parallel_loop3A_182 : i32
              %parallel_loop3A_187 = arith.index_cast %parallel_loop3A_186 : i32 to index
              %parallel_loop3A_188 = tpu.vector_load %arg9[%parallel_loop3A_187] {strides = array<i32>} : memref<3232xi32, #tpu.memory_space<vmem>>, vector<16xi32>,
              %parallel_loop3A_189 = vector.extract_strided_slice %parallel_loop3A_188 {offsets = [0], sizes = [1], strides = [1]} : vector<16xi32> to vector<1xi32>
              %parallel_loop3A_190 = vector.extract %parallel_loop3A_189[0] : i32 from vector<1xi32>
              %parallel_loop3A_191 = arith.constant 384 : i32
              %parallel_loop3A_192 = vector.broadcast %parallel_loop3A_191 : i32 to vector<16xi32>
              %parallel_loop3A_193 = tpu.vector_load_idx %arg19[%parallel_loop3A_183, %parallel_loop3A_192] : memref<8x512xf32, #tpu.memory_space<vmem>>[vector<16xi32>, vector<16xi32>], vector<16xf32>,
              %parallel_loop3A_194 = arith.constant 385 : i32
              %parallel_loop3A_195 = vector.broadcast %parallel_loop3A_194 : i32 to vector<16xi32>
              %parallel_loop3A_196 = tpu.vector_load_idx %arg19[%parallel_loop3A_183, %parallel_loop3A_195] : memref<8x512xf32, #tpu.memory_space<vmem>>[vector<16xi32>, vector<16xi32>], vector<16xf32>,
              %parallel_loop3A_197 = arith.constant 386 : i32
              %parallel_loop3A_198 = vector.broadcast %parallel_loop3A_197 : i32 to vector<16xi32>
              %parallel_loop3A_199 = tpu.vector_load_idx %arg19[%parallel_loop3A_183, %parallel_loop3A_198] : memref<8x512xf32, #tpu.memory_space<vmem>>[vector<16xi32>, vector<16xi32>], vector<16xf32>,
              %parallel_loop3A_200 = arith.index_cast %parallel_loop3A_182 : i32 to index
              %parallel_loop3A_201 = arith.constant 0 : index
              %parallel_loop3A_202 = tpu.vector_load %arg18[%parallel_loop3A_200, %parallel_loop3A_201] {strides = array<i32>} : memref<8x768xf32, #tpu.memory_space<vmem>>, vector<16xf32>,
              %parallel_loop3A_203 = arith.index_cast %parallel_loop3A_182 : i32 to index
              %parallel_loop3A_204 = arith.constant 128 : index
              %parallel_loop3A_205 = tpu.vector_load %arg18[%parallel_loop3A_203, %parallel_loop3A_204] {strides = array<i32>} : memref<8x768xf32, #tpu.memory_space<vmem>>, vector<16xf32>,
              %parallel_loop3A_206 = arith.index_cast %parallel_loop3A_182 : i32 to index
              %parallel_loop3A_207 = arith.constant 256 : index
              %parallel_loop3A_208 = tpu.vector_load %arg18[%parallel_loop3A_206, %parallel_loop3A_207] {strides = array<i32>} : memref<8x768xf32, #tpu.memory_space<vmem>>, vector<16xf32>,
              %parallel_loop3A_209 = arith.index_cast %parallel_loop3A_182 : i32 to index
              %parallel_loop3A_210 = arith.constant 0 : index
              %parallel_loop3A_211 = tpu.vector_load %arg19[%parallel_loop3A_209, %parallel_loop3A_210] {strides = array<i32>} : memref<8x512xf32, #tpu.memory_space<vmem>>, vector<16xf32>,
              %parallel_loop3A_212 = arith.index_cast %parallel_loop3A_182 : i32 to index
              %parallel_loop3A_213 = arith.constant 128 : index
              %parallel_loop3A_214 = tpu.vector_load %arg19[%parallel_loop3A_212, %parallel_loop3A_213] {strides = array<i32>} : memref<8x512xf32, #tpu.memory_space<vmem>>, vector<16xf32>,
              %parallel_loop3A_215 = arith.index_cast %parallel_loop3A_182 : i32 to index
              %parallel_loop3A_216 = arith.constant 256 : index
              %parallel_loop3A_217 = tpu.vector_load %arg19[%parallel_loop3A_215, %parallel_loop3A_216] {strides = array<i32>} : memref<8x512xf32, #tpu.memory_space<vmem>>, vector<16xf32>,
              %parallel_loop3A_218 = arith.mulf %parallel_loop3A_205, %parallel_loop3A_214 : vector<16xf32>
              %parallel_loop3A_219 = arith.mulf %parallel_loop3A_208, %parallel_loop3A_217 : vector<16xf32>
              %parallel_loop3A_220 = arith.mulf %parallel_loop3A_202, %parallel_loop3A_211 : vector<16xf32>
              %parallel_loop3A_221 = arith.index_cast %parallel_loop3A_190 : i32 to index
              %parallel_loop3A_222 = arith.constant 0 : index
              %parallel_loop3A_223 = tpu.vector_load %arg8[%parallel_loop3A_221, %parallel_loop3A_222] {strides = array<i32>} : memref<160x512xf32, #tpu.memory_space<vmem>>, vector<16xf32>,
              tpu.vector_store %arg8[%parallel_loop3A_221, %parallel_loop3A_222], %parallel_loop3A_220 {add = true, strides = array<i32>} : memref<160x512xf32, #tpu.memory_space<vmem>>, vector<16xf32>,
              %parallel_loop3A_224 = arith.index_cast %parallel_loop3A_182 : i32 to index
              %parallel_loop3A_225 = arith.constant 384 : index
              %parallel_loop3A_226 = tpu.vector_load %arg18[%parallel_loop3A_224, %parallel_loop3A_225] {strides = array<i32>} : memref<8x768xf32, #tpu.memory_space<vmem>>, vector<16xf32>,
              %parallel_loop3A_227 = arith.mulf %parallel_loop3A_226, %parallel_loop3A_218 : vector<16xf32>
              %parallel_loop3A_228 = arith.mulf %parallel_loop3A_193, %parallel_loop3A_219 : vector<16xf32>
              %parallel_loop3A_229 = arith.addf %parallel_loop3A_227, %parallel_loop3A_228 : vector<16xf32>
              %parallel_loop3A_230 = arith.index_cast %parallel_loop3A_190 : i32 to index
              %parallel_loop3A_231 = arith.constant 128 : index
              %parallel_loop3A_232 = tpu.vector_load %arg8[%parallel_loop3A_230, %parallel_loop3A_231] {strides = array<i32>} : memref<160x512xf32, #tpu.memory_space<vmem>>, vector<16xf32>,
              tpu.vector_store %arg8[%parallel_loop3A_230, %parallel_loop3A_231], %parallel_loop3A_229 {add = true, strides = array<i32>} : memref<160x512xf32, #tpu.memory_space<vmem>>, vector<16xf32>,
              %parallel_loop3A_233 = arith.index_cast %parallel_loop3A_182 : i32 to index
              %parallel_loop3A_234 = arith.constant 512 : index
              %parallel_loop3A_235 = tpu.vector_load %arg18[%parallel_loop3A_233, %parallel_loop3A_234] {strides = array<i32>} : memref<8x768xf32, #tpu.memory_space<vmem>>, vector<16xf32>,
              %parallel_loop3A_236 = arith.mulf %parallel_loop3A_235, %parallel_loop3A_218 : vector<16xf32>
              %parallel_loop3A_237 = arith.mulf %parallel_loop3A_196, %parallel_loop3A_219 : vector<16xf32>
              %parallel_loop3A_238 = arith.addf %parallel_loop3A_236, %parallel_loop3A_237 : vector<16xf32>
              %parallel_loop3A_239 = arith.index_cast %parallel_loop3A_190 : i32 to index
              %parallel_loop3A_240 = arith.constant 256 : index
              %parallel_loop3A_241 = tpu.vector_load %arg8[%parallel_loop3A_239, %parallel_loop3A_240] {strides = array<i32>} : memref<160x512xf32, #tpu.memory_space<vmem>>, vector<16xf32>,
              tpu.vector_store %arg8[%parallel_loop3A_239, %parallel_loop3A_240], %parallel_loop3A_238 {add = true, strides = array<i32>} : memref<160x512xf32, #tpu.memory_space<vmem>>, vector<16xf32>,
              %parallel_loop3A_242 = arith.index_cast %parallel_loop3A_182 : i32 to index
              %parallel_loop3A_243 = arith.constant 640 : index
              %parallel_loop3A_244 = tpu.vector_load %arg18[%parallel_loop3A_242, %parallel_loop3A_243] {strides = array<i32>} : memref<8x768xf32, #tpu.memory_space<vmem>>, vector<16xf32>,
              %parallel_loop3A_245 = arith.mulf %parallel_loop3A_244, %parallel_loop3A_218 : vector<16xf32>
              %parallel_loop3A_246 = arith.mulf %parallel_loop3A_199, %parallel_loop3A_219 : vector<16xf32>
              %parallel_loop3A_247 = arith.addf %parallel_loop3A_245, %parallel_loop3A_246 : vector<16xf32>
              %parallel_loop3A_248 = arith.index_cast %parallel_loop3A_190 : i32 to index
              %parallel_loop3A_249 = arith.constant 384 : index
              %parallel_loop3A_250 = tpu.vector_load %arg8[%parallel_loop3A_248, %parallel_loop3A_249] {strides = array<i32>} : memref<160x512xf32, #tpu.memory_space<vmem>>, vector<16xf32>,
              tpu.vector_store %arg8[%parallel_loop3A_248, %parallel_loop3A_249], %parallel_loop3A_247 {add = true, strides = array<i32>} : memref<160x512xf32, #tpu.memory_space<vmem>>, vector<16xf32>,
              %parallel_loop3A_251 = arith.index_cast %parallel_loop3A_182 : i32 to index
              %parallel_loop3A_252 = arith.constant 16 : index
              %parallel_loop3A_253 = tpu.vector_load %arg18[%parallel_loop3A_251, %parallel_loop3A_252] {strides = array<i32>} : memref<8x768xf32, #tpu.memory_space<vmem>>, vector<16xf32>,
              %parallel_loop3A_254 = arith.index_cast %parallel_loop3A_182 : i32 to index
              %parallel_loop3A_255 = arith.constant 144 : index
              %parallel_loop3A_256 = tpu.vector_load %arg18[%parallel_loop3A_254, %parallel_loop3A_255] {strides = array<i32>} : memref<8x768xf32, #tpu.memory_space<vmem>>, vector<16xf32>,
              %parallel_loop3A_257 = arith.index_cast %parallel_loop3A_182 : i32 to index
              %parallel_loop3A_258 = arith.constant 272 : index
              %parallel_loop3A_259 = tpu.vector_load %arg18[%parallel_loop3A_257, %parallel_loop3A_258] {strides = array<i32>} : memref<8x768xf32, #tpu.memory_space<vmem>>, vector<16xf32>,
              %parallel_loop3A_260 = arith.index_cast %parallel_loop3A_182 : i32 to index
              %parallel_loop3A_261 = arith.constant 16 : index
              %parallel_loop3A_262 = tpu.vector_load %arg19[%parallel_loop3A_260, %parallel_loop3A_261] {strides = array<i32>} : memref<8x512xf32, #tpu.memory_space<vmem>>, vector<16xf32>,
              %parallel_loop3A_263 = arith.index_cast %parallel_loop3A_182 : i32 to index
              %parallel_loop3A_264 = arith.constant 144 : index
              %parallel_loop3A_265 = tpu.vector_load %arg19[%parallel_loop3A_263, %parallel_loop3A_264] {strides = array<i32>} : memref<8x512xf32, #tpu.memory_space<vmem>>, vector<16xf32>,
              %parallel_loop3A_266 = arith.index_cast %parallel_loop3A_182 : i32 to index
              %parallel_loop3A_267 = arith.constant 272 : index
              %parallel_loop3A_268 = tpu.vector_load %arg19[%parallel_loop3A_266, %parallel_loop3A_267] {strides = array<i32>} : memref<8x512xf32, #tpu.memory_space<vmem>>, vector<16xf32>,
              %parallel_loop3A_269 = arith.mulf %parallel_loop3A_256, %parallel_loop3A_265 : vector<16xf32>
              %parallel_loop3A_270 = arith.mulf %parallel_loop3A_259, %parallel_loop3A_268 : vector<16xf32>
              %parallel_loop3A_271 = arith.mulf %parallel_loop3A_253, %parallel_loop3A_262 : vector<16xf32>
              %parallel_loop3A_272 = arith.index_cast %parallel_loop3A_190 : i32 to index
              %parallel_loop3A_273 = arith.constant 16 : index
              %parallel_loop3A_274 = tpu.vector_load %arg8[%parallel_loop3A_272, %parallel_loop3A_273] {strides = array<i32>} : memref<160x512xf32, #tpu.memory_space<vmem>>, vector<16xf32>,
              tpu.vector_store %arg8[%parallel_loop3A_272, %parallel_loop3A_273], %parallel_loop3A_271 {add = true, strides = array<i32>} : memref<160x512xf32, #tpu.memory_space<vmem>>, vector<16xf32>,
              %parallel_loop3A_275 = arith.index_cast %parallel_loop3A_182 : i32 to index
              %parallel_loop3A_276 = arith.constant 400 : index
              %parallel_loop3A_277 = tpu.vector_load %arg18[%parallel_loop3A_275, %parallel_loop3A_276] {strides = array<i32>} : memref<8x768xf32, #tpu.memory_space<vmem>>, vector<16xf32>,
              %parallel_loop3A_278 = arith.mulf %parallel_loop3A_277, %parallel_loop3A_269 : vector<16xf32>
              %parallel_loop3A_279 = arith.mulf %parallel_loop3A_193, %parallel_loop3A_270 : vector<16xf32>
              %parallel_loop3A_280 = arith.addf %parallel_loop3A_278, %parallel_loop3A_279 : vector<16xf32>
              %parallel_loop3A_281 = arith.index_cast %parallel_loop3A_190 : i32 to index
              %parallel_loop3A_282 = arith.constant 144 : index
              %parallel_loop3A_283 = tpu.vector_load %arg8[%parallel_loop3A_281, %parallel_loop3A_282] {strides = array<i32>} : memref<160x512xf32, #tpu.memory_space<vmem>>, vector<16xf32>,
              tpu.vector_store %arg8[%parallel_loop3A_281, %parallel_loop3A_282], %parallel_loop3A_280 {add = true, strides = array<i32>} : memref<160x512xf32, #tpu.memory_space<vmem>>, vector<16xf32>,
              %parallel_loop3A_284 = arith.index_cast %parallel_loop3A_182 : i32 to index
              %parallel_loop3A_285 = arith.constant 528 : index
              %parallel_loop3A_286 = tpu.vector_load %arg18[%parallel_loop3A_284, %parallel_loop3A_285] {strides = array<i32>} : memref<8x768xf32, #tpu.memory_space<vmem>>, vector<16xf32>,
              %parallel_loop3A_287 = arith.mulf %parallel_loop3A_286, %parallel_loop3A_269 : vector<16xf32>
              %parallel_loop3A_288 = arith.mulf %parallel_loop3A_196, %parallel_loop3A_270 : vector<16xf32>
              %parallel_loop3A_289 = arith.addf %parallel_loop3A_287, %parallel_loop3A_288 : vector<16xf32>
              %parallel_loop3A_290 = arith.index_cast %parallel_loop3A_190 : i32 to index
              %parallel_loop3A_291 = arith.constant 272 : index
              %parallel_loop3A_292 = tpu.vector_load %arg8[%parallel_loop3A_290, %parallel_loop3A_291] {strides = array<i32>} : memref<160x512xf32, #tpu.memory_space<vmem>>, vector<16xf32>,
              tpu.vector_store %arg8[%parallel_loop3A_290, %parallel_loop3A_291], %parallel_loop3A_289 {add = true, strides = array<i32>} : memref<160x512xf32, #tpu.memory_space<vmem>>, vector<16xf32>,
              %parallel_loop3A_293 = arith.index_cast %parallel_loop3A_182 : i32 to index
              %parallel_loop3A_294 = arith.constant 656 : index
              %parallel_loop3A_295 = tpu.vector_load %arg18[%parallel_loop3A_293, %parallel_loop3A_294] {strides = array<i32>} : memref<8x768xf32, #tpu.memory_space<vmem>>, vector<16xf32>,
              %parallel_loop3A_296 = arith.mulf %parallel_loop3A_295, %parallel_loop3A_269 : vector<16xf32>
              %parallel_loop3A_297 = arith.mulf %parallel_loop3A_199, %parallel_loop3A_270 : vector<16xf32>
              %parallel_loop3A_298 = arith.addf %parallel_loop3A_296, %parallel_loop3A_297 : vector<16xf32>
              %parallel_loop3A_299 = arith.index_cast %parallel_loop3A_190 : i32 to index
              %parallel_loop3A_300 = arith.constant 400 : index
              %parallel_loop3A_301 = tpu.vector_load %arg8[%parallel_loop3A_299, %parallel_loop3A_300] {strides = array<i32>} : memref<160x512xf32, #tpu.memory_space<vmem>>, vector<16xf32>,
              tpu.vector_store %arg8[%parallel_loop3A_299, %parallel_loop3A_300], %parallel_loop3A_298 {add = true, strides = array<i32>} : memref<160x512xf32, #tpu.memory_space<vmem>>, vector<16xf32>,
              %parallel_loop3A_302 = arith.index_cast %parallel_loop3A_182 : i32 to index
              %parallel_loop3A_303 = arith.constant 32 : index
              %parallel_loop3A_304 = tpu.vector_load %arg18[%parallel_loop3A_302, %parallel_loop3A_303] {strides = array<i32>} : memref<8x768xf32, #tpu.memory_space<vmem>>, vector<16xf32>,
              %parallel_loop3A_305 = arith.index_cast %parallel_loop3A_182 : i32 to index
              %parallel_loop3A_306 = arith.constant 160 : index
              %parallel_loop3A_307 = tpu.vector_load %arg18[%parallel_loop3A_305, %parallel_loop3A_306] {strides = array<i32>} : memref<8x768xf32, #tpu.memory_space<vmem>>, vector<16xf32>,
              %parallel_loop3A_308 = arith.index_cast %parallel_loop3A_182 : i32 to index
              %parallel_loop3A_309 = arith.constant 288 : index
              %parallel_loop3A_310 = tpu.vector_load %arg18[%parallel_loop3A_308, %parallel_loop3A_309] {strides = array<i32>} : memref<8x768xf32, #tpu.memory_space<vmem>>, vector<16xf32>,
              %parallel_loop3A_311 = arith.index_cast %parallel_loop3A_182 : i32 to index
              %parallel_loop3A_312 = arith.constant 32 : index
              %parallel_loop3A_313 = tpu.vector_load %arg19[%parallel_loop3A_311, %parallel_loop3A_312] {strides = array<i32>} : memref<8x512xf32, #tpu.memory_space<vmem>>, vector<16xf32>,
              %parallel_loop3A_314 = arith.index_cast %parallel_loop3A_182 : i32 to index
              %parallel_loop3A_315 = arith.constant 160 : index
              %parallel_loop3A_316 = tpu.vector_load %arg19[%parallel_loop3A_314, %parallel_loop3A_315] {strides = array<i32>} : memref<8x512xf32, #tpu.memory_space<vmem>>, vector<16xf32>,
              %parallel_loop3A_317 = arith.index_cast %parallel_loop3A_182 : i32 to index
              %parallel_loop3A_318 = arith.constant 288 : index
              %parallel_loop3A_319 = tpu.vector_load %arg19[%parallel_loop3A_317, %parallel_loop3A_318] {strides = array<i32>} : memref<8x512xf32, #tpu.memory_space<vmem>>, vector<16xf32>,
              %parallel_loop3A_320 = arith.mulf %parallel_loop3A_307, %parallel_loop3A_316 : vector<16xf32>
              %parallel_loop3A_321 = arith.mulf %parallel_loop3A_310, %parallel_loop3A_319 : vector<16xf32>
              %parallel_loop3A_322 = arith.mulf %parallel_loop3A_304, %parallel_loop3A_313 : vector<16xf32>
              %parallel_loop3A_323 = arith.index_cast %parallel_loop3A_190 : i32 to index
              %parallel_loop3A_324 = arith.constant 32 : index
              %parallel_loop3A_325 = tpu.vector_load %arg8[%parallel_loop3A_323, %parallel_loop3A_324] {strides = array<i32>} : memref<160x512xf32, #tpu.memory_space<vmem>>, vector<16xf32>,
              tpu.vector_store %arg8[%parallel_loop3A_323, %parallel_loop3A_324], %parallel_loop3A_322 {add = true, strides = array<i32>} : memref<160x512xf32, #tpu.memory_space<vmem>>, vector<16xf32>,
              %parallel_loop3A_326 = arith.index_cast %parallel_loop3A_182 : i32 to index
              %parallel_loop3A_327 = arith.constant 416 : index
              %parallel_loop3A_328 = tpu.vector_load %arg18[%parallel_loop3A_326, %parallel_loop3A_327] {strides = array<i32>} : memref<8x768xf32, #tpu.memory_space<vmem>>, vector<16xf32>,
              %parallel_loop3A_329 = arith.mulf %parallel_loop3A_328, %parallel_loop3A_320 : vector<16xf32>
              %parallel_loop3A_330 = arith.mulf %parallel_loop3A_193, %parallel_loop3A_321 : vector<16xf32>
              %parallel_loop3A_331 = arith.addf %parallel_loop3A_329, %parallel_loop3A_330 : vector<16xf32>
              %parallel_loop3A_332 = arith.index_cast %parallel_loop3A_190 : i32 to index
              %parallel_loop3A_333 = arith.constant 160 : index
              %parallel_loop3A_334 = tpu.vector_load %arg8[%parallel_loop3A_332, %parallel_loop3A_333] {strides = array<i32>} : memref<160x512xf32, #tpu.memory_space<vmem>>, vector<16xf32>,
              tpu.vector_store %arg8[%parallel_loop3A_332, %parallel_loop3A_333], %parallel_loop3A_331 {add = true, strides = array<i32>} : memref<160x512xf32, #tpu.memory_space<vmem>>, vector<16xf32>,
              %parallel_loop3A_335 = arith.index_cast %parallel_loop3A_182 : i32 to index
              %parallel_loop3A_336 = arith.constant 544 : index
              %parallel_loop3A_337 = tpu.vector_load %arg18[%parallel_loop3A_335, %parallel_loop3A_336] {strides = array<i32>} : memref<8x768xf32, #tpu.memory_space<vmem>>, vector<16xf32>,
              %parallel_loop3A_338 = arith.mulf %parallel_loop3A_337, %parallel_loop3A_320 : vector<16xf32>
              %parallel_loop3A_339 = arith.mulf %parallel_loop3A_196, %parallel_loop3A_321 : vector<16xf32>
              %parallel_loop3A_340 = arith.addf %parallel_loop3A_338, %parallel_loop3A_339 : vector<16xf32>
              %parallel_loop3A_341 = arith.index_cast %parallel_loop3A_190 : i32 to index
              %parallel_loop3A_342 = arith.constant 288 : index
              %parallel_loop3A_343 = tpu.vector_load %arg8[%parallel_loop3A_341, %parallel_loop3A_342] {strides = array<i32>} : memref<160x512xf32, #tpu.memory_space<vmem>>, vector<16xf32>,
              tpu.vector_store %arg8[%parallel_loop3A_341, %parallel_loop3A_342], %parallel_loop3A_340 {add = true, strides = array<i32>} : memref<160x512xf32, #tpu.memory_space<vmem>>, vector<16xf32>,
              %parallel_loop3A_344 = arith.index_cast %parallel_loop3A_182 : i32 to index
              %parallel_loop3A_345 = arith.constant 672 : index
              %parallel_loop3A_346 = tpu.vector_load %arg18[%parallel_loop3A_344, %parallel_loop3A_345] {strides = array<i32>} : memref<8x768xf32, #tpu.memory_space<vmem>>, vector<16xf32>,
              %parallel_loop3A_347 = arith.mulf %parallel_loop3A_346, %parallel_loop3A_320 : vector<16xf32>
              %parallel_loop3A_348 = arith.mulf %parallel_loop3A_199, %parallel_loop3A_321 : vector<16xf32>
              %parallel_loop3A_349 = arith.addf %parallel_loop3A_347, %parallel_loop3A_348 : vector<16xf32>
              %parallel_loop3A_350 = arith.index_cast %parallel_loop3A_190 : i32 to index
              %parallel_loop3A_351 = arith.constant 416 : index
              %parallel_loop3A_352 = tpu.vector_load %arg8[%parallel_loop3A_350, %parallel_loop3A_351] {strides = array<i32>} : memref<160x512xf32, #tpu.memory_space<vmem>>, vector<16xf32>,
              tpu.vector_store %arg8[%parallel_loop3A_350, %parallel_loop3A_351], %parallel_loop3A_349 {add = true, strides = array<i32>} : memref<160x512xf32, #tpu.memory_space<vmem>>, vector<16xf32>,
              %parallel_loop3A_353 = arith.index_cast %parallel_loop3A_182 : i32 to index
              %parallel_loop3A_354 = arith.constant 48 : index
              %parallel_loop3A_355 = tpu.vector_load %arg18[%parallel_loop3A_353, %parallel_loop3A_354] {strides = array<i32>} : memref<8x768xf32, #tpu.memory_space<vmem>>, vector<16xf32>,
              %parallel_loop3A_356 = arith.index_cast %parallel_loop3A_182 : i32 to index
              %parallel_loop3A_357 = arith.constant 176 : index
              %parallel_loop3A_358 = tpu.vector_load %arg18[%parallel_loop3A_356, %parallel_loop3A_357] {strides = array<i32>} : memref<8x768xf32, #tpu.memory_space<vmem>>, vector<16xf32>,
              %parallel_loop3A_359 = arith.index_cast %parallel_loop3A_182 : i32 to index
              %parallel_loop3A_360 = arith.constant 304 : index
              %parallel_loop3A_361 = tpu.vector_load %arg18[%parallel_loop3A_359, %parallel_loop3A_360] {strides = array<i32>} : memref<8x768xf32, #tpu.memory_space<vmem>>, vector<16xf32>,
              %parallel_loop3A_362 = arith.index_cast %parallel_loop3A_182 : i32 to index
              %parallel_loop3A_363 = arith.constant 48 : index
              %parallel_loop3A_364 = tpu.vector_load %arg19[%parallel_loop3A_362, %parallel_loop3A_363] {strides = array<i32>} : memref<8x512xf32, #tpu.memory_space<vmem>>, vector<16xf32>,
              %parallel_loop3A_365 = arith.index_cast %parallel_loop3A_182 : i32 to index
              %parallel_loop3A_366 = arith.constant 176 : index
              %parallel_loop3A_367 = tpu.vector_load %arg19[%parallel_loop3A_365, %parallel_loop3A_366] {strides = array<i32>} : memref<8x512xf32, #tpu.memory_space<vmem>>, vector<16xf32>,
              %parallel_loop3A_368 = arith.index_cast %parallel_loop3A_182 : i32 to index
              %parallel_loop3A_369 = arith.constant 304 : index
              %parallel_loop3A_370 = tpu.vector_load %arg19[%parallel_loop3A_368, %parallel_loop3A_369] {strides = array<i32>} : memref<8x512xf32, #tpu.memory_space<vmem>>, vector<16xf32>,
              %parallel_loop3A_371 = arith.mulf %parallel_loop3A_358, %parallel_loop3A_367 : vector<16xf32>
              %parallel_loop3A_372 = arith.mulf %parallel_loop3A_361, %parallel_loop3A_370 : vector<16xf32>
              %parallel_loop3A_373 = arith.mulf %parallel_loop3A_355, %parallel_loop3A_364 : vector<16xf32>
              %parallel_loop3A_374 = arith.index_cast %parallel_loop3A_190 : i32 to index
              %parallel_loop3A_375 = arith.constant 48 : index
              %parallel_loop3A_376 = tpu.vector_load %arg8[%parallel_loop3A_374, %parallel_loop3A_375] {strides = array<i32>} : memref<160x512xf32, #tpu.memory_space<vmem>>, vector<16xf32>,
              tpu.vector_store %arg8[%parallel_loop3A_374, %parallel_loop3A_375], %parallel_loop3A_373 {add = true, strides = array<i32>} : memref<160x512xf32, #tpu.memory_space<vmem>>, vector<16xf32>,
              %parallel_loop3A_377 = arith.index_cast %parallel_loop3A_182 : i32 to index
              %parallel_loop3A_378 = arith.constant 432 : index
              %parallel_loop3A_379 = tpu.vector_load %arg18[%parallel_loop3A_377, %parallel_loop3A_378] {strides = array<i32>} : memref<8x768xf32, #tpu.memory_space<vmem>>, vector<16xf32>,
              %parallel_loop3A_380 = arith.mulf %parallel_loop3A_379, %parallel_loop3A_371 : vector<16xf32>
              %parallel_loop3A_381 = arith.mulf %parallel_loop3A_193, %parallel_loop3A_372 : vector<16xf32>
              %parallel_loop3A_382 = arith.addf %parallel_loop3A_380, %parallel_loop3A_381 : vector<16xf32>
              %parallel_loop3A_383 = arith.index_cast %parallel_loop3A_190 : i32 to index
              %parallel_loop3A_384 = arith.constant 176 : index
              %parallel_loop3A_385 = tpu.vector_load %arg8[%parallel_loop3A_383, %parallel_loop3A_384] {strides = array<i32>} : memref<160x512xf32, #tpu.memory_space<vmem>>, vector<16xf32>,
              tpu.vector_store %arg8[%parallel_loop3A_383, %parallel_loop3A_384], %parallel_loop3A_382 {add = true, strides = array<i32>} : memref<160x512xf32, #tpu.memory_space<vmem>>, vector<16xf32>,
              %parallel_loop3A_386 = arith.index_cast %parallel_loop3A_182 : i32 to index
              %parallel_loop3A_387 = arith.constant 560 : index
              %parallel_loop3A_388 = tpu.vector_load %arg18[%parallel_loop3A_386, %parallel_loop3A_387] {strides = array<i32>} : memref<8x768xf32, #tpu.memory_space<vmem>>, vector<16xf32>,
              %parallel_loop3A_389 = arith.mulf %parallel_loop3A_388, %parallel_loop3A_371 : vector<16xf32>
              %parallel_loop3A_390 = arith.mulf %parallel_loop3A_196, %parallel_loop3A_372 : vector<16xf32>
              %parallel_loop3A_391 = arith.addf %parallel_loop3A_389, %parallel_loop3A_390 : vector<16xf32>
              %parallel_loop3A_392 = arith.index_cast %parallel_loop3A_190 : i32 to index
              %parallel_loop3A_393 = arith.constant 304 : index
              %parallel_loop3A_394 = tpu.vector_load %arg8[%parallel_loop3A_392, %parallel_loop3A_393] {strides = array<i32>} : memref<160x512xf32, #tpu.memory_space<vmem>>, vector<16xf32>,
              tpu.vector_store %arg8[%parallel_loop3A_392, %parallel_loop3A_393], %parallel_loop3A_391 {add = true, strides = array<i32>} : memref<160x512xf32, #tpu.memory_space<vmem>>, vector<16xf32>,
              %parallel_loop3A_395 = arith.index_cast %parallel_loop3A_182 : i32 to index
              %parallel_loop3A_396 = arith.constant 688 : index
              %parallel_loop3A_397 = tpu.vector_load %arg18[%parallel_loop3A_395, %parallel_loop3A_396] {strides = array<i32>} : memref<8x768xf32, #tpu.memory_space<vmem>>, vector<16xf32>,
              %parallel_loop3A_398 = arith.mulf %parallel_loop3A_397, %parallel_loop3A_371 : vector<16xf32>
              %parallel_loop3A_399 = arith.mulf %parallel_loop3A_199, %parallel_loop3A_372 : vector<16xf32>
              %parallel_loop3A_400 = arith.addf %parallel_loop3A_398, %parallel_loop3A_399 : vector<16xf32>
              %parallel_loop3A_401 = arith.index_cast %parallel_loop3A_190 : i32 to index
              %parallel_loop3A_402 = arith.constant 432 : index
              %parallel_loop3A_403 = tpu.vector_load %arg8[%parallel_loop3A_401, %parallel_loop3A_402] {strides = array<i32>} : memref<160x512xf32, #tpu.memory_space<vmem>>, vector<16xf32>,
              tpu.vector_store %arg8[%parallel_loop3A_401, %parallel_loop3A_402], %parallel_loop3A_400 {add = true, strides = array<i32>} : memref<160x512xf32, #tpu.memory_space<vmem>>, vector<16xf32>,
              %parallel_loop3A_404 = arith.index_cast %parallel_loop3A_182 : i32 to index
              %parallel_loop3A_405 = arith.constant 64 : index
              %parallel_loop3A_406 = tpu.vector_load %arg18[%parallel_loop3A_404, %parallel_loop3A_405] {strides = array<i32>} : memref<8x768xf32, #tpu.memory_space<vmem>>, vector<16xf32>,
              %parallel_loop3A_407 = arith.index_cast %parallel_loop3A_182 : i32 to index
              %parallel_loop3A_408 = arith.constant 192 : index
              %parallel_loop3A_409 = tpu.vector_load %arg18[%parallel_loop3A_407, %parallel_loop3A_408] {strides = array<i32>} : memref<8x768xf32, #tpu.memory_space<vmem>>, vector<16xf32>,
              %parallel_loop3A_410 = arith.index_cast %parallel_loop3A_182 : i32 to index
              %parallel_loop3A_411 = arith.constant 320 : index
              %parallel_loop3A_412 = tpu.vector_load %arg18[%parallel_loop3A_410, %parallel_loop3A_411] {strides = array<i32>} : memref<8x768xf32, #tpu.memory_space<vmem>>, vector<16xf32>,
              %parallel_loop3A_413 = arith.index_cast %parallel_loop3A_182 : i32 to index
              %parallel_loop3A_414 = arith.constant 64 : index
              %parallel_loop3A_415 = tpu.vector_load %arg19[%parallel_loop3A_413, %parallel_loop3A_414] {strides = array<i32>} : memref<8x512xf32, #tpu.memory_space<vmem>>, vector<16xf32>,
              %parallel_loop3A_416 = arith.index_cast %parallel_loop3A_182 : i32 to index
              %parallel_loop3A_417 = arith.constant 192 : index
              %parallel_loop3A_418 = tpu.vector_load %arg19[%parallel_loop3A_416, %parallel_loop3A_417] {strides = array<i32>} : memref<8x512xf32, #tpu.memory_space<vmem>>, vector<16xf32>,
              %parallel_loop3A_419 = arith.index_cast %parallel_loop3A_182 : i32 to index
              %parallel_loop3A_420 = arith.constant 320 : index
              %parallel_loop3A_421 = tpu.vector_load %arg19[%parallel_loop3A_419, %parallel_loop3A_420] {strides = array<i32>} : memref<8x512xf32, #tpu.memory_space<vmem>>, vector<16xf32>,
              %parallel_loop3A_422 = arith.mulf %parallel_loop3A_409, %parallel_loop3A_418 : vector<16xf32>
              %parallel_loop3A_423 = arith.mulf %parallel_loop3A_412, %parallel_loop3A_421 : vector<16xf32>
              %parallel_loop3A_424 = arith.mulf %parallel_loop3A_406, %parallel_loop3A_415 : vector<16xf32>
              %parallel_loop3A_425 = arith.index_cast %parallel_loop3A_190 : i32 to index
              %parallel_loop3A_426 = arith.constant 64 : index
              %parallel_loop3A_427 = tpu.vector_load %arg8[%parallel_loop3A_425, %parallel_loop3A_426] {strides = array<i32>} : memref<160x512xf32, #tpu.memory_space<vmem>>, vector<16xf32>,
              tpu.vector_store %arg8[%parallel_loop3A_425, %parallel_loop3A_426], %parallel_loop3A_424 {add = true, strides = array<i32>} : memref<160x512xf32, #tpu.memory_space<vmem>>, vector<16xf32>,
              %parallel_loop3A_428 = arith.index_cast %parallel_loop3A_182 : i32 to index
              %parallel_loop3A_429 = arith.constant 448 : index
              %parallel_loop3A_430 = tpu.vector_load %arg18[%parallel_loop3A_428, %parallel_loop3A_429] {strides = array<i32>} : memref<8x768xf32, #tpu.memory_space<vmem>>, vector<16xf32>,
              %parallel_loop3A_431 = arith.mulf %parallel_loop3A_430, %parallel_loop3A_422 : vector<16xf32>
              %parallel_loop3A_432 = arith.mulf %parallel_loop3A_193, %parallel_loop3A_423 : vector<16xf32>
              %parallel_loop3A_433 = arith.addf %parallel_loop3A_431, %parallel_loop3A_432 : vector<16xf32>
              %parallel_loop3A_434 = arith.index_cast %parallel_loop3A_190 : i32 to index
              %parallel_loop3A_435 = arith.constant 192 : index
              %parallel_loop3A_436 = tpu.vector_load %arg8[%parallel_loop3A_434, %parallel_loop3A_435] {strides = array<i32>} : memref<160x512xf32, #tpu.memory_space<vmem>>, vector<16xf32>,
              tpu.vector_store %arg8[%parallel_loop3A_434, %parallel_loop3A_435], %parallel_loop3A_433 {add = true, strides = array<i32>} : memref<160x512xf32, #tpu.memory_space<vmem>>, vector<16xf32>,
              %parallel_loop3A_437 = arith.index_cast %parallel_loop3A_182 : i32 to index
              %parallel_loop3A_438 = arith.constant 576 : index
              %parallel_loop3A_439 = tpu.vector_load %arg18[%parallel_loop3A_437, %parallel_loop3A_438] {strides = array<i32>} : memref<8x768xf32, #tpu.memory_space<vmem>>, vector<16xf32>,
              %parallel_loop3A_440 = arith.mulf %parallel_loop3A_439, %parallel_loop3A_422 : vector<16xf32>
              %parallel_loop3A_441 = arith.mulf %parallel_loop3A_196, %parallel_loop3A_423 : vector<16xf32>
              %parallel_loop3A_442 = arith.addf %parallel_loop3A_440, %parallel_loop3A_441 : vector<16xf32>
              %parallel_loop3A_443 = arith.index_cast %parallel_loop3A_190 : i32 to index
              %parallel_loop3A_444 = arith.constant 320 : index
              %parallel_loop3A_445 = tpu.vector_load %arg8[%parallel_loop3A_443, %parallel_loop3A_444] {strides = array<i32>} : memref<160x512xf32, #tpu.memory_space<vmem>>, vector<16xf32>,
              tpu.vector_store %arg8[%parallel_loop3A_443, %parallel_loop3A_444], %parallel_loop3A_442 {add = true, strides = array<i32>} : memref<160x512xf32, #tpu.memory_space<vmem>>, vector<16xf32>,
              %parallel_loop3A_446 = arith.index_cast %parallel_loop3A_182 : i32 to index
              %parallel_loop3A_447 = arith.constant 704 : index
              %parallel_loop3A_448 = tpu.vector_load %arg18[%parallel_loop3A_446, %parallel_loop3A_447] {strides = array<i32>} : memref<8x768xf32, #tpu.memory_space<vmem>>, vector<16xf32>,
              %parallel_loop3A_449 = arith.mulf %parallel_loop3A_448, %parallel_loop3A_422 : vector<16xf32>
              %parallel_loop3A_450 = arith.mulf %parallel_loop3A_199, %parallel_loop3A_423 : vector<16xf32>
              %parallel_loop3A_451 = arith.addf %parallel_loop3A_449, %parallel_loop3A_450 : vector<16xf32>
              %parallel_loop3A_452 = arith.index_cast %parallel_loop3A_190 : i32 to index
              %parallel_loop3A_453 = arith.constant 448 : index
              %parallel_loop3A_454 = tpu.vector_load %arg8[%parallel_loop3A_452, %parallel_loop3A_453] {strides = array<i32>} : memref<160x512xf32, #tpu.memory_space<vmem>>, vector<16xf32>,
              tpu.vector_store %arg8[%parallel_loop3A_452, %parallel_loop3A_453], %parallel_loop3A_451 {add = true, strides = array<i32>} : memref<160x512xf32, #tpu.memory_space<vmem>>, vector<16xf32>,
              %parallel_loop3A_455 = arith.index_cast %parallel_loop3A_182 : i32 to index
              %parallel_loop3A_456 = arith.constant 80 : index
              %parallel_loop3A_457 = tpu.vector_load %arg18[%parallel_loop3A_455, %parallel_loop3A_456] {strides = array<i32>} : memref<8x768xf32, #tpu.memory_space<vmem>>, vector<16xf32>,
              %parallel_loop3A_458 = arith.index_cast %parallel_loop3A_182 : i32 to index
              %parallel_loop3A_459 = arith.constant 208 : index
              %parallel_loop3A_460 = tpu.vector_load %arg18[%parallel_loop3A_458, %parallel_loop3A_459] {strides = array<i32>} : memref<8x768xf32, #tpu.memory_space<vmem>>, vector<16xf32>,
              %parallel_loop3A_461 = arith.index_cast %parallel_loop3A_182 : i32 to index
              %parallel_loop3A_462 = arith.constant 336 : index
              %parallel_loop3A_463 = tpu.vector_load %arg18[%parallel_loop3A_461, %parallel_loop3A_462] {strides = array<i32>} : memref<8x768xf32, #tpu.memory_space<vmem>>, vector<16xf32>,
              %parallel_loop3A_464 = arith.index_cast %parallel_loop3A_182 : i32 to index
              %parallel_loop3A_465 = arith.constant 80 : index
              %parallel_loop3A_466 = tpu.vector_load %arg19[%parallel_loop3A_464, %parallel_loop3A_465] {strides = array<i32>} : memref<8x512xf32, #tpu.memory_space<vmem>>, vector<16xf32>,
              %parallel_loop3A_467 = arith.index_cast %parallel_loop3A_182 : i32 to index
              %parallel_loop3A_468 = arith.constant 208 : index
              %parallel_loop3A_469 = tpu.vector_load %arg19[%parallel_loop3A_467, %parallel_loop3A_468] {strides = array<i32>} : memref<8x512xf32, #tpu.memory_space<vmem>>, vector<16xf32>,
              %parallel_loop3A_470 = arith.index_cast %parallel_loop3A_182 : i32 to index
              %parallel_loop3A_471 = arith.constant 336 : index
              %parallel_loop3A_472 = tpu.vector_load %arg19[%parallel_loop3A_470, %parallel_loop3A_471] {strides = array<i32>} : memref<8x512xf32, #tpu.memory_space<vmem>>, vector<16xf32>,
              %parallel_loop3A_473 = arith.mulf %parallel_loop3A_460, %parallel_loop3A_469 : vector<16xf32>
              %parallel_loop3A_474 = arith.mulf %parallel_loop3A_463, %parallel_loop3A_472 : vector<16xf32>
              %parallel_loop3A_475 = arith.mulf %parallel_loop3A_457, %parallel_loop3A_466 : vector<16xf32>
              %parallel_loop3A_476 = arith.index_cast %parallel_loop3A_190 : i32 to index
              %parallel_loop3A_477 = arith.constant 80 : index
              %parallel_loop3A_478 = tpu.vector_load %arg8[%parallel_loop3A_476, %parallel_loop3A_477] {strides = array<i32>} : memref<160x512xf32, #tpu.memory_space<vmem>>, vector<16xf32>,
              tpu.vector_store %arg8[%parallel_loop3A_476, %parallel_loop3A_477], %parallel_loop3A_475 {add = true, strides = array<i32>} : memref<160x512xf32, #tpu.memory_space<vmem>>, vector<16xf32>,
              %parallel_loop3A_479 = arith.index_cast %parallel_loop3A_182 : i32 to index
              %parallel_loop3A_480 = arith.constant 464 : index
              %parallel_loop3A_481 = tpu.vector_load %arg18[%parallel_loop3A_479, %parallel_loop3A_480] {strides = array<i32>} : memref<8x768xf32, #tpu.memory_space<vmem>>, vector<16xf32>,
              %parallel_loop3A_482 = arith.mulf %parallel_loop3A_481, %parallel_loop3A_473 : vector<16xf32>
              %parallel_loop3A_483 = arith.mulf %parallel_loop3A_193, %parallel_loop3A_474 : vector<16xf32>
              %parallel_loop3A_484 = arith.addf %parallel_loop3A_482, %parallel_loop3A_483 : vector<16xf32>
              %parallel_loop3A_485 = arith.index_cast %parallel_loop3A_190 : i32 to index
              %parallel_loop3A_486 = arith.constant 208 : index
              %parallel_loop3A_487 = tpu.vector_load %arg8[%parallel_loop3A_485, %parallel_loop3A_486] {strides = array<i32>} : memref<160x512xf32, #tpu.memory_space<vmem>>, vector<16xf32>,
              tpu.vector_store %arg8[%parallel_loop3A_485, %parallel_loop3A_486], %parallel_loop3A_484 {add = true, strides = array<i32>} : memref<160x512xf32, #tpu.memory_space<vmem>>, vector<16xf32>,
              %parallel_loop3A_488 = arith.index_cast %parallel_loop3A_182 : i32 to index
              %parallel_loop3A_489 = arith.constant 592 : index
              %parallel_loop3A_490 = tpu.vector_load %arg18[%parallel_loop3A_488, %parallel_loop3A_489] {strides = array<i32>} : memref<8x768xf32, #tpu.memory_space<vmem>>, vector<16xf32>,
              %parallel_loop3A_491 = arith.mulf %parallel_loop3A_490, %parallel_loop3A_473 : vector<16xf32>
              %parallel_loop3A_492 = arith.mulf %parallel_loop3A_196, %parallel_loop3A_474 : vector<16xf32>
              %parallel_loop3A_493 = arith.addf %parallel_loop3A_491, %parallel_loop3A_492 : vector<16xf32>
              %parallel_loop3A_494 = arith.index_cast %parallel_loop3A_190 : i32 to index
              %parallel_loop3A_495 = arith.constant 336 : index
              %parallel_loop3A_496 = tpu.vector_load %arg8[%parallel_loop3A_494, %parallel_loop3A_495] {strides = array<i32>} : memref<160x512xf32, #tpu.memory_space<vmem>>, vector<16xf32>,
              tpu.vector_store %arg8[%parallel_loop3A_494, %parallel_loop3A_495], %parallel_loop3A_493 {add = true, strides = array<i32>} : memref<160x512xf32, #tpu.memory_space<vmem>>, vector<16xf32>,
              %parallel_loop3A_497 = arith.index_cast %parallel_loop3A_182 : i32 to index
              %parallel_loop3A_498 = arith.constant 720 : index
              %parallel_loop3A_499 = tpu.vector_load %arg18[%parallel_loop3A_497, %parallel_loop3A_498] {strides = array<i32>} : memref<8x768xf32, #tpu.memory_space<vmem>>, vector<16xf32>,
              %parallel_loop3A_500 = arith.mulf %parallel_loop3A_499, %parallel_loop3A_473 : vector<16xf32>
              %parallel_loop3A_501 = arith.mulf %parallel_loop3A_199, %parallel_loop3A_474 : vector<16xf32>
              %parallel_loop3A_502 = arith.addf %parallel_loop3A_500, %parallel_loop3A_501 : vector<16xf32>
              %parallel_loop3A_503 = arith.index_cast %parallel_loop3A_190 : i32 to index
              %parallel_loop3A_504 = arith.constant 464 : index
              %parallel_loop3A_505 = tpu.vector_load %arg8[%parallel_loop3A_503, %parallel_loop3A_504] {strides = array<i32>} : memref<160x512xf32, #tpu.memory_space<vmem>>, vector<16xf32>,
              tpu.vector_store %arg8[%parallel_loop3A_503, %parallel_loop3A_504], %parallel_loop3A_502 {add = true, strides = array<i32>} : memref<160x512xf32, #tpu.memory_space<vmem>>, vector<16xf32>,
              %parallel_loop3A_506 = arith.index_cast %parallel_loop3A_182 : i32 to index
              %parallel_loop3A_507 = arith.constant 96 : index
              %parallel_loop3A_508 = tpu.vector_load %arg18[%parallel_loop3A_506, %parallel_loop3A_507] {strides = array<i32>} : memref<8x768xf32, #tpu.memory_space<vmem>>, vector<16xf32>,
              %parallel_loop3A_509 = arith.index_cast %parallel_loop3A_182 : i32 to index
              %parallel_loop3A_510 = arith.constant 224 : index
              %parallel_loop3A_511 = tpu.vector_load %arg18[%parallel_loop3A_509, %parallel_loop3A_510] {strides = array<i32>} : memref<8x768xf32, #tpu.memory_space<vmem>>, vector<16xf32>,
              %parallel_loop3A_512 = arith.index_cast %parallel_loop3A_182 : i32 to index
              %parallel_loop3A_513 = arith.constant 352 : index
              %parallel_loop3A_514 = tpu.vector_load %arg18[%parallel_loop3A_512, %parallel_loop3A_513] {strides = array<i32>} : memref<8x768xf32, #tpu.memory_space<vmem>>, vector<16xf32>,
              %parallel_loop3A_515 = arith.index_cast %parallel_loop3A_182 : i32 to index
              %parallel_loop3A_516 = arith.constant 96 : index
              %parallel_loop3A_517 = tpu.vector_load %arg19[%parallel_loop3A_515, %parallel_loop3A_516] {strides = array<i32>} : memref<8x512xf32, #tpu.memory_space<vmem>>, vector<16xf32>,
              %parallel_loop3A_518 = arith.index_cast %parallel_loop3A_182 : i32 to index
              %parallel_loop3A_519 = arith.constant 224 : index
              %parallel_loop3A_520 = tpu.vector_load %arg19[%parallel_loop3A_518, %parallel_loop3A_519] {strides = array<i32>} : memref<8x512xf32, #tpu.memory_space<vmem>>, vector<16xf32>,
              %parallel_loop3A_521 = arith.index_cast %parallel_loop3A_182 : i32 to index
              %parallel_loop3A_522 = arith.constant 352 : index
              %parallel_loop3A_523 = tpu.vector_load %arg19[%parallel_loop3A_521, %parallel_loop3A_522] {strides = array<i32>} : memref<8x512xf32, #tpu.memory_space<vmem>>, vector<16xf32>,
              %parallel_loop3A_524 = arith.mulf %parallel_loop3A_511, %parallel_loop3A_520 : vector<16xf32>
              %parallel_loop3A_525 = arith.mulf %parallel_loop3A_514, %parallel_loop3A_523 : vector<16xf32>
              %parallel_loop3A_526 = arith.mulf %parallel_loop3A_508, %parallel_loop3A_517 : vector<16xf32>
              %parallel_loop3A_527 = arith.index_cast %parallel_loop3A_190 : i32 to index
              %parallel_loop3A_528 = arith.constant 96 : index
              %parallel_loop3A_529 = tpu.vector_load %arg8[%parallel_loop3A_527, %parallel_loop3A_528] {strides = array<i32>} : memref<160x512xf32, #tpu.memory_space<vmem>>, vector<16xf32>,
              tpu.vector_store %arg8[%parallel_loop3A_527, %parallel_loop3A_528], %parallel_loop3A_526 {add = true, strides = array<i32>} : memref<160x512xf32, #tpu.memory_space<vmem>>, vector<16xf32>,
              %parallel_loop3A_530 = arith.index_cast %parallel_loop3A_182 : i32 to index
              %parallel_loop3A_531 = arith.constant 480 : index
              %parallel_loop3A_532 = tpu.vector_load %arg18[%parallel_loop3A_530, %parallel_loop3A_531] {strides = array<i32>} : memref<8x768xf32, #tpu.memory_space<vmem>>, vector<16xf32>,
              %parallel_loop3A_533 = arith.mulf %parallel_loop3A_532, %parallel_loop3A_524 : vector<16xf32>
              %parallel_loop3A_534 = arith.mulf %parallel_loop3A_193, %parallel_loop3A_525 : vector<16xf32>
              %parallel_loop3A_535 = arith.addf %parallel_loop3A_533, %parallel_loop3A_534 : vector<16xf32>
              %parallel_loop3A_536 = arith.index_cast %parallel_loop3A_190 : i32 to index
              %parallel_loop3A_537 = arith.constant 224 : index
              %parallel_loop3A_538 = tpu.vector_load %arg8[%parallel_loop3A_536, %parallel_loop3A_537] {strides = array<i32>} : memref<160x512xf32, #tpu.memory_space<vmem>>, vector<16xf32>,
              tpu.vector_store %arg8[%parallel_loop3A_536, %parallel_loop3A_537], %parallel_loop3A_535 {add = true, strides = array<i32>} : memref<160x512xf32, #tpu.memory_space<vmem>>, vector<16xf32>,
              %parallel_loop3A_539 = arith.index_cast %parallel_loop3A_182 : i32 to index
              %parallel_loop3A_540 = arith.constant 608 : index
              %parallel_loop3A_541 = tpu.vector_load %arg18[%parallel_loop3A_539, %parallel_loop3A_540] {strides = array<i32>} : memref<8x768xf32, #tpu.memory_space<vmem>>, vector<16xf32>,
              %parallel_loop3A_542 = arith.mulf %parallel_loop3A_541, %parallel_loop3A_524 : vector<16xf32>
              %parallel_loop3A_543 = arith.mulf %parallel_loop3A_196, %parallel_loop3A_525 : vector<16xf32>
              %parallel_loop3A_544 = arith.addf %parallel_loop3A_542, %parallel_loop3A_543 : vector<16xf32>
              %parallel_loop3A_545 = arith.index_cast %parallel_loop3A_190 : i32 to index
              %parallel_loop3A_546 = arith.constant 352 : index
              %parallel_loop3A_547 = tpu.vector_load %arg8[%parallel_loop3A_545, %parallel_loop3A_546] {strides = array<i32>} : memref<160x512xf32, #tpu.memory_space<vmem>>, vector<16xf32>,
              tpu.vector_store %arg8[%parallel_loop3A_545, %parallel_loop3A_546], %parallel_loop3A_544 {add = true, strides = array<i32>} : memref<160x512xf32, #tpu.memory_space<vmem>>, vector<16xf32>,
              %parallel_loop3A_548 = arith.index_cast %parallel_loop3A_182 : i32 to index
              %parallel_loop3A_549 = arith.constant 736 : index
              %parallel_loop3A_550 = tpu.vector_load %arg18[%parallel_loop3A_548, %parallel_loop3A_549] {strides = array<i32>} : memref<8x768xf32, #tpu.memory_space<vmem>>, vector<16xf32>,
              %parallel_loop3A_551 = arith.mulf %parallel_loop3A_550, %parallel_loop3A_524 : vector<16xf32>
              %parallel_loop3A_552 = arith.mulf %parallel_loop3A_199, %parallel_loop3A_525 : vector<16xf32>
              %parallel_loop3A_553 = arith.addf %parallel_loop3A_551, %parallel_loop3A_552 : vector<16xf32>
              %parallel_loop3A_554 = arith.index_cast %parallel_loop3A_190 : i32 to index
              %parallel_loop3A_555 = arith.constant 480 : index
              %parallel_loop3A_556 = tpu.vector_load %arg8[%parallel_loop3A_554, %parallel_loop3A_555] {strides = array<i32>} : memref<160x512xf32, #tpu.memory_space<vmem>>, vector<16xf32>,
              tpu.vector_store %arg8[%parallel_loop3A_554, %parallel_loop3A_555], %parallel_loop3A_553 {add = true, strides = array<i32>} : memref<160x512xf32, #tpu.memory_space<vmem>>, vector<16xf32>,
              %parallel_loop3A_557 = arith.index_cast %parallel_loop3A_182 : i32 to index
              %parallel_loop3A_558 = arith.constant 112 : index
              %parallel_loop3A_559 = tpu.vector_load %arg18[%parallel_loop3A_557, %parallel_loop3A_558] {strides = array<i32>} : memref<8x768xf32, #tpu.memory_space<vmem>>, vector<16xf32>,
              %parallel_loop3A_560 = arith.index_cast %parallel_loop3A_182 : i32 to index
              %parallel_loop3A_561 = arith.constant 240 : index
              %parallel_loop3A_562 = tpu.vector_load %arg18[%parallel_loop3A_560, %parallel_loop3A_561] {strides = array<i32>} : memref<8x768xf32, #tpu.memory_space<vmem>>, vector<16xf32>,
              %parallel_loop3A_563 = arith.index_cast %parallel_loop3A_182 : i32 to index
              %parallel_loop3A_564 = arith.constant 368 : index
              %parallel_loop3A_565 = tpu.vector_load %arg18[%parallel_loop3A_563, %parallel_loop3A_564] {strides = array<i32>} : memref<8x768xf32, #tpu.memory_space<vmem>>, vector<16xf32>,
              %parallel_loop3A_566 = arith.index_cast %parallel_loop3A_182 : i32 to index
              %parallel_loop3A_567 = arith.constant 112 : index
              %parallel_loop3A_568 = tpu.vector_load %arg19[%parallel_loop3A_566, %parallel_loop3A_567] {strides = array<i32>} : memref<8x512xf32, #tpu.memory_space<vmem>>, vector<16xf32>,
              %parallel_loop3A_569 = arith.index_cast %parallel_loop3A_182 : i32 to index
              %parallel_loop3A_570 = arith.constant 240 : index
              %parallel_loop3A_571 = tpu.vector_load %arg19[%parallel_loop3A_569, %parallel_loop3A_570] {strides = array<i32>} : memref<8x512xf32, #tpu.memory_space<vmem>>, vector<16xf32>,
              %parallel_loop3A_572 = arith.index_cast %parallel_loop3A_182 : i32 to index
              %parallel_loop3A_573 = arith.constant 368 : index
              %parallel_loop3A_574 = tpu.vector_load %arg19[%parallel_loop3A_572, %parallel_loop3A_573] {strides = array<i32>} : memref<8x512xf32, #tpu.memory_space<vmem>>, vector<16xf32>,
              %parallel_loop3A_575 = arith.mulf %parallel_loop3A_562, %parallel_loop3A_571 : vector<16xf32>
              %parallel_loop3A_576 = arith.mulf %parallel_loop3A_565, %parallel_loop3A_574 : vector<16xf32>
              %parallel_loop3A_577 = arith.mulf %parallel_loop3A_559, %parallel_loop3A_568 : vector<16xf32>
              %parallel_loop3A_578 = arith.index_cast %parallel_loop3A_190 : i32 to index
              %parallel_loop3A_579 = arith.constant 112 : index
              %parallel_loop3A_580 = tpu.vector_load %arg8[%parallel_loop3A_578, %parallel_loop3A_579] {strides = array<i32>} : memref<160x512xf32, #tpu.memory_space<vmem>>, vector<16xf32>,
              tpu.vector_store %arg8[%parallel_loop3A_578, %parallel_loop3A_579], %parallel_loop3A_577 {add = true, strides = array<i32>} : memref<160x512xf32, #tpu.memory_space<vmem>>, vector<16xf32>,
              %parallel_loop3A_581 = arith.index_cast %parallel_loop3A_182 : i32 to index
              %parallel_loop3A_582 = arith.constant 496 : index
              %parallel_loop3A_583 = tpu.vector_load %arg18[%parallel_loop3A_581, %parallel_loop3A_582] {strides = array<i32>} : memref<8x768xf32, #tpu.memory_space<vmem>>, vector<16xf32>,
              %parallel_loop3A_584 = arith.mulf %parallel_loop3A_583, %parallel_loop3A_575 : vector<16xf32>
              %parallel_loop3A_585 = arith.mulf %parallel_loop3A_193, %parallel_loop3A_576 : vector<16xf32>
              %parallel_loop3A_586 = arith.addf %parallel_loop3A_584, %parallel_loop3A_585 : vector<16xf32>
              %parallel_loop3A_587 = arith.index_cast %parallel_loop3A_190 : i32 to index
              %parallel_loop3A_588 = arith.constant 240 : index
              %parallel_loop3A_589 = tpu.vector_load %arg8[%parallel_loop3A_587, %parallel_loop3A_588] {strides = array<i32>} : memref<160x512xf32, #tpu.memory_space<vmem>>, vector<16xf32>,
              tpu.vector_store %arg8[%parallel_loop3A_587, %parallel_loop3A_588], %parallel_loop3A_586 {add = true, strides = array<i32>} : memref<160x512xf32, #tpu.memory_space<vmem>>, vector<16xf32>,
              %parallel_loop3A_590 = arith.index_cast %parallel_loop3A_182 : i32 to index
              %parallel_loop3A_591 = arith.constant 624 : index
              %parallel_loop3A_592 = tpu.vector_load %arg18[%parallel_loop3A_590, %parallel_loop3A_591] {strides = array<i32>} : memref<8x768xf32, #tpu.memory_space<vmem>>, vector<16xf32>,
              %parallel_loop3A_593 = arith.mulf %parallel_loop3A_592, %parallel_loop3A_575 : vector<16xf32>
              %parallel_loop3A_594 = arith.mulf %parallel_loop3A_196, %parallel_loop3A_576 : vector<16xf32>
              %parallel_loop3A_595 = arith.addf %parallel_loop3A_593, %parallel_loop3A_594 : vector<16xf32>
              %parallel_loop3A_596 = arith.index_cast %parallel_loop3A_190 : i32 to index
              %parallel_loop3A_597 = arith.constant 368 : index
              %parallel_loop3A_598 = tpu.vector_load %arg8[%parallel_loop3A_596, %parallel_loop3A_597] {strides = array<i32>} : memref<160x512xf32, #tpu.memory_space<vmem>>, vector<16xf32>,
              tpu.vector_store %arg8[%parallel_loop3A_596, %parallel_loop3A_597], %parallel_loop3A_595 {add = true, strides = array<i32>} : memref<160x512xf32, #tpu.memory_space<vmem>>, vector<16xf32>,
              %parallel_loop3A_599 = arith.index_cast %parallel_loop3A_182 : i32 to index
              %parallel_loop3A_600 = arith.constant 752 : index
              %parallel_loop3A_601 = tpu.vector_load %arg18[%parallel_loop3A_599, %parallel_loop3A_600] {strides = array<i32>} : memref<8x768xf32, #tpu.memory_space<vmem>>, vector<16xf32>,
              %parallel_loop3A_602 = arith.mulf %parallel_loop3A_601, %parallel_loop3A_575 : vector<16xf32>
              %parallel_loop3A_603 = arith.mulf %parallel_loop3A_199, %parallel_loop3A_576 : vector<16xf32>
              %parallel_loop3A_604 = arith.addf %parallel_loop3A_602, %parallel_loop3A_603 : vector<16xf32>
              %parallel_loop3A_605 = arith.index_cast %parallel_loop3A_190 : i32 to index
              %parallel_loop3A_606 = arith.constant 496 : index
              %parallel_loop3A_607 = tpu.vector_load %arg8[%parallel_loop3A_605, %parallel_loop3A_606] {strides = array<i32>} : memref<160x512xf32, #tpu.memory_space<vmem>>, vector<16xf32>,
              tpu.vector_store %arg8[%parallel_loop3A_605, %parallel_loop3A_606], %parallel_loop3A_604 {add = true, strides = array<i32>} : memref<160x512xf32, #tpu.memory_space<vmem>>, vector<16xf32>,
            } {sc.loop_unroll_factor = 6 : i64, sc.parallel_access}
          } else {
          }
          %while3A_162 = arith.constant 0 : i32
          scf.yield %while3A_162 : i32
        }
        %while3A_115 = arith.constant 1 : i32
        %while3A_116 = scf.for %while3A_118 = %while3A_112 to %while3A_108 step %while3A_115 iter_args(%while3A_119 = %while3A_114) -> (i32)  : i32 {
          %jit3A_120 = arith.constant 2 : i32
          %eq3A_121 = arith.constant 0 : i32
          %eq3A_122 = arith.cmpi eq, %jit3A_120, %eq3A_121 : i32
          %jit3A_123 = arith.constant 1 : i32
          %select_n3A_124 = arith.select %eq3A_122, %jit3A_123, %jit3A_120 : i32
          %rem3A_125 = arith.remsi %while3A_118, %select_n3A_124 : i32
          %ne3A_126 = arith.constant 0 : i32
          %ne3A_127 = arith.cmpi ne, %rem3A_125, %ne3A_126 : i32
          %lt3A_128 = arith.constant 0 : i32
          %lt3A_129 = arith.cmpi slt, %rem3A_125, %lt3A_128 : i32
          %lt3A_130 = arith.constant 0 : i32
          %lt3A_131 = arith.cmpi slt, %select_n3A_124, %lt3A_130 : i32
          %ne3A_132 = arith.xori %lt3A_129, %lt3A_131 : i1
          %and3A_133 = arith.andi %ne3A_132, %ne3A_127 : i1
          %add3A_134 = arith.addi %rem3A_125, %select_n3A_124 : i32
          %select_n3A_135 = arith.select %and3A_133, %add3A_134, %rem3A_125 : i32
          %eq3A_136 = arith.constant 0 : i32
          %eq3A_137 = arith.cmpi eq, %select_n3A_135, %eq3A_136 : i32
          %convert_element_type3A_138 = arith.extui %eq3A_137 : i1 to i32
          %cond3A_139 = arith.constant 0 : i32
          %cond3A_140 = arith.cmpi ne, %convert_element_type3A_138, %cond3A_139 : i32
          scf.if %cond3A_140 {
            %add3A_163 = arith.constant 1 : i32
            %add3A_164 = arith.addi %while3A_118, %add3A_163 : i32
            %lt3A_165 = arith.cmpi slt, %add3A_164, %select_n3A_101 : i32
            %convert_element_type3A_166 = arith.extui %lt3A_165 : i1 to i32
            %cond3A_167 = arith.constant 0 : i32
            %cond3A_168 = arith.cmpi ne, %convert_element_type3A_166, %cond3A_167 : i32
            scf.if %cond3A_168 {
              %add3A_182 = arith.constant 1 : i32
              %add3A_183 = arith.addi %while3A_118, %add3A_182 : i32
              %mul3A_184 = arith.constant 8 : i32
              %mul3A_185 = arith.muli %add3A_183, %mul3A_184 : i32
              %mul3A_186 = arith.constant 8 : i32
              %mul3A_187 = arith.muli %add3A_183, %mul3A_186 : i32
              %dma_start3A_188 = tpu.memref_slice %arg10[%mul3A_185] : memref<3232xi32, #tpu.memory_space<vmem>> -> memref<8xi32, #tpu.memory_space<vmem>>
              %dma_start3A_189 = arith.constant 0 : i32
              %dma_start3A_190 = arith.constant 0 : i32
              %dma_start3A_191 = tpu.memref_slice %arg2[%dma_start3A_189, %dma_start3A_190] : memref<10240x768xf32, #tpu.memory_space<hbm>> -> memref<10240x768xf32, #tpu.memory_space<hbm>>
              tpu.enqueue_indirect_dma source(%dma_start3A_191 : memref<10240x768xf32, #tpu.memory_space<hbm>>) target(%arg18 : memref<8x768xf32, #tpu.memory_space<vmem>>) offsets(%dma_start3A_188 : memref<8xi32, #tpu.memory_space<vmem>>) semaphore(%arg23 : memref<!tpu.dma_semaphore, #tpu.memory_space<semaphore_mem>>)
              %dma_start3A_192 = tpu.memref_slice %arg11[%mul3A_187] : memref<3232xi32, #tpu.memory_space<vmem>> -> memref<8xi32, #tpu.memory_space<vmem>>
              %dma_start3A_193 = arith.constant 0 : i32
              %dma_start3A_194 = arith.constant 0 : i32
              %dma_start3A_195 = tpu.memref_slice %arg3[%dma_start3A_193, %dma_start3A_194] : memref<320000x512xf32, #tpu.memory_space<hbm>> -> memref<320000x512xf32, #tpu.memory_space<hbm>>
              tpu.enqueue_indirect_dma source(%dma_start3A_195 : memref<320000x512xf32, #tpu.memory_space<hbm>>) target(%arg19 : memref<8x512xf32, #tpu.memory_space<vmem>>) offsets(%dma_start3A_192 : memref<8xi32, #tpu.memory_space<vmem>>) semaphore(%arg24 : memref<!tpu.dma_semaphore, #tpu.memory_space<semaphore_mem>>)
            } else {
            }
            %mul3A_169 = arith.constant 8 : i32
            %mul3A_170 = arith.muli %while3A_118, %mul3A_169 : i32
            %mul3A_171 = arith.constant 8 : i32
            %mul3A_172 = arith.muli %while3A_118, %mul3A_171 : i32
            %dma_wait3A = tpu.memref_slice %arg10[%mul3A_170] : memref<3232xi32, #tpu.memory_space<vmem>> -> memref<8xi32, #tpu.memory_space<vmem>>
            %dma_wait3A_173 = arith.constant 0 : i32
            %dma_wait3A_174 = arith.constant 0 : i32
            %dma_wait3A_175 = tpu.memref_slice %arg2[%dma_wait3A_173, %dma_wait3A_174] : memref<10240x768xf32, #tpu.memory_space<hbm>> -> memref<10240x768xf32, #tpu.memory_space<hbm>>
            tpu.wait_indirect_dma semaphore(%arg21 : memref<!tpu.dma_semaphore, #tpu.memory_space<semaphore_mem>>) src(%dma_wait3A_175 : memref<10240x768xf32, #tpu.memory_space<hbm>>) dst(%arg16 : memref<8x768xf32, #tpu.memory_space<vmem>>)
            %dma_wait3A_176 = tpu.memref_slice %arg11[%mul3A_172] : memref<3232xi32, #tpu.memory_space<vmem>> -> memref<8xi32, #tpu.memory_space<vmem>>
            %dma_wait3A_177 = arith.constant 0 : i32
            %dma_wait3A_178 = arith.constant 0 : i32
            %dma_wait3A_179 = tpu.memref_slice %arg3[%dma_wait3A_177, %dma_wait3A_178] : memref<320000x512xf32, #tpu.memory_space<hbm>> -> memref<320000x512xf32, #tpu.memory_space<hbm>>
            tpu.wait_indirect_dma semaphore(%arg22 : memref<!tpu.dma_semaphore, #tpu.memory_space<semaphore_mem>>) src(%dma_wait3A_179 : memref<320000x512xf32, #tpu.memory_space<hbm>>) dst(%arg17 : memref<8x512xf32, #tpu.memory_space<vmem>>)
            %parallel_loop3A = arith.constant 0 : i32
            %parallel_loop3A_180 = arith.constant 8 : i32
            %parallel_loop3A_181 = arith.constant 1 : i32
            scf.for %parallel_loop3A_182 = %parallel_loop3A to %parallel_loop3A_180 step %parallel_loop3A_181  : i32 {
              %parallel_loop3A_183 = vector.broadcast %parallel_loop3A_182 : i32 to vector<16xi32>
              %parallel_loop3A_184 = arith.constant 8 : i32
              %parallel_loop3A_185 = arith.muli %while3A_118, %parallel_loop3A_184 : i32
              %parallel_loop3A_186 = arith.addi %parallel_loop3A_185, %parallel_loop3A_182 : i32
              %parallel_loop3A_187 = arith.index_cast %parallel_loop3A_186 : i32 to index
              %parallel_loop3A_188 = tpu.vector_load %arg9[%parallel_loop3A_187] {strides = array<i32>} : memref<3232xi32, #tpu.memory_space<vmem>>, vector<16xi32>,
              %parallel_loop3A_189 = vector.extract_strided_slice %parallel_loop3A_188 {offsets = [0], sizes = [1], strides = [1]} : vector<16xi32> to vector<1xi32>
              %parallel_loop3A_190 = vector.extract %parallel_loop3A_189[0] : i32 from vector<1xi32>
              %parallel_loop3A_191 = arith.constant 384 : i32
              %parallel_loop3A_192 = vector.broadcast %parallel_loop3A_191 : i32 to vector<16xi32>
              %parallel_loop3A_193 = tpu.vector_load_idx %arg17[%parallel_loop3A_183, %parallel_loop3A_192] : memref<8x512xf32, #tpu.memory_space<vmem>>[vector<16xi32>, vector<16xi32>], vector<16xf32>,
              %parallel_loop3A_194 = arith.constant 385 : i32
              %parallel_loop3A_195 = vector.broadcast %parallel_loop3A_194 : i32 to vector<16xi32>
              %parallel_loop3A_196 = tpu.vector_load_idx %arg17[%parallel_loop3A_183, %parallel_loop3A_195] : memref<8x512xf32, #tpu.memory_space<vmem>>[vector<16xi32>, vector<16xi32>], vector<16xf32>,
              %parallel_loop3A_197 = arith.constant 386 : i32
              %parallel_loop3A_198 = vector.broadcast %parallel_loop3A_197 : i32 to vector<16xi32>
              %parallel_loop3A_199 = tpu.vector_load_idx %arg17[%parallel_loop3A_183, %parallel_loop3A_198] : memref<8x512xf32, #tpu.memory_space<vmem>>[vector<16xi32>, vector<16xi32>], vector<16xf32>,
              %parallel_loop3A_200 = arith.index_cast %parallel_loop3A_182 : i32 to index
              %parallel_loop3A_201 = arith.constant 0 : index
              %parallel_loop3A_202 = tpu.vector_load %arg16[%parallel_loop3A_200, %parallel_loop3A_201] {strides = array<i32>} : memref<8x768xf32, #tpu.memory_space<vmem>>, vector<16xf32>,
              %parallel_loop3A_203 = arith.index_cast %parallel_loop3A_182 : i32 to index
              %parallel_loop3A_204 = arith.constant 128 : index
              %parallel_loop3A_205 = tpu.vector_load %arg16[%parallel_loop3A_203, %parallel_loop3A_204] {strides = array<i32>} : memref<8x768xf32, #tpu.memory_space<vmem>>, vector<16xf32>,
              %parallel_loop3A_206 = arith.index_cast %parallel_loop3A_182 : i32 to index
              %parallel_loop3A_207 = arith.constant 256 : index
              %parallel_loop3A_208 = tpu.vector_load %arg16[%parallel_loop3A_206, %parallel_loop3A_207] {strides = array<i32>} : memref<8x768xf32, #tpu.memory_space<vmem>>, vector<16xf32>,
              %parallel_loop3A_209 = arith.index_cast %parallel_loop3A_182 : i32 to index
              %parallel_loop3A_210 = arith.constant 0 : index
              %parallel_loop3A_211 = tpu.vector_load %arg17[%parallel_loop3A_209, %parallel_loop3A_210] {strides = array<i32>} : memref<8x512xf32, #tpu.memory_space<vmem>>, vector<16xf32>,
              %parallel_loop3A_212 = arith.index_cast %parallel_loop3A_182 : i32 to index
              %parallel_loop3A_213 = arith.constant 128 : index
              %parallel_loop3A_214 = tpu.vector_load %arg17[%parallel_loop3A_212, %parallel_loop3A_213] {strides = array<i32>} : memref<8x512xf32, #tpu.memory_space<vmem>>, vector<16xf32>,
              %parallel_loop3A_215 = arith.index_cast %parallel_loop3A_182 : i32 to index
              %parallel_loop3A_216 = arith.constant 256 : index
              %parallel_loop3A_217 = tpu.vector_load %arg17[%parallel_loop3A_215, %parallel_loop3A_216] {strides = array<i32>} : memref<8x512xf32, #tpu.memory_space<vmem>>, vector<16xf32>,
              %parallel_loop3A_218 = arith.mulf %parallel_loop3A_205, %parallel_loop3A_214 : vector<16xf32>
              %parallel_loop3A_219 = arith.mulf %parallel_loop3A_208, %parallel_loop3A_217 : vector<16xf32>
              %parallel_loop3A_220 = arith.mulf %parallel_loop3A_202, %parallel_loop3A_211 : vector<16xf32>
              %parallel_loop3A_221 = arith.index_cast %parallel_loop3A_190 : i32 to index
              %parallel_loop3A_222 = arith.constant 0 : index
              %parallel_loop3A_223 = tpu.vector_load %arg8[%parallel_loop3A_221, %parallel_loop3A_222] {strides = array<i32>} : memref<160x512xf32, #tpu.memory_space<vmem>>, vector<16xf32>,
              tpu.vector_store %arg8[%parallel_loop3A_221, %parallel_loop3A_222], %parallel_loop3A_220 {add = true, strides = array<i32>} : memref<160x512xf32, #tpu.memory_space<vmem>>, vector<16xf32>,
              %parallel_loop3A_224 = arith.index_cast %parallel_loop3A_182 : i32 to index
              %parallel_loop3A_225 = arith.constant 384 : index
              %parallel_loop3A_226 = tpu.vector_load %arg16[%parallel_loop3A_224, %parallel_loop3A_225] {strides = array<i32>} : memref<8x768xf32, #tpu.memory_space<vmem>>, vector<16xf32>,
              %parallel_loop3A_227 = arith.mulf %parallel_loop3A_226, %parallel_loop3A_218 : vector<16xf32>
              %parallel_loop3A_228 = arith.mulf %parallel_loop3A_193, %parallel_loop3A_219 : vector<16xf32>
              %parallel_loop3A_229 = arith.addf %parallel_loop3A_227, %parallel_loop3A_228 : vector<16xf32>
              %parallel_loop3A_230 = arith.index_cast %parallel_loop3A_190 : i32 to index
              %parallel_loop3A_231 = arith.constant 128 : index
              %parallel_loop3A_232 = tpu.vector_load %arg8[%parallel_loop3A_230, %parallel_loop3A_231] {strides = array<i32>} : memref<160x512xf32, #tpu.memory_space<vmem>>, vector<16xf32>,
              tpu.vector_store %arg8[%parallel_loop3A_230, %parallel_loop3A_231], %parallel_loop3A_229 {add = true, strides = array<i32>} : memref<160x512xf32, #tpu.memory_space<vmem>>, vector<16xf32>,
              %parallel_loop3A_233 = arith.index_cast %parallel_loop3A_182 : i32 to index
              %parallel_loop3A_234 = arith.constant 512 : index
              %parallel_loop3A_235 = tpu.vector_load %arg16[%parallel_loop3A_233, %parallel_loop3A_234] {strides = array<i32>} : memref<8x768xf32, #tpu.memory_space<vmem>>, vector<16xf32>,
              %parallel_loop3A_236 = arith.mulf %parallel_loop3A_235, %parallel_loop3A_218 : vector<16xf32>
              %parallel_loop3A_237 = arith.mulf %parallel_loop3A_196, %parallel_loop3A_219 : vector<16xf32>
              %parallel_loop3A_238 = arith.addf %parallel_loop3A_236, %parallel_loop3A_237 : vector<16xf32>
              %parallel_loop3A_239 = arith.index_cast %parallel_loop3A_190 : i32 to index
              %parallel_loop3A_240 = arith.constant 256 : index
              %parallel_loop3A_241 = tpu.vector_load %arg8[%parallel_loop3A_239, %parallel_loop3A_240] {strides = array<i32>} : memref<160x512xf32, #tpu.memory_space<vmem>>, vector<16xf32>,
              tpu.vector_store %arg8[%parallel_loop3A_239, %parallel_loop3A_240], %parallel_loop3A_238 {add = true, strides = array<i32>} : memref<160x512xf32, #tpu.memory_space<vmem>>, vector<16xf32>,
              %parallel_loop3A_242 = arith.index_cast %parallel_loop3A_182 : i32 to index
              %parallel_loop3A_243 = arith.constant 640 : index
              %parallel_loop3A_244 = tpu.vector_load %arg16[%parallel_loop3A_242, %parallel_loop3A_243] {strides = array<i32>} : memref<8x768xf32, #tpu.memory_space<vmem>>, vector<16xf32>,
              %parallel_loop3A_245 = arith.mulf %parallel_loop3A_244, %parallel_loop3A_218 : vector<16xf32>
              %parallel_loop3A_246 = arith.mulf %parallel_loop3A_199, %parallel_loop3A_219 : vector<16xf32>
              %parallel_loop3A_247 = arith.addf %parallel_loop3A_245, %parallel_loop3A_246 : vector<16xf32>
              %parallel_loop3A_248 = arith.index_cast %parallel_loop3A_190 : i32 to index
              %parallel_loop3A_249 = arith.constant 384 : index
              %parallel_loop3A_250 = tpu.vector_load %arg8[%parallel_loop3A_248, %parallel_loop3A_249] {strides = array<i32>} : memref<160x512xf32, #tpu.memory_space<vmem>>, vector<16xf32>,
              tpu.vector_store %arg8[%parallel_loop3A_248, %parallel_loop3A_249], %parallel_loop3A_247 {add = true, strides = array<i32>} : memref<160x512xf32, #tpu.memory_space<vmem>>, vector<16xf32>,
              %parallel_loop3A_251 = arith.index_cast %parallel_loop3A_182 : i32 to index
              %parallel_loop3A_252 = arith.constant 16 : index
              %parallel_loop3A_253 = tpu.vector_load %arg16[%parallel_loop3A_251, %parallel_loop3A_252] {strides = array<i32>} : memref<8x768xf32, #tpu.memory_space<vmem>>, vector<16xf32>,
              %parallel_loop3A_254 = arith.index_cast %parallel_loop3A_182 : i32 to index
              %parallel_loop3A_255 = arith.constant 144 : index
              %parallel_loop3A_256 = tpu.vector_load %arg16[%parallel_loop3A_254, %parallel_loop3A_255] {strides = array<i32>} : memref<8x768xf32, #tpu.memory_space<vmem>>, vector<16xf32>,
              %parallel_loop3A_257 = arith.index_cast %parallel_loop3A_182 : i32 to index
              %parallel_loop3A_258 = arith.constant 272 : index
              %parallel_loop3A_259 = tpu.vector_load %arg16[%parallel_loop3A_257, %parallel_loop3A_258] {strides = array<i32>} : memref<8x768xf32, #tpu.memory_space<vmem>>, vector<16xf32>,
              %parallel_loop3A_260 = arith.index_cast %parallel_loop3A_182 : i32 to index
              %parallel_loop3A_261 = arith.constant 16 : index
              %parallel_loop3A_262 = tpu.vector_load %arg17[%parallel_loop3A_260, %parallel_loop3A_261] {strides = array<i32>} : memref<8x512xf32, #tpu.memory_space<vmem>>, vector<16xf32>,
              %parallel_loop3A_263 = arith.index_cast %parallel_loop3A_182 : i32 to index
              %parallel_loop3A_264 = arith.constant 144 : index
              %parallel_loop3A_265 = tpu.vector_load %arg17[%parallel_loop3A_263, %parallel_loop3A_264] {strides = array<i32>} : memref<8x512xf32, #tpu.memory_space<vmem>>, vector<16xf32>,
              %parallel_loop3A_266 = arith.index_cast %parallel_loop3A_182 : i32 to index
              %parallel_loop3A_267 = arith.constant 272 : index
              %parallel_loop3A_268 = tpu.vector_load %arg17[%parallel_loop3A_266, %parallel_loop3A_267] {strides = array<i32>} : memref<8x512xf32, #tpu.memory_space<vmem>>, vector<16xf32>,
              %parallel_loop3A_269 = arith.mulf %parallel_loop3A_256, %parallel_loop3A_265 : vector<16xf32>
              %parallel_loop3A_270 = arith.mulf %parallel_loop3A_259, %parallel_loop3A_268 : vector<16xf32>
              %parallel_loop3A_271 = arith.mulf %parallel_loop3A_253, %parallel_loop3A_262 : vector<16xf32>
              %parallel_loop3A_272 = arith.index_cast %parallel_loop3A_190 : i32 to index
              %parallel_loop3A_273 = arith.constant 16 : index
              %parallel_loop3A_274 = tpu.vector_load %arg8[%parallel_loop3A_272, %parallel_loop3A_273] {strides = array<i32>} : memref<160x512xf32, #tpu.memory_space<vmem>>, vector<16xf32>,
              tpu.vector_store %arg8[%parallel_loop3A_272, %parallel_loop3A_273], %parallel_loop3A_271 {add = true, strides = array<i32>} : memref<160x512xf32, #tpu.memory_space<vmem>>, vector<16xf32>,
              %parallel_loop3A_275 = arith.index_cast %parallel_loop3A_182 : i32 to index
              %parallel_loop3A_276 = arith.constant 400 : index
              %parallel_loop3A_277 = tpu.vector_load %arg16[%parallel_loop3A_275, %parallel_loop3A_276] {strides = array<i32>} : memref<8x768xf32, #tpu.memory_space<vmem>>, vector<16xf32>,
              %parallel_loop3A_278 = arith.mulf %parallel_loop3A_277, %parallel_loop3A_269 : vector<16xf32>
              %parallel_loop3A_279 = arith.mulf %parallel_loop3A_193, %parallel_loop3A_270 : vector<16xf32>
              %parallel_loop3A_280 = arith.addf %parallel_loop3A_278, %parallel_loop3A_279 : vector<16xf32>
              %parallel_loop3A_281 = arith.index_cast %parallel_loop3A_190 : i32 to index
              %parallel_loop3A_282 = arith.constant 144 : index
              %parallel_loop3A_283 = tpu.vector_load %arg8[%parallel_loop3A_281, %parallel_loop3A_282] {strides = array<i32>} : memref<160x512xf32, #tpu.memory_space<vmem>>, vector<16xf32>,
              tpu.vector_store %arg8[%parallel_loop3A_281, %parallel_loop3A_282], %parallel_loop3A_280 {add = true, strides = array<i32>} : memref<160x512xf32, #tpu.memory_space<vmem>>, vector<16xf32>,
              %parallel_loop3A_284 = arith.index_cast %parallel_loop3A_182 : i32 to index
              %parallel_loop3A_285 = arith.constant 528 : index
              %parallel_loop3A_286 = tpu.vector_load %arg16[%parallel_loop3A_284, %parallel_loop3A_285] {strides = array<i32>} : memref<8x768xf32, #tpu.memory_space<vmem>>, vector<16xf32>,
              %parallel_loop3A_287 = arith.mulf %parallel_loop3A_286, %parallel_loop3A_269 : vector<16xf32>
              %parallel_loop3A_288 = arith.mulf %parallel_loop3A_196, %parallel_loop3A_270 : vector<16xf32>
              %parallel_loop3A_289 = arith.addf %parallel_loop3A_287, %parallel_loop3A_288 : vector<16xf32>
              %parallel_loop3A_290 = arith.index_cast %parallel_loop3A_190 : i32 to index
              %parallel_loop3A_291 = arith.constant 272 : index
              %parallel_loop3A_292 = tpu.vector_load %arg8[%parallel_loop3A_290, %parallel_loop3A_291] {strides = array<i32>} : memref<160x512xf32, #tpu.memory_space<vmem>>, vector<16xf32>,
              tpu.vector_store %arg8[%parallel_loop3A_290, %parallel_loop3A_291], %parallel_loop3A_289 {add = true, strides = array<i32>} : memref<160x512xf32, #tpu.memory_space<vmem>>, vector<16xf32>,
              %parallel_loop3A_293 = arith.index_cast %parallel_loop3A_182 : i32 to index
              %parallel_loop3A_294 = arith.constant 656 : index
              %parallel_loop3A_295 = tpu.vector_load %arg16[%parallel_loop3A_293, %parallel_loop3A_294] {strides = array<i32>} : memref<8x768xf32, #tpu.memory_space<vmem>>, vector<16xf32>,
              %parallel_loop3A_296 = arith.mulf %parallel_loop3A_295, %parallel_loop3A_269 : vector<16xf32>
              %parallel_loop3A_297 = arith.mulf %parallel_loop3A_199, %parallel_loop3A_270 : vector<16xf32>
              %parallel_loop3A_298 = arith.addf %parallel_loop3A_296, %parallel_loop3A_297 : vector<16xf32>
              %parallel_loop3A_299 = arith.index_cast %parallel_loop3A_190 : i32 to index
              %parallel_loop3A_300 = arith.constant 400 : index
              %parallel_loop3A_301 = tpu.vector_load %arg8[%parallel_loop3A_299, %parallel_loop3A_300] {strides = array<i32>} : memref<160x512xf32, #tpu.memory_space<vmem>>, vector<16xf32>,
              tpu.vector_store %arg8[%parallel_loop3A_299, %parallel_loop3A_300], %parallel_loop3A_298 {add = true, strides = array<i32>} : memref<160x512xf32, #tpu.memory_space<vmem>>, vector<16xf32>,
              %parallel_loop3A_302 = arith.index_cast %parallel_loop3A_182 : i32 to index
              %parallel_loop3A_303 = arith.constant 32 : index
              %parallel_loop3A_304 = tpu.vector_load %arg16[%parallel_loop3A_302, %parallel_loop3A_303] {strides = array<i32>} : memref<8x768xf32, #tpu.memory_space<vmem>>, vector<16xf32>,
              %parallel_loop3A_305 = arith.index_cast %parallel_loop3A_182 : i32 to index
              %parallel_loop3A_306 = arith.constant 160 : index
              %parallel_loop3A_307 = tpu.vector_load %arg16[%parallel_loop3A_305, %parallel_loop3A_306] {strides = array<i32>} : memref<8x768xf32, #tpu.memory_space<vmem>>, vector<16xf32>,
              %parallel_loop3A_308 = arith.index_cast %parallel_loop3A_182 : i32 to index
              %parallel_loop3A_309 = arith.constant 288 : index
              %parallel_loop3A_310 = tpu.vector_load %arg16[%parallel_loop3A_308, %parallel_loop3A_309] {strides = array<i32>} : memref<8x768xf32, #tpu.memory_space<vmem>>, vector<16xf32>,
              %parallel_loop3A_311 = arith.index_cast %parallel_loop3A_182 : i32 to index
              %parallel_loop3A_312 = arith.constant 32 : index
              %parallel_loop3A_313 = tpu.vector_load %arg17[%parallel_loop3A_311, %parallel_loop3A_312] {strides = array<i32>} : memref<8x512xf32, #tpu.memory_space<vmem>>, vector<16xf32>,
              %parallel_loop3A_314 = arith.index_cast %parallel_loop3A_182 : i32 to index
              %parallel_loop3A_315 = arith.constant 160 : index
              %parallel_loop3A_316 = tpu.vector_load %arg17[%parallel_loop3A_314, %parallel_loop3A_315] {strides = array<i32>} : memref<8x512xf32, #tpu.memory_space<vmem>>, vector<16xf32>,
              %parallel_loop3A_317 = arith.index_cast %parallel_loop3A_182 : i32 to index
              %parallel_loop3A_318 = arith.constant 288 : index
              %parallel_loop3A_319 = tpu.vector_load %arg17[%parallel_loop3A_317, %parallel_loop3A_318] {strides = array<i32>} : memref<8x512xf32, #tpu.memory_space<vmem>>, vector<16xf32>,
              %parallel_loop3A_320 = arith.mulf %parallel_loop3A_307, %parallel_loop3A_316 : vector<16xf32>
              %parallel_loop3A_321 = arith.mulf %parallel_loop3A_310, %parallel_loop3A_319 : vector<16xf32>
              %parallel_loop3A_322 = arith.mulf %parallel_loop3A_304, %parallel_loop3A_313 : vector<16xf32>
              %parallel_loop3A_323 = arith.index_cast %parallel_loop3A_190 : i32 to index
              %parallel_loop3A_324 = arith.constant 32 : index
              %parallel_loop3A_325 = tpu.vector_load %arg8[%parallel_loop3A_323, %parallel_loop3A_324] {strides = array<i32>} : memref<160x512xf32, #tpu.memory_space<vmem>>, vector<16xf32>,
              tpu.vector_store %arg8[%parallel_loop3A_323, %parallel_loop3A_324], %parallel_loop3A_322 {add = true, strides = array<i32>} : memref<160x512xf32, #tpu.memory_space<vmem>>, vector<16xf32>,
              %parallel_loop3A_326 = arith.index_cast %parallel_loop3A_182 : i32 to index
              %parallel_loop3A_327 = arith.constant 416 : index
              %parallel_loop3A_328 = tpu.vector_load %arg16[%parallel_loop3A_326, %parallel_loop3A_327] {strides = array<i32>} : memref<8x768xf32, #tpu.memory_space<vmem>>, vector<16xf32>,
              %parallel_loop3A_329 = arith.mulf %parallel_loop3A_328, %parallel_loop3A_320 : vector<16xf32>
              %parallel_loop3A_330 = arith.mulf %parallel_loop3A_193, %parallel_loop3A_321 : vector<16xf32>
              %parallel_loop3A_331 = arith.addf %parallel_loop3A_329, %parallel_loop3A_330 : vector<16xf32>
              %parallel_loop3A_332 = arith.index_cast %parallel_loop3A_190 : i32 to index
              %parallel_loop3A_333 = arith.constant 160 : index
              %parallel_loop3A_334 = tpu.vector_load %arg8[%parallel_loop3A_332, %parallel_loop3A_333] {strides = array<i32>} : memref<160x512xf32, #tpu.memory_space<vmem>>, vector<16xf32>,
              tpu.vector_store %arg8[%parallel_loop3A_332, %parallel_loop3A_333], %parallel_loop3A_331 {add = true, strides = array<i32>} : memref<160x512xf32, #tpu.memory_space<vmem>>, vector<16xf32>,
              %parallel_loop3A_335 = arith.index_cast %parallel_loop3A_182 : i32 to index
              %parallel_loop3A_336 = arith.constant 544 : index
              %parallel_loop3A_337 = tpu.vector_load %arg16[%parallel_loop3A_335, %parallel_loop3A_336] {strides = array<i32>} : memref<8x768xf32, #tpu.memory_space<vmem>>, vector<16xf32>,
              %parallel_loop3A_338 = arith.mulf %parallel_loop3A_337, %parallel_loop3A_320 : vector<16xf32>
              %parallel_loop3A_339 = arith.mulf %parallel_loop3A_196, %parallel_loop3A_321 : vector<16xf32>
              %parallel_loop3A_340 = arith.addf %parallel_loop3A_338, %parallel_loop3A_339 : vector<16xf32>
              %parallel_loop3A_341 = arith.index_cast %parallel_loop3A_190 : i32 to index
              %parallel_loop3A_342 = arith.constant 288 : index
              %parallel_loop3A_343 = tpu.vector_load %arg8[%parallel_loop3A_341, %parallel_loop3A_342] {strides = array<i32>} : memref<160x512xf32, #tpu.memory_space<vmem>>, vector<16xf32>,
              tpu.vector_store %arg8[%parallel_loop3A_341, %parallel_loop3A_342], %parallel_loop3A_340 {add = true, strides = array<i32>} : memref<160x512xf32, #tpu.memory_space<vmem>>, vector<16xf32>,
              %parallel_loop3A_344 = arith.index_cast %parallel_loop3A_182 : i32 to index
              %parallel_loop3A_345 = arith.constant 672 : index
              %parallel_loop3A_346 = tpu.vector_load %arg16[%parallel_loop3A_344, %parallel_loop3A_345] {strides = array<i32>} : memref<8x768xf32, #tpu.memory_space<vmem>>, vector<16xf32>,
              %parallel_loop3A_347 = arith.mulf %parallel_loop3A_346, %parallel_loop3A_320 : vector<16xf32>
              %parallel_loop3A_348 = arith.mulf %parallel_loop3A_199, %parallel_loop3A_321 : vector<16xf32>
              %parallel_loop3A_349 = arith.addf %parallel_loop3A_347, %parallel_loop3A_348 : vector<16xf32>
              %parallel_loop3A_350 = arith.index_cast %parallel_loop3A_190 : i32 to index
              %parallel_loop3A_351 = arith.constant 416 : index
              %parallel_loop3A_352 = tpu.vector_load %arg8[%parallel_loop3A_350, %parallel_loop3A_351] {strides = array<i32>} : memref<160x512xf32, #tpu.memory_space<vmem>>, vector<16xf32>,
              tpu.vector_store %arg8[%parallel_loop3A_350, %parallel_loop3A_351], %parallel_loop3A_349 {add = true, strides = array<i32>} : memref<160x512xf32, #tpu.memory_space<vmem>>, vector<16xf32>,
              %parallel_loop3A_353 = arith.index_cast %parallel_loop3A_182 : i32 to index
              %parallel_loop3A_354 = arith.constant 48 : index
              %parallel_loop3A_355 = tpu.vector_load %arg16[%parallel_loop3A_353, %parallel_loop3A_354] {strides = array<i32>} : memref<8x768xf32, #tpu.memory_space<vmem>>, vector<16xf32>,
              %parallel_loop3A_356 = arith.index_cast %parallel_loop3A_182 : i32 to index
              %parallel_loop3A_357 = arith.constant 176 : index
              %parallel_loop3A_358 = tpu.vector_load %arg16[%parallel_loop3A_356, %parallel_loop3A_357] {strides = array<i32>} : memref<8x768xf32, #tpu.memory_space<vmem>>, vector<16xf32>,
              %parallel_loop3A_359 = arith.index_cast %parallel_loop3A_182 : i32 to index
              %parallel_loop3A_360 = arith.constant 304 : index
              %parallel_loop3A_361 = tpu.vector_load %arg16[%parallel_loop3A_359, %parallel_loop3A_360] {strides = array<i32>} : memref<8x768xf32, #tpu.memory_space<vmem>>, vector<16xf32>,
              %parallel_loop3A_362 = arith.index_cast %parallel_loop3A_182 : i32 to index
              %parallel_loop3A_363 = arith.constant 48 : index
              %parallel_loop3A_364 = tpu.vector_load %arg17[%parallel_loop3A_362, %parallel_loop3A_363] {strides = array<i32>} : memref<8x512xf32, #tpu.memory_space<vmem>>, vector<16xf32>,
              %parallel_loop3A_365 = arith.index_cast %parallel_loop3A_182 : i32 to index
              %parallel_loop3A_366 = arith.constant 176 : index
              %parallel_loop3A_367 = tpu.vector_load %arg17[%parallel_loop3A_365, %parallel_loop3A_366] {strides = array<i32>} : memref<8x512xf32, #tpu.memory_space<vmem>>, vector<16xf32>,
              %parallel_loop3A_368 = arith.index_cast %parallel_loop3A_182 : i32 to index
              %parallel_loop3A_369 = arith.constant 304 : index
              %parallel_loop3A_370 = tpu.vector_load %arg17[%parallel_loop3A_368, %parallel_loop3A_369] {strides = array<i32>} : memref<8x512xf32, #tpu.memory_space<vmem>>, vector<16xf32>,
              %parallel_loop3A_371 = arith.mulf %parallel_loop3A_358, %parallel_loop3A_367 : vector<16xf32>
              %parallel_loop3A_372 = arith.mulf %parallel_loop3A_361, %parallel_loop3A_370 : vector<16xf32>
              %parallel_loop3A_373 = arith.mulf %parallel_loop3A_355, %parallel_loop3A_364 : vector<16xf32>
              %parallel_loop3A_374 = arith.index_cast %parallel_loop3A_190 : i32 to index
              %parallel_loop3A_375 = arith.constant 48 : index
              %parallel_loop3A_376 = tpu.vector_load %arg8[%parallel_loop3A_374, %parallel_loop3A_375] {strides = array<i32>} : memref<160x512xf32, #tpu.memory_space<vmem>>, vector<16xf32>,
              tpu.vector_store %arg8[%parallel_loop3A_374, %parallel_loop3A_375], %parallel_loop3A_373 {add = true, strides = array<i32>} : memref<160x512xf32, #tpu.memory_space<vmem>>, vector<16xf32>,
              %parallel_loop3A_377 = arith.index_cast %parallel_loop3A_182 : i32 to index
              %parallel_loop3A_378 = arith.constant 432 : index
              %parallel_loop3A_379 = tpu.vector_load %arg16[%parallel_loop3A_377, %parallel_loop3A_378] {strides = array<i32>} : memref<8x768xf32, #tpu.memory_space<vmem>>, vector<16xf32>,
              %parallel_loop3A_380 = arith.mulf %parallel_loop3A_379, %parallel_loop3A_371 : vector<16xf32>
              %parallel_loop3A_381 = arith.mulf %parallel_loop3A_193, %parallel_loop3A_372 : vector<16xf32>
              %parallel_loop3A_382 = arith.addf %parallel_loop3A_380, %parallel_loop3A_381 : vector<16xf32>
              %parallel_loop3A_383 = arith.index_cast %parallel_loop3A_190 : i32 to index
              %parallel_loop3A_384 = arith.constant 176 : index
              %parallel_loop3A_385 = tpu.vector_load %arg8[%parallel_loop3A_383, %parallel_loop3A_384] {strides = array<i32>} : memref<160x512xf32, #tpu.memory_space<vmem>>, vector<16xf32>,
              tpu.vector_store %arg8[%parallel_loop3A_383, %parallel_loop3A_384], %parallel_loop3A_382 {add = true, strides = array<i32>} : memref<160x512xf32, #tpu.memory_space<vmem>>, vector<16xf32>,
              %parallel_loop3A_386 = arith.index_cast %parallel_loop3A_182 : i32 to index
              %parallel_loop3A_387 = arith.constant 560 : index
              %parallel_loop3A_388 = tpu.vector_load %arg16[%parallel_loop3A_386, %parallel_loop3A_387] {strides = array<i32>} : memref<8x768xf32, #tpu.memory_space<vmem>>, vector<16xf32>,
              %parallel_loop3A_389 = arith.mulf %parallel_loop3A_388, %parallel_loop3A_371 : vector<16xf32>
              %parallel_loop3A_390 = arith.mulf %parallel_loop3A_196, %parallel_loop3A_372 : vector<16xf32>
              %parallel_loop3A_391 = arith.addf %parallel_loop3A_389, %parallel_loop3A_390 : vector<16xf32>
              %parallel_loop3A_392 = arith.index_cast %parallel_loop3A_190 : i32 to index
              %parallel_loop3A_393 = arith.constant 304 : index
              %parallel_loop3A_394 = tpu.vector_load %arg8[%parallel_loop3A_392, %parallel_loop3A_393] {strides = array<i32>} : memref<160x512xf32, #tpu.memory_space<vmem>>, vector<16xf32>,
              tpu.vector_store %arg8[%parallel_loop3A_392, %parallel_loop3A_393], %parallel_loop3A_391 {add = true, strides = array<i32>} : memref<160x512xf32, #tpu.memory_space<vmem>>, vector<16xf32>,
              %parallel_loop3A_395 = arith.index_cast %parallel_loop3A_182 : i32 to index
              %parallel_loop3A_396 = arith.constant 688 : index
              %parallel_loop3A_397 = tpu.vector_load %arg16[%parallel_loop3A_395, %parallel_loop3A_396] {strides = array<i32>} : memref<8x768xf32, #tpu.memory_space<vmem>>, vector<16xf32>,
              %parallel_loop3A_398 = arith.mulf %parallel_loop3A_397, %parallel_loop3A_371 : vector<16xf32>
              %parallel_loop3A_399 = arith.mulf %parallel_loop3A_199, %parallel_loop3A_372 : vector<16xf32>
              %parallel_loop3A_400 = arith.addf %parallel_loop3A_398, %parallel_loop3A_399 : vector<16xf32>
              %parallel_loop3A_401 = arith.index_cast %parallel_loop3A_190 : i32 to index
              %parallel_loop3A_402 = arith.constant 432 : index
              %parallel_loop3A_403 = tpu.vector_load %arg8[%parallel_loop3A_401, %parallel_loop3A_402] {strides = array<i32>} : memref<160x512xf32, #tpu.memory_space<vmem>>, vector<16xf32>,
              tpu.vector_store %arg8[%parallel_loop3A_401, %parallel_loop3A_402], %parallel_loop3A_400 {add = true, strides = array<i32>} : memref<160x512xf32, #tpu.memory_space<vmem>>, vector<16xf32>,
              %parallel_loop3A_404 = arith.index_cast %parallel_loop3A_182 : i32 to index
              %parallel_loop3A_405 = arith.constant 64 : index
              %parallel_loop3A_406 = tpu.vector_load %arg16[%parallel_loop3A_404, %parallel_loop3A_405] {strides = array<i32>} : memref<8x768xf32, #tpu.memory_space<vmem>>, vector<16xf32>,
              %parallel_loop3A_407 = arith.index_cast %parallel_loop3A_182 : i32 to index
              %parallel_loop3A_408 = arith.constant 192 : index
              %parallel_loop3A_409 = tpu.vector_load %arg16[%parallel_loop3A_407, %parallel_loop3A_408] {strides = array<i32>} : memref<8x768xf32, #tpu.memory_space<vmem>>, vector<16xf32>,
              %parallel_loop3A_410 = arith.index_cast %parallel_loop3A_182 : i32 to index
              %parallel_loop3A_411 = arith.constant 320 : index
              %parallel_loop3A_412 = tpu.vector_load %arg16[%parallel_loop3A_410, %parallel_loop3A_411] {strides = array<i32>} : memref<8x768xf32, #tpu.memory_space<vmem>>, vector<16xf32>,
              %parallel_loop3A_413 = arith.index_cast %parallel_loop3A_182 : i32 to index
              %parallel_loop3A_414 = arith.constant 64 : index
              %parallel_loop3A_415 = tpu.vector_load %arg17[%parallel_loop3A_413, %parallel_loop3A_414] {strides = array<i32>} : memref<8x512xf32, #tpu.memory_space<vmem>>, vector<16xf32>,
              %parallel_loop3A_416 = arith.index_cast %parallel_loop3A_182 : i32 to index
              %parallel_loop3A_417 = arith.constant 192 : index
              %parallel_loop3A_418 = tpu.vector_load %arg17[%parallel_loop3A_416, %parallel_loop3A_417] {strides = array<i32>} : memref<8x512xf32, #tpu.memory_space<vmem>>, vector<16xf32>,
              %parallel_loop3A_419 = arith.index_cast %parallel_loop3A_182 : i32 to index
              %parallel_loop3A_420 = arith.constant 320 : index
              %parallel_loop3A_421 = tpu.vector_load %arg17[%parallel_loop3A_419, %parallel_loop3A_420] {strides = array<i32>} : memref<8x512xf32, #tpu.memory_space<vmem>>, vector<16xf32>,
              %parallel_loop3A_422 = arith.mulf %parallel_loop3A_409, %parallel_loop3A_418 : vector<16xf32>
              %parallel_loop3A_423 = arith.mulf %parallel_loop3A_412, %parallel_loop3A_421 : vector<16xf32>
              %parallel_loop3A_424 = arith.mulf %parallel_loop3A_406, %parallel_loop3A_415 : vector<16xf32>
              %parallel_loop3A_425 = arith.index_cast %parallel_loop3A_190 : i32 to index
              %parallel_loop3A_426 = arith.constant 64 : index
              %parallel_loop3A_427 = tpu.vector_load %arg8[%parallel_loop3A_425, %parallel_loop3A_426] {strides = array<i32>} : memref<160x512xf32, #tpu.memory_space<vmem>>, vector<16xf32>,
              tpu.vector_store %arg8[%parallel_loop3A_425, %parallel_loop3A_426], %parallel_loop3A_424 {add = true, strides = array<i32>} : memref<160x512xf32, #tpu.memory_space<vmem>>, vector<16xf32>,
              %parallel_loop3A_428 = arith.index_cast %parallel_loop3A_182 : i32 to index
              %parallel_loop3A_429 = arith.constant 448 : index
              %parallel_loop3A_430 = tpu.vector_load %arg16[%parallel_loop3A_428, %parallel_loop3A_429] {strides = array<i32>} : memref<8x768xf32, #tpu.memory_space<vmem>>, vector<16xf32>,
              %parallel_loop3A_431 = arith.mulf %parallel_loop3A_430, %parallel_loop3A_422 : vector<16xf32>
              %parallel_loop3A_432 = arith.mulf %parallel_loop3A_193, %parallel_loop3A_423 : vector<16xf32>
              %parallel_loop3A_433 = arith.addf %parallel_loop3A_431, %parallel_loop3A_432 : vector<16xf32>
              %parallel_loop3A_434 = arith.index_cast %parallel_loop3A_190 : i32 to index
              %parallel_loop3A_435 = arith.constant 192 : index
              %parallel_loop3A_436 = tpu.vector_load %arg8[%parallel_loop3A_434, %parallel_loop3A_435] {strides = array<i32>} : memref<160x512xf32, #tpu.memory_space<vmem>>, vector<16xf32>,
              tpu.vector_store %arg8[%parallel_loop3A_434, %parallel_loop3A_435], %parallel_loop3A_433 {add = true, strides = array<i32>} : memref<160x512xf32, #tpu.memory_space<vmem>>, vector<16xf32>,
              %parallel_loop3A_437 = arith.index_cast %parallel_loop3A_182 : i32 to index
              %parallel_loop3A_438 = arith.constant 576 : index
              %parallel_loop3A_439 = tpu.vector_load %arg16[%parallel_loop3A_437, %parallel_loop3A_438] {strides = array<i32>} : memref<8x768xf32, #tpu.memory_space<vmem>>, vector<16xf32>,
              %parallel_loop3A_440 = arith.mulf %parallel_loop3A_439, %parallel_loop3A_422 : vector<16xf32>
              %parallel_loop3A_441 = arith.mulf %parallel_loop3A_196, %parallel_loop3A_423 : vector<16xf32>
              %parallel_loop3A_442 = arith.addf %parallel_loop3A_440, %parallel_loop3A_441 : vector<16xf32>
              %parallel_loop3A_443 = arith.index_cast %parallel_loop3A_190 : i32 to index
              %parallel_loop3A_444 = arith.constant 320 : index
              %parallel_loop3A_445 = tpu.vector_load %arg8[%parallel_loop3A_443, %parallel_loop3A_444] {strides = array<i32>} : memref<160x512xf32, #tpu.memory_space<vmem>>, vector<16xf32>,
              tpu.vector_store %arg8[%parallel_loop3A_443, %parallel_loop3A_444], %parallel_loop3A_442 {add = true, strides = array<i32>} : memref<160x512xf32, #tpu.memory_space<vmem>>, vector<16xf32>,
              %parallel_loop3A_446 = arith.index_cast %parallel_loop3A_182 : i32 to index
              %parallel_loop3A_447 = arith.constant 704 : index
              %parallel_loop3A_448 = tpu.vector_load %arg16[%parallel_loop3A_446, %parallel_loop3A_447] {strides = array<i32>} : memref<8x768xf32, #tpu.memory_space<vmem>>, vector<16xf32>,
              %parallel_loop3A_449 = arith.mulf %parallel_loop3A_448, %parallel_loop3A_422 : vector<16xf32>
              %parallel_loop3A_450 = arith.mulf %parallel_loop3A_199, %parallel_loop3A_423 : vector<16xf32>
              %parallel_loop3A_451 = arith.addf %parallel_loop3A_449, %parallel_loop3A_450 : vector<16xf32>
              %parallel_loop3A_452 = arith.index_cast %parallel_loop3A_190 : i32 to index
              %parallel_loop3A_453 = arith.constant 448 : index
              %parallel_loop3A_454 = tpu.vector_load %arg8[%parallel_loop3A_452, %parallel_loop3A_453] {strides = array<i32>} : memref<160x512xf32, #tpu.memory_space<vmem>>, vector<16xf32>,
              tpu.vector_store %arg8[%parallel_loop3A_452, %parallel_loop3A_453], %parallel_loop3A_451 {add = true, strides = array<i32>} : memref<160x512xf32, #tpu.memory_space<vmem>>, vector<16xf32>,
              %parallel_loop3A_455 = arith.index_cast %parallel_loop3A_182 : i32 to index
              %parallel_loop3A_456 = arith.constant 80 : index
              %parallel_loop3A_457 = tpu.vector_load %arg16[%parallel_loop3A_455, %parallel_loop3A_456] {strides = array<i32>} : memref<8x768xf32, #tpu.memory_space<vmem>>, vector<16xf32>,
              %parallel_loop3A_458 = arith.index_cast %parallel_loop3A_182 : i32 to index
              %parallel_loop3A_459 = arith.constant 208 : index
              %parallel_loop3A_460 = tpu.vector_load %arg16[%parallel_loop3A_458, %parallel_loop3A_459] {strides = array<i32>} : memref<8x768xf32, #tpu.memory_space<vmem>>, vector<16xf32>,
              %parallel_loop3A_461 = arith.index_cast %parallel_loop3A_182 : i32 to index
              %parallel_loop3A_462 = arith.constant 336 : index
              %parallel_loop3A_463 = tpu.vector_load %arg16[%parallel_loop3A_461, %parallel_loop3A_462] {strides = array<i32>} : memref<8x768xf32, #tpu.memory_space<vmem>>, vector<16xf32>,
              %parallel_loop3A_464 = arith.index_cast %parallel_loop3A_182 : i32 to index
              %parallel_loop3A_465 = arith.constant 80 : index
              %parallel_loop3A_466 = tpu.vector_load %arg17[%parallel_loop3A_464, %parallel_loop3A_465] {strides = array<i32>} : memref<8x512xf32, #tpu.memory_space<vmem>>, vector<16xf32>,
              %parallel_loop3A_467 = arith.index_cast %parallel_loop3A_182 : i32 to index
              %parallel_loop3A_468 = arith.constant 208 : index
              %parallel_loop3A_469 = tpu.vector_load %arg17[%parallel_loop3A_467, %parallel_loop3A_468] {strides = array<i32>} : memref<8x512xf32, #tpu.memory_space<vmem>>, vector<16xf32>,
              %parallel_loop3A_470 = arith.index_cast %parallel_loop3A_182 : i32 to index
              %parallel_loop3A_471 = arith.constant 336 : index
              %parallel_loop3A_472 = tpu.vector_load %arg17[%parallel_loop3A_470, %parallel_loop3A_471] {strides = array<i32>} : memref<8x512xf32, #tpu.memory_space<vmem>>, vector<16xf32>,
              %parallel_loop3A_473 = arith.mulf %parallel_loop3A_460, %parallel_loop3A_469 : vector<16xf32>
              %parallel_loop3A_474 = arith.mulf %parallel_loop3A_463, %parallel_loop3A_472 : vector<16xf32>
              %parallel_loop3A_475 = arith.mulf %parallel_loop3A_457, %parallel_loop3A_466 : vector<16xf32>
              %parallel_loop3A_476 = arith.index_cast %parallel_loop3A_190 : i32 to index
              %parallel_loop3A_477 = arith.constant 80 : index
              %parallel_loop3A_478 = tpu.vector_load %arg8[%parallel_loop3A_476, %parallel_loop3A_477] {strides = array<i32>} : memref<160x512xf32, #tpu.memory_space<vmem>>, vector<16xf32>,
              tpu.vector_store %arg8[%parallel_loop3A_476, %parallel_loop3A_477], %parallel_loop3A_475 {add = true, strides = array<i32>} : memref<160x512xf32, #tpu.memory_space<vmem>>, vector<16xf32>,
              %parallel_loop3A_479 = arith.index_cast %parallel_loop3A_182 : i32 to index
              %parallel_loop3A_480 = arith.constant 464 : index
              %parallel_loop3A_481 = tpu.vector_load %arg16[%parallel_loop3A_479, %parallel_loop3A_480] {strides = array<i32>} : memref<8x768xf32, #tpu.memory_space<vmem>>, vector<16xf32>,
              %parallel_loop3A_482 = arith.mulf %parallel_loop3A_481, %parallel_loop3A_473 : vector<16xf32>
              %parallel_loop3A_483 = arith.mulf %parallel_loop3A_193, %parallel_loop3A_474 : vector<16xf32>
              %parallel_loop3A_484 = arith.addf %parallel_loop3A_482, %parallel_loop3A_483 : vector<16xf32>
              %parallel_loop3A_485 = arith.index_cast %parallel_loop3A_190 : i32 to index
              %parallel_loop3A_486 = arith.constant 208 : index
              %parallel_loop3A_487 = tpu.vector_load %arg8[%parallel_loop3A_485, %parallel_loop3A_486] {strides = array<i32>} : memref<160x512xf32, #tpu.memory_space<vmem>>, vector<16xf32>,
              tpu.vector_store %arg8[%parallel_loop3A_485, %parallel_loop3A_486], %parallel_loop3A_484 {add = true, strides = array<i32>} : memref<160x512xf32, #tpu.memory_space<vmem>>, vector<16xf32>,
              %parallel_loop3A_488 = arith.index_cast %parallel_loop3A_182 : i32 to index
              %parallel_loop3A_489 = arith.constant 592 : index
              %parallel_loop3A_490 = tpu.vector_load %arg16[%parallel_loop3A_488, %parallel_loop3A_489] {strides = array<i32>} : memref<8x768xf32, #tpu.memory_space<vmem>>, vector<16xf32>,
              %parallel_loop3A_491 = arith.mulf %parallel_loop3A_490, %parallel_loop3A_473 : vector<16xf32>
              %parallel_loop3A_492 = arith.mulf %parallel_loop3A_196, %parallel_loop3A_474 : vector<16xf32>
              %parallel_loop3A_493 = arith.addf %parallel_loop3A_491, %parallel_loop3A_492 : vector<16xf32>
              %parallel_loop3A_494 = arith.index_cast %parallel_loop3A_190 : i32 to index
              %parallel_loop3A_495 = arith.constant 336 : index
              %parallel_loop3A_496 = tpu.vector_load %arg8[%parallel_loop3A_494, %parallel_loop3A_495] {strides = array<i32>} : memref<160x512xf32, #tpu.memory_space<vmem>>, vector<16xf32>,
              tpu.vector_store %arg8[%parallel_loop3A_494, %parallel_loop3A_495], %parallel_loop3A_493 {add = true, strides = array<i32>} : memref<160x512xf32, #tpu.memory_space<vmem>>, vector<16xf32>,
              %parallel_loop3A_497 = arith.index_cast %parallel_loop3A_182 : i32 to index
              %parallel_loop3A_498 = arith.constant 720 : index
              %parallel_loop3A_499 = tpu.vector_load %arg16[%parallel_loop3A_497, %parallel_loop3A_498] {strides = array<i32>} : memref<8x768xf32, #tpu.memory_space<vmem>>, vector<16xf32>,
              %parallel_loop3A_500 = arith.mulf %parallel_loop3A_499, %parallel_loop3A_473 : vector<16xf32>
              %parallel_loop3A_501 = arith.mulf %parallel_loop3A_199, %parallel_loop3A_474 : vector<16xf32>
              %parallel_loop3A_502 = arith.addf %parallel_loop3A_500, %parallel_loop3A_501 : vector<16xf32>
              %parallel_loop3A_503 = arith.index_cast %parallel_loop3A_190 : i32 to index
              %parallel_loop3A_504 = arith.constant 464 : index
              %parallel_loop3A_505 = tpu.vector_load %arg8[%parallel_loop3A_503, %parallel_loop3A_504] {strides = array<i32>} : memref<160x512xf32, #tpu.memory_space<vmem>>, vector<16xf32>,
              tpu.vector_store %arg8[%parallel_loop3A_503, %parallel_loop3A_504], %parallel_loop3A_502 {add = true, strides = array<i32>} : memref<160x512xf32, #tpu.memory_space<vmem>>, vector<16xf32>,
              %parallel_loop3A_506 = arith.index_cast %parallel_loop3A_182 : i32 to index
              %parallel_loop3A_507 = arith.constant 96 : index
              %parallel_loop3A_508 = tpu.vector_load %arg16[%parallel_loop3A_506, %parallel_loop3A_507] {strides = array<i32>} : memref<8x768xf32, #tpu.memory_space<vmem>>, vector<16xf32>,
              %parallel_loop3A_509 = arith.index_cast %parallel_loop3A_182 : i32 to index
              %parallel_loop3A_510 = arith.constant 224 : index
              %parallel_loop3A_511 = tpu.vector_load %arg16[%parallel_loop3A_509, %parallel_loop3A_510] {strides = array<i32>} : memref<8x768xf32, #tpu.memory_space<vmem>>, vector<16xf32>,
              %parallel_loop3A_512 = arith.index_cast %parallel_loop3A_182 : i32 to index
              %parallel_loop3A_513 = arith.constant 352 : index
              %parallel_loop3A_514 = tpu.vector_load %arg16[%parallel_loop3A_512, %parallel_loop3A_513] {strides = array<i32>} : memref<8x768xf32, #tpu.memory_space<vmem>>, vector<16xf32>,
              %parallel_loop3A_515 = arith.index_cast %parallel_loop3A_182 : i32 to index
              %parallel_loop3A_516 = arith.constant 96 : index
              %parallel_loop3A_517 = tpu.vector_load %arg17[%parallel_loop3A_515, %parallel_loop3A_516] {strides = array<i32>} : memref<8x512xf32, #tpu.memory_space<vmem>>, vector<16xf32>,
              %parallel_loop3A_518 = arith.index_cast %parallel_loop3A_182 : i32 to index
              %parallel_loop3A_519 = arith.constant 224 : index
              %parallel_loop3A_520 = tpu.vector_load %arg17[%parallel_loop3A_518, %parallel_loop3A_519] {strides = array<i32>} : memref<8x512xf32, #tpu.memory_space<vmem>>, vector<16xf32>,
              %parallel_loop3A_521 = arith.index_cast %parallel_loop3A_182 : i32 to index
              %parallel_loop3A_522 = arith.constant 352 : index
              %parallel_loop3A_523 = tpu.vector_load %arg17[%parallel_loop3A_521, %parallel_loop3A_522] {strides = array<i32>} : memref<8x512xf32, #tpu.memory_space<vmem>>, vector<16xf32>,
              %parallel_loop3A_524 = arith.mulf %parallel_loop3A_511, %parallel_loop3A_520 : vector<16xf32>
              %parallel_loop3A_525 = arith.mulf %parallel_loop3A_514, %parallel_loop3A_523 : vector<16xf32>
              %parallel_loop3A_526 = arith.mulf %parallel_loop3A_508, %parallel_loop3A_517 : vector<16xf32>
              %parallel_loop3A_527 = arith.index_cast %parallel_loop3A_190 : i32 to index
              %parallel_loop3A_528 = arith.constant 96 : index
              %parallel_loop3A_529 = tpu.vector_load %arg8[%parallel_loop3A_527, %parallel_loop3A_528] {strides = array<i32>} : memref<160x512xf32, #tpu.memory_space<vmem>>, vector<16xf32>,
              tpu.vector_store %arg8[%parallel_loop3A_527, %parallel_loop3A_528], %parallel_loop3A_526 {add = true, strides = array<i32>} : memref<160x512xf32, #tpu.memory_space<vmem>>, vector<16xf32>,
              %parallel_loop3A_530 = arith.index_cast %parallel_loop3A_182 : i32 to index
              %parallel_loop3A_531 = arith.constant 480 : index
              %parallel_loop3A_532 = tpu.vector_load %arg16[%parallel_loop3A_530, %parallel_loop3A_531] {strides = array<i32>} : memref<8x768xf32, #tpu.memory_space<vmem>>, vector<16xf32>,
              %parallel_loop3A_533 = arith.mulf %parallel_loop3A_532, %parallel_loop3A_524 : vector<16xf32>
              %parallel_loop3A_534 = arith.mulf %parallel_loop3A_193, %parallel_loop3A_525 : vector<16xf32>
              %parallel_loop3A_535 = arith.addf %parallel_loop3A_533, %parallel_loop3A_534 : vector<16xf32>
              %parallel_loop3A_536 = arith.index_cast %parallel_loop3A_190 : i32 to index
              %parallel_loop3A_537 = arith.constant 224 : index
              %parallel_loop3A_538 = tpu.vector_load %arg8[%parallel_loop3A_536, %parallel_loop3A_537] {strides = array<i32>} : memref<160x512xf32, #tpu.memory_space<vmem>>, vector<16xf32>,
              tpu.vector_store %arg8[%parallel_loop3A_536, %parallel_loop3A_537], %parallel_loop3A_535 {add = true, strides = array<i32>} : memref<160x512xf32, #tpu.memory_space<vmem>>, vector<16xf32>,
              %parallel_loop3A_539 = arith.index_cast %parallel_loop3A_182 : i32 to index
              %parallel_loop3A_540 = arith.constant 608 : index
              %parallel_loop3A_541 = tpu.vector_load %arg16[%parallel_loop3A_539, %parallel_loop3A_540] {strides = array<i32>} : memref<8x768xf32, #tpu.memory_space<vmem>>, vector<16xf32>,
              %parallel_loop3A_542 = arith.mulf %parallel_loop3A_541, %parallel_loop3A_524 : vector<16xf32>
              %parallel_loop3A_543 = arith.mulf %parallel_loop3A_196, %parallel_loop3A_525 : vector<16xf32>
              %parallel_loop3A_544 = arith.addf %parallel_loop3A_542, %parallel_loop3A_543 : vector<16xf32>
              %parallel_loop3A_545 = arith.index_cast %parallel_loop3A_190 : i32 to index
              %parallel_loop3A_546 = arith.constant 352 : index
              %parallel_loop3A_547 = tpu.vector_load %arg8[%parallel_loop3A_545, %parallel_loop3A_546] {strides = array<i32>} : memref<160x512xf32, #tpu.memory_space<vmem>>, vector<16xf32>,
              tpu.vector_store %arg8[%parallel_loop3A_545, %parallel_loop3A_546], %parallel_loop3A_544 {add = true, strides = array<i32>} : memref<160x512xf32, #tpu.memory_space<vmem>>, vector<16xf32>,
              %parallel_loop3A_548 = arith.index_cast %parallel_loop3A_182 : i32 to index
              %parallel_loop3A_549 = arith.constant 736 : index
              %parallel_loop3A_550 = tpu.vector_load %arg16[%parallel_loop3A_548, %parallel_loop3A_549] {strides = array<i32>} : memref<8x768xf32, #tpu.memory_space<vmem>>, vector<16xf32>,
              %parallel_loop3A_551 = arith.mulf %parallel_loop3A_550, %parallel_loop3A_524 : vector<16xf32>
              %parallel_loop3A_552 = arith.mulf %parallel_loop3A_199, %parallel_loop3A_525 : vector<16xf32>
              %parallel_loop3A_553 = arith.addf %parallel_loop3A_551, %parallel_loop3A_552 : vector<16xf32>
              %parallel_loop3A_554 = arith.index_cast %parallel_loop3A_190 : i32 to index
              %parallel_loop3A_555 = arith.constant 480 : index
              %parallel_loop3A_556 = tpu.vector_load %arg8[%parallel_loop3A_554, %parallel_loop3A_555] {strides = array<i32>} : memref<160x512xf32, #tpu.memory_space<vmem>>, vector<16xf32>,
              tpu.vector_store %arg8[%parallel_loop3A_554, %parallel_loop3A_555], %parallel_loop3A_553 {add = true, strides = array<i32>} : memref<160x512xf32, #tpu.memory_space<vmem>>, vector<16xf32>,
              %parallel_loop3A_557 = arith.index_cast %parallel_loop3A_182 : i32 to index
              %parallel_loop3A_558 = arith.constant 112 : index
              %parallel_loop3A_559 = tpu.vector_load %arg16[%parallel_loop3A_557, %parallel_loop3A_558] {strides = array<i32>} : memref<8x768xf32, #tpu.memory_space<vmem>>, vector<16xf32>,
              %parallel_loop3A_560 = arith.index_cast %parallel_loop3A_182 : i32 to index
              %parallel_loop3A_561 = arith.constant 240 : index
              %parallel_loop3A_562 = tpu.vector_load %arg16[%parallel_loop3A_560, %parallel_loop3A_561] {strides = array<i32>} : memref<8x768xf32, #tpu.memory_space<vmem>>, vector<16xf32>,
              %parallel_loop3A_563 = arith.index_cast %parallel_loop3A_182 : i32 to index
              %parallel_loop3A_564 = arith.constant 368 : index
              %parallel_loop3A_565 = tpu.vector_load %arg16[%parallel_loop3A_563, %parallel_loop3A_564] {strides = array<i32>} : memref<8x768xf32, #tpu.memory_space<vmem>>, vector<16xf32>,
              %parallel_loop3A_566 = arith.index_cast %parallel_loop3A_182 : i32 to index
              %parallel_loop3A_567 = arith.constant 112 : index
              %parallel_loop3A_568 = tpu.vector_load %arg17[%parallel_loop3A_566, %parallel_loop3A_567] {strides = array<i32>} : memref<8x512xf32, #tpu.memory_space<vmem>>, vector<16xf32>,
              %parallel_loop3A_569 = arith.index_cast %parallel_loop3A_182 : i32 to index
              %parallel_loop3A_570 = arith.constant 240 : index
              %parallel_loop3A_571 = tpu.vector_load %arg17[%parallel_loop3A_569, %parallel_loop3A_570] {strides = array<i32>} : memref<8x512xf32, #tpu.memory_space<vmem>>, vector<16xf32>,
              %parallel_loop3A_572 = arith.index_cast %parallel_loop3A_182 : i32 to index
              %parallel_loop3A_573 = arith.constant 368 : index
              %parallel_loop3A_574 = tpu.vector_load %arg17[%parallel_loop3A_572, %parallel_loop3A_573] {strides = array<i32>} : memref<8x512xf32, #tpu.memory_space<vmem>>, vector<16xf32>,
              %parallel_loop3A_575 = arith.mulf %parallel_loop3A_562, %parallel_loop3A_571 : vector<16xf32>
              %parallel_loop3A_576 = arith.mulf %parallel_loop3A_565, %parallel_loop3A_574 : vector<16xf32>
              %parallel_loop3A_577 = arith.mulf %parallel_loop3A_559, %parallel_loop3A_568 : vector<16xf32>
              %parallel_loop3A_578 = arith.index_cast %parallel_loop3A_190 : i32 to index
              %parallel_loop3A_579 = arith.constant 112 : index
              %parallel_loop3A_580 = tpu.vector_load %arg8[%parallel_loop3A_578, %parallel_loop3A_579] {strides = array<i32>} : memref<160x512xf32, #tpu.memory_space<vmem>>, vector<16xf32>,
              tpu.vector_store %arg8[%parallel_loop3A_578, %parallel_loop3A_579], %parallel_loop3A_577 {add = true, strides = array<i32>} : memref<160x512xf32, #tpu.memory_space<vmem>>, vector<16xf32>,
              %parallel_loop3A_581 = arith.index_cast %parallel_loop3A_182 : i32 to index
              %parallel_loop3A_582 = arith.constant 496 : index
              %parallel_loop3A_583 = tpu.vector_load %arg16[%parallel_loop3A_581, %parallel_loop3A_582] {strides = array<i32>} : memref<8x768xf32, #tpu.memory_space<vmem>>, vector<16xf32>,
              %parallel_loop3A_584 = arith.mulf %parallel_loop3A_583, %parallel_loop3A_575 : vector<16xf32>
              %parallel_loop3A_585 = arith.mulf %parallel_loop3A_193, %parallel_loop3A_576 : vector<16xf32>
              %parallel_loop3A_586 = arith.addf %parallel_loop3A_584, %parallel_loop3A_585 : vector<16xf32>
              %parallel_loop3A_587 = arith.index_cast %parallel_loop3A_190 : i32 to index
              %parallel_loop3A_588 = arith.constant 240 : index
              %parallel_loop3A_589 = tpu.vector_load %arg8[%parallel_loop3A_587, %parallel_loop3A_588] {strides = array<i32>} : memref<160x512xf32, #tpu.memory_space<vmem>>, vector<16xf32>,
              tpu.vector_store %arg8[%parallel_loop3A_587, %parallel_loop3A_588], %parallel_loop3A_586 {add = true, strides = array<i32>} : memref<160x512xf32, #tpu.memory_space<vmem>>, vector<16xf32>,
              %parallel_loop3A_590 = arith.index_cast %parallel_loop3A_182 : i32 to index
              %parallel_loop3A_591 = arith.constant 624 : index
              %parallel_loop3A_592 = tpu.vector_load %arg16[%parallel_loop3A_590, %parallel_loop3A_591] {strides = array<i32>} : memref<8x768xf32, #tpu.memory_space<vmem>>, vector<16xf32>,
              %parallel_loop3A_593 = arith.mulf %parallel_loop3A_592, %parallel_loop3A_575 : vector<16xf32>
              %parallel_loop3A_594 = arith.mulf %parallel_loop3A_196, %parallel_loop3A_576 : vector<16xf32>
              %parallel_loop3A_595 = arith.addf %parallel_loop3A_593, %parallel_loop3A_594 : vector<16xf32>
              %parallel_loop3A_596 = arith.index_cast %parallel_loop3A_190 : i32 to index
              %parallel_loop3A_597 = arith.constant 368 : index
              %parallel_loop3A_598 = tpu.vector_load %arg8[%parallel_loop3A_596, %parallel_loop3A_597] {strides = array<i32>} : memref<160x512xf32, #tpu.memory_space<vmem>>, vector<16xf32>,
              tpu.vector_store %arg8[%parallel_loop3A_596, %parallel_loop3A_597], %parallel_loop3A_595 {add = true, strides = array<i32>} : memref<160x512xf32, #tpu.memory_space<vmem>>, vector<16xf32>,
              %parallel_loop3A_599 = arith.index_cast %parallel_loop3A_182 : i32 to index
              %parallel_loop3A_600 = arith.constant 752 : index
              %parallel_loop3A_601 = tpu.vector_load %arg16[%parallel_loop3A_599, %parallel_loop3A_600] {strides = array<i32>} : memref<8x768xf32, #tpu.memory_space<vmem>>, vector<16xf32>,
              %parallel_loop3A_602 = arith.mulf %parallel_loop3A_601, %parallel_loop3A_575 : vector<16xf32>
              %parallel_loop3A_603 = arith.mulf %parallel_loop3A_199, %parallel_loop3A_576 : vector<16xf32>
              %parallel_loop3A_604 = arith.addf %parallel_loop3A_602, %parallel_loop3A_603 : vector<16xf32>
              %parallel_loop3A_605 = arith.index_cast %parallel_loop3A_190 : i32 to index
              %parallel_loop3A_606 = arith.constant 496 : index
              %parallel_loop3A_607 = tpu.vector_load %arg8[%parallel_loop3A_605, %parallel_loop3A_606] {strides = array<i32>} : memref<160x512xf32, #tpu.memory_space<vmem>>, vector<16xf32>,
              tpu.vector_store %arg8[%parallel_loop3A_605, %parallel_loop3A_606], %parallel_loop3A_604 {add = true, strides = array<i32>} : memref<160x512xf32, #tpu.memory_space<vmem>>, vector<16xf32>,
            } {sc.loop_unroll_factor = 6 : i64, sc.parallel_access}
          } else {
          }
          %jit3A_141 = arith.constant 2 : i32
          %eq3A_142 = arith.constant 0 : i32
          %eq3A_143 = arith.cmpi eq, %jit3A_141, %eq3A_142 : i32
          %jit3A_144 = arith.constant 1 : i32
          %select_n3A_145 = arith.select %eq3A_143, %jit3A_144, %jit3A_141 : i32
          %rem3A_146 = arith.remsi %while3A_118, %select_n3A_145 : i32
          %ne3A_147 = arith.constant 0 : i32
          %ne3A_148 = arith.cmpi ne, %rem3A_146, %ne3A_147 : i32
          %lt3A_149 = arith.constant 0 : i32
          %lt3A_150 = arith.cmpi slt, %rem3A_146, %lt3A_149 : i32
          %lt3A_151 = arith.constant 0 : i32
          %lt3A_152 = arith.cmpi slt, %select_n3A_145, %lt3A_151 : i32
          %ne3A_153 = arith.xori %lt3A_150, %lt3A_152 : i1
          %and3A_154 = arith.andi %ne3A_153, %ne3A_148 : i1
          %add3A_155 = arith.addi %rem3A_146, %select_n3A_145 : i32
          %select_n3A_156 = arith.select %and3A_154, %add3A_155, %rem3A_146 : i32
          %eq3A_157 = arith.constant 1 : i32
          %eq3A_158 = arith.cmpi eq, %select_n3A_156, %eq3A_157 : i32
          %convert_element_type3A_159 = arith.extui %eq3A_158 : i1 to i32
          %cond3A_160 = arith.constant 0 : i32
          %cond3A_161 = arith.cmpi ne, %convert_element_type3A_159, %cond3A_160 : i32
          scf.if %cond3A_161 {
            %add3A_163 = arith.constant 1 : i32
            %add3A_164 = arith.addi %while3A_118, %add3A_163 : i32
            %lt3A_165 = arith.cmpi slt, %add3A_164, %select_n3A_101 : i32
            %convert_element_type3A_166 = arith.extui %lt3A_165 : i1 to i32
            %cond3A_167 = arith.constant 0 : i32
            %cond3A_168 = arith.cmpi ne, %convert_element_type3A_166, %cond3A_167 : i32
            scf.if %cond3A_168 {
              %add3A_182 = arith.constant 1 : i32
              %add3A_183 = arith.addi %while3A_118, %add3A_182 : i32
              %mul3A_184 = arith.constant 8 : i32
              %mul3A_185 = arith.muli %add3A_183, %mul3A_184 : i32
              %mul3A_186 = arith.constant 8 : i32
              %mul3A_187 = arith.muli %add3A_183, %mul3A_186 : i32
              %dma_start3A_188 = tpu.memref_slice %arg10[%mul3A_185] : memref<3232xi32, #tpu.memory_space<vmem>> -> memref<8xi32, #tpu.memory_space<vmem>>
              %dma_start3A_189 = arith.constant 0 : i32
              %dma_start3A_190 = arith.constant 0 : i32
              %dma_start3A_191 = tpu.memref_slice %arg2[%dma_start3A_189, %dma_start3A_190] : memref<10240x768xf32, #tpu.memory_space<hbm>> -> memref<10240x768xf32, #tpu.memory_space<hbm>>
              tpu.enqueue_indirect_dma source(%dma_start3A_191 : memref<10240x768xf32, #tpu.memory_space<hbm>>) target(%arg16 : memref<8x768xf32, #tpu.memory_space<vmem>>) offsets(%dma_start3A_188 : memref<8xi32, #tpu.memory_space<vmem>>) semaphore(%arg21 : memref<!tpu.dma_semaphore, #tpu.memory_space<semaphore_mem>>)
              %dma_start3A_192 = tpu.memref_slice %arg11[%mul3A_187] : memref<3232xi32, #tpu.memory_space<vmem>> -> memref<8xi32, #tpu.memory_space<vmem>>
              %dma_start3A_193 = arith.constant 0 : i32
              %dma_start3A_194 = arith.constant 0 : i32
              %dma_start3A_195 = tpu.memref_slice %arg3[%dma_start3A_193, %dma_start3A_194] : memref<320000x512xf32, #tpu.memory_space<hbm>> -> memref<320000x512xf32, #tpu.memory_space<hbm>>
              tpu.enqueue_indirect_dma source(%dma_start3A_195 : memref<320000x512xf32, #tpu.memory_space<hbm>>) target(%arg17 : memref<8x512xf32, #tpu.memory_space<vmem>>) offsets(%dma_start3A_192 : memref<8xi32, #tpu.memory_space<vmem>>) semaphore(%arg22 : memref<!tpu.dma_semaphore, #tpu.memory_space<semaphore_mem>>)
            } else {
            }
            %mul3A_169 = arith.constant 8 : i32
            %mul3A_170 = arith.muli %while3A_118, %mul3A_169 : i32
            %mul3A_171 = arith.constant 8 : i32
            %mul3A_172 = arith.muli %while3A_118, %mul3A_171 : i32
            %dma_wait3A = tpu.memref_slice %arg10[%mul3A_170] : memref<3232xi32, #tpu.memory_space<vmem>> -> memref<8xi32, #tpu.memory_space<vmem>>
            %dma_wait3A_173 = arith.constant 0 : i32
            %dma_wait3A_174 = arith.constant 0 : i32
            %dma_wait3A_175 = tpu.memref_slice %arg2[%dma_wait3A_173, %dma_wait3A_174] : memref<10240x768xf32, #tpu.memory_space<hbm>> -> memref<10240x768xf32, #tpu.memory_space<hbm>>
            tpu.wait_indirect_dma semaphore(%arg23 : memref<!tpu.dma_semaphore, #tpu.memory_space<semaphore_mem>>) src(%dma_wait3A_175 : memref<10240x768xf32, #tpu.memory_space<hbm>>) dst(%arg18 : memref<8x768xf32, #tpu.memory_space<vmem>>)
            %dma_wait3A_176 = tpu.memref_slice %arg11[%mul3A_172] : memref<3232xi32, #tpu.memory_space<vmem>> -> memref<8xi32, #tpu.memory_space<vmem>>
            %dma_wait3A_177 = arith.constant 0 : i32
            %dma_wait3A_178 = arith.constant 0 : i32
            %dma_wait3A_179 = tpu.memref_slice %arg3[%dma_wait3A_177, %dma_wait3A_178] : memref<320000x512xf32, #tpu.memory_space<hbm>> -> memref<320000x512xf32, #tpu.memory_space<hbm>>
            tpu.wait_indirect_dma semaphore(%arg24 : memref<!tpu.dma_semaphore, #tpu.memory_space<semaphore_mem>>) src(%dma_wait3A_179 : memref<320000x512xf32, #tpu.memory_space<hbm>>) dst(%arg19 : memref<8x512xf32, #tpu.memory_space<vmem>>)
            %parallel_loop3A = arith.constant 0 : i32
            %parallel_loop3A_180 = arith.constant 8 : i32
            %parallel_loop3A_181 = arith.constant 1 : i32
            scf.for %parallel_loop3A_182 = %parallel_loop3A to %parallel_loop3A_180 step %parallel_loop3A_181  : i32 {
              %parallel_loop3A_183 = vector.broadcast %parallel_loop3A_182 : i32 to vector<16xi32>
              %parallel_loop3A_184 = arith.constant 8 : i32
              %parallel_loop3A_185 = arith.muli %while3A_118, %parallel_loop3A_184 : i32
              %parallel_loop3A_186 = arith.addi %parallel_loop3A_185, %parallel_loop3A_182 : i32
              %parallel_loop3A_187 = arith.index_cast %parallel_loop3A_186 : i32 to index
              %parallel_loop3A_188 = tpu.vector_load %arg9[%parallel_loop3A_187] {strides = array<i32>} : memref<3232xi32, #tpu.memory_space<vmem>>, vector<16xi32>,
              %parallel_loop3A_189 = vector.extract_strided_slice %parallel_loop3A_188 {offsets = [0], sizes = [1], strides = [1]} : vector<16xi32> to vector<1xi32>
              %parallel_loop3A_190 = vector.extract %parallel_loop3A_189[0] : i32 from vector<1xi32>
              %parallel_loop3A_191 = arith.constant 384 : i32
              %parallel_loop3A_192 = vector.broadcast %parallel_loop3A_191 : i32 to vector<16xi32>
              %parallel_loop3A_193 = tpu.vector_load_idx %arg19[%parallel_loop3A_183, %parallel_loop3A_192] : memref<8x512xf32, #tpu.memory_space<vmem>>[vector<16xi32>, vector<16xi32>], vector<16xf32>,
              %parallel_loop3A_194 = arith.constant 385 : i32
              %parallel_loop3A_195 = vector.broadcast %parallel_loop3A_194 : i32 to vector<16xi32>
              %parallel_loop3A_196 = tpu.vector_load_idx %arg19[%parallel_loop3A_183, %parallel_loop3A_195] : memref<8x512xf32, #tpu.memory_space<vmem>>[vector<16xi32>, vector<16xi32>], vector<16xf32>,
              %parallel_loop3A_197 = arith.constant 386 : i32
              %parallel_loop3A_198 = vector.broadcast %parallel_loop3A_197 : i32 to vector<16xi32>
              %parallel_loop3A_199 = tpu.vector_load_idx %arg19[%parallel_loop3A_183, %parallel_loop3A_198] : memref<8x512xf32, #tpu.memory_space<vmem>>[vector<16xi32>, vector<16xi32>], vector<16xf32>,
              %parallel_loop3A_200 = arith.index_cast %parallel_loop3A_182 : i32 to index
              %parallel_loop3A_201 = arith.constant 0 : index
              %parallel_loop3A_202 = tpu.vector_load %arg18[%parallel_loop3A_200, %parallel_loop3A_201] {strides = array<i32>} : memref<8x768xf32, #tpu.memory_space<vmem>>, vector<16xf32>,
              %parallel_loop3A_203 = arith.index_cast %parallel_loop3A_182 : i32 to index
              %parallel_loop3A_204 = arith.constant 128 : index
              %parallel_loop3A_205 = tpu.vector_load %arg18[%parallel_loop3A_203, %parallel_loop3A_204] {strides = array<i32>} : memref<8x768xf32, #tpu.memory_space<vmem>>, vector<16xf32>,
              %parallel_loop3A_206 = arith.index_cast %parallel_loop3A_182 : i32 to index
              %parallel_loop3A_207 = arith.constant 256 : index
              %parallel_loop3A_208 = tpu.vector_load %arg18[%parallel_loop3A_206, %parallel_loop3A_207] {strides = array<i32>} : memref<8x768xf32, #tpu.memory_space<vmem>>, vector<16xf32>,
              %parallel_loop3A_209 = arith.index_cast %parallel_loop3A_182 : i32 to index
              %parallel_loop3A_210 = arith.constant 0 : index
              %parallel_loop3A_211 = tpu.vector_load %arg19[%parallel_loop3A_209, %parallel_loop3A_210] {strides = array<i32>} : memref<8x512xf32, #tpu.memory_space<vmem>>, vector<16xf32>,
              %parallel_loop3A_212 = arith.index_cast %parallel_loop3A_182 : i32 to index
              %parallel_loop3A_213 = arith.constant 128 : index
              %parallel_loop3A_214 = tpu.vector_load %arg19[%parallel_loop3A_212, %parallel_loop3A_213] {strides = array<i32>} : memref<8x512xf32, #tpu.memory_space<vmem>>, vector<16xf32>,
              %parallel_loop3A_215 = arith.index_cast %parallel_loop3A_182 : i32 to index
              %parallel_loop3A_216 = arith.constant 256 : index
              %parallel_loop3A_217 = tpu.vector_load %arg19[%parallel_loop3A_215, %parallel_loop3A_216] {strides = array<i32>} : memref<8x512xf32, #tpu.memory_space<vmem>>, vector<16xf32>,
              %parallel_loop3A_218 = arith.mulf %parallel_loop3A_205, %parallel_loop3A_214 : vector<16xf32>
              %parallel_loop3A_219 = arith.mulf %parallel_loop3A_208, %parallel_loop3A_217 : vector<16xf32>
              %parallel_loop3A_220 = arith.mulf %parallel_loop3A_202, %parallel_loop3A_211 : vector<16xf32>
              %parallel_loop3A_221 = arith.index_cast %parallel_loop3A_190 : i32 to index
              %parallel_loop3A_222 = arith.constant 0 : index
              %parallel_loop3A_223 = tpu.vector_load %arg8[%parallel_loop3A_221, %parallel_loop3A_222] {strides = array<i32>} : memref<160x512xf32, #tpu.memory_space<vmem>>, vector<16xf32>,
              tpu.vector_store %arg8[%parallel_loop3A_221, %parallel_loop3A_222], %parallel_loop3A_220 {add = true, strides = array<i32>} : memref<160x512xf32, #tpu.memory_space<vmem>>, vector<16xf32>,
              %parallel_loop3A_224 = arith.index_cast %parallel_loop3A_182 : i32 to index
              %parallel_loop3A_225 = arith.constant 384 : index
              %parallel_loop3A_226 = tpu.vector_load %arg18[%parallel_loop3A_224, %parallel_loop3A_225] {strides = array<i32>} : memref<8x768xf32, #tpu.memory_space<vmem>>, vector<16xf32>,
              %parallel_loop3A_227 = arith.mulf %parallel_loop3A_226, %parallel_loop3A_218 : vector<16xf32>
              %parallel_loop3A_228 = arith.mulf %parallel_loop3A_193, %parallel_loop3A_219 : vector<16xf32>
              %parallel_loop3A_229 = arith.addf %parallel_loop3A_227, %parallel_loop3A_228 : vector<16xf32>
              %parallel_loop3A_230 = arith.index_cast %parallel_loop3A_190 : i32 to index
              %parallel_loop3A_231 = arith.constant 128 : index
              %parallel_loop3A_232 = tpu.vector_load %arg8[%parallel_loop3A_230, %parallel_loop3A_231] {strides = array<i32>} : memref<160x512xf32, #tpu.memory_space<vmem>>, vector<16xf32>,
              tpu.vector_store %arg8[%parallel_loop3A_230, %parallel_loop3A_231], %parallel_loop3A_229 {add = true, strides = array<i32>} : memref<160x512xf32, #tpu.memory_space<vmem>>, vector<16xf32>,
              %parallel_loop3A_233 = arith.index_cast %parallel_loop3A_182 : i32 to index
              %parallel_loop3A_234 = arith.constant 512 : index
              %parallel_loop3A_235 = tpu.vector_load %arg18[%parallel_loop3A_233, %parallel_loop3A_234] {strides = array<i32>} : memref<8x768xf32, #tpu.memory_space<vmem>>, vector<16xf32>,
              %parallel_loop3A_236 = arith.mulf %parallel_loop3A_235, %parallel_loop3A_218 : vector<16xf32>
              %parallel_loop3A_237 = arith.mulf %parallel_loop3A_196, %parallel_loop3A_219 : vector<16xf32>
              %parallel_loop3A_238 = arith.addf %parallel_loop3A_236, %parallel_loop3A_237 : vector<16xf32>
              %parallel_loop3A_239 = arith.index_cast %parallel_loop3A_190 : i32 to index
              %parallel_loop3A_240 = arith.constant 256 : index
              %parallel_loop3A_241 = tpu.vector_load %arg8[%parallel_loop3A_239, %parallel_loop3A_240] {strides = array<i32>} : memref<160x512xf32, #tpu.memory_space<vmem>>, vector<16xf32>,
              tpu.vector_store %arg8[%parallel_loop3A_239, %parallel_loop3A_240], %parallel_loop3A_238 {add = true, strides = array<i32>} : memref<160x512xf32, #tpu.memory_space<vmem>>, vector<16xf32>,
              %parallel_loop3A_242 = arith.index_cast %parallel_loop3A_182 : i32 to index
              %parallel_loop3A_243 = arith.constant 640 : index
              %parallel_loop3A_244 = tpu.vector_load %arg18[%parallel_loop3A_242, %parallel_loop3A_243] {strides = array<i32>} : memref<8x768xf32, #tpu.memory_space<vmem>>, vector<16xf32>,
              %parallel_loop3A_245 = arith.mulf %parallel_loop3A_244, %parallel_loop3A_218 : vector<16xf32>
              %parallel_loop3A_246 = arith.mulf %parallel_loop3A_199, %parallel_loop3A_219 : vector<16xf32>
              %parallel_loop3A_247 = arith.addf %parallel_loop3A_245, %parallel_loop3A_246 : vector<16xf32>
              %parallel_loop3A_248 = arith.index_cast %parallel_loop3A_190 : i32 to index
              %parallel_loop3A_249 = arith.constant 384 : index
              %parallel_loop3A_250 = tpu.vector_load %arg8[%parallel_loop3A_248, %parallel_loop3A_249] {strides = array<i32>} : memref<160x512xf32, #tpu.memory_space<vmem>>, vector<16xf32>,
              tpu.vector_store %arg8[%parallel_loop3A_248, %parallel_loop3A_249], %parallel_loop3A_247 {add = true, strides = array<i32>} : memref<160x512xf32, #tpu.memory_space<vmem>>, vector<16xf32>,
              %parallel_loop3A_251 = arith.index_cast %parallel_loop3A_182 : i32 to index
              %parallel_loop3A_252 = arith.constant 16 : index
              %parallel_loop3A_253 = tpu.vector_load %arg18[%parallel_loop3A_251, %parallel_loop3A_252] {strides = array<i32>} : memref<8x768xf32, #tpu.memory_space<vmem>>, vector<16xf32>,
              %parallel_loop3A_254 = arith.index_cast %parallel_loop3A_182 : i32 to index
              %parallel_loop3A_255 = arith.constant 144 : index
              %parallel_loop3A_256 = tpu.vector_load %arg18[%parallel_loop3A_254, %parallel_loop3A_255] {strides = array<i32>} : memref<8x768xf32, #tpu.memory_space<vmem>>, vector<16xf32>,
              %parallel_loop3A_257 = arith.index_cast %parallel_loop3A_182 : i32 to index
              %parallel_loop3A_258 = arith.constant 272 : index
              %parallel_loop3A_259 = tpu.vector_load %arg18[%parallel_loop3A_257, %parallel_loop3A_258] {strides = array<i32>} : memref<8x768xf32, #tpu.memory_space<vmem>>, vector<16xf32>,
              %parallel_loop3A_260 = arith.index_cast %parallel_loop3A_182 : i32 to index
              %parallel_loop3A_261 = arith.constant 16 : index
              %parallel_loop3A_262 = tpu.vector_load %arg19[%parallel_loop3A_260, %parallel_loop3A_261] {strides = array<i32>} : memref<8x512xf32, #tpu.memory_space<vmem>>, vector<16xf32>,
              %parallel_loop3A_263 = arith.index_cast %parallel_loop3A_182 : i32 to index
              %parallel_loop3A_264 = arith.constant 144 : index
              %parallel_loop3A_265 = tpu.vector_load %arg19[%parallel_loop3A_263, %parallel_loop3A_264] {strides = array<i32>} : memref<8x512xf32, #tpu.memory_space<vmem>>, vector<16xf32>,
              %parallel_loop3A_266 = arith.index_cast %parallel_loop3A_182 : i32 to index
              %parallel_loop3A_267 = arith.constant 272 : index
              %parallel_loop3A_268 = tpu.vector_load %arg19[%parallel_loop3A_266, %parallel_loop3A_267] {strides = array<i32>} : memref<8x512xf32, #tpu.memory_space<vmem>>, vector<16xf32>,
              %parallel_loop3A_269 = arith.mulf %parallel_loop3A_256, %parallel_loop3A_265 : vector<16xf32>
              %parallel_loop3A_270 = arith.mulf %parallel_loop3A_259, %parallel_loop3A_268 : vector<16xf32>
              %parallel_loop3A_271 = arith.mulf %parallel_loop3A_253, %parallel_loop3A_262 : vector<16xf32>
              %parallel_loop3A_272 = arith.index_cast %parallel_loop3A_190 : i32 to index
              %parallel_loop3A_273 = arith.constant 16 : index
              %parallel_loop3A_274 = tpu.vector_load %arg8[%parallel_loop3A_272, %parallel_loop3A_273] {strides = array<i32>} : memref<160x512xf32, #tpu.memory_space<vmem>>, vector<16xf32>,
              tpu.vector_store %arg8[%parallel_loop3A_272, %parallel_loop3A_273], %parallel_loop3A_271 {add = true, strides = array<i32>} : memref<160x512xf32, #tpu.memory_space<vmem>>, vector<16xf32>,
              %parallel_loop3A_275 = arith.index_cast %parallel_loop3A_182 : i32 to index
              %parallel_loop3A_276 = arith.constant 400 : index
              %parallel_loop3A_277 = tpu.vector_load %arg18[%parallel_loop3A_275, %parallel_loop3A_276] {strides = array<i32>} : memref<8x768xf32, #tpu.memory_space<vmem>>, vector<16xf32>,
              %parallel_loop3A_278 = arith.mulf %parallel_loop3A_277, %parallel_loop3A_269 : vector<16xf32>
              %parallel_loop3A_279 = arith.mulf %parallel_loop3A_193, %parallel_loop3A_270 : vector<16xf32>
              %parallel_loop3A_280 = arith.addf %parallel_loop3A_278, %parallel_loop3A_279 : vector<16xf32>
              %parallel_loop3A_281 = arith.index_cast %parallel_loop3A_190 : i32 to index
              %parallel_loop3A_282 = arith.constant 144 : index
              %parallel_loop3A_283 = tpu.vector_load %arg8[%parallel_loop3A_281, %parallel_loop3A_282] {strides = array<i32>} : memref<160x512xf32, #tpu.memory_space<vmem>>, vector<16xf32>,
              tpu.vector_store %arg8[%parallel_loop3A_281, %parallel_loop3A_282], %parallel_loop3A_280 {add = true, strides = array<i32>} : memref<160x512xf32, #tpu.memory_space<vmem>>, vector<16xf32>,
              %parallel_loop3A_284 = arith.index_cast %parallel_loop3A_182 : i32 to index
              %parallel_loop3A_285 = arith.constant 528 : index
              %parallel_loop3A_286 = tpu.vector_load %arg18[%parallel_loop3A_284, %parallel_loop3A_285] {strides = array<i32>} : memref<8x768xf32, #tpu.memory_space<vmem>>, vector<16xf32>,
              %parallel_loop3A_287 = arith.mulf %parallel_loop3A_286, %parallel_loop3A_269 : vector<16xf32>
              %parallel_loop3A_288 = arith.mulf %parallel_loop3A_196, %parallel_loop3A_270 : vector<16xf32>
              %parallel_loop3A_289 = arith.addf %parallel_loop3A_287, %parallel_loop3A_288 : vector<16xf32>
              %parallel_loop3A_290 = arith.index_cast %parallel_loop3A_190 : i32 to index
              %parallel_loop3A_291 = arith.constant 272 : index
              %parallel_loop3A_292 = tpu.vector_load %arg8[%parallel_loop3A_290, %parallel_loop3A_291] {strides = array<i32>} : memref<160x512xf32, #tpu.memory_space<vmem>>, vector<16xf32>,
              tpu.vector_store %arg8[%parallel_loop3A_290, %parallel_loop3A_291], %parallel_loop3A_289 {add = true, strides = array<i32>} : memref<160x512xf32, #tpu.memory_space<vmem>>, vector<16xf32>,
              %parallel_loop3A_293 = arith.index_cast %parallel_loop3A_182 : i32 to index
              %parallel_loop3A_294 = arith.constant 656 : index
              %parallel_loop3A_295 = tpu.vector_load %arg18[%parallel_loop3A_293, %parallel_loop3A_294] {strides = array<i32>} : memref<8x768xf32, #tpu.memory_space<vmem>>, vector<16xf32>,
              %parallel_loop3A_296 = arith.mulf %parallel_loop3A_295, %parallel_loop3A_269 : vector<16xf32>
              %parallel_loop3A_297 = arith.mulf %parallel_loop3A_199, %parallel_loop3A_270 : vector<16xf32>
              %parallel_loop3A_298 = arith.addf %parallel_loop3A_296, %parallel_loop3A_297 : vector<16xf32>
              %parallel_loop3A_299 = arith.index_cast %parallel_loop3A_190 : i32 to index
              %parallel_loop3A_300 = arith.constant 400 : index
              %parallel_loop3A_301 = tpu.vector_load %arg8[%parallel_loop3A_299, %parallel_loop3A_300] {strides = array<i32>} : memref<160x512xf32, #tpu.memory_space<vmem>>, vector<16xf32>,
              tpu.vector_store %arg8[%parallel_loop3A_299, %parallel_loop3A_300], %parallel_loop3A_298 {add = true, strides = array<i32>} : memref<160x512xf32, #tpu.memory_space<vmem>>, vector<16xf32>,
              %parallel_loop3A_302 = arith.index_cast %parallel_loop3A_182 : i32 to index
              %parallel_loop3A_303 = arith.constant 32 : index
              %parallel_loop3A_304 = tpu.vector_load %arg18[%parallel_loop3A_302, %parallel_loop3A_303] {strides = array<i32>} : memref<8x768xf32, #tpu.memory_space<vmem>>, vector<16xf32>,
              %parallel_loop3A_305 = arith.index_cast %parallel_loop3A_182 : i32 to index
              %parallel_loop3A_306 = arith.constant 160 : index
              %parallel_loop3A_307 = tpu.vector_load %arg18[%parallel_loop3A_305, %parallel_loop3A_306] {strides = array<i32>} : memref<8x768xf32, #tpu.memory_space<vmem>>, vector<16xf32>,
              %parallel_loop3A_308 = arith.index_cast %parallel_loop3A_182 : i32 to index
              %parallel_loop3A_309 = arith.constant 288 : index
              %parallel_loop3A_310 = tpu.vector_load %arg18[%parallel_loop3A_308, %parallel_loop3A_309] {strides = array<i32>} : memref<8x768xf32, #tpu.memory_space<vmem>>, vector<16xf32>,
              %parallel_loop3A_311 = arith.index_cast %parallel_loop3A_182 : i32 to index
              %parallel_loop3A_312 = arith.constant 32 : index
              %parallel_loop3A_313 = tpu.vector_load %arg19[%parallel_loop3A_311, %parallel_loop3A_312] {strides = array<i32>} : memref<8x512xf32, #tpu.memory_space<vmem>>, vector<16xf32>,
              %parallel_loop3A_314 = arith.index_cast %parallel_loop3A_182 : i32 to index
              %parallel_loop3A_315 = arith.constant 160 : index
              %parallel_loop3A_316 = tpu.vector_load %arg19[%parallel_loop3A_314, %parallel_loop3A_315] {strides = array<i32>} : memref<8x512xf32, #tpu.memory_space<vmem>>, vector<16xf32>,
              %parallel_loop3A_317 = arith.index_cast %parallel_loop3A_182 : i32 to index
              %parallel_loop3A_318 = arith.constant 288 : index
              %parallel_loop3A_319 = tpu.vector_load %arg19[%parallel_loop3A_317, %parallel_loop3A_318] {strides = array<i32>} : memref<8x512xf32, #tpu.memory_space<vmem>>, vector<16xf32>,
              %parallel_loop3A_320 = arith.mulf %parallel_loop3A_307, %parallel_loop3A_316 : vector<16xf32>
              %parallel_loop3A_321 = arith.mulf %parallel_loop3A_310, %parallel_loop3A_319 : vector<16xf32>
              %parallel_loop3A_322 = arith.mulf %parallel_loop3A_304, %parallel_loop3A_313 : vector<16xf32>
              %parallel_loop3A_323 = arith.index_cast %parallel_loop3A_190 : i32 to index
              %parallel_loop3A_324 = arith.constant 32 : index
              %parallel_loop3A_325 = tpu.vector_load %arg8[%parallel_loop3A_323, %parallel_loop3A_324] {strides = array<i32>} : memref<160x512xf32, #tpu.memory_space<vmem>>, vector<16xf32>,
              tpu.vector_store %arg8[%parallel_loop3A_323, %parallel_loop3A_324], %parallel_loop3A_322 {add = true, strides = array<i32>} : memref<160x512xf32, #tpu.memory_space<vmem>>, vector<16xf32>,
              %parallel_loop3A_326 = arith.index_cast %parallel_loop3A_182 : i32 to index
              %parallel_loop3A_327 = arith.constant 416 : index
              %parallel_loop3A_328 = tpu.vector_load %arg18[%parallel_loop3A_326, %parallel_loop3A_327] {strides = array<i32>} : memref<8x768xf32, #tpu.memory_space<vmem>>, vector<16xf32>,
              %parallel_loop3A_329 = arith.mulf %parallel_loop3A_328, %parallel_loop3A_320 : vector<16xf32>
              %parallel_loop3A_330 = arith.mulf %parallel_loop3A_193, %parallel_loop3A_321 : vector<16xf32>
              %parallel_loop3A_331 = arith.addf %parallel_loop3A_329, %parallel_loop3A_330 : vector<16xf32>
              %parallel_loop3A_332 = arith.index_cast %parallel_loop3A_190 : i32 to index
              %parallel_loop3A_333 = arith.constant 160 : index
              %parallel_loop3A_334 = tpu.vector_load %arg8[%parallel_loop3A_332, %parallel_loop3A_333] {strides = array<i32>} : memref<160x512xf32, #tpu.memory_space<vmem>>, vector<16xf32>,
              tpu.vector_store %arg8[%parallel_loop3A_332, %parallel_loop3A_333], %parallel_loop3A_331 {add = true, strides = array<i32>} : memref<160x512xf32, #tpu.memory_space<vmem>>, vector<16xf32>,
              %parallel_loop3A_335 = arith.index_cast %parallel_loop3A_182 : i32 to index
              %parallel_loop3A_336 = arith.constant 544 : index
              %parallel_loop3A_337 = tpu.vector_load %arg18[%parallel_loop3A_335, %parallel_loop3A_336] {strides = array<i32>} : memref<8x768xf32, #tpu.memory_space<vmem>>, vector<16xf32>,
              %parallel_loop3A_338 = arith.mulf %parallel_loop3A_337, %parallel_loop3A_320 : vector<16xf32>
              %parallel_loop3A_339 = arith.mulf %parallel_loop3A_196, %parallel_loop3A_321 : vector<16xf32>
              %parallel_loop3A_340 = arith.addf %parallel_loop3A_338, %parallel_loop3A_339 : vector<16xf32>
              %parallel_loop3A_341 = arith.index_cast %parallel_loop3A_190 : i32 to index
              %parallel_loop3A_342 = arith.constant 288 : index
              %parallel_loop3A_343 = tpu.vector_load %arg8[%parallel_loop3A_341, %parallel_loop3A_342] {strides = array<i32>} : memref<160x512xf32, #tpu.memory_space<vmem>>, vector<16xf32>,
              tpu.vector_store %arg8[%parallel_loop3A_341, %parallel_loop3A_342], %parallel_loop3A_340 {add = true, strides = array<i32>} : memref<160x512xf32, #tpu.memory_space<vmem>>, vector<16xf32>,
              %parallel_loop3A_344 = arith.index_cast %parallel_loop3A_182 : i32 to index
              %parallel_loop3A_345 = arith.constant 672 : index
              %parallel_loop3A_346 = tpu.vector_load %arg18[%parallel_loop3A_344, %parallel_loop3A_345] {strides = array<i32>} : memref<8x768xf32, #tpu.memory_space<vmem>>, vector<16xf32>,
              %parallel_loop3A_347 = arith.mulf %parallel_loop3A_346, %parallel_loop3A_320 : vector<16xf32>
              %parallel_loop3A_348 = arith.mulf %parallel_loop3A_199, %parallel_loop3A_321 : vector<16xf32>
              %parallel_loop3A_349 = arith.addf %parallel_loop3A_347, %parallel_loop3A_348 : vector<16xf32>
              %parallel_loop3A_350 = arith.index_cast %parallel_loop3A_190 : i32 to index
              %parallel_loop3A_351 = arith.constant 416 : index
              %parallel_loop3A_352 = tpu.vector_load %arg8[%parallel_loop3A_350, %parallel_loop3A_351] {strides = array<i32>} : memref<160x512xf32, #tpu.memory_space<vmem>>, vector<16xf32>,
              tpu.vector_store %arg8[%parallel_loop3A_350, %parallel_loop3A_351], %parallel_loop3A_349 {add = true, strides = array<i32>} : memref<160x512xf32, #tpu.memory_space<vmem>>, vector<16xf32>,
              %parallel_loop3A_353 = arith.index_cast %parallel_loop3A_182 : i32 to index
              %parallel_loop3A_354 = arith.constant 48 : index
              %parallel_loop3A_355 = tpu.vector_load %arg18[%parallel_loop3A_353, %parallel_loop3A_354] {strides = array<i32>} : memref<8x768xf32, #tpu.memory_space<vmem>>, vector<16xf32>,
              %parallel_loop3A_356 = arith.index_cast %parallel_loop3A_182 : i32 to index
              %parallel_loop3A_357 = arith.constant 176 : index
              %parallel_loop3A_358 = tpu.vector_load %arg18[%parallel_loop3A_356, %parallel_loop3A_357] {strides = array<i32>} : memref<8x768xf32, #tpu.memory_space<vmem>>, vector<16xf32>,
              %parallel_loop3A_359 = arith.index_cast %parallel_loop3A_182 : i32 to index
              %parallel_loop3A_360 = arith.constant 304 : index
              %parallel_loop3A_361 = tpu.vector_load %arg18[%parallel_loop3A_359, %parallel_loop3A_360] {strides = array<i32>} : memref<8x768xf32, #tpu.memory_space<vmem>>, vector<16xf32>,
              %parallel_loop3A_362 = arith.index_cast %parallel_loop3A_182 : i32 to index
              %parallel_loop3A_363 = arith.constant 48 : index
              %parallel_loop3A_364 = tpu.vector_load %arg19[%parallel_loop3A_362, %parallel_loop3A_363] {strides = array<i32>} : memref<8x512xf32, #tpu.memory_space<vmem>>, vector<16xf32>,
              %parallel_loop3A_365 = arith.index_cast %parallel_loop3A_182 : i32 to index
              %parallel_loop3A_366 = arith.constant 176 : index
              %parallel_loop3A_367 = tpu.vector_load %arg19[%parallel_loop3A_365, %parallel_loop3A_366] {strides = array<i32>} : memref<8x512xf32, #tpu.memory_space<vmem>>, vector<16xf32>,
              %parallel_loop3A_368 = arith.index_cast %parallel_loop3A_182 : i32 to index
              %parallel_loop3A_369 = arith.constant 304 : index
              %parallel_loop3A_370 = tpu.vector_load %arg19[%parallel_loop3A_368, %parallel_loop3A_369] {strides = array<i32>} : memref<8x512xf32, #tpu.memory_space<vmem>>, vector<16xf32>,
              %parallel_loop3A_371 = arith.mulf %parallel_loop3A_358, %parallel_loop3A_367 : vector<16xf32>
              %parallel_loop3A_372 = arith.mulf %parallel_loop3A_361, %parallel_loop3A_370 : vector<16xf32>
              %parallel_loop3A_373 = arith.mulf %parallel_loop3A_355, %parallel_loop3A_364 : vector<16xf32>
              %parallel_loop3A_374 = arith.index_cast %parallel_loop3A_190 : i32 to index
              %parallel_loop3A_375 = arith.constant 48 : index
              %parallel_loop3A_376 = tpu.vector_load %arg8[%parallel_loop3A_374, %parallel_loop3A_375] {strides = array<i32>} : memref<160x512xf32, #tpu.memory_space<vmem>>, vector<16xf32>,
              tpu.vector_store %arg8[%parallel_loop3A_374, %parallel_loop3A_375], %parallel_loop3A_373 {add = true, strides = array<i32>} : memref<160x512xf32, #tpu.memory_space<vmem>>, vector<16xf32>,
              %parallel_loop3A_377 = arith.index_cast %parallel_loop3A_182 : i32 to index
              %parallel_loop3A_378 = arith.constant 432 : index
              %parallel_loop3A_379 = tpu.vector_load %arg18[%parallel_loop3A_377, %parallel_loop3A_378] {strides = array<i32>} : memref<8x768xf32, #tpu.memory_space<vmem>>, vector<16xf32>,
              %parallel_loop3A_380 = arith.mulf %parallel_loop3A_379, %parallel_loop3A_371 : vector<16xf32>
              %parallel_loop3A_381 = arith.mulf %parallel_loop3A_193, %parallel_loop3A_372 : vector<16xf32>
              %parallel_loop3A_382 = arith.addf %parallel_loop3A_380, %parallel_loop3A_381 : vector<16xf32>
              %parallel_loop3A_383 = arith.index_cast %parallel_loop3A_190 : i32 to index
              %parallel_loop3A_384 = arith.constant 176 : index
              %parallel_loop3A_385 = tpu.vector_load %arg8[%parallel_loop3A_383, %parallel_loop3A_384] {strides = array<i32>} : memref<160x512xf32, #tpu.memory_space<vmem>>, vector<16xf32>,
              tpu.vector_store %arg8[%parallel_loop3A_383, %parallel_loop3A_384], %parallel_loop3A_382 {add = true, strides = array<i32>} : memref<160x512xf32, #tpu.memory_space<vmem>>, vector<16xf32>,
              %parallel_loop3A_386 = arith.index_cast %parallel_loop3A_182 : i32 to index
              %parallel_loop3A_387 = arith.constant 560 : index
              %parallel_loop3A_388 = tpu.vector_load %arg18[%parallel_loop3A_386, %parallel_loop3A_387] {strides = array<i32>} : memref<8x768xf32, #tpu.memory_space<vmem>>, vector<16xf32>,
              %parallel_loop3A_389 = arith.mulf %parallel_loop3A_388, %parallel_loop3A_371 : vector<16xf32>
              %parallel_loop3A_390 = arith.mulf %parallel_loop3A_196, %parallel_loop3A_372 : vector<16xf32>
              %parallel_loop3A_391 = arith.addf %parallel_loop3A_389, %parallel_loop3A_390 : vector<16xf32>
              %parallel_loop3A_392 = arith.index_cast %parallel_loop3A_190 : i32 to index
              %parallel_loop3A_393 = arith.constant 304 : index
              %parallel_loop3A_394 = tpu.vector_load %arg8[%parallel_loop3A_392, %parallel_loop3A_393] {strides = array<i32>} : memref<160x512xf32, #tpu.memory_space<vmem>>, vector<16xf32>,
              tpu.vector_store %arg8[%parallel_loop3A_392, %parallel_loop3A_393], %parallel_loop3A_391 {add = true, strides = array<i32>} : memref<160x512xf32, #tpu.memory_space<vmem>>, vector<16xf32>,
              %parallel_loop3A_395 = arith.index_cast %parallel_loop3A_182 : i32 to index
              %parallel_loop3A_396 = arith.constant 688 : index
              %parallel_loop3A_397 = tpu.vector_load %arg18[%parallel_loop3A_395, %parallel_loop3A_396] {strides = array<i32>} : memref<8x768xf32, #tpu.memory_space<vmem>>, vector<16xf32>,
              %parallel_loop3A_398 = arith.mulf %parallel_loop3A_397, %parallel_loop3A_371 : vector<16xf32>
              %parallel_loop3A_399 = arith.mulf %parallel_loop3A_199, %parallel_loop3A_372 : vector<16xf32>
              %parallel_loop3A_400 = arith.addf %parallel_loop3A_398, %parallel_loop3A_399 : vector<16xf32>
              %parallel_loop3A_401 = arith.index_cast %parallel_loop3A_190 : i32 to index
              %parallel_loop3A_402 = arith.constant 432 : index
              %parallel_loop3A_403 = tpu.vector_load %arg8[%parallel_loop3A_401, %parallel_loop3A_402] {strides = array<i32>} : memref<160x512xf32, #tpu.memory_space<vmem>>, vector<16xf32>,
              tpu.vector_store %arg8[%parallel_loop3A_401, %parallel_loop3A_402], %parallel_loop3A_400 {add = true, strides = array<i32>} : memref<160x512xf32, #tpu.memory_space<vmem>>, vector<16xf32>,
              %parallel_loop3A_404 = arith.index_cast %parallel_loop3A_182 : i32 to index
              %parallel_loop3A_405 = arith.constant 64 : index
              %parallel_loop3A_406 = tpu.vector_load %arg18[%parallel_loop3A_404, %parallel_loop3A_405] {strides = array<i32>} : memref<8x768xf32, #tpu.memory_space<vmem>>, vector<16xf32>,
              %parallel_loop3A_407 = arith.index_cast %parallel_loop3A_182 : i32 to index
              %parallel_loop3A_408 = arith.constant 192 : index
              %parallel_loop3A_409 = tpu.vector_load %arg18[%parallel_loop3A_407, %parallel_loop3A_408] {strides = array<i32>} : memref<8x768xf32, #tpu.memory_space<vmem>>, vector<16xf32>,
              %parallel_loop3A_410 = arith.index_cast %parallel_loop3A_182 : i32 to index
              %parallel_loop3A_411 = arith.constant 320 : index
              %parallel_loop3A_412 = tpu.vector_load %arg18[%parallel_loop3A_410, %parallel_loop3A_411] {strides = array<i32>} : memref<8x768xf32, #tpu.memory_space<vmem>>, vector<16xf32>,
              %parallel_loop3A_413 = arith.index_cast %parallel_loop3A_182 : i32 to index
              %parallel_loop3A_414 = arith.constant 64 : index
              %parallel_loop3A_415 = tpu.vector_load %arg19[%parallel_loop3A_413, %parallel_loop3A_414] {strides = array<i32>} : memref<8x512xf32, #tpu.memory_space<vmem>>, vector<16xf32>,
              %parallel_loop3A_416 = arith.index_cast %parallel_loop3A_182 : i32 to index
              %parallel_loop3A_417 = arith.constant 192 : index
              %parallel_loop3A_418 = tpu.vector_load %arg19[%parallel_loop3A_416, %parallel_loop3A_417] {strides = array<i32>} : memref<8x512xf32, #tpu.memory_space<vmem>>, vector<16xf32>,
              %parallel_loop3A_419 = arith.index_cast %parallel_loop3A_182 : i32 to index
              %parallel_loop3A_420 = arith.constant 320 : index
              %parallel_loop3A_421 = tpu.vector_load %arg19[%parallel_loop3A_419, %parallel_loop3A_420] {strides = array<i32>} : memref<8x512xf32, #tpu.memory_space<vmem>>, vector<16xf32>,
              %parallel_loop3A_422 = arith.mulf %parallel_loop3A_409, %parallel_loop3A_418 : vector<16xf32>
              %parallel_loop3A_423 = arith.mulf %parallel_loop3A_412, %parallel_loop3A_421 : vector<16xf32>
              %parallel_loop3A_424 = arith.mulf %parallel_loop3A_406, %parallel_loop3A_415 : vector<16xf32>
              %parallel_loop3A_425 = arith.index_cast %parallel_loop3A_190 : i32 to index
              %parallel_loop3A_426 = arith.constant 64 : index
              %parallel_loop3A_427 = tpu.vector_load %arg8[%parallel_loop3A_425, %parallel_loop3A_426] {strides = array<i32>} : memref<160x512xf32, #tpu.memory_space<vmem>>, vector<16xf32>,
              tpu.vector_store %arg8[%parallel_loop3A_425, %parallel_loop3A_426], %parallel_loop3A_424 {add = true, strides = array<i32>} : memref<160x512xf32, #tpu.memory_space<vmem>>, vector<16xf32>,
              %parallel_loop3A_428 = arith.index_cast %parallel_loop3A_182 : i32 to index
              %parallel_loop3A_429 = arith.constant 448 : index
              %parallel_loop3A_430 = tpu.vector_load %arg18[%parallel_loop3A_428, %parallel_loop3A_429] {strides = array<i32>} : memref<8x768xf32, #tpu.memory_space<vmem>>, vector<16xf32>,
              %parallel_loop3A_431 = arith.mulf %parallel_loop3A_430, %parallel_loop3A_422 : vector<16xf32>
              %parallel_loop3A_432 = arith.mulf %parallel_loop3A_193, %parallel_loop3A_423 : vector<16xf32>
              %parallel_loop3A_433 = arith.addf %parallel_loop3A_431, %parallel_loop3A_432 : vector<16xf32>
              %parallel_loop3A_434 = arith.index_cast %parallel_loop3A_190 : i32 to index
              %parallel_loop3A_435 = arith.constant 192 : index
              %parallel_loop3A_436 = tpu.vector_load %arg8[%parallel_loop3A_434, %parallel_loop3A_435] {strides = array<i32>} : memref<160x512xf32, #tpu.memory_space<vmem>>, vector<16xf32>,
              tpu.vector_store %arg8[%parallel_loop3A_434, %parallel_loop3A_435], %parallel_loop3A_433 {add = true, strides = array<i32>} : memref<160x512xf32, #tpu.memory_space<vmem>>, vector<16xf32>,
              %parallel_loop3A_437 = arith.index_cast %parallel_loop3A_182 : i32 to index
              %parallel_loop3A_438 = arith.constant 576 : index
              %parallel_loop3A_439 = tpu.vector_load %arg18[%parallel_loop3A_437, %parallel_loop3A_438] {strides = array<i32>} : memref<8x768xf32, #tpu.memory_space<vmem>>, vector<16xf32>,
              %parallel_loop3A_440 = arith.mulf %parallel_loop3A_439, %parallel_loop3A_422 : vector<16xf32>
              %parallel_loop3A_441 = arith.mulf %parallel_loop3A_196, %parallel_loop3A_423 : vector<16xf32>
              %parallel_loop3A_442 = arith.addf %parallel_loop3A_440, %parallel_loop3A_441 : vector<16xf32>
              %parallel_loop3A_443 = arith.index_cast %parallel_loop3A_190 : i32 to index
              %parallel_loop3A_444 = arith.constant 320 : index
              %parallel_loop3A_445 = tpu.vector_load %arg8[%parallel_loop3A_443, %parallel_loop3A_444] {strides = array<i32>} : memref<160x512xf32, #tpu.memory_space<vmem>>, vector<16xf32>,
              tpu.vector_store %arg8[%parallel_loop3A_443, %parallel_loop3A_444], %parallel_loop3A_442 {add = true, strides = array<i32>} : memref<160x512xf32, #tpu.memory_space<vmem>>, vector<16xf32>,
              %parallel_loop3A_446 = arith.index_cast %parallel_loop3A_182 : i32 to index
              %parallel_loop3A_447 = arith.constant 704 : index
              %parallel_loop3A_448 = tpu.vector_load %arg18[%parallel_loop3A_446, %parallel_loop3A_447] {strides = array<i32>} : memref<8x768xf32, #tpu.memory_space<vmem>>, vector<16xf32>,
              %parallel_loop3A_449 = arith.mulf %parallel_loop3A_448, %parallel_loop3A_422 : vector<16xf32>
              %parallel_loop3A_450 = arith.mulf %parallel_loop3A_199, %parallel_loop3A_423 : vector<16xf32>
              %parallel_loop3A_451 = arith.addf %parallel_loop3A_449, %parallel_loop3A_450 : vector<16xf32>
              %parallel_loop3A_452 = arith.index_cast %parallel_loop3A_190 : i32 to index
              %parallel_loop3A_453 = arith.constant 448 : index
              %parallel_loop3A_454 = tpu.vector_load %arg8[%parallel_loop3A_452, %parallel_loop3A_453] {strides = array<i32>} : memref<160x512xf32, #tpu.memory_space<vmem>>, vector<16xf32>,
              tpu.vector_store %arg8[%parallel_loop3A_452, %parallel_loop3A_453], %parallel_loop3A_451 {add = true, strides = array<i32>} : memref<160x512xf32, #tpu.memory_space<vmem>>, vector<16xf32>,
              %parallel_loop3A_455 = arith.index_cast %parallel_loop3A_182 : i32 to index
              %parallel_loop3A_456 = arith.constant 80 : index
              %parallel_loop3A_457 = tpu.vector_load %arg18[%parallel_loop3A_455, %parallel_loop3A_456] {strides = array<i32>} : memref<8x768xf32, #tpu.memory_space<vmem>>, vector<16xf32>,
              %parallel_loop3A_458 = arith.index_cast %parallel_loop3A_182 : i32 to index
              %parallel_loop3A_459 = arith.constant 208 : index
              %parallel_loop3A_460 = tpu.vector_load %arg18[%parallel_loop3A_458, %parallel_loop3A_459] {strides = array<i32>} : memref<8x768xf32, #tpu.memory_space<vmem>>, vector<16xf32>,
              %parallel_loop3A_461 = arith.index_cast %parallel_loop3A_182 : i32 to index
              %parallel_loop3A_462 = arith.constant 336 : index
              %parallel_loop3A_463 = tpu.vector_load %arg18[%parallel_loop3A_461, %parallel_loop3A_462] {strides = array<i32>} : memref<8x768xf32, #tpu.memory_space<vmem>>, vector<16xf32>,
              %parallel_loop3A_464 = arith.index_cast %parallel_loop3A_182 : i32 to index
              %parallel_loop3A_465 = arith.constant 80 : index
              %parallel_loop3A_466 = tpu.vector_load %arg19[%parallel_loop3A_464, %parallel_loop3A_465] {strides = array<i32>} : memref<8x512xf32, #tpu.memory_space<vmem>>, vector<16xf32>,
              %parallel_loop3A_467 = arith.index_cast %parallel_loop3A_182 : i32 to index
              %parallel_loop3A_468 = arith.constant 208 : index
              %parallel_loop3A_469 = tpu.vector_load %arg19[%parallel_loop3A_467, %parallel_loop3A_468] {strides = array<i32>} : memref<8x512xf32, #tpu.memory_space<vmem>>, vector<16xf32>,
              %parallel_loop3A_470 = arith.index_cast %parallel_loop3A_182 : i32 to index
              %parallel_loop3A_471 = arith.constant 336 : index
              %parallel_loop3A_472 = tpu.vector_load %arg19[%parallel_loop3A_470, %parallel_loop3A_471] {strides = array<i32>} : memref<8x512xf32, #tpu.memory_space<vmem>>, vector<16xf32>,
              %parallel_loop3A_473 = arith.mulf %parallel_loop3A_460, %parallel_loop3A_469 : vector<16xf32>
              %parallel_loop3A_474 = arith.mulf %parallel_loop3A_463, %parallel_loop3A_472 : vector<16xf32>
              %parallel_loop3A_475 = arith.mulf %parallel_loop3A_457, %parallel_loop3A_466 : vector<16xf32>
              %parallel_loop3A_476 = arith.index_cast %parallel_loop3A_190 : i32 to index
              %parallel_loop3A_477 = arith.constant 80 : index
              %parallel_loop3A_478 = tpu.vector_load %arg8[%parallel_loop3A_476, %parallel_loop3A_477] {strides = array<i32>} : memref<160x512xf32, #tpu.memory_space<vmem>>, vector<16xf32>,
              tpu.vector_store %arg8[%parallel_loop3A_476, %parallel_loop3A_477], %parallel_loop3A_475 {add = true, strides = array<i32>} : memref<160x512xf32, #tpu.memory_space<vmem>>, vector<16xf32>,
              %parallel_loop3A_479 = arith.index_cast %parallel_loop3A_182 : i32 to index
              %parallel_loop3A_480 = arith.constant 464 : index
              %parallel_loop3A_481 = tpu.vector_load %arg18[%parallel_loop3A_479, %parallel_loop3A_480] {strides = array<i32>} : memref<8x768xf32, #tpu.memory_space<vmem>>, vector<16xf32>,
              %parallel_loop3A_482 = arith.mulf %parallel_loop3A_481, %parallel_loop3A_473 : vector<16xf32>
              %parallel_loop3A_483 = arith.mulf %parallel_loop3A_193, %parallel_loop3A_474 : vector<16xf32>
              %parallel_loop3A_484 = arith.addf %parallel_loop3A_482, %parallel_loop3A_483 : vector<16xf32>
              %parallel_loop3A_485 = arith.index_cast %parallel_loop3A_190 : i32 to index
              %parallel_loop3A_486 = arith.constant 208 : index
              %parallel_loop3A_487 = tpu.vector_load %arg8[%parallel_loop3A_485, %parallel_loop3A_486] {strides = array<i32>} : memref<160x512xf32, #tpu.memory_space<vmem>>, vector<16xf32>,
              tpu.vector_store %arg8[%parallel_loop3A_485, %parallel_loop3A_486], %parallel_loop3A_484 {add = true, strides = array<i32>} : memref<160x512xf32, #tpu.memory_space<vmem>>, vector<16xf32>,
              %parallel_loop3A_488 = arith.index_cast %parallel_loop3A_182 : i32 to index
              %parallel_loop3A_489 = arith.constant 592 : index
              %parallel_loop3A_490 = tpu.vector_load %arg18[%parallel_loop3A_488, %parallel_loop3A_489] {strides = array<i32>} : memref<8x768xf32, #tpu.memory_space<vmem>>, vector<16xf32>,
              %parallel_loop3A_491 = arith.mulf %parallel_loop3A_490, %parallel_loop3A_473 : vector<16xf32>
              %parallel_loop3A_492 = arith.mulf %parallel_loop3A_196, %parallel_loop3A_474 : vector<16xf32>
              %parallel_loop3A_493 = arith.addf %parallel_loop3A_491, %parallel_loop3A_492 : vector<16xf32>
              %parallel_loop3A_494 = arith.index_cast %parallel_loop3A_190 : i32 to index
              %parallel_loop3A_495 = arith.constant 336 : index
              %parallel_loop3A_496 = tpu.vector_load %arg8[%parallel_loop3A_494, %parallel_loop3A_495] {strides = array<i32>} : memref<160x512xf32, #tpu.memory_space<vmem>>, vector<16xf32>,
              tpu.vector_store %arg8[%parallel_loop3A_494, %parallel_loop3A_495], %parallel_loop3A_493 {add = true, strides = array<i32>} : memref<160x512xf32, #tpu.memory_space<vmem>>, vector<16xf32>,
              %parallel_loop3A_497 = arith.index_cast %parallel_loop3A_182 : i32 to index
              %parallel_loop3A_498 = arith.constant 720 : index
              %parallel_loop3A_499 = tpu.vector_load %arg18[%parallel_loop3A_497, %parallel_loop3A_498] {strides = array<i32>} : memref<8x768xf32, #tpu.memory_space<vmem>>, vector<16xf32>,
              %parallel_loop3A_500 = arith.mulf %parallel_loop3A_499, %parallel_loop3A_473 : vector<16xf32>
              %parallel_loop3A_501 = arith.mulf %parallel_loop3A_199, %parallel_loop3A_474 : vector<16xf32>
              %parallel_loop3A_502 = arith.addf %parallel_loop3A_500, %parallel_loop3A_501 : vector<16xf32>
              %parallel_loop3A_503 = arith.index_cast %parallel_loop3A_190 : i32 to index
              %parallel_loop3A_504 = arith.constant 464 : index
              %parallel_loop3A_505 = tpu.vector_load %arg8[%parallel_loop3A_503, %parallel_loop3A_504] {strides = array<i32>} : memref<160x512xf32, #tpu.memory_space<vmem>>, vector<16xf32>,
              tpu.vector_store %arg8[%parallel_loop3A_503, %parallel_loop3A_504], %parallel_loop3A_502 {add = true, strides = array<i32>} : memref<160x512xf32, #tpu.memory_space<vmem>>, vector<16xf32>,
              %parallel_loop3A_506 = arith.index_cast %parallel_loop3A_182 : i32 to index
              %parallel_loop3A_507 = arith.constant 96 : index
              %parallel_loop3A_508 = tpu.vector_load %arg18[%parallel_loop3A_506, %parallel_loop3A_507] {strides = array<i32>} : memref<8x768xf32, #tpu.memory_space<vmem>>, vector<16xf32>,
              %parallel_loop3A_509 = arith.index_cast %parallel_loop3A_182 : i32 to index
              %parallel_loop3A_510 = arith.constant 224 : index
              %parallel_loop3A_511 = tpu.vector_load %arg18[%parallel_loop3A_509, %parallel_loop3A_510] {strides = array<i32>} : memref<8x768xf32, #tpu.memory_space<vmem>>, vector<16xf32>,
              %parallel_loop3A_512 = arith.index_cast %parallel_loop3A_182 : i32 to index
              %parallel_loop3A_513 = arith.constant 352 : index
              %parallel_loop3A_514 = tpu.vector_load %arg18[%parallel_loop3A_512, %parallel_loop3A_513] {strides = array<i32>} : memref<8x768xf32, #tpu.memory_space<vmem>>, vector<16xf32>,
              %parallel_loop3A_515 = arith.index_cast %parallel_loop3A_182 : i32 to index
              %parallel_loop3A_516 = arith.constant 96 : index
              %parallel_loop3A_517 = tpu.vector_load %arg19[%parallel_loop3A_515, %parallel_loop3A_516] {strides = array<i32>} : memref<8x512xf32, #tpu.memory_space<vmem>>, vector<16xf32>,
              %parallel_loop3A_518 = arith.index_cast %parallel_loop3A_182 : i32 to index
              %parallel_loop3A_519 = arith.constant 224 : index
              %parallel_loop3A_520 = tpu.vector_load %arg19[%parallel_loop3A_518, %parallel_loop3A_519] {strides = array<i32>} : memref<8x512xf32, #tpu.memory_space<vmem>>, vector<16xf32>,
              %parallel_loop3A_521 = arith.index_cast %parallel_loop3A_182 : i32 to index
              %parallel_loop3A_522 = arith.constant 352 : index
              %parallel_loop3A_523 = tpu.vector_load %arg19[%parallel_loop3A_521, %parallel_loop3A_522] {strides = array<i32>} : memref<8x512xf32, #tpu.memory_space<vmem>>, vector<16xf32>,
              %parallel_loop3A_524 = arith.mulf %parallel_loop3A_511, %parallel_loop3A_520 : vector<16xf32>
              %parallel_loop3A_525 = arith.mulf %parallel_loop3A_514, %parallel_loop3A_523 : vector<16xf32>
              %parallel_loop3A_526 = arith.mulf %parallel_loop3A_508, %parallel_loop3A_517 : vector<16xf32>
              %parallel_loop3A_527 = arith.index_cast %parallel_loop3A_190 : i32 to index
              %parallel_loop3A_528 = arith.constant 96 : index
              %parallel_loop3A_529 = tpu.vector_load %arg8[%parallel_loop3A_527, %parallel_loop3A_528] {strides = array<i32>} : memref<160x512xf32, #tpu.memory_space<vmem>>, vector<16xf32>,
              tpu.vector_store %arg8[%parallel_loop3A_527, %parallel_loop3A_528], %parallel_loop3A_526 {add = true, strides = array<i32>} : memref<160x512xf32, #tpu.memory_space<vmem>>, vector<16xf32>,
              %parallel_loop3A_530 = arith.index_cast %parallel_loop3A_182 : i32 to index
              %parallel_loop3A_531 = arith.constant 480 : index
              %parallel_loop3A_532 = tpu.vector_load %arg18[%parallel_loop3A_530, %parallel_loop3A_531] {strides = array<i32>} : memref<8x768xf32, #tpu.memory_space<vmem>>, vector<16xf32>,
              %parallel_loop3A_533 = arith.mulf %parallel_loop3A_532, %parallel_loop3A_524 : vector<16xf32>
              %parallel_loop3A_534 = arith.mulf %parallel_loop3A_193, %parallel_loop3A_525 : vector<16xf32>
              %parallel_loop3A_535 = arith.addf %parallel_loop3A_533, %parallel_loop3A_534 : vector<16xf32>
              %parallel_loop3A_536 = arith.index_cast %parallel_loop3A_190 : i32 to index
              %parallel_loop3A_537 = arith.constant 224 : index
              %parallel_loop3A_538 = tpu.vector_load %arg8[%parallel_loop3A_536, %parallel_loop3A_537] {strides = array<i32>} : memref<160x512xf32, #tpu.memory_space<vmem>>, vector<16xf32>,
              tpu.vector_store %arg8[%parallel_loop3A_536, %parallel_loop3A_537], %parallel_loop3A_535 {add = true, strides = array<i32>} : memref<160x512xf32, #tpu.memory_space<vmem>>, vector<16xf32>,
              %parallel_loop3A_539 = arith.index_cast %parallel_loop3A_182 : i32 to index
              %parallel_loop3A_540 = arith.constant 608 : index
              %parallel_loop3A_541 = tpu.vector_load %arg18[%parallel_loop3A_539, %parallel_loop3A_540] {strides = array<i32>} : memref<8x768xf32, #tpu.memory_space<vmem>>, vector<16xf32>,
              %parallel_loop3A_542 = arith.mulf %parallel_loop3A_541, %parallel_loop3A_524 : vector<16xf32>
              %parallel_loop3A_543 = arith.mulf %parallel_loop3A_196, %parallel_loop3A_525 : vector<16xf32>
              %parallel_loop3A_544 = arith.addf %parallel_loop3A_542, %parallel_loop3A_543 : vector<16xf32>
              %parallel_loop3A_545 = arith.index_cast %parallel_loop3A_190 : i32 to index
              %parallel_loop3A_546 = arith.constant 352 : index
              %parallel_loop3A_547 = tpu.vector_load %arg8[%parallel_loop3A_545, %parallel_loop3A_546] {strides = array<i32>} : memref<160x512xf32, #tpu.memory_space<vmem>>, vector<16xf32>,
              tpu.vector_store %arg8[%parallel_loop3A_545, %parallel_loop3A_546], %parallel_loop3A_544 {add = true, strides = array<i32>} : memref<160x512xf32, #tpu.memory_space<vmem>>, vector<16xf32>,
              %parallel_loop3A_548 = arith.index_cast %parallel_loop3A_182 : i32 to index
              %parallel_loop3A_549 = arith.constant 736 : index
              %parallel_loop3A_550 = tpu.vector_load %arg18[%parallel_loop3A_548, %parallel_loop3A_549] {strides = array<i32>} : memref<8x768xf32, #tpu.memory_space<vmem>>, vector<16xf32>,
              %parallel_loop3A_551 = arith.mulf %parallel_loop3A_550, %parallel_loop3A_524 : vector<16xf32>
              %parallel_loop3A_552 = arith.mulf %parallel_loop3A_199, %parallel_loop3A_525 : vector<16xf32>
              %parallel_loop3A_553 = arith.addf %parallel_loop3A_551, %parallel_loop3A_552 : vector<16xf32>
              %parallel_loop3A_554 = arith.index_cast %parallel_loop3A_190 : i32 to index
              %parallel_loop3A_555 = arith.constant 480 : index
              %parallel_loop3A_556 = tpu.vector_load %arg8[%parallel_loop3A_554, %parallel_loop3A_555] {strides = array<i32>} : memref<160x512xf32, #tpu.memory_space<vmem>>, vector<16xf32>,
              tpu.vector_store %arg8[%parallel_loop3A_554, %parallel_loop3A_555], %parallel_loop3A_553 {add = true, strides = array<i32>} : memref<160x512xf32, #tpu.memory_space<vmem>>, vector<16xf32>,
              %parallel_loop3A_557 = arith.index_cast %parallel_loop3A_182 : i32 to index
              %parallel_loop3A_558 = arith.constant 112 : index
              %parallel_loop3A_559 = tpu.vector_load %arg18[%parallel_loop3A_557, %parallel_loop3A_558] {strides = array<i32>} : memref<8x768xf32, #tpu.memory_space<vmem>>, vector<16xf32>,
              %parallel_loop3A_560 = arith.index_cast %parallel_loop3A_182 : i32 to index
              %parallel_loop3A_561 = arith.constant 240 : index
              %parallel_loop3A_562 = tpu.vector_load %arg18[%parallel_loop3A_560, %parallel_loop3A_561] {strides = array<i32>} : memref<8x768xf32, #tpu.memory_space<vmem>>, vector<16xf32>,
              %parallel_loop3A_563 = arith.index_cast %parallel_loop3A_182 : i32 to index
              %parallel_loop3A_564 = arith.constant 368 : index
              %parallel_loop3A_565 = tpu.vector_load %arg18[%parallel_loop3A_563, %parallel_loop3A_564] {strides = array<i32>} : memref<8x768xf32, #tpu.memory_space<vmem>>, vector<16xf32>,
              %parallel_loop3A_566 = arith.index_cast %parallel_loop3A_182 : i32 to index
              %parallel_loop3A_567 = arith.constant 112 : index
              %parallel_loop3A_568 = tpu.vector_load %arg19[%parallel_loop3A_566, %parallel_loop3A_567] {strides = array<i32>} : memref<8x512xf32, #tpu.memory_space<vmem>>, vector<16xf32>,
              %parallel_loop3A_569 = arith.index_cast %parallel_loop3A_182 : i32 to index
              %parallel_loop3A_570 = arith.constant 240 : index
              %parallel_loop3A_571 = tpu.vector_load %arg19[%parallel_loop3A_569, %parallel_loop3A_570] {strides = array<i32>} : memref<8x512xf32, #tpu.memory_space<vmem>>, vector<16xf32>,
              %parallel_loop3A_572 = arith.index_cast %parallel_loop3A_182 : i32 to index
              %parallel_loop3A_573 = arith.constant 368 : index
              %parallel_loop3A_574 = tpu.vector_load %arg19[%parallel_loop3A_572, %parallel_loop3A_573] {strides = array<i32>} : memref<8x512xf32, #tpu.memory_space<vmem>>, vector<16xf32>,
              %parallel_loop3A_575 = arith.mulf %parallel_loop3A_562, %parallel_loop3A_571 : vector<16xf32>
              %parallel_loop3A_576 = arith.mulf %parallel_loop3A_565, %parallel_loop3A_574 : vector<16xf32>
              %parallel_loop3A_577 = arith.mulf %parallel_loop3A_559, %parallel_loop3A_568 : vector<16xf32>
              %parallel_loop3A_578 = arith.index_cast %parallel_loop3A_190 : i32 to index
              %parallel_loop3A_579 = arith.constant 112 : index
              %parallel_loop3A_580 = tpu.vector_load %arg8[%parallel_loop3A_578, %parallel_loop3A_579] {strides = array<i32>} : memref<160x512xf32, #tpu.memory_space<vmem>>, vector<16xf32>,
              tpu.vector_store %arg8[%parallel_loop3A_578, %parallel_loop3A_579], %parallel_loop3A_577 {add = true, strides = array<i32>} : memref<160x512xf32, #tpu.memory_space<vmem>>, vector<16xf32>,
              %parallel_loop3A_581 = arith.index_cast %parallel_loop3A_182 : i32 to index
              %parallel_loop3A_582 = arith.constant 496 : index
              %parallel_loop3A_583 = tpu.vector_load %arg18[%parallel_loop3A_581, %parallel_loop3A_582] {strides = array<i32>} : memref<8x768xf32, #tpu.memory_space<vmem>>, vector<16xf32>,
              %parallel_loop3A_584 = arith.mulf %parallel_loop3A_583, %parallel_loop3A_575 : vector<16xf32>
              %parallel_loop3A_585 = arith.mulf %parallel_loop3A_193, %parallel_loop3A_576 : vector<16xf32>
              %parallel_loop3A_586 = arith.addf %parallel_loop3A_584, %parallel_loop3A_585 : vector<16xf32>
              %parallel_loop3A_587 = arith.index_cast %parallel_loop3A_190 : i32 to index
              %parallel_loop3A_588 = arith.constant 240 : index
              %parallel_loop3A_589 = tpu.vector_load %arg8[%parallel_loop3A_587, %parallel_loop3A_588] {strides = array<i32>} : memref<160x512xf32, #tpu.memory_space<vmem>>, vector<16xf32>,
              tpu.vector_store %arg8[%parallel_loop3A_587, %parallel_loop3A_588], %parallel_loop3A_586 {add = true, strides = array<i32>} : memref<160x512xf32, #tpu.memory_space<vmem>>, vector<16xf32>,
              %parallel_loop3A_590 = arith.index_cast %parallel_loop3A_182 : i32 to index
              %parallel_loop3A_591 = arith.constant 624 : index
              %parallel_loop3A_592 = tpu.vector_load %arg18[%parallel_loop3A_590, %parallel_loop3A_591] {strides = array<i32>} : memref<8x768xf32, #tpu.memory_space<vmem>>, vector<16xf32>,
              %parallel_loop3A_593 = arith.mulf %parallel_loop3A_592, %parallel_loop3A_575 : vector<16xf32>
              %parallel_loop3A_594 = arith.mulf %parallel_loop3A_196, %parallel_loop3A_576 : vector<16xf32>
              %parallel_loop3A_595 = arith.addf %parallel_loop3A_593, %parallel_loop3A_594 : vector<16xf32>
              %parallel_loop3A_596 = arith.index_cast %parallel_loop3A_190 : i32 to index
              %parallel_loop3A_597 = arith.constant 368 : index
              %parallel_loop3A_598 = tpu.vector_load %arg8[%parallel_loop3A_596, %parallel_loop3A_597] {strides = array<i32>} : memref<160x512xf32, #tpu.memory_space<vmem>>, vector<16xf32>,
              tpu.vector_store %arg8[%parallel_loop3A_596, %parallel_loop3A_597], %parallel_loop3A_595 {add = true, strides = array<i32>} : memref<160x512xf32, #tpu.memory_space<vmem>>, vector<16xf32>,
              %parallel_loop3A_599 = arith.index_cast %parallel_loop3A_182 : i32 to index
              %parallel_loop3A_600 = arith.constant 752 : index
              %parallel_loop3A_601 = tpu.vector_load %arg18[%parallel_loop3A_599, %parallel_loop3A_600] {strides = array<i32>} : memref<8x768xf32, #tpu.memory_space<vmem>>, vector<16xf32>,
              %parallel_loop3A_602 = arith.mulf %parallel_loop3A_601, %parallel_loop3A_575 : vector<16xf32>
              %parallel_loop3A_603 = arith.mulf %parallel_loop3A_199, %parallel_loop3A_576 : vector<16xf32>
              %parallel_loop3A_604 = arith.addf %parallel_loop3A_602, %parallel_loop3A_603 : vector<16xf32>
              %parallel_loop3A_605 = arith.index_cast %parallel_loop3A_190 : i32 to index
              %parallel_loop3A_606 = arith.constant 496 : index
              %parallel_loop3A_607 = tpu.vector_load %arg8[%parallel_loop3A_605, %parallel_loop3A_606] {strides = array<i32>} : memref<160x512xf32, #tpu.memory_space<vmem>>, vector<16xf32>,
              tpu.vector_store %arg8[%parallel_loop3A_605, %parallel_loop3A_606], %parallel_loop3A_604 {add = true, strides = array<i32>} : memref<160x512xf32, #tpu.memory_space<vmem>>, vector<16xf32>,
            } {sc.loop_unroll_factor = 6 : i64, sc.parallel_access}
          } else {
          }
          %while3A_162 = arith.constant 0 : i32
          scf.yield %while3A_162 : i32
        }
        %scan3A_117 = arith.constant 0 : i32
        scf.yield %scan3A_117 : i32
      }
      %scan3A_28 = arith.constant 100 : i32
      "tpu.region"() ({
        %run_scoped3A = tpu.sem_alloc : memref<!tpu.dma_semaphore, #tpu.memory_space<semaphore_mem>>
        %dma_start3A_30 = arith.constant 0 : i32
        %dma_start3A_31 = tpu.memref_slice %arg7[%mul3A_14, %dma_start3A_30] : memref<10240x512xf32, #tpu.memory_space<hbm>> -> memref<160x512xf32, #tpu.memory_space<hbm>>
        %dma_start3A_32 = arith.constant 0 : i32
        %dma_start3A_33 = tpu.memref_slice %arg7[%mul3A_14, %dma_start3A_32] : memref<10240x512xf32, #tpu.memory_space<hbm>> -> memref<160x512xf32, #tpu.memory_space<hbm>>
        tpu.enqueue_dma source(%arg8 : memref<160x512xf32, #tpu.memory_space<vmem>>) target(%dma_start3A_33 : memref<160x512xf32, #tpu.memory_space<hbm>>) target_semaphore(%run_scoped3A : memref<!tpu.dma_semaphore, #tpu.memory_space<semaphore_mem>>)
        %dma_wait3A = arith.constant 0 : i32
        %dma_wait3A_34 = tpu.memref_slice %arg7[%mul3A_14, %dma_wait3A] : memref<10240x512xf32, #tpu.memory_space<hbm>> -> memref<160x512xf32, #tpu.memory_space<hbm>>
        %dma_wait3A_35 = arith.constant 0 : i32
        %dma_wait3A_36 = tpu.memref_slice %arg7[%mul3A_14, %dma_wait3A_35] : memref<10240x512xf32, #tpu.memory_space<hbm>> -> memref<160x512xf32, #tpu.memory_space<hbm>>
        tpu.wait_dma2 semaphore(%run_scoped3A : memref<!tpu.dma_semaphore, #tpu.memory_space<semaphore_mem>>) src(%arg8 : memref<160x512xf32, #tpu.memory_space<vmem>>) dst(%dma_wait3A_36 : memref<160x512xf32, #tpu.memory_space<hbm>>)
        tpu.yield
      }) : () -> ()
      %scan3A_29 = arith.constant 0 : i32
      scf.yield %scan3A_29 : i32
    }
    %scan3A_6 = arith.constant 2 : i32
    return
  }
}

module attributes {stable_mosaic.version = 14 : i64} {
  func.func @_edge_body(%arg0: i32, %arg1: memref<3200x32xf32, #tpu.memory_space<vmem>>, %arg2: memref<32x384xf32, #tpu.memory_space<vmem>>, %arg3: memref<384xf32, #tpu.memory_space<vmem>>, %arg4: memref<3200x16xf32, #tpu.memory_space<vmem>>, %arg5: memref<3200x512xf32, #tpu.memory_space<vmem>>) attributes {dimension_semantics = [#tpu.dimension_semantics<arbitrary>], iteration_bounds = array<i64: 100>, scalar_prefetch = 0 : i64, scratch_operands = 0 : i64, tpu.core_type = #tpu.core_type<tc>, window_params = [{transform_indices = @transform_0, window_bounds = array<i64: 3200, 32>}, {pipeline_mode = #tpu.pipeline_mode<synchronous>, transform_indices = @transform_1, window_bounds = array<i64: 32, 384>}, {pipeline_mode = #tpu.pipeline_mode<synchronous>, transform_indices = @transform_2, window_bounds = array<i64: 384>}, {transform_indices = @transform_3, window_bounds = array<i64: 3200, 16>}, {transform_indices = @transform_4, window_bounds = array<i64: 3200, 512>}]} {
    %get3A = arith.constant 0 : index
    %get3A_0 = arith.constant 0 : index
    %get3A_1 = vector.load %arg1[%get3A, %get3A_0] : memref<3200x32xf32, #tpu.memory_space<vmem>>, vector<3200x32xf32>
    %get3A_2 = arith.constant 0 : index
    %get3A_3 = arith.constant 0 : index
    %get3A_4 = vector.load %arg2[%get3A_2, %get3A_3] : memref<32x384xf32, #tpu.memory_space<vmem>>, vector<32x384xf32>
    %dot_general3A = arith.constant dense<0.000000e+00> : vector<3200x384xf32>
    %dot_general3A_5 = tpu.matmul %get3A_1, %get3A_4, %dot_general3A {dimension_numbers = #tpu.dot_dimension_numbers<[1], [0], [0], [1], [0, 0, 1, 1], [], []>, transpose_lhs_hint = false} : vector<3200x32xf32>, vector<32x384xf32>, vector<3200x384xf32> -> vector<3200x384xf32>
    %get3A_6 = arith.constant 0 : index
    %get3A_7 = vector.load %arg3[%get3A_6] : memref<384xf32, #tpu.memory_space<vmem>>, vector<384xf32>
    %broadcast_in_dim3A = vector.shape_cast %get3A_7 : vector<384xf32> to vector<1x384xf32>
    %add3A = vector.broadcast %broadcast_in_dim3A : vector<1x384xf32> to vector<3200x384xf32>
    %add3A_8 = arith.addf %dot_general3A_5, %add3A : vector<3200x384xf32>
    %swap3A = arith.constant 0 : index
    %swap3A_9 = arith.constant 0 : index
    %swap3A_10 = vector.load %arg5[%swap3A, %swap3A_9] : memref<3200x512xf32, #tpu.memory_space<vmem>>, vector<3200x384xf32>
    tpu.vector_store %arg5[%swap3A, %swap3A_9], %add3A_8 {strides = array<i32>} : memref<3200x512xf32, #tpu.memory_space<vmem>>, vector<3200x384xf32>,
    %get3A_11 = arith.constant 0 : index
    %get3A_12 = arith.constant 0 : index
    %get3A_13 = vector.load %arg4[%get3A_11, %get3A_12] : memref<3200x16xf32, #tpu.memory_space<vmem>>, vector<3200x16xf32>
    %swap3A_14 = arith.constant 0 : index
    %swap3A_15 = arith.constant 384 : index
    %swap3A_16 = vector.load %arg5[%swap3A_14, %swap3A_15] : memref<3200x512xf32, #tpu.memory_space<vmem>>, vector<3200x16xf32>
    tpu.vector_store %arg5[%swap3A_14, %swap3A_15], %get3A_13 {strides = array<i32>} : memref<3200x512xf32, #tpu.memory_space<vmem>>, vector<3200x16xf32>,
    %broadcast_in_dim3A_17 = arith.constant 0.000000e+00 : f32
    %broadcast_in_dim3A_18 = vector.broadcast %broadcast_in_dim3A_17 : f32 to vector<3200x112xf32>
    %swap3A_19 = arith.constant 0 : index
    %swap3A_20 = arith.constant 400 : index
    %swap3A_21 = vector.load %arg5[%swap3A_19, %swap3A_20] : memref<3200x512xf32, #tpu.memory_space<vmem>>, vector<3200x112xf32>
    tpu.vector_store %arg5[%swap3A_19, %swap3A_20], %broadcast_in_dim3A_18 {strides = array<i32>} : memref<3200x512xf32, #tpu.memory_space<vmem>>, vector<3200x112xf32>,
    return
  }
  func.func @transform_0(%arg0: i32) -> (i32, i32) {
    %c0_i32 = arith.constant 0 : i32
    %c0_i32_0 = arith.constant 0 : i32
    return %arg0, %c0_i32 : i32, i32
  }
  func.func @transform_1(%arg0: i32) -> (i32, i32) {
    %c0_i32 = arith.constant 0 : i32
    %c0_i32_0 = arith.constant 0 : i32
    %c0_i32_1 = arith.constant 0 : i32
    return %c0_i32, %c0_i32_0 : i32, i32
  }
  func.func @transform_2(%arg0: i32) -> i32 {
    %c0_i32 = arith.constant 0 : i32
    %c0_i32_0 = arith.constant 0 : i32
    return %c0_i32 : i32
  }
  func.func @transform_3(%arg0: i32) -> (i32, i32) {
    %c0_i32 = arith.constant 0 : i32
    %c0_i32_0 = arith.constant 0 : i32
    return %arg0, %c0_i32 : i32, i32
  }
  func.func @transform_4(%arg0: i32) -> (i32, i32) {
    %c0_i32 = arith.constant 0 : i32
    %c0_i32_0 = arith.constant 0 : i32
    return %arg0, %c0_i32 : i32, i32
  }
}

module attributes {stable_mosaic.version = 14 : i64} {
  func.func @_node_body(%arg0: i32, %arg1: memref<1024x128xf32, #tpu.memory_space<vmem>>, %arg2: memref<1024x384xf32, #tpu.memory_space<vmem>>, %arg3: memref<128x128xf32, #tpu.memory_space<vmem>>, %arg4: memref<128xf32, #tpu.memory_space<vmem>>, %arg5: memref<128x384xf32, #tpu.memory_space<vmem>>, %arg6: memref<384xf32, #tpu.memory_space<vmem>>, %arg7: memref<128xf32, #tpu.memory_space<vmem>>, %arg8: memref<128xf32, #tpu.memory_space<vmem>>, %arg9: memref<1024x768xf32, #tpu.memory_space<vmem>>) attributes {dimension_semantics = [#tpu.dimension_semantics<arbitrary>], iteration_bounds = array<i64: 10>, scalar_prefetch = 0 : i64, scratch_operands = 0 : i64, tpu.core_type = #tpu.core_type<tc>, window_params = [{transform_indices = @transform_0, window_bounds = array<i64: 1024, 128>}, {transform_indices = @transform_1, window_bounds = array<i64: 1024, 384>}, {pipeline_mode = #tpu.pipeline_mode<synchronous>, transform_indices = @transform_2, window_bounds = array<i64: 128, 128>}, {pipeline_mode = #tpu.pipeline_mode<synchronous>, transform_indices = @transform_3, window_bounds = array<i64: 128>}, {pipeline_mode = #tpu.pipeline_mode<synchronous>, transform_indices = @transform_4, window_bounds = array<i64: 128, 384>}, {pipeline_mode = #tpu.pipeline_mode<synchronous>, transform_indices = @transform_5, window_bounds = array<i64: 384>}, {pipeline_mode = #tpu.pipeline_mode<synchronous>, transform_indices = @transform_6, window_bounds = array<i64: 128>}, {pipeline_mode = #tpu.pipeline_mode<synchronous>, transform_indices = @transform_7, window_bounds = array<i64: 128>}, {transform_indices = @transform_8, window_bounds = array<i64: 1024, 768>}]} {
    %get3A = arith.constant 0 : index
    %get3A_0 = arith.constant 0 : index
    %get3A_1 = vector.load %arg1[%get3A, %get3A_0] : memref<1024x128xf32, #tpu.memory_space<vmem>>, vector<1024x128xf32>
    %reduce_sum3A = arith.constant dense<0.000000e+00> : vector<1024xf32>
    %reduce_sum3A_2 = vector.multi_reduction <add>, %get3A_1, %reduce_sum3A [1] : vector<1024x128xf32> to vector<1024xf32>
    %broadcast_in_dim3A = vector.shape_cast %reduce_sum3A_2 : vector<1024xf32> to vector<1024x1xf32>
    %div3A = arith.constant 1.280000e+02 : f32
    %div3A_3 = vector.broadcast %div3A : f32 to vector<1024x1xf32>
    %div3A_4 = arith.divf %broadcast_in_dim3A, %div3A_3 : vector<1024x1xf32>
    %sub3A = vector.broadcast %div3A_4 : vector<1024x1xf32> to vector<1024x128xf32>
    %sub3A_5 = arith.subf %get3A_1, %sub3A : vector<1024x128xf32>
    %integer_pow3A = arith.mulf %sub3A_5, %sub3A_5 : vector<1024x128xf32>
    %reduce_sum3A_6 = arith.constant dense<0.000000e+00> : vector<1024xf32>
    %reduce_sum3A_7 = vector.multi_reduction <add>, %integer_pow3A, %reduce_sum3A_6 [1] : vector<1024x128xf32> to vector<1024xf32>
    %broadcast_in_dim3A_8 = vector.shape_cast %reduce_sum3A_7 : vector<1024xf32> to vector<1024x1xf32>
    %div3A_9 = arith.constant 1.280000e+02 : f32
    %div3A_10 = vector.broadcast %div3A_9 : f32 to vector<1024x1xf32>
    %div3A_11 = arith.divf %broadcast_in_dim3A_8, %div3A_10 : vector<1024x1xf32>
    %sub3A_12 = vector.broadcast %div3A_4 : vector<1024x1xf32> to vector<1024x128xf32>
    %sub3A_13 = arith.subf %get3A_1, %sub3A_12 : vector<1024x128xf32>
    %add3A = arith.constant 9.99999974E-6 : f32
    %add3A_14 = vector.broadcast %add3A : f32 to vector<1024x1xf32>
    %add3A_15 = arith.addf %div3A_11, %add3A_14 : vector<1024x1xf32>
    %rsqrt3A = math.rsqrt %add3A_15 : vector<1024x1xf32>
    %mul3A = vector.broadcast %rsqrt3A : vector<1024x1xf32> to vector<1024x128xf32>
    %mul3A_16 = arith.mulf %sub3A_13, %mul3A : vector<1024x128xf32>
    %get3A_17 = arith.constant 0 : index
    %get3A_18 = vector.load %arg7[%get3A_17] : memref<128xf32, #tpu.memory_space<vmem>>, vector<128xf32>
    %broadcast_in_dim3A_19 = vector.shape_cast %get3A_18 : vector<128xf32> to vector<1x128xf32>
    %mul3A_20 = vector.broadcast %broadcast_in_dim3A_19 : vector<1x128xf32> to vector<1024x128xf32>
    %mul3A_21 = arith.mulf %mul3A_16, %mul3A_20 : vector<1024x128xf32>
    %get3A_22 = arith.constant 0 : index
    %get3A_23 = vector.load %arg8[%get3A_22] : memref<128xf32, #tpu.memory_space<vmem>>, vector<128xf32>
    %broadcast_in_dim3A_24 = vector.shape_cast %get3A_23 : vector<128xf32> to vector<1x128xf32>
    %add3A_25 = vector.broadcast %broadcast_in_dim3A_24 : vector<1x128xf32> to vector<1024x128xf32>
    %add3A_26 = arith.addf %mul3A_21, %add3A_25 : vector<1024x128xf32>
    %get3A_27 = arith.constant 0 : index
    %get3A_28 = arith.constant 0 : index
    %get3A_29 = vector.load %arg3[%get3A_27, %get3A_28] : memref<128x128xf32, #tpu.memory_space<vmem>>, vector<128x128xf32>
    %dot_general3A = arith.constant dense<0.000000e+00> : vector<1024x128xf32>
    %dot_general3A_30 = tpu.matmul %add3A_26, %get3A_29, %dot_general3A {dimension_numbers = #tpu.dot_dimension_numbers<[1], [0], [0], [1], [0, 0, 1, 1], [], []>, transpose_lhs_hint = false} : vector<1024x128xf32>, vector<128x128xf32>, vector<1024x128xf32> -> vector<1024x128xf32>
    %get3A_31 = arith.constant 0 : index
    %get3A_32 = vector.load %arg4[%get3A_31] : memref<128xf32, #tpu.memory_space<vmem>>, vector<128xf32>
    %broadcast_in_dim3A_33 = vector.shape_cast %get3A_32 : vector<128xf32> to vector<1x128xf32>
    %add3A_34 = vector.broadcast %broadcast_in_dim3A_33 : vector<1x128xf32> to vector<1024x128xf32>
    %add3A_35 = arith.addf %dot_general3A_30, %add3A_34 : vector<1024x128xf32>
    %logistic3A = arith.negf %add3A_35 : vector<1024x128xf32>
    %logistic3A_36 = math.exp %logistic3A : vector<1024x128xf32>
    %logistic3A_37 = arith.constant 1.000000e+00 : f32
    %logistic3A_38 = vector.broadcast %logistic3A_37 : f32 to vector<1024x128xf32>
    %logistic3A_39 = arith.addf %logistic3A_38, %logistic3A_36 : vector<1024x128xf32>
    %logistic3A_40 = arith.divf %logistic3A_38, %logistic3A_39 : vector<1024x128xf32>
    %mul3A_41 = arith.mulf %add3A_35, %logistic3A_40 : vector<1024x128xf32>
    %mul3A_42 = arith.constant 1.66666663 : f32
    %mul3A_43 = vector.broadcast %mul3A_42 : f32 to vector<1024x128xf32>
    %mul3A_44 = arith.mulf %mul3A_41, %mul3A_43 : vector<1024x128xf32>
    %get3A_45 = arith.constant 0 : index
    %get3A_46 = arith.constant 0 : index
    %get3A_47 = vector.load %arg5[%get3A_45, %get3A_46] : memref<128x384xf32, #tpu.memory_space<vmem>>, vector<128x384xf32>
    %dot_general3A_48 = arith.constant dense<0.000000e+00> : vector<1024x384xf32>
    %dot_general3A_49 = tpu.matmul %mul3A_44, %get3A_47, %dot_general3A_48 {dimension_numbers = #tpu.dot_dimension_numbers<[1], [0], [0], [1], [0, 0, 1, 1], [], []>, transpose_lhs_hint = false} : vector<1024x128xf32>, vector<128x384xf32>, vector<1024x384xf32> -> vector<1024x384xf32>
    %get3A_50 = arith.constant 0 : index
    %get3A_51 = vector.load %arg6[%get3A_50] : memref<384xf32, #tpu.memory_space<vmem>>, vector<384xf32>
    %broadcast_in_dim3A_52 = vector.shape_cast %get3A_51 : vector<384xf32> to vector<1x384xf32>
    %add3A_53 = vector.broadcast %broadcast_in_dim3A_52 : vector<1x384xf32> to vector<1024x384xf32>
    %add3A_54 = arith.addf %dot_general3A_49, %add3A_53 : vector<1024x384xf32>
    %mul3A_55 = arith.constant 1024 : i32
    %mul3A_56 = arith.muli %arg0, %mul3A_55 : i32
    %iota3A = tpu.iota {dimensions = array<i32: 0>} : vector<1024x1xi32>
    %add3A_57 = vector.broadcast %mul3A_56 : i32 to vector<1024x1xi32>
    %add3A_58 = arith.addi %add3A_57, %iota3A : vector<1024x1xi32>
    %lt3A = arith.constant 10000 : i32
    %lt3A_59 = vector.broadcast %lt3A : i32 to vector<1024x1xi32>
    %lt3A_60 = arith.cmpi slt, %add3A_58, %lt3A_59 : vector<1024x1xi32>
    %jit3A = arith.constant 0.000000e+00 : f32
    %broadcast_in_dim3A_61 = vector.shape_cast %lt3A_60 : vector<1024x1xi1> to vector<1024x1xi1>
    %broadcast_in_dim3A_62 = vector.broadcast %broadcast_in_dim3A_61 : vector<1024x1xi1> to vector<1024x384xi1>
    %broadcast_in_dim3A_63 = vector.broadcast %jit3A : f32 to vector<1024x384xf32>
    %select_n3A = arith.select %broadcast_in_dim3A_62, %add3A_54, %broadcast_in_dim3A_63 : vector<1024x384xi1>, vector<1024x384xf32>
    %swap3A = arith.constant 0 : index
    %swap3A_64 = arith.constant 0 : index
    %swap3A_65 = vector.load %arg9[%swap3A, %swap3A_64] : memref<1024x768xf32, #tpu.memory_space<vmem>>, vector<1024x384xf32>
    tpu.vector_store %arg9[%swap3A, %swap3A_64], %select_n3A {strides = array<i32>} : memref<1024x768xf32, #tpu.memory_space<vmem>>, vector<1024x384xf32>,
    %lt3A_66 = arith.constant 10000 : i32
    %lt3A_67 = vector.broadcast %lt3A_66 : i32 to vector<1024x1xi32>
    %lt3A_68 = arith.cmpi slt, %add3A_58, %lt3A_67 : vector<1024x1xi32>
    %get3A_69 = arith.constant 0 : index
    %get3A_70 = arith.constant 0 : index
    %get3A_71 = vector.load %arg2[%get3A_69, %get3A_70] : memref<1024x384xf32, #tpu.memory_space<vmem>>, vector<1024x384xf32>
    %jit3A_72 = arith.constant 0.000000e+00 : f32
    %broadcast_in_dim3A_73 = vector.shape_cast %lt3A_68 : vector<1024x1xi1> to vector<1024x1xi1>
    %broadcast_in_dim3A_74 = vector.broadcast %broadcast_in_dim3A_73 : vector<1024x1xi1> to vector<1024x384xi1>
    %broadcast_in_dim3A_75 = vector.broadcast %jit3A_72 : f32 to vector<1024x384xf32>
    %select_n3A_76 = arith.select %broadcast_in_dim3A_74, %get3A_71, %broadcast_in_dim3A_75 : vector<1024x384xi1>, vector<1024x384xf32>
    %swap3A_77 = arith.constant 0 : index
    %swap3A_78 = arith.constant 384 : index
    %swap3A_79 = vector.load %arg9[%swap3A_77, %swap3A_78] : memref<1024x768xf32, #tpu.memory_space<vmem>>, vector<1024x384xf32>
    tpu.vector_store %arg9[%swap3A_77, %swap3A_78], %select_n3A_76 {strides = array<i32>} : memref<1024x768xf32, #tpu.memory_space<vmem>>, vector<1024x384xf32>,
    return
  }
  func.func @transform_0(%arg0: i32) -> (i32, i32) {
    %c0_i32 = arith.constant 0 : i32
    %c0_i32_0 = arith.constant 0 : i32
    return %arg0, %c0_i32 : i32, i32
  }
  func.func @transform_1(%arg0: i32) -> (i32, i32) {
    %c0_i32 = arith.constant 0 : i32
    %c0_i32_0 = arith.constant 0 : i32
    return %arg0, %c0_i32 : i32, i32
  }
  func.func @transform_2(%arg0: i32) -> (i32, i32) {
    %c0_i32 = arith.constant 0 : i32
    %c0_i32_0 = arith.constant 0 : i32
    %c0_i32_1 = arith.constant 0 : i32
    return %c0_i32, %c0_i32_0 : i32, i32
  }
  func.func @transform_3(%arg0: i32) -> i32 {
    %c0_i32 = arith.constant 0 : i32
    %c0_i32_0 = arith.constant 0 : i32
    return %c0_i32 : i32
  }
  func.func @transform_4(%arg0: i32) -> (i32, i32) {
    %c0_i32 = arith.constant 0 : i32
    %c0_i32_0 = arith.constant 0 : i32
    %c0_i32_1 = arith.constant 0 : i32
    return %c0_i32, %c0_i32_0 : i32, i32
  }
  func.func @transform_5(%arg0: i32) -> i32 {
    %c0_i32 = arith.constant 0 : i32
    %c0_i32_0 = arith.constant 0 : i32
    return %c0_i32 : i32
  }
  func.func @transform_6(%arg0: i32) -> i32 {
    %c0_i32 = arith.constant 0 : i32
    %c0_i32_0 = arith.constant 0 : i32
    return %c0_i32 : i32
  }
  func.func @transform_7(%arg0: i32) -> i32 {
    %c0_i32 = arith.constant 0 : i32
    %c0_i32_0 = arith.constant 0 : i32
    return %c0_i32 : i32
  }
  func.func @transform_8(%arg0: i32) -> (i32, i32) {
    %c0_i32 = arith.constant 0 : i32
    %c0_i32_0 = arith.constant 0 : i32
    return %arg0, %c0_i32 : i32, i32
  }
}

</mosaic_0001>

<sc_bundles>
// kernel: kernel.5.cloned.1.call-start
scs
__scs_entry_jumppad:
0x0: {  	(pc) =	sbr.rel $0x88, $3  }
0x1: {  	(tag) =	ssettag $0x0;
	lr =	simm.s32 $0x1  }
0x2: {  	[smem:$0x3F94] =	sst lr;
	_ =	strace $0xD0000000  }
0x3: {  	_ = 	snop  }
0x4: {  	_ = 	snop  }
0x5: {  	_ = 	snop  }
0x6: {  	_ = 	snop  }
0x7: {  	_ = 	snop  }
__scs_overlays_trampoline_lowered:
0x8: {  	[smem:$0x3FA3] =	sst s0  }
0x9: {  	[smem:$0x3FA4] =	sst s1  }
0xa: {  	[smem:$0x3FA5] =	sst s2  }
0xb: {  	[smem:$0x3FA6] =	sst s3  }
0xc: {  	[smem:$0x3FA7] =	sst s4  }
0xd: {  	[smem:$0x3FA8] =	sst s5  }
0xe: {  	[smem:$0x3FA9] =	sst s6  }
0xf: {  	[smem:$0x3FAA] =	sst s7  }
0x10: {  	[smem:$0x3FAB] =	sst s8  }
0x11: {  	[smem:$0x3FAC] =	sst s9;
	s0 =	simm.s32 @!p0 $0x0  }
0x12: {  	s1 =	sld [smem:$0x3F92];
	s0 =	simm.s32 @p0 $0x1  }
0x13: {  	[smem:$0x3FAD] =	sst s0;
	s0 =	simm.s32 @!p1 $0x0  }
0x14: {  	s2 =	sld [smem:$0x3F91];
	s0 =	simm.s32 @p1 $0x1  }
0x15: {  	[smem:$0x3FAE] =	sst s0;
	s0 =	simm.s32 @!p2 $0x0  }
0x16: {  	s3 =	sld [smem:$0x3FDB];
	s0 =	simm.s32 @p2 $0x1  }
0x17: {  	s4 =	simm.s32 $0x1BF5;
	[smem:$0x3FB0] =	sst s0  }
0x18: {  	s0 =	sld [smem:$0x3F93];
	_ =	swait.ge [sflag:s4], $0x0  }
0x19: {  	s7 =	sld [smem:$0x3F94]  }
0x1a: {  	s8 =	sadd.s32 $0xFFFFE003, lr  }
0x1b: {  	s9 =	sadd.s32 $0xFFFFFEF7, lr;
	s5 =	simm.s32 $0xFFFFFFFF;
	p2 =	slt.u32 s8, $0xFFFFF086  }
0x1c: {  	p1 =	slt.u32 s9, $0xF7A;
	s5 =	simm.s32 @!p2 $0x0  }
0x1d: {  	s5 =	simm.s32 @p1 $0x1;
	p0 =	seq.s32 s7, s2  }
0x1e: {  	s7 =	smul.u32 @!p0 $0xF7A, s2;
	p2 =	seq.s32 @!p0 s5, $0x0  }
0x1f: {  	s9 =	smul.u32 $0xF7A, s1;
	s8 =	simm.s32 @!p0 $0x1BF5;
	p2 =	por !p2, p0  }
0x20: {  	[sflag:s8] =	ssyncset.s32 @!p0 $0xFFFFF086;
	s6 =	sadd.s32 @!p0 s3, s7;
	s7 =	simm.s32 @!p0 $0x108  }
0x21: {  	s3 =	sadd.s32 s3, s9;
	s6 =	sadd.s32 @!p0 $0x88, s6;
	s7 =	simm.s32 @p2 $0x1082  }
0x22: {  	[simem:s7], [sflag:s8] =	dma.local @!p0 [hbm:s6], $0xF7A  }
0x23: {  	s9 =	sor.u32 $0xD0000000, s2;
	s6 =	simm.s32 $0x108;
	_ =	swait.ge @!p0 [sflag:s8], $0x0  }
0x24: {  	s3 =	sadd.s32 $0x88, s3;
	s6 =	simm.s32 @!p1 $0x1082;
	[sflag:s4] =	ssyncset.s32 $0xFFFFF086  }
0x25: {  	[simem:s6], [sflag:s4] =	dma.local [hbm:s3], $0xF7A  }
0x26: {  	[smem:$0x3F94] =	sst s1;
	(tag) =	ssettag s2;
	_ =	strace s9  }
0x27: {  	s1 =	sld [smem:$0x3FA4]  }
0x28: {  	s2 =	sld [smem:$0x3FA5]  }
0x29: {  	s4 =	sld [smem:$0x3FA7]  }
0x2a: {  	p0 =	seq.s32 s5, $0x0;
	s5 =	sld [smem:$0x3FA8]  }
0x2b: {  	s6 =	sld [smem:$0x3FA9]  }
0x2c: {  	s7 =	sld [smem:$0x3FAA]  }
0x2d: {  	s3 =	simm.s32 $0x108;
	s8 =	sld [smem:$0x3FAB]  }
0x2e: {  	s3 =	simm.s32 @!p0 $0x1082;
	s9 =	sld [smem:$0x3FAC]  }
0x2f: {  	lr =	sadd.s32 s0, s3;
	s0 =	sld [smem:$0x3FA3]  }
0x30: {  	s3 =	sld [smem:$0x3FA6]  }
0x31: {  	[smem:$0x3FAF] =	sst s10  }
0x32: {  	s10 =	sld [smem:$0x3FAD];
	_ =	sdelay $0x3  }
0x33: {  	p0 =	seq.s32 s10, $0x1;
	s10 =	sld [smem:$0x3FAF];
	_ =	sdelay $0x3  }
0x34: {  	[smem:$0x3FAF] =	sst s10  }
0x35: {  	s10 =	sld [smem:$0x3FAE];
	_ =	sdelay $0x3  }
0x36: {  	p1 =	seq.s32 s10, $0x1;
	s10 =	sld [smem:$0x3FAF];
	_ =	sdelay $0x3  }
0x37: {  	[smem:$0x3FAF] =	sst s10  }
0x38: {  	s10 =	sld [smem:$0x3FB0]  }
0x39: {  	_ = 	snop;
	(pc) =	sbr.ind lr, $3  }
0x3a: {  	_ = 	snop  }
0x3b: {  	_ = 	snop  }
0x3c: {  	p2 =	seq.s32 s10, $0x1;
	s10 =	sld [smem:$0x3FAF]  }
0x3d: {  	_ =	shalt  }
0x3e: {  	_ =	shalt  }
0x3f: {  	_ =	shalt  }
0x40: {  	_ =	shalt  }
0x41: {  	_ =	shalt  }
0x42: {  	_ =	shalt  }
0x43: {  	_ =	shalt  }
0x44: {  	_ =	shalt  }
0x45: {  	_ =	shalt  }
0x46: {  	_ =	shalt  }
0x47: {  	_ =	shalt  }
0x48: {  	_ =	shalt  }
0x49: {  	_ =	shalt  }
0x4a: {  	_ =	shalt  }
0x4b: {  	_ =	shalt  }
0x4c: {  	_ =	shalt  }
0x4d: {  	_ =	shalt  }
0x4e: {  	_ =	shalt  }
0x4f: {  	_ =	shalt  }
0x50: {  	_ =	shalt  }
0x51: {  	_ =	shalt  }
0x52: {  	_ =	shalt  }
0x53: {  	_ =	shalt  }
0x54: {  	_ =	shalt  }
0x55: {  	_ =	shalt  }
0x56: {  	_ =	shalt  }
0x57: {  	_ =	shalt  }
0x58: {  	_ =	shalt  }
0x59: {  	_ =	shalt  }
0x5a: {  	_ =	shalt  }
0x5b: {  	_ =	shalt  }
0x5c: {  	_ =	shalt  }
0x5d: {  	_ =	shalt  }
0x5e: {  	_ =	shalt  }
0x5f: {  	_ =	shalt  }
0x60: {  	_ =	shalt  }
0x61: {  	_ =	shalt  }
0x62: {  	_ =	shalt  }
0x63: {  	_ =	shalt  }
0x64: {  	_ =	shalt  }
0x65: {  	_ =	shalt  }
0x66: {  	_ =	shalt  }
0x67: {  	_ =	shalt  }
0x68: {  	_ =	shalt  }
0x69: {  	_ =	shalt  }
0x6a: {  	_ =	shalt  }
0x6b: {  	_ =	shalt  }
0x6c: {  	_ =	shalt  }
0x6d: {  	_ =	shalt  }
0x6e: {  	_ =	shalt  }
0x6f: {  	_ =	shalt  }
0x70: {  	_ =	shalt  }
0x71: {  	_ =	shalt  }
0x72: {  	_ =	shalt  }
0x73: {  	_ =	shalt  }
0x74: {  	_ =	shalt  }
0x75: {  	_ =	shalt  }
0x76: {  	_ =	shalt  }
0x77: {  	_ =	shalt  }
0x78: {  	_ =	shalt  }
0x79: {  	_ =	shalt  }
0x7a: {  	_ =	shalt  }
0x7b: {  	_ =	shalt  }
0x7c: {  	_ =	shalt  }
0x7d: {  	_ =	shalt  }
0x7e: {  	_ =	shalt  }
0x7f: {  	_ =	shalt  }
0x80: {  	_ =	shalt  }
0x81: {  	_ =	shalt  }
0x82: {  	_ =	shalt  }
0x83: {  	_ =	shalt  }
0x84: {  	_ =	shalt  }
0x85: {  	_ =	shalt  }
0x86: {  	_ =	shalt  }
0x87: {  	_ =	shalt  }
.Lfunc_end0:
.L_simem_size_0:
called_computation_lowered:
.L_overlay_start_0:
0x88: {  	s2 =	sld [smem:$0x3FD9]  }
0x89: {  	s3 =	sld [smem:$0x3FFE];
	_ =	sdelay $0x1  }
0x8a: {  	s1 =	srdreg.scid  }
0x8b: {  	s0 =	sand.u32 $0x1, s1  }
0x8c: {  	s14 =	sshll.u32 s0, $0xA;
	s2 =	sadd.s32 s3, s2  }
0x8d: {  	s2 =	sadd.s32 s2, s14  }
0x8e: {  	[smem:$0x3FBB] =	sst s2  }
0x8f: {  	_ = 	snop  }
0x90: {  	s2 =	sld [smem:$0x3FD0];
	_ =	sdelay $0x2  }
0x91: {  	s15 =	simm.s32 $0xA;
	s4 =	simm.s32 $0x10  }
0x92: {  	[smem:s4], [sflag:s15] =	dma.local [hbm:s2], $0x1  }
0x93: {  	_ =	swait.eq [sflag:s15], $0x1  }
0x94: {  	[sflag:s15] =	ssyncset.done $0x0  }
0x95: {  	s16 =	sld [smem:$0x10];
	[sflag:s15] =	ssyncadd.s32 $0xFFFFFFFF  }
0x96: {  	s17 =	sld [smem:$0x11];
	(tm) =	ssettm $0x1  }
0x97: {  	s18 =	sld [smem:$0x3FFB];
	_ =	sdelay $0x3  }
0x98: {  	_ =	strace s18  }
0x99: {  	s4 =	sld [smem:$0x3FFC];
	_ =	sdelay $0x3  }
0x9a: {  	_ =	strace s4  }
0x9b: {  	s4 =	sld [smem:$0x3FFD];
	_ =	sdelay $0x3  }
0x9c: {  	_ =	strace s4  }
0x9d: {  	_ =	strace $0x8FFFFFFF  }
0x9e: {  	s19 =	sld [smem:$0x3FDB];
	_ =	sdelay $0x1  }
0x9f: {  	s5 =	simm.s32 $_scs_section_size  }
0xa0: {  	s6 =	simm.s32 $_size__tile_overlayer_lowered;
	s7 =	simm.s32 $_tile_overlayer_lowered  }
0xa1: {  	s22 =	simm.s32 $0x1BFF;
	s21 =	sshll.u32 s7, $0x1;
	s4 =	sadd.s32 s5, s19  }
0xa2: {  	s8 =	simm.s32 $0x0;
	s20 =	sshll.u32 s6, $0x1;
	s6 =	sadd.s32 s21, s4  }
0xa3: {  	[timem:s8], [sflag:s22] =	dma.local [hbm:s6], s20  }
0xa4: {  	_ =	swait.ge [sflag:s22], s20  }
0xa5: {  	s5 =	ssub.s32 $0x0, s20;
	[sflag:s22] =	ssyncset.done $0x0  }
0xa6: {  	[sflag:s22] =	ssyncadd.s32 s5;
	_ =	sdelay $0x1  }
0xa7: {  	s23 =	simm.s32 $0x1B8B  }
0xa8: {  	_ =	swait.ge [sflag:s23], $0x1  }
0xa9: {  	[sflag:s23] =	ssyncset.done $0x0  }
0xaa: {  	s25 =	simm.s32 $0x1B8E;
	s24 =	sld [smem:$0x3FFE];
	[sflag:s23] =	ssyncadd.s32 $0xFFFFFFFF  }
0xab: {  	s26 =	simm.s32 $execute0_lowered;
	[smem:$0x3FD2] =	sst s25  }
0xac: {  	s6 =	sshll.u32 s26, $0x1;
	_ =	strace $0x80000046;
	[dreg:$0x1] =	wrdreg $0xFFFFFFFF  }
0xad: {  	s28 =	simm.s32 $_size_execute0_lowered;
	s4 =	sadd.s32 s4, s6;
	[dreg:$0x0] =	wrdreg $0x0  }
0xae: {  	s6 =	sshll.u32 s28, $0x1;
	[dreg:$0x2] =	wrdreg s4  }
0xaf: {  	[dreg:$0x3] =	wrdreg s6  }
0xb0: {  	[dreg:$0x4] =	wrdreg $0xC0  }
0xb1: {  	_ =	task [dreg:s8], $0x5FFFF  }
0xb2: {  	[dreg:$0x1] =	wrdreg $0xFFFFFFFF  }
0xb3: {  	[dreg:$0x0] =	wrdreg $0x60  }
0xb4: {  	[dreg:$0x2] =	wrdreg s24  }
0xb5: {  	[dreg:$0x3] =	wrdreg s16  }
0xb6: {  	[dreg:$0x4] =	wrdreg s17  }
0xb7: {  	[dreg:$0x5] =	wrdreg $0x9  }
0xb8: {  	_ =	task.clear_ibuf [dreg:s8], $0x6FFFF;
	_ =	strace $0x90000046  }
0xb9: {  	s29 =	simm.s32 $0x9;
	_ =	strace $0x80000048  }
0xba: {  	_ =	swait.ge [sflag:s29], $0x1  }
0xbb: {  	[sflag:s29] =	ssyncadd.s32 $0xFFFFFFFF  }
0xbc: {  	_ =	strace $0x90000048  }
0xbd: {  	_ =	sfence  }
0xbe: {  	s30 =	sld [smem:$0x0];
	_ =	sdelay $0x2  }
0xbf: {  	s31 =	sshll.u32 s1, $0xD;
	s1 =	sshrl.u32 s1, $0x2  }
0xc0: {  	s3 =	sand.u32 $0x4000, s31;
	s1 =	sadd.s32 s1, s30  }
0xc1: {  	s0 =	sor.u32 s3, s0;
	s1 =	sshll.u32 s1, $0x11  }
0xc2: {  	s0 =	sor.u32 s1, s0  }
0xc3: {  	s0 =	sadd.s32 $0x8F2B, s0  }
0xc4: {  	[sflag:s0] =	ssyncadd.remote.s32 $0x1  }
0xc5: {  	_ =	sfence.sel $0xFFFF  }
0xc6: {  	[dreg:$0x0] =	wrdreg $0xFFFFFFFF;
	(pc) =	sbr.abs _section_cstart, $3  }
0xc7: {  	[dreg:$0x1] =	wrdreg $0xFFFFFFFF  }
0xc8: {  	_ =	task.clear_ibuf [dreg:s8], $0x2FFFF;
	_ =	strace $0x9FFFFFFF  }
0xc9: {  	(tm) =	ssettm $0x7FFFFFFF  }
tec
execute0_lowered:
.L_overlay_start_1:
0x0: {  	(tag) =	ssettag $0x1  }
0x1: {  	s0 =	rddreg [dreg:$0x0]  }
0x2: {  	s28 =	rddreg [dreg:$0x1];
	s1 =	simm.s32 $0x0  }
0x3: {  	s23 =	srdreg.scid;
	s3 =	stileid.u32;
	s5 =	simm.s32 $0x7  }
0x4: {  	s19 =	simm.s32 $0x14000;
	s20 =	simm.s32 $0x14D00;
	s21 =	simm.s32 $0x15A00  }
0x5: {  	v0 =	vlaneseq.u32;
	s22 =	simm.s32 $0x1;
	s29 =	simm.s32 $0x3;
	s30 =	simm.s32 $0x4  }
0x6: {  	v1 =	vimm.s32 $0x0;
	v2 =	vimm.s32 $0x2710;
	vm0 =	vmmov $0xffff;
	s31 =	simm.s32 $0x1D900;
	[smem:$0x7FF] =	sst s1;
	s4 =	sadd.s32 $0xC800, s0  }
0x7: {  	v5 =	vimm.s32 $0xC00;
	v6 =	vimm.s32 $0xC01;
	v7 =	vimm.s32 $0xC02;
	s1 =	sand.u32 $0x1, s23;
	s7 =	sadd.s32 $0xEB2800, s0;
	s17 =	sadd.s32 $0x2A00, s0  }
0x8: {  	v8 =	vimm.s32 $0xC80;
	v9 =	vimm.s32 $0xC81;
	v10 =	vimm.s32 $0xC82;
	s2 =	sadd.s32 $0xFC800, s0;
	s25 =	sshll.u32 s3, $0x1;
	_ =	strace $0x80000047  }
.Ltmp0:
0x9: {  	v11 =	vimm.s32 $0xD00;
	v12 =	vimm.s32 $0xD01;
	v13 =	vimm.s32 $0xD02;
	[dreg:$0x4] =	wrdreg s1;
	s1 =	ssub.s32 $0x2, s1;
	(pc) =	sbr.rel .LBB2_1-.Ltmp0, $4  }
0xa: {  	v14 =	vimm.s32 $0xD80;
	v15 =	vimm.s32 $0xD81;
	v16 =	vimm.s32 $0xD82;
	s11 =	sadd.s32 $0xC900, s0;
	s12 =	sadd.s32 $0xCA00, s0;
	s24 =	sshrl.u32 s1, $0x1  }
0xb: {  	v17 =	vimm.s32 $0xE00;
	v18 =	vimm.s32 $0xE01;
	v19 =	vimm.s32 $0xE02;
	s13 =	sadd.s32 $0xEB2900, s0;
	[dreg:$0x5] =	wrdreg s2;
	s1 =	ssub.s32 s1, s24  }
0xc: {  	v20 =	vimm.s32 $0xE80;
	v21 =	vimm.s32 $0xE81;
	v4 =	vshrl.u32 v0, $0x3;
	s0 =	simm.s32 $0x2;
	[dreg:$0x6] =	wrdreg s25;
	s26 =	smax.u32 s1, $0x1  }
0xd: {  	v22 =	vimm.s32 $0xE82;
	v3 =	vand.u32 $0x7, v0;
	v4 =	vmul.u32 $0x8, v4;
	s2 =	simm.s32 $0x0;
	[dreg:$0x7] =	wrdreg s26;
	s26 =	simm.s32 $0x1B100  }
.LBB2_25:
0xe: {  	s2 =	rddreg [dreg:$0x8]  }
0xf: {  	s1 =	rddreg [dreg:$0x7];
	s2 =	sadd.s32 $0x1, s2  }
0x10: {  	p0 =	sne.s32 s2, s1  }
.Ltmp1:
0x11: {  	_ = 	snop;
	(pc) =	sbr.rel @!p0 .LBB2_26-.Ltmp1, $1  }
0x12: {  	_ =	sdelay $0x3  }
.LBB2_1:
.Ltmp2:
0x13: {  	(pc) =	sbr.rel .LBB2_2-.Ltmp2, $2  }
0x14: {  	_ =	sdelay $0x2  }
0x15: {  	[dreg:$0x8] =	wrdreg s2;
	p1 =	por $0x1, $0x1;
	s1 =	simm.s32 $0x0  }
.LBB2_24:
0x16: {  	s1 =	rddreg [dreg:$0x9]  }
0x17: {  	s1 =	smul.u32 $0x2800, s1  }
0x18: {  	s2 =	rddreg [dreg:$0x5];
	s25 =	simm.s32 $0x0  }
.Ltmp3:
0x19: {  	s5 =	simm.s32 $0x7;
	s1 =	sadd.s32 s2, s1;
	(pc) =	sbr.rel @!p0 .LBB2_25-.Ltmp3, $4  }
0x1a: {  	[hbm4b:s1+s25] =	stream.linear.scatter [tilespmem:s25], [sflag:$0x7], $0x14000, $0x38;
	[tilespmem:$0x1E900] =	vst v63  }
0x1b: {  	_ =	swait.ge [sflag:s5], $0x14000  }
0x1c: {  	[sflag:s5] =	ssyncset.done $0x0  }
0x1d: {  	p1 =	por $0x0, $0x0;
	s1 =	simm.s32 $0x20;
	[sflag:s5] =	ssyncadd.s32 $0xFFFEC000  }
.LBB2_2:
0x1e: {  	s3 =	simm.s32 $0x0;
	s2 =	rddreg [dreg:$0x2]  }
0x1f: {  	[tilespmem:s3], [sflag:$0x7] =	stream.linear.gather [hbm4b:s2+s3], $0x14000, $0x38;
	[tilespmem:$0x1E900] =	vst v63  }
0x20: {  	_ =	swait.ge [sflag:s5], $0x14000  }
0x21: {  	s23 =	simm.s32 $0x16700;
	s16 =	rddreg [dreg:$0x6]  }
0x22: {  	[sflag:s5] =	ssyncset.done $0x0;
	s18 =	rddreg [dreg:$0x4];
	s1 =	sor.u32 s1, s16  }
.Ltmp4:
0x23: {  	[sflag:s5] =	ssyncadd.s32 $0xFFFEC000;
	s2 =	sor.u32 s18, s1;
	(pc) =	sbr.rel .LBB2_3-.Ltmp4, $4  }
0x24: {  	[tilespmem:s23], [sflag:$0x5] =	stream.linear.gather [hbm4b:s17+s3], $0xC80, $0x38;
	[tilespmem:$0x1E900] =	vst v63  }
0x25: {  	s25 =	simm.s32 $0x17380;
	s24 =	smul.u32 $0xA0, s2  }
0x26: {  	p0 =	por p1, p1;
	s8 =	simm.s32 $0x0;
	[dreg:$0x9] =	wrdreg s2  }
0x27: {  	[tilespmem:s25], [sflag:$0x5] =	stream.linear.gather [hbm4b:s28+s3], $0xC80, $0x38;
	v23 =	vmov s24;
	[tilespmem:$0x1E900] =	vst v63  }
.LBB2_23:
0x28: {  	s8 =	sadd.s32 $0x1, s8  }
0x29: {  	p1 =	sne.s32 s8, $0x64  }
.Ltmp5:
0x2a: {  	_ = 	snop;
	(pc) =	sbr.rel @!p1 .LBB2_24-.Ltmp5, $2  }
0x2b: {  	_ =	sdelay $0x2  }
0x2c: {  	s3 =	sadd.s32 $0xC80, s3  }
.LBB2_3:
0x2d: {  	s6 =	sand.u32 $0x1, s8  }
0x2e: {  	p1 =	seq.s32 s6, $0x1  }
.Ltmp6:
0x2f: {  	_ = 	snop;
	(pc) =	sbr.rel @p1 .LBB2_9-.Ltmp6, $2  }
0x30: {  	_ =	sdelay $0x2  }
0x31: {  	s5 =	smul.u32 $0xC80, s8  }
0x32: {  	_ = 	snop  }
0x33: {  	s1 =	sshrl.u32 s5, $0x3  }
0x34: {  	s22 =	smov.u32 s17;
	s9 =	simm.s32 $0x0;
	s1 =	sadd.s32 $0x190, s1  }
0x35: {  	s24 =	simm.s32 $0x18000;
	s25 =	simm.s32 $0x18C80;
	s2 =	sadd.s32 s17, s1  }
0x36: {  	[tilespmem:s24], [sflag:$0x6] =	stream.linear.gather [hbm4b:s2+s9], $0xC80, $0x38;
	[tilespmem:$0x1E900] =	vst v63  }
0x37: {  	s17 =	smov.u32 s28;
	s1 =	sadd.s32 s28, s1;
	s28 =	simm.s32 $0x5  }
0x38: {  	[tilespmem:s25], [sflag:$0x6] =	stream.linear.gather [hbm4b:s1+s9], $0xC80, $0x38;
	[tilespmem:$0x1E900] =	vst v63  }
0x39: {  	_ =	swait.ge [sflag:s28], $0xC80  }
.Ltmp7:
0x3a: {  	[sflag:s28] =	ssyncset.done $0x0;
	(pc) =	sbr.rel .LBB2_5-.Ltmp7, $4  }
0x3b: {  	[sflag:s28] =	ssyncadd.s32 $0xFFFFF380  }
0x3c: {  	_ =	swait.ge [sflag:s28], $0xC80  }
0x3d: {  	s0 =	smov.u32 s8;
	s10 =	simm.s32 $0x16740;
	[sflag:s28] =	ssyncset.done $0x0  }
0x3e: {  	s14 =	simm.s32 $0x173C0;
	s15 =	simm.s32 $0x0;
	[sflag:s28] =	ssyncadd.s32 $0xFFFFF380  }
.LBB2_7:
0x3f: {  	s15 =	sadd.s32 $0x80, s15  }
0x40: {  	p1 =	sne.s32 s15, $0xC80  }
.Ltmp8:
0x41: {  	_ = 	snop;
	(pc) =	sbr.rel @!p1 .LBB2_8-.Ltmp8, $2  }
0x42: {  	_ =	sdelay $0x2  }
0x43: {  	s10 =	sadd.s32 $0x80, s10;
	s14 =	sadd.s32 $0x80, s14  }
.LBB2_5:
0x44: {  	v24 =	vld [tilespmem:s10+$0xFFFFFFC0]  }
0x45: {  	v26 =	vld [tilespmem:s10+$0xFFFFFFE0]  }
0x46: {  	v25 =	vld [tilespmem:s10+$0xFFFFFFD0]  }
0x47: {  	v27 =	vld [tilespmem:s10+$0xFFFFFFF0];
	_ =	sdelay $0x1  }
0x48: {  	v31 =	vsub.s32 v24, v23;
	v24 =	vld [tilespmem:s10+$0x0]  }
0x49: {  	v29 =	vsub.s32 v26, v23;
	v26 =	vld [tilespmem:s10+$0x10]  }
0x4a: {  	v34 =	vld [tilespmem:s10+$0x30];
	v30 =	vsub.s32 v25, v23;
	vm8 =	vlt.u32 v31, $0xA0  }
0x4b: {  	v33 =	vld [tilespmem:s10+$0x20];
	v28 =	vsub.s32 v27, v23;
	vm7 =	vlt.u32 v30, $0xA0;
	v25 =	vmpcnt.ones.xlane vm8  }
0x4c: {  	vm6 =	vlt.u32 v29, $0xA0;
	vm5 =	vlt.u32 v28, $0xA0;
	v32 =	vmpcnt.ones.xlane vm7  }
0x4d: {  	v59 =	vmpcnt.ones.xlane vm5;
	(v2sf) =	vpush v25, $0x0;
	v25 =	vmpcnt.ones.xlane vm6  }
0x4e: {  	(v2sf) =	vpush v32, $0x0;
	v27 =	vsub.s32 v24, v23;
	v26 =	vsub.s32 v26, v23  }
0x4f: {  	v24 =	vsub.s32 v34, v23;
	(v2sf) =	vpush v25, $0x0;
	vm4 =	vlt.u32 v27, $0xA0  }
0x50: {  	vm3 =	vlt.u32 v26, $0xA0;
	v25 =	vsub.s32 v33, v23;
	v60 =	vmpcnt.ones.xlane vm4  }
0x51: {  	(v2sf) =	vpush v59, $0x0;
	v61 =	vmpcnt.ones.xlane vm3;
	vm2 =	vlt.u32 v25, $0xA0  }
0x52: {  	vm1 =	vlt.u32 v24, $0xA0;
	v62 =	vmpcnt.ones.xlane vm2;
	(v2sf) =	vpush v60, $0x0  }
0x53: {  	v63 =	vmpcnt.ones.xlane vm1;
	(v2sf) =	vpush v61, $0x0  }
0x54: {  	(v2sf) =	vpush v62, $0x0  }
0x55: {  	(v2sf) =	vpush v63, $0x0;
	_ =	sdelay $0x7  }
0x56: {  	s2 =	spop (v2sf)  }
0x57: {  	s8 =	spop (v2sf)  }
0x58: {  	s1 =	spop (v2sf);
	s16 =	sadd.s32 s2, s8  }
0x59: {  	s28 =	spop (v2sf);
	s16 =	sadd.s32 s1, s16  }
0x5a: {  	s16 =	sadd.s32 s28, s16;
	s25 =	spop (v2sf)  }
0x5b: {  	s24 =	spop (v2sf);
	s16 =	sadd.s32 s25, s16  }
0x5c: {  	s23 =	spop (v2sf);
	s16 =	sadd.s32 s24, s16  }
0x5d: {  	s18 =	sadd.s32 s23, s16;
	s16 =	spop (v2sf)  }
0x5e: {  	s18 =	sadd.s32 s16, s18  }
0x5f: {  	p1 =	slt.s32 s18, $0x1  }
.Ltmp9:
0x60: {  	_ = 	snop;
	(pc) =	sbr.rel @p1 .LBB2_7-.Ltmp9, $1  }
0x61: {  	_ =	sdelay $0x3  }
0x62: {  	v32 =	vsel vm8, $0x1, v1  }
0x63: {  	(xrf0) =	vadd.scan.msk.s32 $0xffff, v32;
	_ =	sdelay $0x2  }
0x64: {  	v56 =	vmov s9  }
0x65: {  	v32 =	vadd.s32 $0xFFFFFFFF, v56  }
0x66: {  	v32 =	vbroadcast v32, $0x0  }
0x67: {  	v34 =	vsel vm7, $0x1, v1;
	v33, _, _ =	vpop (xrf0)  }
0x68: {  	(xrf0) =	vadd.scan.msk.s32 $0xffff, v34;
	v32 =	vadd.s32 v33, v32  }
0x69: {  	v57 =	vld [tilespmem:s14+$0xFFFFFFC0]  }
0x6a: {  	s2 =	sadd.s32 s9, s2  }
0x6b: {  	v58 =	vmov s2  }
0x6c: {  	v34 =	vadd.s32 $0xFFFFFFFF, v58  }
0x6d: {  	s9 =	sadd.s32 s15, s3;
	v59 =	vbroadcast v34, $0x0;
	[tilespmem:v32+s19+$0x0] =	vst.idx.msk vm8, v31  }
0x6e: {  	v35 =	vsel vm6, $0x1, v1;
	v60 =	vor.u32 s9, v0;
	v61, _, _ =	vpop (xrf0);
	[tilespmem:v32+s20+$0x0] =	vst.idx.msk vm8, v57  }
0x6f: {  	(xrf0) =	vadd.scan.msk.s32 $0xffff, v35;
	v31 =	vadd.s32 v61, v59;
	[tilespmem:v32+s21+$0x0] =	vst.idx.msk vm8, v60  }
0x70: {  	v32 =	vld [tilespmem:s14+$0xFFFFFFD0]  }
0x71: {  	s2 =	sadd.s32 s2, s8  }
0x72: {  	v62 =	vmov s2  }
0x73: {  	v33 =	vadd.s32 $0xFFFFFFFF, v62  }
0x74: {  	s18 =	sadd.s32 $0x10, s9;
	v63 =	vbroadcast v33, $0x0;
	[tilespmem:v31+s19+$0x0] =	vst.idx.msk vm7, v30  }
0x75: {  	v38 =	vsel vm5, $0x1, v1;
	v36 =	vor.u32 s18, v0;
	v37, _, _ =	vpop (xrf0);
	[tilespmem:v31+s20+$0x0] =	vst.idx.msk vm7, v32  }
0x76: {  	(xrf0) =	vadd.scan.msk.s32 $0xffff, v38;
	v30 =	vadd.s32 v37, v63;
	[tilespmem:v31+s21+$0x0] =	vst.idx.msk vm7, v36  }
0x77: {  	v31 =	vld [tilespmem:s14+$0xFFFFFFE0]  }
0x78: {  	s1 =	sadd.s32 s2, s1  }
0x79: {  	v39 =	vmov s1  }
0x7a: {  	v32 =	vadd.s32 $0xFFFFFFFF, v39  }
0x7b: {  	s18 =	sadd.s32 $0x20, s9;
	v40 =	vbroadcast v32, $0x0;
	[tilespmem:v30+s19+$0x0] =	vst.idx.msk vm6, v29  }
0x7c: {  	v43 =	vsel vm4, $0x1, v1;
	v41 =	vor.u32 s18, v0;
	v42, _, _ =	vpop (xrf0);
	[tilespmem:v30+s20+$0x0] =	vst.idx.msk vm6, v31  }
0x7d: {  	(xrf0) =	vadd.scan.msk.s32 $0xffff, v43;
	v29 =	vadd.s32 v42, v40;
	[tilespmem:v30+s21+$0x0] =	vst.idx.msk vm6, v41  }
0x7e: {  	v30 =	vld [tilespmem:s14+$0xFFFFFFF0]  }
0x7f: {  	s1 =	sadd.s32 s1, s28  }
0x80: {  	v44 =	vmov s1  }
0x81: {  	v31 =	vadd.s32 $0xFFFFFFFF, v44  }
0x82: {  	s8 =	sadd.s32 $0x30, s9;
	v45 =	vbroadcast v31, $0x0;
	[tilespmem:v29+s19+$0x0] =	vst.idx.msk vm5, v28  }
0x83: {  	v48 =	vsel vm3, $0x1, v1;
	v46 =	vor.u32 s8, v0;
	v47, _, _ =	vpop (xrf0);
	[tilespmem:v29+s20+$0x0] =	vst.idx.msk vm5, v30  }
0x84: {  	(xrf0) =	vadd.scan.msk.s32 $0xffff, v48;
	v28 =	vadd.s32 v47, v45;
	[tilespmem:v29+s21+$0x0] =	vst.idx.msk vm5, v46  }
0x85: {  	v29 =	vld [tilespmem:s14+$0x0]  }
0x86: {  	s1 =	sadd.s32 s1, s25  }
0x87: {  	v49 =	vmov s1  }
0x88: {  	v30 =	vadd.s32 $0xFFFFFFFF, v49  }
0x89: {  	s18 =	sadd.s32 $0x40, s9;
	v50 =	vbroadcast v30, $0x0;
	[tilespmem:v28+s19+$0x0] =	vst.idx.msk vm4, v27  }
0x8a: {  	v53 =	vsel vm2, $0x1, v1;
	v51 =	vor.u32 s18, v0;
	v52, _, _ =	vpop (xrf0);
	[tilespmem:v28+s20+$0x0] =	vst.idx.msk vm4, v29  }
0x8b: {  	(xrf0) =	vadd.scan.msk.s32 $0xffff, v53;
	v27 =	vadd.s32 v52, v50;
	[tilespmem:v28+s21+$0x0] =	vst.idx.msk vm4, v51  }
0x8c: {  	v28 =	vld [tilespmem:s14+$0x10]  }
0x8d: {  	s1 =	sadd.s32 s1, s24  }
0x8e: {  	v54 =	vmov s1  }
0x8f: {  	v29 =	vadd.s32 $0xFFFFFFFF, v54  }
0x90: {  	s24 =	sadd.s32 $0x50, s9;
	v55 =	vbroadcast v29, $0x0;
	[tilespmem:v27+s19+$0x0] =	vst.idx.msk vm3, v26  }
0x91: {  	v56 =	vor.u32 s24, v0;
	v58 =	vsel vm1, $0x1, v1;
	v57, _, _ =	vpop (xrf0);
	[tilespmem:v27+s20+$0x0] =	vst.idx.msk vm3, v28  }
0x92: {  	(xrf0) =	vadd.scan.msk.s32 $0xffff, v58;
	v26 =	vadd.s32 v57, v55;
	[tilespmem:v27+s21+$0x0] =	vst.idx.msk vm3, v56  }
0x93: {  	v27 =	vld [tilespmem:s14+$0x20]  }
0x94: {  	s1 =	sadd.s32 s1, s23  }
0x95: {  	v59 =	vmov s1  }
0x96: {  	v28 =	vadd.s32 $0xFFFFFFFF, v59  }
0x97: {  	s25 =	sadd.s32 $0x60, s9;
	v60 =	vbroadcast v28, $0x0;
	[tilespmem:v26+s19+$0x0] =	vst.idx.msk vm2, v25  }
0x98: {  	v61 =	vor.u32 s25, v0;
	v62, _, _ =	vpop (xrf0);
	[tilespmem:v26+s20+$0x0] =	vst.idx.msk vm2, v27  }
0x99: {  	v25 =	vadd.s32 v62, v60;
	[tilespmem:v26+s21+$0x0] =	vst.idx.msk vm2, v61  }
0x9a: {  	v26 =	vld [tilespmem:s14+$0x30];
	_ =	sdelay $0x1  }
.Ltmp10:
0x9b: {  	_ = 	snop;
	(pc) =	sbr.rel .LBB2_7-.Ltmp10, $4  }
0x9c: {  	_ = 	snop  }
0x9d: {  	s28 =	sadd.s32 $0x70, s9;
	[tilespmem:v25+s19+$0x0] =	vst.idx.msk vm1, v24  }
0x9e: {  	v63 =	vor.u32 s28, v0;
	[tilespmem:v25+s20+$0x0] =	vst.idx.msk vm1, v26  }
0x9f: {  	s9 =	sadd.s32 s1, s16;
	[tilespmem:v25+s21+$0x0] =	vst.idx.msk vm1, v63  }
.LBB2_8:
0xa0: {  	p1 =	seq.s32 s6, $0x0  }
.Ltmp11:
0xa1: {  	_ = 	snop;
	(pc) =	sbr.rel @p1 .LBB2_14-.Ltmp11, $3  }
0xa2: {  	_ =	sdelay $0x1  }
0xa3: {  	[smem:$0x0] =	sst s9;
	s28 =	smov.u32 s17;
	s17 =	smov.u32 s22  }
0xa4: {  	s22 =	simm.s32 $0x1;
	s8 =	smov.u32 s0;
	s0 =	simm.s32 $0x2  }
.LBB2_9:
0xa5: {  	p1 =	seq.s32 s8, $0x63  }
0xa6: {  	s1 =	sshrl.u32 @!p1 s5, $0x3  }
0xa7: {  	s1 =	sadd.s32 @!p1 $0x190, s1  }
0xa8: {  	s5 =	simm.s32 @!p1 $0x0;
	s6 =	simm.s32 @!p1 $0x16700;
	s2 =	sadd.s32 @!p1 s17, s1  }
0xa9: {  	[tilespmem:s6], [sflag:$0x5] =	stream.linear.gather @!p1 [hbm4b:s2+s5], $0xC80, $0x38;
	[tilespmem:$0x1E900] =	vst v63  }
0xaa: {  	s24 =	simm.s32 $0x6;
	s1 =	sadd.s32 @!p1 s28, s1;
	s2 =	simm.s32 @!p1 $0x17380  }
0xab: {  	[tilespmem:s2], [sflag:$0x5] =	stream.linear.gather @!p1 [hbm4b:s1+s5], $0xC80, $0x38;
	[tilespmem:$0x1E900] =	vst v63  }
0xac: {  	_ =	swait.ge [sflag:s24], $0xC80  }
.Ltmp12:
0xad: {  	[sflag:s24] =	ssyncset.done $0x0;
	(pc) =	sbr.rel .LBB2_10-.Ltmp12, $4  }
0xae: {  	[sflag:s24] =	ssyncadd.s32 $0xFFFFF380  }
0xaf: {  	s25 =	smov.u32 s8;
	_ =	swait.ge [sflag:s24], $0xC80  }
0xb0: {  	s9 =	simm.s32 $0x0;
	s10 =	simm.s32 $0x0;
	[sflag:s24] =	ssyncset.done $0x0  }
0xb1: {  	s6 =	simm.s32 $0x18CC0;
	s5 =	simm.s32 $0x18040;
	[sflag:s24] =	ssyncadd.s32 $0xFFFFF380  }
.LBB2_12:
0xb2: {  	s10 =	sadd.s32 $0x80, s10  }
0xb3: {  	p1 =	sne.s32 s10, $0xC80  }
.Ltmp13:
0xb4: {  	_ = 	snop;
	(pc) =	sbr.rel @!p1 .LBB2_13-.Ltmp13, $2  }
0xb5: {  	_ =	sdelay $0x2  }
0xb6: {  	s5 =	sadd.s32 $0x80, s5;
	s6 =	sadd.s32 $0x80, s6  }
.LBB2_10:
0xb7: {  	v24 =	vld [tilespmem:s5+$0xFFFFFFC0]  }
0xb8: {  	v26 =	vld [tilespmem:s5+$0xFFFFFFE0]  }
0xb9: {  	v25 =	vld [tilespmem:s5+$0xFFFFFFD0]  }
0xba: {  	v27 =	vld [tilespmem:s5+$0xFFFFFFF0];
	_ =	sdelay $0x1  }
0xbb: {  	v31 =	vsub.s32 v24, v23;
	v24 =	vld [tilespmem:s5+$0x0]  }
0xbc: {  	v29 =	vsub.s32 v26, v23;
	v26 =	vld [tilespmem:s5+$0x10]  }
0xbd: {  	v34 =	vld [tilespmem:s5+$0x30];
	v30 =	vsub.s32 v25, v23;
	vm8 =	vlt.u32 v31, $0xA0  }
0xbe: {  	v33 =	vld [tilespmem:s5+$0x20];
	v28 =	vsub.s32 v27, v23;
	vm7 =	vlt.u32 v30, $0xA0;
	v25 =	vmpcnt.ones.xlane vm8  }
0xbf: {  	vm6 =	vlt.u32 v29, $0xA0;
	vm5 =	vlt.u32 v28, $0xA0;
	v32 =	vmpcnt.ones.xlane vm7  }
0xc0: {  	v59 =	vmpcnt.ones.xlane vm5;
	(v2sf) =	vpush v25, $0x0;
	v25 =	vmpcnt.ones.xlane vm6  }
0xc1: {  	(v2sf) =	vpush v32, $0x0;
	v27 =	vsub.s32 v24, v23;
	v26 =	vsub.s32 v26, v23  }
0xc2: {  	v24 =	vsub.s32 v34, v23;
	(v2sf) =	vpush v25, $0x0;
	vm4 =	vlt.u32 v27, $0xA0  }
0xc3: {  	vm3 =	vlt.u32 v26, $0xA0;
	v25 =	vsub.s32 v33, v23;
	v60 =	vmpcnt.ones.xlane vm4  }
0xc4: {  	(v2sf) =	vpush v59, $0x0;
	v61 =	vmpcnt.ones.xlane vm3;
	vm2 =	vlt.u32 v25, $0xA0  }
0xc5: {  	vm1 =	vlt.u32 v24, $0xA0;
	v62 =	vmpcnt.ones.xlane vm2;
	(v2sf) =	vpush v60, $0x0  }
0xc6: {  	v63 =	vmpcnt.ones.xlane vm1;
	(v2sf) =	vpush v61, $0x0  }
0xc7: {  	(v2sf) =	vpush v62, $0x0  }
0xc8: {  	(v2sf) =	vpush v63, $0x0;
	_ =	sdelay $0x7  }
0xc9: {  	s2 =	spop (v2sf)  }
0xca: {  	s8 =	spop (v2sf)  }
0xcb: {  	s1 =	spop (v2sf);
	s14 =	sadd.s32 s2, s8  }
0xcc: {  	s24 =	spop (v2sf);
	s14 =	sadd.s32 s1, s14  }
0xcd: {  	s14 =	sadd.s32 s24, s14;
	s23 =	spop (v2sf)  }
0xce: {  	s16 =	spop (v2sf);
	s14 =	sadd.s32 s23, s14  }
0xcf: {  	s15 =	spop (v2sf);
	s14 =	sadd.s32 s16, s14  }
0xd0: {  	s18 =	sadd.s32 s15, s14;
	s14 =	spop (v2sf)  }
0xd1: {  	s18 =	sadd.s32 s14, s18  }
0xd2: {  	p1 =	slt.s32 s18, $0x1  }
.Ltmp14:
0xd3: {  	_ = 	snop;
	(pc) =	sbr.rel @p1 .LBB2_12-.Ltmp14, $1  }
0xd4: {  	_ =	sdelay $0x3  }
0xd5: {  	v32 =	vsel vm8, $0x1, v1  }
0xd6: {  	(xrf0) =	vadd.scan.msk.s32 $0xffff, v32;
	_ =	sdelay $0x2  }
0xd7: {  	v56 =	vmov s9  }
0xd8: {  	v32 =	vadd.s32 $0xFFFFFFFF, v56  }
0xd9: {  	v32 =	vbroadcast v32, $0x0  }
0xda: {  	v34 =	vsel vm7, $0x1, v1;
	v33, _, _ =	vpop (xrf0)  }
0xdb: {  	(xrf0) =	vadd.scan.msk.s32 $0xffff, v34;
	v32 =	vadd.s32 v33, v32  }
0xdc: {  	v57 =	vld [tilespmem:s6+$0xFFFFFFC0]  }
0xdd: {  	s2 =	sadd.s32 s9, s2  }
0xde: {  	v58 =	vmov s2  }
0xdf: {  	v34 =	vadd.s32 $0xFFFFFFFF, v58  }
0xe0: {  	s9 =	sadd.s32 s10, s3;
	v59 =	vbroadcast v34, $0x0;
	[tilespmem:v32+s19+$0x0] =	vst.idx.msk vm8, v31  }
0xe1: {  	v35 =	vsel vm6, $0x1, v1;
	v60 =	vor.u32 s9, v0;
	v61, _, _ =	vpop (xrf0);
	[tilespmem:v32+s20+$0x0] =	vst.idx.msk vm8, v57  }
0xe2: {  	(xrf0) =	vadd.scan.msk.s32 $0xffff, v35;
	v31 =	vadd.s32 v61, v59;
	[tilespmem:v32+s21+$0x0] =	vst.idx.msk vm8, v60  }
0xe3: {  	v32 =	vld [tilespmem:s6+$0xFFFFFFD0]  }
0xe4: {  	s2 =	sadd.s32 s2, s8  }
0xe5: {  	v62 =	vmov s2  }
0xe6: {  	v33 =	vadd.s32 $0xFFFFFFFF, v62  }
0xe7: {  	s18 =	sadd.s32 $0x10, s9;
	v63 =	vbroadcast v33, $0x0;
	[tilespmem:v31+s19+$0x0] =	vst.idx.msk vm7, v30  }
0xe8: {  	v38 =	vsel vm5, $0x1, v1;
	v36 =	vor.u32 s18, v0;
	v37, _, _ =	vpop (xrf0);
	[tilespmem:v31+s20+$0x0] =	vst.idx.msk vm7, v32  }
0xe9: {  	(xrf0) =	vadd.scan.msk.s32 $0xffff, v38;
	v30 =	vadd.s32 v37, v63;
	[tilespmem:v31+s21+$0x0] =	vst.idx.msk vm7, v36  }
0xea: {  	v31 =	vld [tilespmem:s6+$0xFFFFFFE0]  }
0xeb: {  	s1 =	sadd.s32 s2, s1  }
0xec: {  	v39 =	vmov s1  }
0xed: {  	v32 =	vadd.s32 $0xFFFFFFFF, v39  }
0xee: {  	s18 =	sadd.s32 $0x20, s9;
	v40 =	vbroadcast v32, $0x0;
	[tilespmem:v30+s19+$0x0] =	vst.idx.msk vm6, v29  }
0xef: {  	v43 =	vsel vm4, $0x1, v1;
	v41 =	vor.u32 s18, v0;
	v42, _, _ =	vpop (xrf0);
	[tilespmem:v30+s20+$0x0] =	vst.idx.msk vm6, v31  }
0xf0: {  	(xrf0) =	vadd.scan.msk.s32 $0xffff, v43;
	v29 =	vadd.s32 v42, v40;
	[tilespmem:v30+s21+$0x0] =	vst.idx.msk vm6, v41  }
0xf1: {  	v30 =	vld [tilespmem:s6+$0xFFFFFFF0]  }
0xf2: {  	s1 =	sadd.s32 s1, s24  }
0xf3: {  	v44 =	vmov s1  }
0xf4: {  	v31 =	vadd.s32 $0xFFFFFFFF, v44  }
0xf5: {  	s24 =	sadd.s32 $0x30, s9;
	v45 =	vbroadcast v31, $0x0;
	[tilespmem:v29+s19+$0x0] =	vst.idx.msk vm5, v28  }
0xf6: {  	v48 =	vsel vm3, $0x1, v1;
	v46 =	vor.u32 s24, v0;
	v47, _, _ =	vpop (xrf0);
	[tilespmem:v29+s20+$0x0] =	vst.idx.msk vm5, v30  }
0xf7: {  	(xrf0) =	vadd.scan.msk.s32 $0xffff, v48;
	v28 =	vadd.s32 v47, v45;
	[tilespmem:v29+s21+$0x0] =	vst.idx.msk vm5, v46  }
0xf8: {  	v29 =	vld [tilespmem:s6+$0x0]  }
0xf9: {  	s1 =	sadd.s32 s1, s23  }
0xfa: {  	v49 =	vmov s1  }
0xfb: {  	v30 =	vadd.s32 $0xFFFFFFFF, v49  }
0xfc: {  	s8 =	sadd.s32 $0x40, s9;
	v50 =	vbroadcast v30, $0x0;
	[tilespmem:v28+s19+$0x0] =	vst.idx.msk vm4, v27  }
0xfd: {  	v53 =	vsel vm2, $0x1, v1;
	v51 =	vor.u32 s8, v0;
	v52, _, _ =	vpop (xrf0);
	[tilespmem:v28+s20+$0x0] =	vst.idx.msk vm4, v29  }
0xfe: {  	(xrf0) =	vadd.scan.msk.s32 $0xffff, v53;
	v27 =	vadd.s32 v52, v50;
	[tilespmem:v28+s21+$0x0] =	vst.idx.msk vm4, v51  }
0xff: {  	v28 =	vld [tilespmem:s6+$0x10]  }
0x100: {  	s1 =	sadd.s32 s1, s16  }
0x101: {  	v54 =	vmov s1  }
0x102: {  	v29 =	vadd.s32 $0xFFFFFFFF, v54  }
0x103: {  	s18 =	sadd.s32 $0x50, s9;
	v55 =	vbroadcast v29, $0x0;
	[tilespmem:v27+s19+$0x0] =	vst.idx.msk vm3, v26  }
0x104: {  	v56 =	vor.u32 s18, v0;
	v58 =	vsel vm1, $0x1, v1;
	v57, _, _ =	vpop (xrf0);
	[tilespmem:v27+s20+$0x0] =	vst.idx.msk vm3, v28  }
0x105: {  	(xrf0) =	vadd.scan.msk.s32 $0xffff, v58;
	v26 =	vadd.s32 v57, v55;
	[tilespmem:v27+s21+$0x0] =	vst.idx.msk vm3, v56  }
0x106: {  	v27 =	vld [tilespmem:s6+$0x20]  }
0x107: {  	s1 =	sadd.s32 s1, s15  }
0x108: {  	v59 =	vmov s1  }
0x109: {  	v28 =	vadd.s32 $0xFFFFFFFF, v59  }
0x10a: {  	s23 =	sadd.s32 $0x60, s9;
	v60 =	vbroadcast v28, $0x0;
	[tilespmem:v26+s19+$0x0] =	vst.idx.msk vm2, v25  }
0x10b: {  	v61 =	vor.u32 s23, v0;
	v62, _, _ =	vpop (xrf0);
	[tilespmem:v26+s20+$0x0] =	vst.idx.msk vm2, v27  }
0x10c: {  	v25 =	vadd.s32 v62, v60;
	[tilespmem:v26+s21+$0x0] =	vst.idx.msk vm2, v61  }
0x10d: {  	v26 =	vld [tilespmem:s6+$0x30];
	_ =	sdelay $0x1  }
.Ltmp15:
0x10e: {  	_ = 	snop;
	(pc) =	sbr.rel .LBB2_12-.Ltmp15, $4  }
0x10f: {  	_ = 	snop  }
0x110: {  	s24 =	sadd.s32 $0x70, s9;
	[tilespmem:v25+s19+$0x0] =	vst.idx.msk vm1, v24  }
0x111: {  	v63 =	vor.u32 s24, v0;
	[tilespmem:v25+s20+$0x0] =	vst.idx.msk vm1, v26  }
0x112: {  	s9 =	sadd.s32 s1, s14;
	[tilespmem:v25+s21+$0x0] =	vst.idx.msk vm1, v63  }
.LBB2_13:
0x113: {  	[smem:$0x0] =	sst s9;
	s8 =	smov.u32 s25  }
.LBB2_14:
0x114: {  	s1 =	sadd.s32 $0x7, s9  }
0x115: {  	s2 =	sand.u32 $0x7, s1  }
0x116: {  	s25 =	sshra.s32 s1, $0x1F;
	p2 =	slt.s32 s1, $0x1;
	p1 =	sne.s32 s2, $0x0  }
0x117: {  	s2 =	sshrl.u32 s25, $0x1D;
	p1 =	por !p2, !p1  }
0x118: {  	s1 =	sadd.s32 s2, s1;
	s2 =	simm.s32 $0x1;
	p1 =	por !p1, !p1  }
0x119: {  	s1 =	sshra.s32 s1, $0x3;
	s2 =	simm.s32 @!p1 $0x0  }
0x11a: {  	s5 =	ssub.s32 s1, s2  }
0x11b: {  	p1 =	slt.s32 s5, $0x1  }
.Ltmp16:
0x11c: {  	_ = 	snop;
	(pc) =	sbr.rel @p1 .LBB2_23-.Ltmp16, $4  }
0x11d: {  	_ = 	snop  }
0x11e: {  	[tilespmem:s9+$0x14000] =	vst v1  }
0x11f: {  	[tilespmem:s9+$0x14D00] =	vst v2  }
0x120: {  	[tilespmem:s9+$0x15A00] =	vst v1  }
0x121: {  	v24 =	vld.msk [tilespmem:$0x14D00], $0xff;
	_ =	sdelay $0x4  }
0x122: {  	v25 =	vshrl.u32 v24, $0x3  }
0x123: {  	v25 =	vmul.u32 $0x30, v25  }
0x124: {  	v24 =	vand.u32 $0x7, v24  }
0x125: {  	v24 =	vor.u32 v24, v25  }
0x126: {  	v24 =	vperm.xlane v24, v3;
	_ =	sdelay $0x1  }
0x127: {  	v24 =	vadd.s32 v4, v24;
	_ =	sdelay $0x3  }
0x128: {  	s9 =	simm.s32 $0x0;
	s1 =	simm.s32 $0x19900  }
0x129: {  	[tilespmem:s1], [sflag:$0x1] =	stream.indirect_vreg.gather [hbm4b:s4+s9], $0x80, v24, vm0, $0xb8;
	[tilespmem:$0x1E900] =	vst v63  }
0x12a: {  	s23 =	simm.s32 $0x1A100  }
0x12b: {  	[tilespmem:s23], [sflag:$0x1] =	stream.indirect_vreg.gather [hbm4b:s11+s9], $0x80, v24, vm0, $0xb8;
	[tilespmem:$0x1E900] =	vst v63  }
0x12c: {  	s24 =	simm.s32 $0x1A900  }
0x12d: {  	[tilespmem:s24], [sflag:$0x1] =	stream.indirect_vreg.gather [hbm4b:s12+s9], $0x80, v24, vm0, $0xb8;
	[tilespmem:$0x1E900] =	vst v63  }
0x12e: {  	v24 =	vld.msk [tilespmem:$0x15A00], $0xff;
	_ =	sdelay $0x4  }
0x12f: {  	v63 =	vshll.u32 v24, $0x2  }
0x130: {  	v24 =	vand.u32 $0x7, v24;
	v25 =	vand.u32 $0xFFFFFFE0, v63  }
0x131: {  	v24 =	vor.u32 v24, v25  }
0x132: {  	v24 =	vperm.xlane v24, v3;
	_ =	sdelay $0x1  }
0x133: {  	v24 =	vadd.s32 v4, v24;
	_ =	sdelay $0x2  }
.Ltmp17:
0x134: {  	_ = 	snop;
	(pc) =	sbr.rel .LBB2_16-.Ltmp17, $4  }
0x135: {  	_ = 	snop  }
0x136: {  	[tilespmem:s26], [sflag:$0x2] =	stream.indirect_vreg.gather [hbm4b:s7+s9], $0x80, v24, vm0, $0xb8;
	[tilespmem:$0x1E900] =	vst v63  }
0x137: {  	s25 =	simm.s32 $0x1B900  }
0x138: {  	[tilespmem:s25], [sflag:$0x2] =	stream.indirect_vreg.gather [hbm4b:s13+s9], $0x80, v24, vm0, $0xb8;
	[tilespmem:$0x1E900] =	vst v63  }
.LBB2_22:
0x139: {  	p1 =	sne.s32 s10, s5  }
.Ltmp18:
0x13a: {  	_ = 	snop;
	(pc) =	sbr.rel @!p1 .LBB2_23-.Ltmp18, $2  }
0x13b: {  	_ =	sdelay $0x2  }
0x13c: {  	s9 =	smov.u32 s10  }
.LBB2_16:
0x13d: {  	s15 =	sand.u32 $0x1, s9  }
0x13e: {  	p1 =	seq.s32 s15, $0x1  }
.Ltmp19:
0x13f: {  	_ = 	snop;
	(pc) =	sbr.rel @p1 .LBB2_20-.Ltmp19, $1  }
0x140: {  	_ =	sdelay $0x3  }
0x141: {  	s10 =	sor.u32 $0x1, s9  }
0x142: {  	p1 =	sge.s32 s10, s5  }
0x143: {  	s1 =	sshll.u32 @!p1 s10, $0x3  }
0x144: {  	v24 =	vld.msk @!p1 [tilespmem:s1+$0x14D00], $0xff;
	_ =	sdelay $0x4  }
0x145: {  	v25 =	vshrl.u32 @!p1 v24, $0x3  }
0x146: {  	v25 =	vmul.u32 @!p1 $0x30, v25  }
0x147: {  	v26 =	vlaneseq.u32 @!p1;
	v24 =	vand.u32 @!p1 $0x7, v24  }
0x148: {  	v24 =	vor.u32 @!p1 v24, v25;
	v25 =	vand.u32 @!p1 $0x7, v26;
	v26 =	vshrl.u32 @!p1 v26, $0x3  }
0x149: {  	v24 =	vperm.xlane @!p1 v24, v25;
	v26 =	vmul.u32 @!p1 $0x8, v26;
	_ =	sdelay $0x1  }
0x14a: {  	v24 =	vadd.s32 @!p1 v26, v24;
	_ =	sdelay $0x3  }
0x14b: {  	vm1 =	vmmov @!p1 $0xffff;
	s2 =	simm.s32 @!p1 $0x0;
	s6 =	simm.s32 @!p1 $0x1C100  }
0x14c: {  	[tilespmem:s6], [sflag:$0x3] =	stream.indirect_vreg.gather @!p1 [hbm4b:s4+s2], $0x80, v24, vm1, $0xb8;
	[tilespmem:$0x1E900] =	vst v63  }
0x14d: {  	s6 =	simm.s32 @!p1 $0x1C900  }
0x14e: {  	[tilespmem:s6], [sflag:$0x3] =	stream.indirect_vreg.gather @!p1 [hbm4b:s11+s2], $0x80, v24, vm1, $0xb8;
	[tilespmem:$0x1E900] =	vst v63  }
0x14f: {  	s6 =	simm.s32 @!p1 $0x1D100  }
0x150: {  	[tilespmem:s6], [sflag:$0x3] =	stream.indirect_vreg.gather @!p1 [hbm4b:s12+s2], $0x80, v24, vm1, $0xb8;
	[tilespmem:$0x1E900] =	vst v63  }
0x151: {  	v24 =	vld.msk @!p1 [tilespmem:s1+$0x15A00], $0xff;
	_ =	sdelay $0x4  }
0x152: {  	v27 =	vshll.u32 @!p1 v24, $0x2  }
0x153: {  	v24 =	vand.u32 @!p1 $0x7, v24;
	v27 =	vand.u32 @!p1 $0xFFFFFFE0, v27  }
0x154: {  	v24 =	vor.u32 @!p1 v24, v27  }
0x155: {  	v24 =	vperm.xlane @!p1 v24, v25;
	_ =	sdelay $0x1  }
0x156: {  	v24 =	vadd.s32 @!p1 v26, v24;
	_ =	sdelay $0x3  }
0x157: {  	s1 =	simm.s32 @!p1 $0x1D900  }
0x158: {  	[tilespmem:s1], [sflag:$0x4] =	stream.indirect_vreg.gather @!p1 [hbm4b:s7+s2], $0x80, v24, vm1, $0xb8;
	[tilespmem:$0x1E900] =	vst v63  }
0x159: {  	s1 =	simm.s32 @!p1 $0x1E100  }
0x15a: {  	[tilespmem:s1], [sflag:$0x4] =	stream.indirect_vreg.gather @!p1 [hbm4b:s13+s2], $0x80, v24, vm1, $0xb8;
	[tilespmem:$0x1E900] =	vst v63  }
0x15b: {  	_ =	swait.ge [sflag:s22], $0x1800  }
0x15c: {  	[sflag:s22] =	ssyncset.done $0x0  }
0x15d: {  	[sflag:s22] =	ssyncadd.s32 $0xFFFFE800  }
0x15e: {  	_ =	swait.ge [sflag:s0], $0x1000  }
0x15f: {  	s23 =	sshll.u32 s9, $0x5;
	[sflag:s0] =	ssyncset.done $0x0  }
0x160: {  	s16 =	sshra.s32 s23, $0x2;
	[sflag:s0] =	ssyncadd.s32 $0xFFFFF000  }
0x161: {  	v48 =	vld [tilespmem:s16+$0x14000];
	_ =	sdelay $0x4  }
0x162: {  	(v2sf) =	vpush v48, $0x0;
	_ =	sdelay $0x9  }
0x163: {  	v29 =	vld.idx.msk [tilespmem:v5+s26+$0x0], $0xffff  }
0x164: {  	v49 =	vld [tilespmem:$0x19900]  }
0x165: {  	v50 =	vld [tilespmem:$0x1B100]  }
0x166: {  	v28 =	vld.idx.msk [tilespmem:v6+s26+$0x0], $0xffff  }
0x167: {  	v27 =	vld.idx.msk [tilespmem:v7+s26+$0x0], $0xffff  }
0x168: {  	v51 =	vld [tilespmem:$0x19D00];
	s24 =	spop (v2sf)  }
0x169: {  	v30 =	vld [tilespmem:$0x1A100];
	s25 =	sshll.u32 s24, $0x9;
	s1 =	sshll.u32 s24, $0x7  }
0x16a: {  	v31 =	vld [tilespmem:$0x1B500];
	v24 =	vmul.f32 v50, v49;
	s2 =	sand.u32 $0xFFFFF000, s25;
	s1 =	sand.u32 $0x380, s1  }
0x16b: {  	v52 =	vld [tilespmem:$0x1B900];
	s14 =	sor.u32 s1, s2  }
0x16c: {  	[tilespmem:s14+$0x0] =	vst.add.f32.msk $0xffff, v24  }
0x16d: {  	v24 =	vld [tilespmem:$0x1A500];
	_ =	sdelay $0x2  }
0x16e: {  	v26 =	vmul.f32 v31, v51;
	v25 =	vmul.f32 v52, v30;
	_ =	sdelay $0x1  }
0x16f: {  	v30 =	vmul.f32 v25, v29;
	v24 =	vmul.f32 v24, v26;
	_ =	sdelay $0x1  }
0x170: {  	v24 =	vadd.f32 v24, v30  }
0x171: {  	s1 =	sor.u32 $0x400, s14  }
0x172: {  	[tilespmem:s1+$0x0] =	vst.add.f32.msk $0xffff, v24  }
0x173: {  	v24 =	vld [tilespmem:$0x1A900];
	_ =	sdelay $0x4  }
0x174: {  	v53 =	vmul.f32 v25, v28;
	v24 =	vmul.f32 v24, v26;
	_ =	sdelay $0x1  }
0x175: {  	v24 =	vadd.f32 v24, v53  }
0x176: {  	s6 =	sor.u32 $0x800, s14  }
0x177: {  	[tilespmem:s6+$0x0] =	vst.add.f32.msk $0xffff, v24  }
0x178: {  	v24 =	vld [tilespmem:$0x1AD00];
	_ =	sdelay $0x4  }
0x179: {  	v25 =	vmul.f32 v25, v27;
	v24 =	vmul.f32 v24, v26;
	_ =	sdelay $0x1  }
0x17a: {  	v24 =	vadd.f32 v24, v25  }
0x17b: {  	s18 =	sor.u32 $0xC00, s14  }
0x17c: {  	[tilespmem:s18+$0x0] =	vst.add.f32.msk $0xffff, v24  }
0x17d: {  	v24 =	vld [tilespmem:$0x19910]  }
0x17e: {  	v54 =	vld [tilespmem:$0x1B110];
	_ =	sdelay $0x2  }
0x17f: {  	v55 =	vld [tilespmem:$0x19D10]  }
0x180: {  	v56 =	vld [tilespmem:$0x1A110]  }
0x181: {  	v57 =	vld [tilespmem:$0x1B510];
	v24 =	vmul.f32 v54, v24  }
0x182: {  	s23 =	sor.u32 $0x10, s14;
	v58 =	vld [tilespmem:$0x1B910]  }
0x183: {  	[tilespmem:s23+$0x0] =	vst.add.f32.msk $0xffff, v24  }
0x184: {  	v24 =	vld [tilespmem:$0x1A510];
	_ =	sdelay $0x2  }
0x185: {  	v26 =	vmul.f32 v57, v55;
	v25 =	vmul.f32 v58, v56;
	_ =	sdelay $0x1  }
0x186: {  	v30 =	vmul.f32 v25, v29;
	v24 =	vmul.f32 v24, v26;
	_ =	sdelay $0x1  }
0x187: {  	v24 =	vadd.f32 v24, v30  }
0x188: {  	s24 =	sor.u32 $0x410, s14  }
0x189: {  	[tilespmem:s24+$0x0] =	vst.add.f32.msk $0xffff, v24  }
0x18a: {  	v24 =	vld [tilespmem:$0x1A910];
	_ =	sdelay $0x4  }
0x18b: {  	v59 =	vmul.f32 v25, v28;
	v24 =	vmul.f32 v24, v26;
	_ =	sdelay $0x1  }
0x18c: {  	v24 =	vadd.f32 v24, v59  }
0x18d: {  	s25 =	sor.u32 $0x810, s14  }
0x18e: {  	[tilespmem:s25+$0x0] =	vst.add.f32.msk $0xffff, v24  }
0x18f: {  	v24 =	vld [tilespmem:$0x1AD10];
	_ =	sdelay $0x4  }
0x190: {  	v25 =	vmul.f32 v25, v27;
	v24 =	vmul.f32 v24, v26;
	_ =	sdelay $0x1  }
0x191: {  	v24 =	vadd.f32 v24, v25  }
0x192: {  	s2 =	sor.u32 $0xC10, s14  }
0x193: {  	[tilespmem:s2+$0x0] =	vst.add.f32.msk $0xffff, v24  }
0x194: {  	v24 =	vld [tilespmem:$0x19920]  }
0x195: {  	v60 =	vld [tilespmem:$0x1B120];
	_ =	sdelay $0x2  }
0x196: {  	v61 =	vld [tilespmem:$0x19D20]  }
0x197: {  	v62 =	vld [tilespmem:$0x1A120]  }
0x198: {  	v63 =	vld [tilespmem:$0x1B520];
	v24 =	vmul.f32 v60, v24  }
0x199: {  	s6 =	sor.u32 $0x20, s14;
	v32 =	vld [tilespmem:$0x1B920]  }
0x19a: {  	[tilespmem:s6+$0x0] =	vst.add.f32.msk $0xffff, v24  }
0x19b: {  	v24 =	vld [tilespmem:$0x1A520];
	_ =	sdelay $0x2  }
0x19c: {  	v26 =	vmul.f32 v63, v61;
	v25 =	vmul.f32 v32, v62;
	_ =	sdelay $0x1  }
0x19d: {  	v30 =	vmul.f32 v25, v29;
	v24 =	vmul.f32 v24, v26;
	_ =	sdelay $0x1  }
0x19e: {  	v24 =	vadd.f32 v24, v30  }
0x19f: {  	s18 =	sor.u32 $0x420, s14  }
0x1a0: {  	[tilespmem:s18+$0x0] =	vst.add.f32.msk $0xffff, v24  }
0x1a1: {  	v24 =	vld [tilespmem:$0x1A920];
	_ =	sdelay $0x4  }
0x1a2: {  	v33 =	vmul.f32 v25, v28;
	v24 =	vmul.f32 v24, v26;
	_ =	sdelay $0x1  }
0x1a3: {  	v24 =	vadd.f32 v24, v33  }
0x1a4: {  	s23 =	sor.u32 $0x820, s14  }
0x1a5: {  	[tilespmem:s23+$0x0] =	vst.add.f32.msk $0xffff, v24  }
0x1a6: {  	v24 =	vld [tilespmem:$0x1AD20];
	_ =	sdelay $0x4  }
0x1a7: {  	v25 =	vmul.f32 v25, v27;
	v24 =	vmul.f32 v24, v26;
	_ =	sdelay $0x1  }
0x1a8: {  	v24 =	vadd.f32 v24, v25  }
0x1a9: {  	s24 =	sor.u32 $0xC20, s14  }
0x1aa: {  	[tilespmem:s24+$0x0] =	vst.add.f32.msk $0xffff, v24  }
0x1ab: {  	v24 =	vld [tilespmem:$0x19930]  }
0x1ac: {  	v34 =	vld [tilespmem:$0x1B130];
	_ =	sdelay $0x2  }
0x1ad: {  	v35 =	vld [tilespmem:$0x19D30]  }
0x1ae: {  	v36 =	vld [tilespmem:$0x1A130]  }
0x1af: {  	v37 =	vld [tilespmem:$0x1B530];
	v24 =	vmul.f32 v34, v24  }
0x1b0: {  	s25 =	sor.u32 $0x30, s14;
	v38 =	vld [tilespmem:$0x1B930]  }
0x1b1: {  	[tilespmem:s25+$0x0] =	vst.add.f32.msk $0xffff, v24  }
0x1b2: {  	v24 =	vld [tilespmem:$0x1A530];
	_ =	sdelay $0x2  }
0x1b3: {  	v26 =	vmul.f32 v37, v35;
	v25 =	vmul.f32 v38, v36;
	_ =	sdelay $0x1  }
0x1b4: {  	v30 =	vmul.f32 v25, v29;
	v24 =	vmul.f32 v24, v26;
	_ =	sdelay $0x1  }
0x1b5: {  	v24 =	vadd.f32 v24, v30  }
0x1b6: {  	s2 =	sor.u32 $0x430, s14  }
0x1b7: {  	[tilespmem:s2+$0x0] =	vst.add.f32.msk $0xffff, v24  }
0x1b8: {  	v24 =	vld [tilespmem:$0x1A930];
	_ =	sdelay $0x4  }
0x1b9: {  	v39 =	vmul.f32 v25, v28;
	v24 =	vmul.f32 v24, v26;
	_ =	sdelay $0x1  }
0x1ba: {  	v24 =	vadd.f32 v24, v39  }
0x1bb: {  	s6 =	sor.u32 $0x830, s14  }
0x1bc: {  	[tilespmem:s6+$0x0] =	vst.add.f32.msk $0xffff, v24  }
0x1bd: {  	v24 =	vld [tilespmem:$0x1AD30];
	_ =	sdelay $0x4  }
0x1be: {  	v25 =	vmul.f32 v25, v27;
	v24 =	vmul.f32 v24, v26;
	_ =	sdelay $0x1  }
0x1bf: {  	v24 =	vadd.f32 v24, v25  }
0x1c0: {  	s18 =	sor.u32 $0xC30, s14  }
0x1c1: {  	[tilespmem:s18+$0x0] =	vst.add.f32.msk $0xffff, v24  }
0x1c2: {  	v24 =	vld [tilespmem:$0x19940]  }
0x1c3: {  	v40 =	vld [tilespmem:$0x1B140];
	_ =	sdelay $0x2  }
0x1c4: {  	v41 =	vld [tilespmem:$0x19D40]  }
0x1c5: {  	v42 =	vld [tilespmem:$0x1A140]  }
0x1c6: {  	v43 =	vld [tilespmem:$0x1B540];
	v24 =	vmul.f32 v40, v24  }
0x1c7: {  	s23 =	sor.u32 $0x40, s14;
	v44 =	vld [tilespmem:$0x1B940]  }
0x1c8: {  	[tilespmem:s23+$0x0] =	vst.add.f32.msk $0xffff, v24  }
0x1c9: {  	v24 =	vld [tilespmem:$0x1A540];
	_ =	sdelay $0x2  }
0x1ca: {  	v26 =	vmul.f32 v43, v41;
	v25 =	vmul.f32 v44, v42;
	_ =	sdelay $0x1  }
0x1cb: {  	v30 =	vmul.f32 v25, v29;
	v24 =	vmul.f32 v24, v26;
	_ =	sdelay $0x1  }
0x1cc: {  	v24 =	vadd.f32 v24, v30  }
0x1cd: {  	s24 =	sor.u32 $0x440, s14  }
0x1ce: {  	[tilespmem:s24+$0x0] =	vst.add.f32.msk $0xffff, v24  }
0x1cf: {  	v24 =	vld [tilespmem:$0x1A940];
	_ =	sdelay $0x4  }
0x1d0: {  	v45 =	vmul.f32 v25, v28;
	v24 =	vmul.f32 v24, v26;
	_ =	sdelay $0x1  }
0x1d1: {  	v24 =	vadd.f32 v24, v45  }
0x1d2: {  	s25 =	sor.u32 $0x840, s14  }
0x1d3: {  	[tilespmem:s25+$0x0] =	vst.add.f32.msk $0xffff, v24  }
0x1d4: {  	v24 =	vld [tilespmem:$0x1AD40];
	_ =	sdelay $0x4  }
0x1d5: {  	v25 =	vmul.f32 v25, v27;
	v24 =	vmul.f32 v24, v26  }
0x1d6: {  	v49 =	vld [tilespmem:s16+$0x14001]  }
0x1d7: {  	v24 =	vadd.f32 v24, v25  }
0x1d8: {  	s2 =	sor.u32 $0xC40, s14  }
0x1d9: {  	[tilespmem:s2+$0x0] =	vst.add.f32.msk $0xffff, v24  }
0x1da: {  	v24 =	vld [tilespmem:$0x19950]  }
0x1db: {  	(v2sf) =	vpush v49, $0x0;
	v46 =	vld [tilespmem:$0x1B150];
	_ =	sdelay $0x2  }
0x1dc: {  	v47 =	vld [tilespmem:$0x19D50]  }
0x1dd: {  	v48 =	vld [tilespmem:$0x1A150]  }
0x1de: {  	v32 =	vld [tilespmem:$0x1B550];
	v24 =	vmul.f32 v46, v24  }
0x1df: {  	s6 =	sor.u32 $0x50, s14;
	v50 =	vld [tilespmem:$0x1B950]  }
0x1e0: {  	[tilespmem:s6+$0x0] =	vst.add.f32.msk $0xffff, v24  }
0x1e1: {  	v24 =	vld [tilespmem:$0x1A550]  }
0x1e2: {  	v53 =	vld [tilespmem:$0x1B980]  }
0x1e3: {  	v33 =	vld [tilespmem:$0x19980]  }
0x1e4: {  	v34 =	vld [tilespmem:$0x1B180];
	v51 =	vmul.f32 v32, v47;
	v30 =	vmul.f32 v50, v48  }
0x1e5: {  	v35 =	vld [tilespmem:$0x19D80]  }
0x1e6: {  	v36 =	vld [tilespmem:$0x1A180];
	v25 =	vmul.f32 v30, v29;
	v24 =	vmul.f32 v24, v51  }
0x1e7: {  	v37 =	vld [tilespmem:$0x1B580]  }
0x1e8: {  	s23 =	spop (v2sf);
	v26 =	vld.idx.msk [tilespmem:v8+s26+$0x0], $0xffff;
	v24 =	vadd.f32 v24, v25  }
0x1e9: {  	s18 =	sor.u32 $0x450, s14;
	s1 =	sshll.u32 s23, $0x7;
	s24 =	sshll.u32 s23, $0x9;
	v25 =	vld.idx.msk [tilespmem:v9+s26+$0x0], $0xffff  }
0x1ea: {  	v33 =	vmul.f32 v34, v33;
	s1 =	sand.u32 $0x380, s1;
	s2 =	sand.u32 $0xFFFFF000, s24;
	[tilespmem:s18+$0x0] =	vst.add.f32.msk $0xffff, v24  }
0x1eb: {  	s6 =	sor.u32 s1, s2;
	v24 =	vld.idx.msk [tilespmem:v10+s26+$0x0], $0xffff  }
0x1ec: {  	[tilespmem:s6+$0x0] =	vst.add.f32.msk $0xffff, v33  }
0x1ed: {  	v52 =	vld [tilespmem:$0x1A950]  }
0x1ee: {  	v33 =	vld [tilespmem:$0x1A580];
	_ =	sdelay $0x2  }
0x1ef: {  	v35 =	vmul.f32 v37, v35;
	v34 =	vmul.f32 v53, v36  }
0x1f0: {  	v38 =	vmul.f32 v30, v28;
	v32 =	vmul.f32 v52, v51  }
0x1f1: {  	v36 =	vmul.f32 v34, v26;
	v33 =	vmul.f32 v33, v35  }
0x1f2: {  	v32 =	vadd.f32 v32, v38  }
0x1f3: {  	s25 =	sor.u32 $0x850, s14;
	v54 =	vadd.f32 v33, v36  }
0x1f4: {  	s2 =	sor.u32 $0x400, s6;
	[tilespmem:s25+$0x0] =	vst.add.f32.msk $0xffff, v32  }
0x1f5: {  	[tilespmem:s2+$0x0] =	vst.add.f32.msk $0xffff, v54  }
0x1f6: {  	v55 =	vld [tilespmem:$0x1AD50]  }
0x1f7: {  	v32 =	vld [tilespmem:$0x1A980];
	_ =	sdelay $0x3  }
0x1f8: {  	v30 =	vmul.f32 v30, v27;
	v31 =	vmul.f32 v55, v51  }
0x1f9: {  	v57 =	vmul.f32 v34, v25;
	v56 =	vmul.f32 v32, v35  }
0x1fa: {  	v30 =	vadd.f32 v31, v30  }
0x1fb: {  	s18 =	sor.u32 $0xC50, s14;
	v58 =	vadd.f32 v56, v57  }
0x1fc: {  	s23 =	sor.u32 $0x800, s6;
	[tilespmem:s18+$0x0] =	vst.add.f32.msk $0xffff, v30  }
0x1fd: {  	[tilespmem:s23+$0x0] =	vst.add.f32.msk $0xffff, v58  }
0x1fe: {  	v59 =	vld [tilespmem:$0x19960]  }
0x1ff: {  	v30 =	vld [tilespmem:$0x1AD80]  }
0x200: {  	v60 =	vld [tilespmem:$0x1B160];
	_ =	sdelay $0x2  }
0x201: {  	v61 =	vld [tilespmem:$0x19D60]  }
0x202: {  	v34 =	vmul.f32 v34, v24;
	v62 =	vld [tilespmem:$0x1A160];
	v30 =	vmul.f32 v30, v35  }
0x203: {  	v63 =	vld [tilespmem:$0x1B560];
	v31 =	vmul.f32 v60, v59  }
0x204: {  	s24 =	sor.u32 $0x60, s14;
	v40 =	vld [tilespmem:$0x1B960];
	v30 =	vadd.f32 v30, v34  }
0x205: {  	s25 =	sor.u32 $0xC00, s6;
	[tilespmem:s24+$0x0] =	vst.add.f32.msk $0xffff, v31  }
0x206: {  	[tilespmem:s25+$0x0] =	vst.add.f32.msk $0xffff, v30  }
0x207: {  	v30 =	vld [tilespmem:$0x19990]  }
0x208: {  	v41 =	vld [tilespmem:$0x1B190]  }
0x209: {  	v42 =	vld [tilespmem:$0x1A560];
	_ =	sdelay $0x1  }
0x20a: {  	v43 =	vld [tilespmem:$0x19D90]  }
0x20b: {  	v33 =	vmul.f32 v63, v61;
	v32 =	vmul.f32 v40, v62;
	v44 =	vld [tilespmem:$0x1A190]  }
0x20c: {  	v45 =	vld [tilespmem:$0x1B590];
	v30 =	vmul.f32 v41, v30  }
0x20d: {  	s2 =	sor.u32 $0x10, s6;
	v47 =	vmul.f32 v32, v29;
	v48 =	vld [tilespmem:$0x1B990];
	v46 =	vmul.f32 v42, v33  }
0x20e: {  	[tilespmem:s2+$0x0] =	vst.add.f32.msk $0xffff, v30  }
0x20f: {  	v49 =	vadd.f32 v46, v47;
	v50 =	vld [tilespmem:$0x1A590]  }
0x210: {  	s18 =	sor.u32 $0x460, s14  }
0x211: {  	[tilespmem:s18+$0x0] =	vst.add.f32.msk $0xffff, v49  }
0x212: {  	v51 =	vmul.f32 v45, v43;
	v35 =	vmul.f32 v48, v44;
	v30 =	vld [tilespmem:$0x1A960];
	_ =	sdelay $0x1  }
0x213: {  	v52 =	vmul.f32 v35, v26;
	v31 =	vmul.f32 v50, v51;
	_ =	sdelay $0x1  }
0x214: {  	v31 =	vadd.f32 v31, v52  }
0x215: {  	s23 =	sor.u32 $0x410, s6;
	v53 =	vmul.f32 v32, v28;
	v30 =	vmul.f32 v30, v33  }
0x216: {  	[tilespmem:s23+$0x0] =	vst.add.f32.msk $0xffff, v31  }
0x217: {  	v30 =	vadd.f32 v30, v53;
	v31 =	vld [tilespmem:$0x1A990]  }
0x218: {  	s24 =	sor.u32 $0x860, s14  }
0x219: {  	[tilespmem:s24+$0x0] =	vst.add.f32.msk $0xffff, v30  }
0x21a: {  	v30 =	vld [tilespmem:$0x1AD60];
	_ =	sdelay $0x1  }
0x21b: {  	v54 =	vmul.f32 v35, v25;
	v31 =	vmul.f32 v31, v51;
	_ =	sdelay $0x1  }
0x21c: {  	v31 =	vadd.f32 v31, v54  }
0x21d: {  	v32 =	vmul.f32 v32, v27;
	s25 =	sor.u32 $0x810, s6;
	v30 =	vmul.f32 v30, v33  }
0x21e: {  	[tilespmem:s25+$0x0] =	vst.add.f32.msk $0xffff, v31  }
0x21f: {  	v30 =	vadd.f32 v30, v32;
	v31 =	vld [tilespmem:$0x1AD90]  }
0x220: {  	s2 =	sor.u32 $0xC60, s14  }
0x221: {  	[tilespmem:s2+$0x0] =	vst.add.f32.msk $0xffff, v30  }
0x222: {  	v30 =	vld [tilespmem:$0x19970]  }
0x223: {  	v55 =	vld [tilespmem:$0x19D70]  }
0x224: {  	v57 =	vmul.f32 v35, v24;
	v56 =	vld [tilespmem:$0x1B170];
	v31 =	vmul.f32 v31, v51  }
0x225: {  	v58 =	vld [tilespmem:$0x1A170]  }
0x226: {  	v59 =	vld [tilespmem:$0x1B570];
	v31 =	vadd.f32 v31, v57  }
0x227: {  	s18 =	sor.u32 $0xC10, s6;
	v60 =	vld [tilespmem:$0x1B970]  }
0x228: {  	[tilespmem:s18+$0x0] =	vst.add.f32.msk $0xffff, v31  }
0x229: {  	v30 =	vmul.f32 v56, v30;
	v31 =	vld [tilespmem:$0x199A0]  }
0x22a: {  	s23 =	sor.u32 $0x70, s14;
	v61 =	vld [tilespmem:$0x1B1A0]  }
0x22b: {  	[tilespmem:s23+$0x0] =	vst.add.f32.msk $0xffff, v30  }
0x22c: {  	v30 =	vld [tilespmem:$0x1A570]  }
0x22d: {  	v62 =	vld [tilespmem:$0x19DA0]  }
0x22e: {  	v63 =	vld [tilespmem:$0x1A1A0]  }
0x22f: {  	v39 =	vld [tilespmem:$0x1B5A0];
	v31 =	vmul.f32 v61, v31  }
0x230: {  	s24 =	sor.u32 $0x20, s6;
	v40 =	vld [tilespmem:$0x1B9A0]  }
0x231: {  	[tilespmem:s24+$0x0] =	vst.add.f32.msk $0xffff, v31  }
0x232: {  	v41 =	vmul.f32 v59, v55;
	v42 =	vmul.f32 v60, v58;
	v43 =	vld [tilespmem:$0x1A5A0];
	_ =	sdelay $0x1  }
0x233: {  	v29 =	vmul.f32 v42, v29;
	v30 =	vmul.f32 v30, v41  }
0x234: {  	v44 =	vmul.f32 v39, v62;
	v33 =	vmul.f32 v40, v63;
	_ =	sdelay $0x1  }
0x235: {  	v29 =	vadd.f32 v30, v29;
	v46 =	vmul.f32 v33, v26;
	v45 =	vmul.f32 v43, v44  }
0x236: {  	s25 =	sor.u32 $0x470, s14  }
0x237: {  	[tilespmem:s25+$0x0] =	vst.add.f32.msk $0xffff, v29;
	v47 =	vadd.f32 v45, v46  }
0x238: {  	s2 =	sor.u32 $0x420, s6;
	v48 =	vld [tilespmem:$0x1A970]  }
0x239: {  	[tilespmem:s2+$0x0] =	vst.add.f32.msk $0xffff, v47  }
0x23a: {  	v29 =	vld [tilespmem:$0x1A9A0];
	_ =	sdelay $0x2  }
0x23b: {  	v28 =	vmul.f32 v42, v28;
	v30 =	vmul.f32 v48, v41;
	_ =	sdelay $0x1  }
0x23c: {  	v49 =	vmul.f32 v33, v25;
	v28 =	vadd.f32 v30, v28;
	v29 =	vmul.f32 v29, v44  }
0x23d: {  	s18 =	sor.u32 $0x870, s14  }
0x23e: {  	[tilespmem:s18+$0x0] =	vst.add.f32.msk $0xffff, v28;
	v50 =	vadd.f32 v29, v49  }
0x23f: {  	s23 =	sor.u32 $0x820, s6;
	v51 =	vld [tilespmem:$0x1AD70]  }
0x240: {  	[tilespmem:s23+$0x0] =	vst.add.f32.msk $0xffff, v50  }
0x241: {  	v28 =	vld [tilespmem:$0x1ADA0];
	_ =	sdelay $0x3  }
0x242: {  	v27 =	vmul.f32 v42, v27;
	v29 =	vmul.f32 v51, v41  }
0x243: {  	v52 =	vmul.f32 v33, v24;
	v28 =	vmul.f32 v28, v44  }
0x244: {  	v27 =	vadd.f32 v29, v27  }
0x245: {  	s24 =	sor.u32 $0xC70, s14;
	v28 =	vadd.f32 v28, v52  }
0x246: {  	s25 =	sor.u32 $0xC20, s6;
	[tilespmem:s24+$0x0] =	vst.add.f32.msk $0xffff, v27  }
0x247: {  	[tilespmem:s25+$0x0] =	vst.add.f32.msk $0xffff, v28  }
0x248: {  	v53 =	vld [tilespmem:$0x199B0]  }
0x249: {  	v54 =	vld [tilespmem:$0x19DB0]  }
0x24a: {  	v55 =	vld [tilespmem:$0x1A1B0]  }
0x24b: {  	v56 =	vld [tilespmem:$0x1B1B0]  }
0x24c: {  	v57 =	vld [tilespmem:$0x1B5B0]  }
0x24d: {  	v58 =	vld [tilespmem:$0x1B9B0]  }
0x24e: {  	v59 =	vld [tilespmem:s16+$0x14002];
	_ =	sdelay $0x4  }
0x24f: {  	(v2sf) =	vpush v59, $0x0;
	_ =	sdelay $0x9  }
0x250: {  	v29 =	vld.idx.msk [tilespmem:v11+s26+$0x0], $0xffff  }
0x251: {  	v60 =	vld [tilespmem:$0x19A00]  }
0x252: {  	v61 =	vld [tilespmem:$0x1B200]  }
0x253: {  	v28 =	vld.idx.msk [tilespmem:v12+s26+$0x0], $0xffff  }
0x254: {  	v27 =	vld.idx.msk [tilespmem:v13+s26+$0x0], $0xffff  }
0x255: {  	v62 =	vld [tilespmem:$0x19E00];
	s2 =	spop (v2sf)  }
0x256: {  	v63 =	vld [tilespmem:$0x1A200];
	s14 =	sshll.u32 s2, $0x9;
	s1 =	sshll.u32 s2, $0x7  }
0x257: {  	v40 =	vld [tilespmem:$0x1B600];
	v36 =	vmul.f32 v61, v60;
	s2 =	sand.u32 $0xFFFFF000, s14;
	s1 =	sand.u32 $0x380, s1  }
0x258: {  	v42 =	vld [tilespmem:$0x1BA00];
	s14 =	sor.u32 s1, s2  }
0x259: {  	[tilespmem:s14+$0x0] =	vst.add.f32.msk $0xffff, v36  }
0x25a: {  	v36 =	vld [tilespmem:$0x1A600];
	_ =	sdelay $0x2  }
0x25b: {  	v38 =	vmul.f32 v40, v62;
	v37 =	vmul.f32 v42, v63;
	_ =	sdelay $0x1  }
0x25c: {  	v39 =	vmul.f32 v37, v29;
	v36 =	vmul.f32 v36, v38;
	_ =	sdelay $0x1  }
0x25d: {  	v36 =	vadd.f32 v36, v39  }
0x25e: {  	s1 =	sor.u32 $0x400, s14  }
0x25f: {  	[tilespmem:s1+$0x0] =	vst.add.f32.msk $0xffff, v36  }
0x260: {  	v36 =	vld [tilespmem:$0x1AA00];
	_ =	sdelay $0x4  }
0x261: {  	v43 =	vmul.f32 v37, v28;
	v36 =	vmul.f32 v36, v38;
	_ =	sdelay $0x1  }
0x262: {  	v36 =	vadd.f32 v36, v43  }
0x263: {  	s18 =	sor.u32 $0x800, s14  }
0x264: {  	[tilespmem:s18+$0x0] =	vst.add.f32.msk $0xffff, v36  }
0x265: {  	v30 =	vmul.f32 v56, v53;
	v44 =	vld [tilespmem:$0x1AE00]  }
0x266: {  	s23 =	sor.u32 $0x30, s6  }
0x267: {  	[tilespmem:s23+$0x0] =	vst.add.f32.msk $0xffff, v30  }
0x268: {  	v30 =	vld [tilespmem:$0x1A5B0];
	_ =	sdelay $0x1  }
0x269: {  	v45 =	vmul.f32 v37, v27;
	v33 =	vmul.f32 v44, v38  }
0x26a: {  	v31 =	vmul.f32 v57, v54;
	v32 =	vmul.f32 v58, v55  }
0x26b: {  	v33 =	vadd.f32 v33, v45  }
0x26c: {  	v46 =	vmul.f32 v32, v26;
	v30 =	vmul.f32 v30, v31;
	s24 =	sor.u32 $0xC00, s14  }
0x26d: {  	[tilespmem:s24+$0x0] =	vst.add.f32.msk $0xffff, v33  }
0x26e: {  	v30 =	vadd.f32 v30, v46;
	v33 =	vld [tilespmem:$0x19A10]  }
0x26f: {  	s25 =	sor.u32 $0x430, s6;
	v47 =	vld [tilespmem:$0x1B210]  }
0x270: {  	[tilespmem:s25+$0x0] =	vst.add.f32.msk $0xffff, v30  }
0x271: {  	v30 =	vld [tilespmem:$0x1A9B0]  }
0x272: {  	v48 =	vld [tilespmem:$0x19E10]  }
0x273: {  	v49 =	vld [tilespmem:$0x1A210]  }
0x274: {  	v50 =	vld [tilespmem:$0x1B610];
	v33 =	vmul.f32 v47, v33  }
0x275: {  	s2 =	sor.u32 $0x10, s14;
	v51 =	vld [tilespmem:$0x1BA10]  }
0x276: {  	v52 =	vmul.f32 v32, v25;
	v30 =	vmul.f32 v30, v31;
	[tilespmem:s2+$0x0] =	vst.add.f32.msk $0xffff, v33  }
0x277: {  	v33 =	vld [tilespmem:$0x1A610]  }
0x278: {  	v30 =	vadd.f32 v30, v52  }
0x279: {  	s18 =	sor.u32 $0x830, s6  }
0x27a: {  	[tilespmem:s18+$0x0] =	vst.add.f32.msk $0xffff, v30;
	v53 =	vmul.f32 v50, v48;
	v34 =	vmul.f32 v51, v49  }
0x27b: {  	v54 =	vld [tilespmem:$0x1ADB0]  }
0x27c: {  	v36 =	vmul.f32 v34, v29;
	v33 =	vmul.f32 v33, v53;
	_ =	sdelay $0x1  }
0x27d: {  	v33 =	vadd.f32 v33, v36  }
0x27e: {  	s23 =	sor.u32 $0x410, s14  }
0x27f: {  	v32 =	vmul.f32 v32, v24;
	v31 =	vmul.f32 v54, v31;
	[tilespmem:s23+$0x0] =	vst.add.f32.msk $0xffff, v33  }
0x280: {  	v33 =	vld [tilespmem:$0x1AA10]  }
0x281: {  	v31 =	vadd.f32 v31, v32  }
0x282: {  	s24 =	sor.u32 $0xC30, s6  }
0x283: {  	[tilespmem:s24+$0x0] =	vst.add.f32.msk $0xffff, v31  }
0x284: {  	v31 =	vld [tilespmem:$0x199C0]  }
0x285: {  	v55 =	vld [tilespmem:$0x1B1C0];
	v56 =	vmul.f32 v34, v28;
	v33 =	vmul.f32 v33, v53  }
0x286: {  	v57 =	vld [tilespmem:$0x19DC0]  }
0x287: {  	v58 =	vld [tilespmem:$0x1A1C0];
	v33 =	vadd.f32 v33, v56  }
0x288: {  	s25 =	sor.u32 $0x810, s14;
	v59 =	vld [tilespmem:$0x1B5C0]  }
0x289: {  	[tilespmem:s25+$0x0] =	vst.add.f32.msk $0xffff, v33  }
0x28a: {  	v31 =	vmul.f32 v55, v31;
	v60 =	vld [tilespmem:$0x1AE10]  }
0x28b: {  	v61 =	vld [tilespmem:$0x1B9C0];
	s2 =	sor.u32 $0x40, s6  }
0x28c: {  	[tilespmem:s2+$0x0] =	vst.add.f32.msk $0xffff, v31  }
0x28d: {  	v31 =	vld [tilespmem:$0x1A5C0];
	_ =	sdelay $0x1  }
0x28e: {  	v62 =	vmul.f32 v34, v27;
	v30 =	vmul.f32 v60, v53  }
0x28f: {  	v63 =	vmul.f32 v59, v57;
	v33 =	vmul.f32 v61, v58  }
0x290: {  	v30 =	vadd.f32 v30, v62  }
0x291: {  	s18 =	sor.u32 $0xC10, s14;
	v48 =	vld [tilespmem:s16+$0x14003];
	v31 =	vmul.f32 v31, v63;
	v39 =	vmul.f32 v33, v26  }
0x292: {  	[tilespmem:s18+$0x0] =	vst.add.f32.msk $0xffff, v30  }
0x293: {  	v40 =	vadd.f32 v31, v39;
	v41 =	vld [tilespmem:$0x19A20]  }
0x294: {  	s23 =	sor.u32 $0x440, s6;
	v42 =	vld [tilespmem:$0x1B220]  }
0x295: {  	[tilespmem:s23+$0x0] =	vst.add.f32.msk $0xffff, v40  }
0x296: {  	v30 =	vld [tilespmem:$0x1A9C0]  }
0x297: {  	v43 =	vld [tilespmem:$0x19E20]  }
0x298: {  	v44 =	vld [tilespmem:$0x1A220]  }
0x299: {  	v45 =	vld [tilespmem:$0x1B620];
	v31 =	vmul.f32 v42, v41  }
0x29a: {  	s24 =	sor.u32 $0x20, s14;
	v46 =	vld [tilespmem:$0x1BA20]  }
0x29b: {  	[tilespmem:s24+$0x0] =	vst.add.f32.msk $0xffff, v31  }
0x29c: {  	v31 =	vld [tilespmem:$0x1A620];
	_ =	sdelay $0x1  }
0x29d: {  	v47 =	vmul.f32 v33, v25;
	v30 =	vmul.f32 v30, v63  }
0x29e: {  	(v2sf) =	vpush v48, $0x0;
	v35 =	vmul.f32 v45, v43;
	v36 =	vmul.f32 v46, v44  }
0x29f: {  	v30 =	vadd.f32 v30, v47  }
0x2a0: {  	v54 =	vld [tilespmem:$0x19A80];
	s25 =	sor.u32 $0x840, s6;
	v32 =	vmul.f32 v36, v29;
	v31 =	vmul.f32 v31, v35  }
0x2a1: {  	[tilespmem:s25+$0x0] =	vst.add.f32.msk $0xffff, v30  }
0x2a2: {  	v50 =	vld [tilespmem:$0x1ADC0];
	v49 =	vadd.f32 v31, v32  }
0x2a3: {  	v55 =	vld [tilespmem:$0x1B280];
	s2 =	sor.u32 $0x420, s14  }
0x2a4: {  	[tilespmem:s2+$0x0] =	vst.add.f32.msk $0xffff, v49  }
0x2a5: {  	v30 =	vld [tilespmem:$0x1AA20]  }
0x2a6: {  	v57 =	vld [tilespmem:$0x1A280]  }
0x2a7: {  	v56 =	vld [tilespmem:$0x19E80];
	v51 =	vmul.f32 v33, v24;
	v31 =	vmul.f32 v50, v63  }
0x2a8: {  	v58 =	vld [tilespmem:$0x1BA80]  }
0x2a9: {  	v41 =	vld [tilespmem:$0x1B680];
	v31 =	vadd.f32 v31, v51  }
0x2aa: {  	s18 =	sor.u32 $0xC40, s6;
	v52 =	vmul.f32 v36, v28;
	v32 =	vld.idx.msk [tilespmem:v14+s26+$0x0], $0xffff;
	v30 =	vmul.f32 v30, v35  }
0x2ab: {  	[tilespmem:s18+$0x0] =	vst.add.f32.msk $0xffff, v31  }
0x2ac: {  	v31 =	vld.idx.msk [tilespmem:v15+s26+$0x0], $0xffff;
	v30 =	vadd.f32 v30, v52  }
0x2ad: {  	s23 =	sor.u32 $0x820, s14;
	s24 =	spop (v2sf);
	v33 =	vld [tilespmem:$0x199D0]  }
0x2ae: {  	s25 =	sshll.u32 s24, $0x9;
	s1 =	sshll.u32 s24, $0x7;
	[tilespmem:s23+$0x0] =	vst.add.f32.msk $0xffff, v30  }
0x2af: {  	v37 =	vmul.f32 v55, v54;
	s1 =	sand.u32 $0x380, s1;
	s2 =	sand.u32 $0xFFFFF000, s25;
	v53 =	vld [tilespmem:$0x1AE20]  }
0x2b0: {  	v30 =	vld.idx.msk [tilespmem:v16+s26+$0x0], $0xffff;
	s23 =	sor.u32 s1, s2  }
0x2b1: {  	[tilespmem:s23+$0x0] =	vst.add.f32.msk $0xffff, v37  }
0x2b2: {  	v60 =	vld [tilespmem:$0x1A680]  }
0x2b3: {  	v61 =	vld [tilespmem:$0x19DD0]  }
0x2b4: {  	v59 =	vmul.f32 v36, v27;
	v62 =	vld [tilespmem:$0x1B1D0];
	v34 =	vmul.f32 v53, v35  }
0x2b5: {  	v38 =	vmul.f32 v58, v57;
	v63 =	vmul.f32 v41, v56;
	v44 =	vld [tilespmem:$0x1A1D0]  }
0x2b6: {  	v54 =	vld [tilespmem:$0x1B5D0];
	v34 =	vadd.f32 v34, v59  }
0x2b7: {  	v49 =	vmul.f32 v38, v32;
	v46 =	vld [tilespmem:$0x1B9D0];
	s2 =	sor.u32 $0xC20, s14;
	v36 =	vmul.f32 v60, v63  }
0x2b8: {  	[tilespmem:s2+$0x0] =	vst.add.f32.msk $0xffff, v34  }
0x2b9: {  	v36 =	vadd.f32 v36, v49;
	v47 =	vld [tilespmem:$0x19A30]  }
0x2ba: {  	s18 =	sor.u32 $0x400, s23;
	v48 =	vld [tilespmem:$0x1B230]  }
0x2bb: {  	v33 =	vmul.f32 v62, v33;
	[tilespmem:s18+$0x0] =	vst.add.f32.msk $0xffff, v36  }
0x2bc: {  	s25 =	sor.u32 $0x50, s6;
	v52 =	vld [tilespmem:$0x1AA80]  }
0x2bd: {  	[tilespmem:s25+$0x0] =	vst.add.f32.msk $0xffff, v33  }
0x2be: {  	v56 =	vld [tilespmem:$0x1A5D0]  }
0x2bf: {  	v42 =	vld [tilespmem:$0x19E30]  }
0x2c0: {  	v45 =	vmul.f32 v38, v31;
	v43 =	vld [tilespmem:$0x1A230]  }
0x2c1: {  	v50 =	vld [tilespmem:$0x1B630];
	v51 =	vmul.f32 v48, v47;
	v39 =	vmul.f32 v52, v63  }
0x2c2: {  	s24 =	sor.u32 $0x30, s14;
	v53 =	vld [tilespmem:$0x1BA30]  }
0x2c3: {  	[tilespmem:s24+$0x0] =	vst.add.f32.msk $0xffff, v51;
	v55 =	vadd.f32 v39, v45  }
0x2c4: {  	v37 =	vmul.f32 v46, v44;
	v35 =	vmul.f32 v54, v61;
	s2 =	sor.u32 $0x800, s23;
	v36 =	vld [tilespmem:$0x1A630]  }
0x2c5: {  	[tilespmem:s2+$0x0] =	vst.add.f32.msk $0xffff, v55  }
0x2c6: {  	v61 =	vmul.f32 v37, v26;
	v60 =	vmul.f32 v56, v35;
	v59 =	vld [tilespmem:$0x1AE80]  }
0x2c7: {  	v41 =	vmul.f32 v50, v42;
	v40 =	vmul.f32 v53, v43;
	_ =	sdelay $0x1  }
0x2c8: {  	v33 =	vadd.f32 v60, v61;
	v57 =	vmul.f32 v40, v29;
	v36 =	vmul.f32 v36, v41  }
0x2c9: {  	s24 =	sor.u32 $0x450, s6  }
0x2ca: {  	[tilespmem:s24+$0x0] =	vst.add.f32.msk $0xffff, v33;
	v58 =	vadd.f32 v36, v57;
	v34 =	vmul.f32 v59, v63;
	v63 =	vmul.f32 v38, v30  }
0x2cb: {  	s18 =	sor.u32 $0x430, s14;
	v44 =	vld [tilespmem:$0x1A9D0]  }
0x2cc: {  	[tilespmem:s18+$0x0] =	vst.add.f32.msk $0xffff, v58;
	v43 =	vadd.f32 v34, v63  }
0x2cd: {  	s25 =	sor.u32 $0xC00, s23;
	v62 =	vld [tilespmem:$0x1AA30]  }
0x2ce: {  	[tilespmem:s25+$0x0] =	vst.add.f32.msk $0xffff, v43  }
0x2cf: {  	v48 =	vld [tilespmem:$0x19A90]  }
0x2d0: {  	v52 =	vmul.f32 v37, v25;
	v34 =	vmul.f32 v44, v35;
	v49 =	vld [tilespmem:$0x1B290]  }
0x2d1: {  	v50 =	vld [tilespmem:$0x19E90]  }
0x2d2: {  	v46 =	vmul.f32 v40, v28;
	v34 =	vadd.f32 v34, v52;
	v51 =	vld [tilespmem:$0x1A290];
	v45 =	vmul.f32 v62, v41  }
0x2d3: {  	s24 =	sor.u32 $0x850, s6;
	v53 =	vld [tilespmem:$0x1B690]  }
0x2d4: {  	[tilespmem:s24+$0x0] =	vst.add.f32.msk $0xffff, v34;
	v47 =	vadd.f32 v45, v46  }
0x2d5: {  	s2 =	sor.u32 $0x830, s14;
	v34 =	vld [tilespmem:$0x1ADD0]  }
0x2d6: {  	[tilespmem:s2+$0x0] =	vst.add.f32.msk $0xffff, v47  }
0x2d7: {  	v36 =	vmul.f32 v49, v48;
	v33 =	vld [tilespmem:$0x1AE30]  }
0x2d8: {  	s18 =	sor.u32 $0x10, s23;
	v54 =	vld [tilespmem:$0x1BA90]  }
0x2d9: {  	[tilespmem:s18+$0x0] =	vst.add.f32.msk $0xffff, v36  }
0x2da: {  	v45 =	vmul.f32 v37, v24;
	v34 =	vmul.f32 v34, v35;
	v36 =	vld [tilespmem:$0x1A690];
	_ =	sdelay $0x1  }
0x2db: {  	v40 =	vmul.f32 v40, v27;
	v34 =	vadd.f32 v34, v45;
	v33 =	vmul.f32 v33, v41  }
0x2dc: {  	s24 =	sor.u32 $0xC50, s6;
	v55 =	vmul.f32 v53, v50;
	v38 =	vmul.f32 v54, v51  }
0x2dd: {  	[tilespmem:s24+$0x0] =	vst.add.f32.msk $0xffff, v34;
	v33 =	vadd.f32 v33, v40  }
0x2de: {  	s25 =	sor.u32 $0xC30, s14;
	v58 =	vmul.f32 v38, v32;
	v51 =	vld [tilespmem:$0x199E0];
	v36 =	vmul.f32 v36, v55  }
0x2df: {  	[tilespmem:s25+$0x0] =	vst.add.f32.msk $0xffff, v33  }
0x2e0: {  	v36 =	vadd.f32 v36, v58;
	v56 =	vld [tilespmem:$0x19A40]  }
0x2e1: {  	s2 =	sor.u32 $0x410, s23;
	v57 =	vld [tilespmem:$0x1B240]  }
0x2e2: {  	[tilespmem:s2+$0x0] =	vst.add.f32.msk $0xffff, v36  }
0x2e3: {  	v63 =	vld [tilespmem:$0x1AA90]  }
0x2e4: {  	v52 =	vld [tilespmem:$0x19DE0]  }
0x2e5: {  	v59 =	vld [tilespmem:$0x19E40]  }
0x2e6: {  	v60 =	vld [tilespmem:$0x1A240]  }
0x2e7: {  	v61 =	vld [tilespmem:$0x1B640];
	v62 =	vmul.f32 v57, v56  }
0x2e8: {  	s18 =	sor.u32 $0x40, s14;
	v47 =	vmul.f32 v38, v31;
	v44 =	vld [tilespmem:$0x1BA40];
	v46 =	vmul.f32 v63, v55  }
0x2e9: {  	[tilespmem:s18+$0x0] =	vst.add.f32.msk $0xffff, v62  }
0x2ea: {  	v36 =	vld [tilespmem:$0x1A640];
	v37 =	vadd.f32 v46, v47  }
0x2eb: {  	v53 =	vld [tilespmem:$0x1A1E0];
	s25 =	sor.u32 $0x810, s23  }
0x2ec: {  	[tilespmem:s25+$0x0] =	vst.add.f32.msk $0xffff, v37  }
0x2ed: {  	v35 =	vmul.f32 v61, v59;
	v40 =	vmul.f32 v44, v60;
	v50 =	vld [tilespmem:$0x1AE90]  }
0x2ee: {  	v56 =	vld [tilespmem:$0x1B5E0]  }
0x2ef: {  	v57 =	vld [tilespmem:$0x1B9E0];
	v49 =	vmul.f32 v40, v29;
	v48 =	vmul.f32 v36, v35  }
0x2f0: {  	v47 =	vld [tilespmem:$0x19B00]  }
0x2f1: {  	v36 =	vld.idx.msk [tilespmem:v17+s26+$0x0], $0xffff;
	v34 =	vadd.f32 v48, v49  }
0x2f2: {  	v54 =	vmul.f32 v38, v30;
	s2 =	sor.u32 $0x440, s14;
	v33 =	vmul.f32 v50, v55;
	v55 =	vld [tilespmem:$0x1B1E0]  }
0x2f3: {  	[tilespmem:s2+$0x0] =	vst.add.f32.msk $0xffff, v34  }
0x2f4: {  	v34 =	vld [tilespmem:$0x1AA40];
	v33 =	vadd.f32 v33, v54  }
0x2f5: {  	s18 =	sor.u32 $0xC10, s23;
	v54 =	vld [tilespmem:s16+$0x14004]  }
0x2f6: {  	[tilespmem:s18+$0x0] =	vst.add.f32.msk $0xffff, v33  }
0x2f7: {  	v59 =	vld [tilespmem:$0x19AA0]  }
0x2f8: {  	v60 =	vld [tilespmem:$0x1B2A0];
	v37 =	vmul.f32 v55, v51  }
0x2f9: {  	s2 =	sor.u32 $0x60, s6;
	v61 =	vld [tilespmem:$0x19EA0]  }
0x2fa: {  	[tilespmem:s2+$0x0] =	vst.add.f32.msk $0xffff, v37  }
0x2fb: {  	v43 =	vmul.f32 v40, v28;
	v34 =	vmul.f32 v34, v35;
	v37 =	vld [tilespmem:$0x1A5E0]  }
0x2fc: {  	v62 =	vld [tilespmem:$0x1A2A0]  }
0x2fd: {  	v63 =	vld [tilespmem:$0x1B6A0];
	v58 =	vadd.f32 v34, v43  }
0x2fe: {  	s24 =	sor.u32 $0x840, s14;
	v42 =	vmul.f32 v56, v52;
	v41 =	vmul.f32 v57, v53;
	v48 =	vld [tilespmem:$0x1BAA0]  }
0x2ff: {  	v34 =	vmul.f32 v60, v59;
	[tilespmem:s24+$0x0] =	vst.add.f32.msk $0xffff, v58  }
0x300: {  	s25 =	sor.u32 $0x20, s23;
	v53 =	vmul.f32 v41, v26;
	v33 =	vld [tilespmem:$0x1AE40];
	v37 =	vmul.f32 v37, v42  }
0x301: {  	[tilespmem:s25+$0x0] =	vst.add.f32.msk $0xffff, v34  }
0x302: {  	v34 =	vld [tilespmem:$0x1A6A0];
	v37 =	vadd.f32 v37, v53  }
0x303: {  	v38 =	vmul.f32 v48, v62;
	v48 =	vld [tilespmem:$0x1B300];
	s25 =	sor.u32 $0x460, s6  }
0x304: {  	v49 =	vmul.f32 v40, v27;
	[tilespmem:s25+$0x0] =	vst.add.f32.msk $0xffff, v37  }
0x305: {  	(v2sf) =	vpush v54, $0x0;
	v33 =	vmul.f32 v33, v35;
	v35 =	vmul.f32 v63, v61;
	v63 =	vld [tilespmem:$0x1BB00]  }
0x306: {  	v37 =	vld [tilespmem:$0x1A9E0]  }
0x307: {  	v33 =	vadd.f32 v33, v49;
	v50 =	vmul.f32 v34, v35;
	v34 =	vld.idx.msk [tilespmem:v18+s26+$0x0], $0xffff  }
0x308: {  	s18 =	sor.u32 $0xC40, s14;
	v51 =	vmul.f32 v38, v32;
	v49 =	vld [tilespmem:$0x19F00]  }
0x309: {  	[tilespmem:s18+$0x0] =	vst.add.f32.msk $0xffff, v33  }
0x30a: {  	v33 =	vadd.f32 v50, v51;
	v50 =	vld [tilespmem:$0x1A300]  }
0x30b: {  	v51 =	vld [tilespmem:s16+$0x14005]  }
0x30c: {  	v52 =	vld [tilespmem:$0x19A50]  }
0x30d: {  	v55 =	vld [tilespmem:$0x1B250]  }
0x30e: {  	v39 =	vld [tilespmem:$0x19E50]  }
0x30f: {  	s24 =	sor.u32 $0x420, s23;
	v56 =	vld [tilespmem:$0x1A250]  }
0x310: {  	[tilespmem:s24+$0x0] =	vst.add.f32.msk $0xffff, v33  }
0x311: {  	v33 =	vld [tilespmem:$0x1AAA0]  }
0x312: {  	v47 =	vmul.f32 v48, v47;
	v58 =	vld [tilespmem:$0x1B650]  }
0x313: {  	v53 =	vmul.f32 v41, v25;
	v60 =	vld [tilespmem:$0x1BA50];
	v37 =	vmul.f32 v37, v42  }
0x314: {  	s24 =	spop (v2sf);
	v48 =	vmul.f32 v63, v50;
	v63 =	vld [tilespmem:$0x19B80];
	v57 =	vmul.f32 v55, v52  }
0x315: {  	s2 =	sor.u32 $0x50, s14;
	s25 =	sshll.u32 s24, $0x9;
	s1 =	sshll.u32 s24, $0x7;
	v52 =	vld [tilespmem:$0x1B700]  }
0x316: {  	v59 =	vmul.f32 v38, v31;
	s1 =	sand.u32 $0x380, s1;
	v37 =	vadd.f32 v37, v53;
	v33 =	vmul.f32 v33, v35;
	[tilespmem:s2+$0x0] =	vst.add.f32.msk $0xffff, v57;
	s2 =	sand.u32 $0xFFFFF000, s25  }
0x317: {  	v61 =	vld [tilespmem:$0x1A650];
	s24 =	sor.u32 s1, s2;
	s2 =	sor.u32 $0x860, s6  }
0x318: {  	v33 =	vadd.f32 v33, v59;
	[tilespmem:s2+$0x0] =	vst.add.f32.msk $0xffff, v37  }
0x319: {  	s18 =	sor.u32 $0x820, s23;
	(v2sf) =	vpush v51, $0x0;
	v37 =	vld.idx.msk [tilespmem:v21+s26+$0x0], $0xffff  }
0x31a: {  	[tilespmem:s18+$0x0] =	vst.add.f32.msk $0xffff, v33  }
0x31b: {  	v33 =	vld.idx.msk [tilespmem:v19+s26+$0x0], $0xffff  }
0x31c: {  	v39 =	vmul.f32 v58, v39;
	v40 =	vmul.f32 v60, v56;
	[tilespmem:s24+$0x0] =	vst.add.f32.msk $0xffff, v47  }
0x31d: {  	v56 =	vld [tilespmem:$0x1A700]  }
0x31e: {  	v58 =	vmul.f32 v40, v29;
	v44 =	vld [tilespmem:$0x1ADE0];
	v57 =	vmul.f32 v61, v39  }
0x31f: {  	v62 =	vld [tilespmem:$0x1AEA0]  }
0x320: {  	v47 =	vmul.f32 v52, v49;
	v59 =	vadd.f32 v57, v58;
	v57 =	vld [tilespmem:$0x19F80]  }
0x321: {  	s18 =	sor.u32 $0x450, s14;
	v58 =	vld [tilespmem:$0x1A380]  }
0x322: {  	v60 =	vmul.f32 v48, v36;
	v43 =	vmul.f32 v56, v47;
	[tilespmem:s18+$0x0] =	vst.add.f32.msk $0xffff, v59  }
0x323: {  	v56 =	vld [tilespmem:$0x1B380]  }
0x324: {  	v59 =	vld [tilespmem:$0x1B780];
	v61 =	vadd.f32 v43, v60  }
0x325: {  	v38 =	vmul.f32 v38, v30;
	s2 =	sor.u32 $0x400, s24;
	v35 =	vmul.f32 v62, v35;
	v46 =	vld [tilespmem:$0x1AA50]  }
0x326: {  	[tilespmem:s2+$0x0] =	vst.add.f32.msk $0xffff, v61  }
0x327: {  	v35 =	vadd.f32 v35, v38;
	v62 =	vld [tilespmem:$0x1AB00]  }
0x328: {  	s25 =	sor.u32 $0xC20, s23;
	v38 =	vld.idx.msk [tilespmem:v20+s26+$0x0], $0xffff;
	s18 =	spop (v2sf)  }
0x329: {  	s1 =	sshll.u32 s18, $0x7;
	[tilespmem:s25+$0x0] =	vst.add.f32.msk $0xffff, v35;
	s25 =	sshll.u32 s18, $0x9  }
0x32a: {  	v60 =	vld [tilespmem:$0x1BB80];
	s1 =	sand.u32 $0x380, s1;
	v45 =	vmul.f32 v56, v63;
	s2 =	sand.u32 $0xFFFFF000, s25  }
0x32b: {  	v35 =	vld.idx.msk [tilespmem:v22+s26+$0x0], $0xffff;
	s25 =	sor.u32 s1, s2  }
0x32c: {  	v61 =	vmul.f32 v48, v34;
	[tilespmem:s25+$0x0] =	vst.add.f32.msk $0xffff, v45;
	v43 =	vmul.f32 v62, v47  }
0x32d: {  	v45 =	vld [tilespmem:$0x1A780]  }
0x32e: {  	v54 =	vld [tilespmem:$0x19AB0];
	v43 =	vadd.f32 v43, v61  }
0x32f: {  	s2 =	sor.u32 $0x800, s24;
	v62 =	vld [tilespmem:$0x1B2B0]  }
0x330: {  	v49 =	vmul.f32 v60, v58;
	[tilespmem:s2+$0x0] =	vst.add.f32.msk $0xffff, v43;
	v43 =	vmul.f32 v59, v57  }
0x331: {  	v63 =	vld [tilespmem:$0x1AF00]  }
0x332: {  	v51 =	vld [tilespmem:$0x19EB0];
	v60 =	vmul.f32 v49, v38;
	v45 =	vmul.f32 v45, v43  }
0x333: {  	v55 =	vld [tilespmem:$0x1A2B0]  }
0x334: {  	v56 =	vld [tilespmem:$0x1B6B0];
	v45 =	vadd.f32 v45, v60  }
0x335: {  	v48 =	vmul.f32 v48, v33;
	s18 =	sor.u32 $0x400, s25;
	v61 =	vld [tilespmem:$0x1BAB0]  }
0x336: {  	v53 =	vmul.f32 v62, v54;
	v47 =	vmul.f32 v63, v47;
	[tilespmem:s18+$0x0] =	vst.add.f32.msk $0xffff, v45  }
0x337: {  	s2 =	sor.u32 $0x30, s23;
	v45 =	vld [tilespmem:$0x1AB80]  }
0x338: {  	[tilespmem:s2+$0x0] =	vst.add.f32.msk $0xffff, v53;
	v47 =	vadd.f32 v47, v48  }
0x339: {  	s18 =	sor.u32 $0xC00, s24;
	v48 =	vld [tilespmem:$0x1A6B0]  }
0x33a: {  	[tilespmem:s18+$0x0] =	vst.add.f32.msk $0xffff, v47  }
0x33b: {  	v47 =	vld [tilespmem:$0x19B10]  }
0x33c: {  	v63 =	vmul.f32 v49, v37;
	v62 =	vld [tilespmem:$0x1B310];
	v45 =	vmul.f32 v45, v43  }
0x33d: {  	v54 =	vld [tilespmem:$0x19F10]  }
0x33e: {  	v57 =	vld [tilespmem:$0x1A310];
	v45 =	vadd.f32 v45, v63  }
0x33f: {  	v41 =	vmul.f32 v41, v24;
	v42 =	vmul.f32 v44, v42;
	s2 =	sor.u32 $0x800, s25;
	v44 =	vld [tilespmem:$0x1B710]  }
0x340: {  	v46 =	vmul.f32 v46, v39;
	[tilespmem:s2+$0x0] =	vst.add.f32.msk $0xffff, v45  }
0x341: {  	v41 =	vadd.f32 v42, v41;
	v58 =	vmul.f32 v40, v28;
	v51 =	vmul.f32 v56, v51;
	v59 =	vld [tilespmem:$0x1AF80]  }
0x342: {  	v52 =	vmul.f32 v61, v55;
	v60 =	vld [tilespmem:$0x1BB10];
	v47 =	vmul.f32 v62, v47;
	s2 =	sor.u32 $0xC60, s6  }
0x343: {  	s18 =	sor.u32 $0x10, s24;
	[tilespmem:s2+$0x0] =	vst.add.f32.msk $0xffff, v41  }
0x344: {  	v61 =	vadd.f32 v46, v58;
	v63 =	vmul.f32 v52, v32;
	v62 =	vmul.f32 v48, v51;
	[tilespmem:s18+$0x0] =	vst.add.f32.msk $0xffff, v47  }
0x345: {  	s18 =	sor.u32 $0x850, s14;
	v47 =	vld [tilespmem:$0x1A710]  }
0x346: {  	v56 =	vmul.f32 v49, v35;
	v48 =	vadd.f32 v62, v63;
	[tilespmem:s18+$0x0] =	vst.add.f32.msk $0xffff, v61;
	v55 =	vmul.f32 v59, v43  }
0x347: {  	s2 =	sor.u32 $0x430, s23;
	v45 =	vld [tilespmem:$0x1AE50]  }
0x348: {  	v46 =	vmul.f32 v60, v57;
	[tilespmem:s2+$0x0] =	vst.add.f32.msk $0xffff, v48;
	v57 =	vadd.f32 v55, v56  }
0x349: {  	v44 =	vmul.f32 v44, v54;
	s18 =	sor.u32 $0xC00, s25;
	v58 =	vld [tilespmem:$0x1AAB0]  }
0x34a: {  	[tilespmem:s18+$0x0] =	vst.add.f32.msk $0xffff, v57  }
0x34b: {  	v60 =	vmul.f32 v46, v36;
	v59 =	vmul.f32 v47, v44;
	v62 =	vld [tilespmem:$0x19B90]  }
0x34c: {  	v63 =	vld [tilespmem:$0x1B390]  }
0x34d: {  	v61 =	vadd.f32 v59, v60;
	v56 =	vld [tilespmem:$0x19F90]  }
0x34e: {  	s2 =	sor.u32 $0x410, s24;
	v57 =	vld [tilespmem:$0x1A390]  }
0x34f: {  	v42 =	vmul.f32 v58, v51;
	v58 =	vmul.f32 v52, v31;
	[tilespmem:s2+$0x0] =	vst.add.f32.msk $0xffff, v61  }
0x350: {  	v41 =	vld [tilespmem:$0x1AB10]  }
0x351: {  	v59 =	vld [tilespmem:$0x1B790];
	v42 =	vadd.f32 v42, v58  }
0x352: {  	v60 =	vld [tilespmem:$0x1BB90];
	s2 =	sor.u32 $0x830, s23  }
0x353: {  	[tilespmem:s2+$0x0] =	vst.add.f32.msk $0xffff, v42;
	v43 =	vmul.f32 v63, v62  }
0x354: {  	s18 =	sor.u32 $0x10, s25;
	v42 =	vld [tilespmem:$0x1AEB0]  }
0x355: {  	v61 =	vmul.f32 v46, v34;
	v41 =	vmul.f32 v41, v44;
	[tilespmem:s18+$0x0] =	vst.add.f32.msk $0xffff, v43  }
0x356: {  	v43 =	vld [tilespmem:$0x1A790]  }
0x357: {  	v41 =	vadd.f32 v41, v61  }
0x358: {  	v40 =	vmul.f32 v40, v27;
	v39 =	vmul.f32 v45, v39;
	s18 =	sor.u32 $0x810, s24  }
0x359: {  	v45 =	vmul.f32 v59, v56;
	v47 =	vmul.f32 v60, v57;
	[tilespmem:s18+$0x0] =	vst.add.f32.msk $0xffff, v41  }
0x35a: {  	v52 =	vmul.f32 v52, v30;
	v40 =	vadd.f32 v39, v40;
	v63 =	vmul.f32 v42, v51;
	v62 =	vld [tilespmem:$0x1AF10]  }
0x35b: {  	s2 =	sor.u32 $0xC50, s14;
	v49 =	vmul.f32 v47, v38;
	v43 =	vmul.f32 v43, v45  }
0x35c: {  	[tilespmem:s2+$0x0] =	vst.add.f32.msk $0xffff, v40;
	v40 =	vadd.f32 v63, v52  }
0x35d: {  	v39 =	vld [tilespmem:$0x19DF0];
	s2 =	sor.u32 $0xC30, s23;
	v43 =	vadd.f32 v43, v49  }
0x35e: {  	s18 =	sor.u32 $0x410, s25;
	[tilespmem:s2+$0x0] =	vst.add.f32.msk $0xffff, v40  }
0x35f: {  	v54 =	vmul.f32 v46, v33;
	v53 =	vmul.f32 v62, v44;
	[tilespmem:s18+$0x0] =	vst.add.f32.msk $0xffff, v43  }
0x360: {  	v43 =	vld [tilespmem:$0x1AB90]  }
0x361: {  	v42 =	vld [tilespmem:$0x19AC0];
	v55 =	vadd.f32 v53, v54  }
0x362: {  	v51 =	vld [tilespmem:$0x19EC0];
	s18 =	sor.u32 $0xC10, s24  }
0x363: {  	[tilespmem:s18+$0x0] =	vst.add.f32.msk $0xffff, v55  }
0x364: {  	v40 =	vld [tilespmem:$0x19B20]  }
0x365: {  	v57 =	vmul.f32 v47, v37;
	v56 =	vld [tilespmem:$0x1B320];
	v43 =	vmul.f32 v43, v45  }
0x366: {  	v58 =	vld [tilespmem:$0x19F20]  }
0x367: {  	v59 =	vld [tilespmem:$0x1A320];
	v43 =	vadd.f32 v43, v57  }
0x368: {  	s2 =	sor.u32 $0x810, s25;
	v60 =	vld [tilespmem:$0x1B720]  }
0x369: {  	[tilespmem:s2+$0x0] =	vst.add.f32.msk $0xffff, v43  }
0x36a: {  	v40 =	vmul.f32 v56, v40;
	v43 =	vld [tilespmem:$0x1AF90]  }
0x36b: {  	s18 =	sor.u32 $0x20, s24;
	v61 =	vld [tilespmem:$0x1BB20]  }
0x36c: {  	[tilespmem:s18+$0x0] =	vst.add.f32.msk $0xffff, v40  }
0x36d: {  	v40 =	vld [tilespmem:$0x1A720]  }
0x36e: {  	v52 =	vld [tilespmem:$0x1A2C0]  }
0x36f: {  	v63 =	vld [tilespmem:$0x1B2C0];
	v62 =	vmul.f32 v47, v35;
	v43 =	vmul.f32 v43, v45  }
0x370: {  	v49 =	vld [tilespmem:$0x19A60];
	v46 =	vmul.f32 v60, v58;
	v44 =	vmul.f32 v61, v59  }
0x371: {  	v57 =	vld [tilespmem:$0x1B6C0];
	v43 =	vadd.f32 v43, v62  }
0x372: {  	v58 =	vld [tilespmem:$0x1BAC0];
	s2 =	sor.u32 $0xC10, s25;
	v50 =	vmul.f32 v44, v36;
	v40 =	vmul.f32 v40, v46  }
0x373: {  	[tilespmem:s2+$0x0] =	vst.add.f32.msk $0xffff, v43  }
0x374: {  	v40 =	vadd.f32 v40, v50;
	v43 =	vld [tilespmem:$0x19BA0]  }
0x375: {  	s18 =	sor.u32 $0x420, s24;
	v59 =	vld [tilespmem:$0x1B3A0]  }
0x376: {  	[tilespmem:s18+$0x0] =	vst.add.f32.msk $0xffff, v40  }
0x377: {  	v40 =	vld [tilespmem:$0x1AB20]  }
0x378: {  	v60 =	vld [tilespmem:$0x19FA0]  }
0x379: {  	v61 =	vld [tilespmem:$0x1A3A0]  }
0x37a: {  	v62 =	vld [tilespmem:$0x1B7A0];
	v43 =	vmul.f32 v59, v43  }
0x37b: {  	v42 =	vmul.f32 v63, v42;
	s2 =	sor.u32 $0x20, s25;
	v63 =	vld [tilespmem:$0x1BBA0]  }
0x37c: {  	v56 =	vmul.f32 v44, v34;
	v40 =	vmul.f32 v40, v46;
	[tilespmem:s2+$0x0] =	vst.add.f32.msk $0xffff, v43  }
0x37d: {  	s18 =	sor.u32 $0x40, s23;
	v43 =	vld [tilespmem:$0x1A7A0]  }
0x37e: {  	[tilespmem:s18+$0x0] =	vst.add.f32.msk $0xffff, v42;
	v40 =	vadd.f32 v40, v56  }
0x37f: {  	v42 =	vld [tilespmem:$0x1A6C0];
	s2 =	sor.u32 $0x820, s24  }
0x380: {  	v47 =	vmul.f32 v63, v61;
	[tilespmem:s2+$0x0] =	vst.add.f32.msk $0xffff, v40;
	v40 =	vmul.f32 v62, v60  }
0x381: {  	v48 =	vmul.f32 v57, v51;
	v50 =	vmul.f32 v58, v52;
	v57 =	vld [tilespmem:$0x1AF20]  }
0x382: {  	v53 =	vld [tilespmem:$0x1A260];
	v58 =	vmul.f32 v47, v38;
	v43 =	vmul.f32 v43, v40  }
0x383: {  	v54 =	vld [tilespmem:$0x1B260]  }
0x384: {  	v51 =	vld [tilespmem:$0x19E60];
	v59 =	vmul.f32 v50, v32;
	v42 =	vmul.f32 v42, v48;
	v43 =	vadd.f32 v43, v58  }
0x385: {  	v52 =	vld [tilespmem:$0x1B660];
	s18 =	sor.u32 $0x420, s25  }
0x386: {  	v44 =	vmul.f32 v44, v33;
	v42 =	vadd.f32 v42, v59;
	v45 =	vmul.f32 v57, v46;
	[tilespmem:s18+$0x0] =	vst.add.f32.msk $0xffff, v43  }
0x387: {  	s2 =	sor.u32 $0x440, s23;
	v43 =	vld [tilespmem:$0x1ABA0]  }
0x388: {  	[tilespmem:s2+$0x0] =	vst.add.f32.msk $0xffff, v42;
	v60 =	vadd.f32 v45, v44  }
0x389: {  	v61 =	vld [tilespmem:$0x1AAC0];
	s18 =	sor.u32 $0xC20, s24  }
0x38a: {  	[tilespmem:s18+$0x0] =	vst.add.f32.msk $0xffff, v60  }
0x38b: {  	v42 =	vld [tilespmem:$0x19B30]  }
0x38c: {  	v63 =	vmul.f32 v47, v37;
	v62 =	vld [tilespmem:$0x1B330];
	v43 =	vmul.f32 v43, v40  }
0x38d: {  	v55 =	vld [tilespmem:$0x19F30]  }
0x38e: {  	v56 =	vld [tilespmem:$0x1A330];
	v43 =	vadd.f32 v43, v63  }
0x38f: {  	s2 =	sor.u32 $0x820, s25;
	v46 =	vld [tilespmem:$0x1B730]  }
0x390: {  	[tilespmem:s2+$0x0] =	vst.add.f32.msk $0xffff, v43  }
0x391: {  	v42 =	vmul.f32 v62, v42;
	v43 =	vld [tilespmem:$0x1AFA0]  }
0x392: {  	s18 =	sor.u32 $0x30, s24;
	v60 =	vld [tilespmem:$0x1BB30]  }
0x393: {  	v49 =	vmul.f32 v54, v49;
	[tilespmem:s18+$0x0] =	vst.add.f32.msk $0xffff, v42  }
0x394: {  	v61 =	vmul.f32 v61, v48;
	v62 =	vmul.f32 v50, v31;
	v63 =	vld [tilespmem:$0x1A730]  }
0x395: {  	v57 =	vld [tilespmem:$0x1BA60];
	s2 =	sor.u32 $0x60, s14  }
0x396: {  	v58 =	vmul.f32 v47, v35;
	[tilespmem:s2+$0x0] =	vst.add.f32.msk $0xffff, v49;
	v42 =	vadd.f32 v61, v62;
	v40 =	vmul.f32 v43, v40  }
0x397: {  	v46 =	vmul.f32 v46, v55;
	v49 =	vmul.f32 v60, v56;
	v47 =	vld [tilespmem:$0x1A660];
	s18 =	sor.u32 $0x840, s23  }
0x398: {  	[tilespmem:s18+$0x0] =	vst.add.f32.msk $0xffff, v42;
	v40 =	vadd.f32 v40, v58  }
0x399: {  	s2 =	sor.u32 $0xC20, s25;
	v60 =	vmul.f32 v49, v36;
	v42 =	vld [tilespmem:$0x1AEC0];
	v59 =	vmul.f32 v63, v46  }
0x39a: {  	[tilespmem:s2+$0x0] =	vst.add.f32.msk $0xffff, v40  }
0x39b: {  	v61 =	vadd.f32 v59, v60;
	v62 =	vld [tilespmem:$0x19BB0]  }
0x39c: {  	s18 =	sor.u32 $0x430, s24;
	v63 =	vld [tilespmem:$0x1B3B0]  }
0x39d: {  	[tilespmem:s18+$0x0] =	vst.add.f32.msk $0xffff, v61  }
0x39e: {  	v40 =	vld [tilespmem:$0x1AB30]  }
0x39f: {  	v54 =	vld [tilespmem:$0x19FB0]  }
0x3a0: {  	v55 =	vld [tilespmem:$0x1A3B0]  }
0x3a1: {  	v60 =	vld [tilespmem:$0x1B7B0];
	v43 =	vmul.f32 v63, v62  }
0x3a2: {  	v44 =	vmul.f32 v52, v51;
	v45 =	vmul.f32 v57, v53;
	s2 =	sor.u32 $0x30, s25;
	v61 =	vld [tilespmem:$0x1BBB0]  }
0x3a3: {  	v63 =	vmul.f32 v49, v34;
	v62 =	vmul.f32 v40, v46;
	[tilespmem:s2+$0x0] =	vst.add.f32.msk $0xffff, v43  }
0x3a4: {  	v43 =	vld [tilespmem:$0x1A7B0]  }
0x3a5: {  	v41 =	vld [tilespmem:$0x199F0];
	v57 =	vmul.f32 v45, v29;
	v47 =	vmul.f32 v47, v44;
	v52 =	vadd.f32 v62, v63  }
0x3a6: {  	v53 =	vld [tilespmem:$0x1B1F0];
	v58 =	vmul.f32 v50, v30;
	v42 =	vmul.f32 v42, v48;
	s18 =	sor.u32 $0x830, s24  }
0x3a7: {  	v47 =	vadd.f32 v47, v57;
	v50 =	vmul.f32 v60, v54;
	v51 =	vmul.f32 v61, v55;
	[tilespmem:s18+$0x0] =	vst.add.f32.msk $0xffff, v52  }
0x3a8: {  	s2 =	sor.u32 $0x460, s14;
	v52 =	vld [tilespmem:$0x1AF30]  }
0x3a9: {  	v42 =	vadd.f32 v42, v58;
	[tilespmem:s2+$0x0] =	vst.add.f32.msk $0xffff, v47;
	v59 =	vmul.f32 v51, v38;
	v43 =	vmul.f32 v43, v50  }
0x3aa: {  	v48 =	vld [tilespmem:$0x1AA60];
	s18 =	sor.u32 $0xC40, s23  }
0x3ab: {  	[tilespmem:s18+$0x0] =	vst.add.f32.msk $0xffff, v42;
	v60 =	vadd.f32 v43, v59  }
0x3ac: {  	v61 =	vmul.f32 v49, v33;
	s2 =	sor.u32 $0x430, s25;
	v49 =	vld [tilespmem:$0x19ED0]  }
0x3ad: {  	v46 =	vmul.f32 v52, v46;
	[tilespmem:s2+$0x0] =	vst.add.f32.msk $0xffff, v60  }
0x3ae: {  	v42 =	vld [tilespmem:$0x1ABB0]  }
0x3af: {  	v47 =	vld [tilespmem:$0x1B2D0];
	v46 =	vadd.f32 v46, v61  }
0x3b0: {  	s18 =	sor.u32 $0xC30, s24;
	v43 =	vld [tilespmem:$0x19AD0]  }
0x3b1: {  	[tilespmem:s18+$0x0] =	vst.add.f32.msk $0xffff, v46  }
0x3b2: {  	v46 =	vld [tilespmem:$0x19B40]  }
0x3b3: {  	v63 =	vmul.f32 v51, v37;
	v62 =	vld [tilespmem:$0x1B340];
	v42 =	vmul.f32 v42, v50  }
0x3b4: {  	v55 =	vld [tilespmem:$0x19F40]  }
0x3b5: {  	v56 =	vld [tilespmem:$0x1A340];
	v42 =	vadd.f32 v42, v63  }
0x3b6: {  	s2 =	sor.u32 $0x830, s25;
	v54 =	vld [tilespmem:$0x1B740]  }
0x3b7: {  	[tilespmem:s2+$0x0] =	vst.add.f32.msk $0xffff, v42  }
0x3b8: {  	v60 =	vmul.f32 v62, v46;
	v61 =	vld [tilespmem:$0x1AFB0]  }
0x3b9: {  	s18 =	sor.u32 $0x40, s24;
	v62 =	vld [tilespmem:$0x1BB40]  }
0x3ba: {  	[tilespmem:s18+$0x0] =	vst.add.f32.msk $0xffff, v60  }
0x3bb: {  	v42 =	vld [tilespmem:$0x1A740]  }
0x3bc: {  	v57 =	vld [tilespmem:$0x1A2D0];
	v43 =	vmul.f32 v47, v43  }
0x3bd: {  	v58 =	vld [tilespmem:$0x1BAD0];
	v63 =	vmul.f32 v51, v35;
	v46 =	vmul.f32 v61, v50  }
0x3be: {  	v47 =	vld [tilespmem:$0x1B6D0];
	s2 =	sor.u32 $0x50, s23;
	v54 =	vmul.f32 v54, v55;
	v52 =	vmul.f32 v62, v56  }
0x3bf: {  	[tilespmem:s2+$0x0] =	vst.add.f32.msk $0xffff, v43;
	v59 =	vadd.f32 v46, v63  }
0x3c0: {  	v60 =	vld [tilespmem:$0x1A6D0];
	s18 =	sor.u32 $0xC30, s25;
	v61 =	vmul.f32 v52, v36;
	v42 =	vmul.f32 v42, v54  }
0x3c1: {  	[tilespmem:s18+$0x0] =	vst.add.f32.msk $0xffff, v59  }
0x3c2: {  	v42 =	vadd.f32 v42, v61;
	v43 =	vld [tilespmem:$0x19BC0]  }
0x3c3: {  	s2 =	sor.u32 $0x440, s24;
	v62 =	vld [tilespmem:$0x1B3C0]  }
0x3c4: {  	[tilespmem:s2+$0x0] =	vst.add.f32.msk $0xffff, v42  }
0x3c5: {  	v47 =	vmul.f32 v47, v49;
	v42 =	vld [tilespmem:$0x1AB40]  }
0x3c6: {  	v49 =	vmul.f32 v58, v57;
	v51 =	vld [tilespmem:$0x19FC0]  }
0x3c7: {  	v46 =	vmul.f32 v60, v47;
	v55 =	vld [tilespmem:$0x1A3C0]  }
0x3c8: {  	v63 =	vmul.f32 v49, v32;
	v57 =	vld [tilespmem:$0x1B7C0];
	v43 =	vmul.f32 v62, v43  }
0x3c9: {  	s18 =	sor.u32 $0x40, s25;
	v50 =	vld [tilespmem:$0x1BBC0]  }
0x3ca: {  	v60 =	vmul.f32 v52, v34;
	v46 =	vadd.f32 v46, v63;
	v42 =	vmul.f32 v42, v54;
	[tilespmem:s18+$0x0] =	vst.add.f32.msk $0xffff, v43  }
0x3cb: {  	s2 =	sor.u32 $0x450, s23;
	v43 =	vld [tilespmem:$0x1A7C0]  }
0x3cc: {  	[tilespmem:s2+$0x0] =	vst.add.f32.msk $0xffff, v46;
	v42 =	vadd.f32 v42, v60  }
0x3cd: {  	v61 =	vmul.f32 v48, v44;
	v63 =	vld [tilespmem:$0x1AAD0];
	v62 =	vmul.f32 v45, v28;
	s18 =	sor.u32 $0x840, s24  }
0x3ce: {  	v51 =	vmul.f32 v57, v51;
	v50 =	vmul.f32 v50, v55;
	[tilespmem:s18+$0x0] =	vst.add.f32.msk $0xffff, v42  }
0x3cf: {  	v46 =	vadd.f32 v61, v62;
	v55 =	vld [tilespmem:$0x1AF40]  }
0x3d0: {  	v40 =	vld [tilespmem:$0x1A1F0];
	s2 =	sor.u32 $0x860, s14;
	v61 =	vmul.f32 v50, v38;
	v60 =	vmul.f32 v43, v51  }
0x3d1: {  	[tilespmem:s2+$0x0] =	vst.add.f32.msk $0xffff, v46  }
0x3d2: {  	v62 =	vmul.f32 v63, v47;
	v63 =	vmul.f32 v49, v31;
	v57 =	vld [tilespmem:$0x1AE60];
	v48 =	vadd.f32 v60, v61  }
0x3d3: {  	v42 =	vld [tilespmem:$0x1B5F0];
	s18 =	sor.u32 $0x440, s25  }
0x3d4: {  	v52 =	vmul.f32 v52, v33;
	v46 =	vadd.f32 v62, v63;
	v54 =	vmul.f32 v55, v54;
	[tilespmem:s18+$0x0] =	vst.add.f32.msk $0xffff, v48  }
0x3d5: {  	s2 =	sor.u32 $0x850, s23;
	v48 =	vld [tilespmem:$0x1ABC0]  }
0x3d6: {  	[tilespmem:s2+$0x0] =	vst.add.f32.msk $0xffff, v46;
	v60 =	vadd.f32 v54, v52  }
0x3d7: {  	v61 =	vld [tilespmem:$0x1AED0];
	s18 =	sor.u32 $0xC40, s24  }
0x3d8: {  	[tilespmem:s18+$0x0] =	vst.add.f32.msk $0xffff, v60  }
0x3d9: {  	v46 =	vld [tilespmem:$0x19B50]  }
0x3da: {  	v63 =	vmul.f32 v50, v37;
	v62 =	vld [tilespmem:$0x1B350];
	v48 =	vmul.f32 v48, v51  }
0x3db: {  	v56 =	vld [tilespmem:$0x19F50]  }
0x3dc: {  	v58 =	vld [tilespmem:$0x1A350];
	v48 =	vadd.f32 v48, v63  }
0x3dd: {  	s2 =	sor.u32 $0x840, s25;
	v59 =	vld [tilespmem:$0x1B750]  }
0x3de: {  	[tilespmem:s2+$0x0] =	vst.add.f32.msk $0xffff, v48  }
0x3df: {  	v46 =	vmul.f32 v62, v46;
	v48 =	vld [tilespmem:$0x1AFC0]  }
0x3e0: {  	s18 =	sor.u32 $0x50, s24;
	v60 =	vld [tilespmem:$0x1BB50]  }
0x3e1: {  	v41 =	vmul.f32 v53, v41;
	[tilespmem:s18+$0x0] =	vst.add.f32.msk $0xffff, v46  }
0x3e2: {  	v45 =	vmul.f32 v45, v27;
	v44 =	vmul.f32 v57, v44;
	v46 =	vld [tilespmem:$0x1A750]  }
0x3e3: {  	v43 =	vld [tilespmem:$0x1B9F0];
	v61 =	vmul.f32 v61, v47;
	s2 =	sor.u32 $0x70, s6;
	v62 =	vmul.f32 v49, v30  }
0x3e4: {  	v44 =	vadd.f32 v44, v45;
	v63 =	vmul.f32 v50, v35;
	[tilespmem:s2+$0x0] =	vst.add.f32.msk $0xffff, v41;
	v48 =	vmul.f32 v48, v51  }
0x3e5: {  	v45 =	vmul.f32 v59, v56;
	v47 =	vmul.f32 v60, v58;
	v41 =	vld [tilespmem:$0x1A5F0];
	s18 =	sor.u32 $0xC60, s14;
	v52 =	vadd.f32 v61, v62  }
0x3e6: {  	s2 =	sor.u32 $0xC50, s23;
	[tilespmem:s18+$0x0] =	vst.add.f32.msk $0xffff, v44;
	v48 =	vadd.f32 v48, v63  }
0x3e7: {  	v55 =	vmul.f32 v47, v36;
	s18 =	sor.u32 $0xC40, s25;
	[tilespmem:s2+$0x0] =	vst.add.f32.msk $0xffff, v52;
	v54 =	vmul.f32 v46, v45  }
0x3e8: {  	[tilespmem:s18+$0x0] =	vst.add.f32.msk $0xffff, v48  }
0x3e9: {  	v44 =	vadd.f32 v54, v55;
	v56 =	vld [tilespmem:$0x19BD0]  }
0x3ea: {  	s2 =	sor.u32 $0x450, s24;
	v48 =	vld [tilespmem:$0x1B3D0]  }
0x3eb: {  	[tilespmem:s2+$0x0] =	vst.add.f32.msk $0xffff, v44  }
0x3ec: {  	v44 =	vld [tilespmem:$0x1AB50]  }
0x3ed: {  	v57 =	vld [tilespmem:$0x19FD0]  }
0x3ee: {  	v58 =	vld [tilespmem:$0x1A3D0]  }
0x3ef: {  	v59 =	vld [tilespmem:$0x1B7D0];
	v46 =	vmul.f32 v48, v56  }
0x3f0: {  	s18 =	sor.u32 $0x50, s25;
	v60 =	vld [tilespmem:$0x1BBD0]  }
0x3f1: {  	v53 =	vmul.f32 v47, v34;
	v44 =	vmul.f32 v44, v45;
	[tilespmem:s18+$0x0] =	vst.add.f32.msk $0xffff, v46  }
0x3f2: {  	v46 =	vld [tilespmem:$0x1A7D0]  }
0x3f3: {  	v50 =	vld [tilespmem:$0x19A70];
	v44 =	vadd.f32 v44, v53  }
0x3f4: {  	v61 =	vld [tilespmem:$0x1B2E0];
	s2 =	sor.u32 $0x850, s24  }
0x3f5: {  	v48 =	vmul.f32 v60, v58;
	[tilespmem:s2+$0x0] =	vst.add.f32.msk $0xffff, v44;
	v44 =	vmul.f32 v59, v57  }
0x3f6: {  	v51 =	vld [tilespmem:$0x19EE0]  }
0x3f7: {  	v54 =	vld [tilespmem:$0x19AE0];
	v63 =	vmul.f32 v48, v38;
	v46 =	vmul.f32 v46, v44  }
0x3f8: {  	v62 =	vld [tilespmem:$0x1AF50]  }
0x3f9: {  	v55 =	vld [tilespmem:$0x1A2E0];
	v46 =	vadd.f32 v46, v63  }
0x3fa: {  	v56 =	vld [tilespmem:$0x1B6E0];
	s18 =	sor.u32 $0x450, s25  }
0x3fb: {  	[tilespmem:s18+$0x0] =	vst.add.f32.msk $0xffff, v46  }
0x3fc: {  	v47 =	vmul.f32 v47, v33;
	v46 =	vld [tilespmem:$0x1ABD0]  }
0x3fd: {  	v60 =	vld [tilespmem:$0x1BAE0];
	v53 =	vmul.f32 v61, v54;
	v45 =	vmul.f32 v62, v45  }
0x3fe: {  	v58 =	vld [tilespmem:$0x1A270];
	s2 =	sor.u32 $0x60, s23  }
0x3ff: {  	[tilespmem:s2+$0x0] =	vst.add.f32.msk $0xffff, v53;
	v45 =	vadd.f32 v45, v47  }
0x400: {  	v61 =	vld [tilespmem:$0x1A6E0];
	s18 =	sor.u32 $0xC50, s24  }
0x401: {  	v63 =	vmul.f32 v48, v37;
	[tilespmem:s18+$0x0] =	vst.add.f32.msk $0xffff, v45;
	v46 =	vmul.f32 v46, v44  }
0x402: {  	v45 =	vld [tilespmem:$0x19B60]  }
0x403: {  	v62 =	vld [tilespmem:$0x1B360];
	v46 =	vadd.f32 v46, v63  }
0x404: {  	s2 =	sor.u32 $0x850, s25;
	v54 =	vld [tilespmem:$0x19F60]  }
0x405: {  	[tilespmem:s2+$0x0] =	vst.add.f32.msk $0xffff, v46  }
0x406: {  	v46 =	vld [tilespmem:$0x1AFD0]  }
0x407: {  	v49 =	vmul.f32 v56, v51;
	v51 =	vmul.f32 v60, v55;
	v57 =	vld [tilespmem:$0x1A360]  }
0x408: {  	v53 =	vld [tilespmem:$0x1B760];
	v45 =	vmul.f32 v62, v45  }
0x409: {  	v60 =	vmul.f32 v61, v49;
	v61 =	vmul.f32 v51, v32;
	s18 =	sor.u32 $0x60, s24;
	v52 =	vld [tilespmem:$0x1BB60]  }
0x40a: {  	[tilespmem:s18+$0x0] =	vst.add.f32.msk $0xffff, v45  }
0x40b: {  	v63 =	vmul.f32 v48, v35;
	v45 =	vadd.f32 v60, v61;
	v62 =	vld [tilespmem:$0x1A760];
	v44 =	vmul.f32 v46, v44  }
0x40c: {  	v47 =	vld [tilespmem:$0x1B270];
	s2 =	sor.u32 $0x460, s23  }
0x40d: {  	[tilespmem:s2+$0x0] =	vst.add.f32.msk $0xffff, v45;
	v44 =	vadd.f32 v44, v63  }
0x40e: {  	v48 =	vmul.f32 v53, v54;
	v52 =	vmul.f32 v52, v57;
	s18 =	sor.u32 $0xC50, s25;
	v45 =	vld [tilespmem:$0x1AAE0]  }
0x40f: {  	[tilespmem:s18+$0x0] =	vst.add.f32.msk $0xffff, v44  }
0x410: {  	v59 =	vmul.f32 v52, v36;
	v57 =	vmul.f32 v62, v48;
	v46 =	vld [tilespmem:$0x19BE0]  }
0x411: {  	v61 =	vld [tilespmem:$0x1B3E0]  }
0x412: {  	v60 =	vadd.f32 v57, v59;
	v62 =	vld [tilespmem:$0x19FE0]  }
0x413: {  	s2 =	sor.u32 $0x460, s24;
	v63 =	vld [tilespmem:$0x1A3E0]  }
0x414: {  	v45 =	vmul.f32 v45, v49;
	[tilespmem:s2+$0x0] =	vst.add.f32.msk $0xffff, v60;
	v60 =	vmul.f32 v51, v31  }
0x415: {  	v59 =	vld [tilespmem:$0x1B7E0]  }
0x416: {  	v44 =	vld [tilespmem:$0x1AB60];
	v45 =	vadd.f32 v45, v60  }
0x417: {  	s2 =	sor.u32 $0x860, s23;
	v46 =	vmul.f32 v61, v46;
	v61 =	vld [tilespmem:$0x1BBE0]  }
0x418: {  	[tilespmem:s2+$0x0] =	vst.add.f32.msk $0xffff, v45  }
0x419: {  	s18 =	sor.u32 $0x60, s25;
	v45 =	vld [tilespmem:$0x1AEE0]  }
0x41a: {  	[tilespmem:s18+$0x0] =	vst.add.f32.msk $0xffff, v46  }
0x41b: {  	v46 =	vld [tilespmem:$0x1A7E0]  }
0x41c: {  	v56 =	vld [tilespmem:$0x19E70];
	v47 =	vmul.f32 v47, v50;
	v50 =	vmul.f32 v59, v62  }
0x41d: {  	v55 =	vld [tilespmem:$0x1BA70];
	v62 =	vmul.f32 v52, v34;
	v44 =	vmul.f32 v44, v48  }
0x41e: {  	v54 =	vld [tilespmem:$0x1B670];
	s18 =	sor.u32 $0x70, s14;
	v53 =	vmul.f32 v61, v63  }
0x41f: {  	v59 =	vmul.f32 v51, v30;
	[tilespmem:s18+$0x0] =	vst.add.f32.msk $0xffff, v47;
	v44 =	vadd.f32 v44, v62;
	v45 =	vmul.f32 v45, v49  }
0x420: {  	s2 =	sor.u32 $0x860, s24;
	v57 =	vld [tilespmem:$0x1A670];
	v63 =	vmul.f32 v53, v38;
	v46 =	vmul.f32 v46, v50  }
0x421: {  	[tilespmem:s2+$0x0] =	vst.add.f32.msk $0xffff, v44;
	v45 =	vadd.f32 v45, v59  }
0x422: {  	s2 =	sor.u32 $0xC60, s23;
	v61 =	vld [tilespmem:$0x1AF60];
	v60 =	vadd.f32 v46, v63  }
0x423: {  	s18 =	sor.u32 $0x460, s25;
	[tilespmem:s2+$0x0] =	vst.add.f32.msk $0xffff, v45  }
0x424: {  	[tilespmem:s18+$0x0] =	vst.add.f32.msk $0xffff, v60  }
0x425: {  	v44 =	vld [tilespmem:$0x1ABE0]  }
0x426: {  	v45 =	vld [tilespmem:$0x19AF0]  }
0x427: {  	v47 =	vld [tilespmem:$0x19EF0]  }
0x428: {  	v62 =	vmul.f32 v52, v33;
	v49 =	vld [tilespmem:$0x1A2F0];
	v46 =	vmul.f32 v61, v48  }
0x429: {  	v63 =	vld [tilespmem:$0x1B2F0]  }
0x42a: {  	v59 =	vmul.f32 v53, v37;
	v52 =	vld [tilespmem:$0x1B6F0];
	v46 =	vadd.f32 v46, v62;
	v44 =	vmul.f32 v44, v50  }
0x42b: {  	s18 =	sor.u32 $0xC60, s24;
	v61 =	vld [tilespmem:$0x1BAF0]  }
0x42c: {  	[tilespmem:s18+$0x0] =	vst.add.f32.msk $0xffff, v46;
	v44 =	vadd.f32 v44, v59  }
0x42d: {  	s2 =	sor.u32 $0x860, s25;
	v46 =	vld [tilespmem:$0x19B70]  }
0x42e: {  	[tilespmem:s2+$0x0] =	vst.add.f32.msk $0xffff, v44  }
0x42f: {  	v44 =	vld [tilespmem:$0x1AFE0]  }
0x430: {  	v45 =	vmul.f32 v63, v45;
	v60 =	vld [tilespmem:$0x1B370]  }
0x431: {  	s18 =	sor.u32 $0x70, s23;
	v48 =	vld [tilespmem:$0x1B770]  }
0x432: {  	[tilespmem:s18+$0x0] =	vst.add.f32.msk $0xffff, v45  }
0x433: {  	v45 =	vld [tilespmem:$0x19F70]  }
0x434: {  	v53 =	vmul.f32 v53, v35;
	v63 =	vld [tilespmem:$0x1A6F0];
	v44 =	vmul.f32 v44, v50  }
0x435: {  	v46 =	vmul.f32 v60, v46;
	v50 =	vld [tilespmem:$0x1A370]  }
0x436: {  	s2 =	sor.u32 $0x70, s24;
	v44 =	vadd.f32 v44, v53;
	v53 =	vld [tilespmem:$0x1BB70]  }
0x437: {  	s18 =	sor.u32 $0xC60, s25;
	[tilespmem:s2+$0x0] =	vst.add.f32.msk $0xffff, v46  }
0x438: {  	v40 =	vmul.f32 v43, v40;
	[tilespmem:s18+$0x0] =	vst.add.f32.msk $0xffff, v44  }
0x439: {  	v39 =	vmul.f32 v42, v39;
	v44 =	vld [tilespmem:$0x19BF0]  }
0x43a: {  	v26 =	vmul.f32 v40, v26;
	v62 =	vld [tilespmem:$0x1B3F0]  }
0x43b: {  	v41 =	vmul.f32 v41, v39;
	v43 =	vmul.f32 v54, v56;
	v54 =	vld [tilespmem:$0x1A770]  }
0x43c: {  	v56 =	vld [tilespmem:$0x19FF0]  }
0x43d: {  	v26 =	vadd.f32 v41, v26;
	v47 =	vmul.f32 v52, v47;
	v52 =	vld [tilespmem:$0x1A3F0]  }
0x43e: {  	v55 =	vmul.f32 v55, v58;
	s18 =	sor.u32 $0x470, s6;
	v60 =	vld [tilespmem:$0x1B7F0]  }
0x43f: {  	v49 =	vmul.f32 v61, v49;
	[tilespmem:s18+$0x0] =	vst.add.f32.msk $0xffff, v26;
	v44 =	vmul.f32 v62, v44  }
0x440: {  	v29 =	vmul.f32 v55, v29;
	v61 =	vmul.f32 v57, v43;
	s2 =	sor.u32 $0x70, s25;
	v62 =	vld [tilespmem:$0x1BBF0]  }
0x441: {  	v32 =	vmul.f32 v49, v32;
	v63 =	vmul.f32 v63, v47;
	[tilespmem:s2+$0x0] =	vst.add.f32.msk $0xffff, v44  }
0x442: {  	v29 =	vadd.f32 v61, v29;
	v42 =	vmul.f32 v48, v45;
	v48 =	vld [tilespmem:$0x1A7F0]  }
0x443: {  	v58 =	vld [tilespmem:$0x1A9F0];
	v44 =	vmul.f32 v53, v50;
	v50 =	vadd.f32 v63, v32;
	s2 =	sor.u32 $0x470, s14  }
0x444: {  	s18 =	sor.u32 $0x470, s23;
	v26 =	vmul.f32 v60, v56;
	v53 =	vmul.f32 v54, v42;
	[tilespmem:s2+$0x0] =	vst.add.f32.msk $0xffff, v29  }
0x445: {  	v54 =	vmul.f32 v44, v36;
	[tilespmem:s18+$0x0] =	vst.add.f32.msk $0xffff, v50;
	v36 =	vmul.f32 v62, v52  }
0x446: {  	v59 =	vld [tilespmem:$0x1AA70]  }
0x447: {  	v60 =	vld [tilespmem:$0x1AAF0];
	v29 =	vadd.f32 v53, v54;
	v38 =	vmul.f32 v36, v38;
	v45 =	vmul.f32 v48, v26  }
0x448: {  	s2 =	sor.u32 $0x470, s24  }
0x449: {  	v25 =	vmul.f32 v40, v25;
	v41 =	vmul.f32 v58, v39;
	[tilespmem:s2+$0x0] =	vst.add.f32.msk $0xffff, v29;
	v38 =	vadd.f32 v45, v38  }
0x44a: {  	s18 =	sor.u32 $0x470, s25;
	v61 =	vld [tilespmem:$0x1AB70]  }
0x44b: {  	v28 =	vmul.f32 v55, v28;
	v25 =	vadd.f32 v41, v25;
	v32 =	vmul.f32 v59, v43;
	[tilespmem:s18+$0x0] =	vst.add.f32.msk $0xffff, v38  }
0x44c: {  	v31 =	vmul.f32 v49, v31;
	s2 =	sor.u32 $0x870, s6;
	v29 =	vmul.f32 v60, v47;
	v38 =	vld [tilespmem:$0x1ABF0]  }
0x44d: {  	[tilespmem:s2+$0x0] =	vst.add.f32.msk $0xffff, v25;
	v28 =	vadd.f32 v32, v28  }
0x44e: {  	v50 =	vld [tilespmem:$0x1ADF0];
	v63 =	vadd.f32 v29, v31;
	s18 =	sor.u32 $0x870, s14  }
0x44f: {  	v34 =	vmul.f32 v44, v34;
	s2 =	sor.u32 $0x870, s23;
	[tilespmem:s18+$0x0] =	vst.add.f32.msk $0xffff, v28;
	v62 =	vmul.f32 v61, v42  }
0x450: {  	[tilespmem:s2+$0x0] =	vst.add.f32.msk $0xffff, v63  }
0x451: {  	v45 =	vmul.f32 v36, v37;
	v51 =	vld [tilespmem:$0x1AE70];
	v46 =	vadd.f32 v62, v34;
	v41 =	vmul.f32 v38, v26  }
0x452: {  	s18 =	sor.u32 $0x870, s24;
	v52 =	vld [tilespmem:$0x1AEF0]  }
0x453: {  	[tilespmem:s18+$0x0] =	vst.add.f32.msk $0xffff, v46;
	v48 =	vadd.f32 v41, v45  }
0x454: {  	s2 =	sor.u32 $0x870, s25;
	v53 =	vld [tilespmem:$0x1AF70]  }
0x455: {  	[tilespmem:s2+$0x0] =	vst.add.f32.msk $0xffff, v48  }
0x456: {  	v54 =	vld [tilespmem:$0x1AFF0]  }
0x457: {  	v24 =	vmul.f32 v40, v24;
	v25 =	vmul.f32 v50, v39  }
0x458: {  	v27 =	vmul.f32 v55, v27;
	v28 =	vmul.f32 v51, v43  }
0x459: {  	v56 =	vmul.f32 v49, v30;
	v24 =	vadd.f32 v25, v24;
	v55 =	vmul.f32 v52, v47  }
0x45a: {  	v58 =	vmul.f32 v44, v33;
	s6 =	sor.u32 $0xC70, s6;
	v27 =	vadd.f32 v28, v27;
	v57 =	vmul.f32 v53, v42  }
0x45b: {  	v61 =	vmul.f32 v36, v35;
	s18 =	sor.u32 $0xC70, s14;
	[tilespmem:s6+$0x0] =	vst.add.f32.msk $0xffff, v24;
	v59 =	vadd.f32 v55, v56;
	v60 =	vmul.f32 v54, v26  }
0x45c: {  	s23 =	sor.u32 $0xC70, s23;
	[tilespmem:s18+$0x0] =	vst.add.f32.msk $0xffff, v27;
	v62 =	vadd.f32 v57, v58  }
0x45d: {  	s24 =	sor.u32 $0xC70, s24;
	[tilespmem:s23+$0x0] =	vst.add.f32.msk $0xffff, v59;
	v63 =	vadd.f32 v60, v61  }
0x45e: {  	s25 =	sor.u32 $0xC70, s25;
	s14 =	simm.s32 $0x6;
	[tilespmem:s24+$0x0] =	vst.add.f32.msk $0xffff, v62  }
0x45f: {  	s6 =	sadd.s32 $0x14006, s16;
	s16 =	simm.s32 $0x1A800;
	s23 =	simm.s32 $0x1B800;
	[tilespmem:s25+$0x0] =	vst.add.f32.msk $0xffff, v63  }
.LBB2_18:
0x460: {  	v24 =	vld [tilespmem:s6+$0x0];
	_ =	sdelay $0x4  }
0x461: {  	(v2sf) =	vpush v24, $0x0;
	_ =	sdelay $0x5  }
0x462: {  	v25 =	vmov s14  }
0x463: {  	v48 =	vshll.u32 v25, $0x7  }
0x464: {  	v24 =	vand.u32 $0x380, v48  }
0x465: {  	v24 =	vor.u32 $0xC00, v24  }
0x466: {  	v28 =	vld [tilespmem:s16+$0xFFFFF400];
	v24 =	vbroadcast v24, $0x0  }
0x467: {  	v29 =	vld [tilespmem:s23+$0xFFFFFC00]  }
0x468: {  	v50 =	vld [tilespmem:s16+$0xFFFFF800];
	v49 =	vor.u32 $0x1, v24  }
0x469: {  	v30 =	vld [tilespmem:s16+$0xFFFFFC00];
	v27 =	vor.u32 $0x2, v24  }
0x46a: {  	v31 =	vld [tilespmem:s23+$0x0]  }
0x46b: {  	v51 =	vld [tilespmem:s23+$0x400];
	s1 =	spop (v2sf)  }
0x46c: {  	v26 =	vld.idx.msk [tilespmem:v24+s26+$0x0], $0xffff;
	s2 =	sshll.u32 s1, $0x9;
	s1 =	sshll.u32 s1, $0x7  }
0x46d: {  	v28 =	vmul.f32 v29, v28;
	v25 =	vld.idx.msk [tilespmem:v49+s26+$0x0], $0xffff;
	s2 =	sand.u32 $0xFFFFF000, s2;
	s1 =	sand.u32 $0x380, s1  }
0x46e: {  	v24 =	vld.idx.msk [tilespmem:v27+s26+$0x0], $0xffff;
	s24 =	sor.u32 s1, s2  }
0x46f: {  	[tilespmem:s24+$0x0] =	vst.add.f32.msk $0xffff, v28  }
0x470: {  	v28 =	vld [tilespmem:s16+$0x0];
	_ =	sdelay $0x2  }
0x471: {  	v29 =	vmul.f32 v51, v30;
	v27 =	vmul.f32 v31, v50;
	_ =	sdelay $0x1  }
0x472: {  	v30 =	vmul.f32 v29, v26;
	v28 =	vmul.f32 v28, v27;
	_ =	sdelay $0x1  }
0x473: {  	v28 =	vadd.f32 v28, v30  }
0x474: {  	s1 =	sor.u32 $0x400, s24  }
0x475: {  	[tilespmem:s1+$0x0] =	vst.add.f32.msk $0xffff, v28  }
0x476: {  	v28 =	vld [tilespmem:s16+$0x400];
	_ =	sdelay $0x4  }
0x477: {  	v52 =	vmul.f32 v29, v25;
	v28 =	vmul.f32 v28, v27;
	_ =	sdelay $0x1  }
0x478: {  	v28 =	vadd.f32 v28, v52  }
0x479: {  	s2 =	sor.u32 $0x800, s24  }
0x47a: {  	[tilespmem:s2+$0x0] =	vst.add.f32.msk $0xffff, v28  }
0x47b: {  	v28 =	vld [tilespmem:s16+$0x800];
	_ =	sdelay $0x4  }
0x47c: {  	v53 =	vmul.f32 v29, v24;
	v27 =	vmul.f32 v28, v27;
	_ =	sdelay $0x1  }
0x47d: {  	v27 =	vadd.f32 v27, v53  }
0x47e: {  	s18 =	sor.u32 $0xC00, s24  }
0x47f: {  	[tilespmem:s18+$0x0] =	vst.add.f32.msk $0xffff, v27  }
0x480: {  	v27 =	vld [tilespmem:s16+$0xFFFFF410]  }
0x481: {  	v54 =	vld [tilespmem:s23+$0xFFFFFC10];
	_ =	sdelay $0x2  }
0x482: {  	v55 =	vld [tilespmem:s16+$0xFFFFF810]  }
0x483: {  	v56 =	vld [tilespmem:s16+$0xFFFFFC10]  }
0x484: {  	v57 =	vld [tilespmem:s23+$0x10];
	v27 =	vmul.f32 v54, v27  }
0x485: {  	s25 =	sor.u32 $0x10, s24;
	v58 =	vld [tilespmem:s23+$0x410]  }
0x486: {  	[tilespmem:s25+$0x0] =	vst.add.f32.msk $0xffff, v27  }
0x487: {  	v27 =	vld [tilespmem:s16+$0x10];
	_ =	sdelay $0x2  }
0x488: {  	v29 =	vmul.f32 v57, v55;
	v28 =	vmul.f32 v58, v56;
	_ =	sdelay $0x1  }
0x489: {  	v30 =	vmul.f32 v28, v26;
	v27 =	vmul.f32 v27, v29;
	_ =	sdelay $0x1  }
0x48a: {  	v27 =	vadd.f32 v27, v30  }
0x48b: {  	s2 =	sor.u32 $0x410, s24  }
0x48c: {  	[tilespmem:s2+$0x0] =	vst.add.f32.msk $0xffff, v27  }
0x48d: {  	v27 =	vld [tilespmem:s16+$0x410];
	_ =	sdelay $0x4  }
0x48e: {  	v59 =	vmul.f32 v28, v25;
	v27 =	vmul.f32 v27, v29;
	_ =	sdelay $0x1  }
0x48f: {  	v27 =	vadd.f32 v27, v59  }
0x490: {  	s18 =	sor.u32 $0x810, s24  }
0x491: {  	[tilespmem:s18+$0x0] =	vst.add.f32.msk $0xffff, v27  }
0x492: {  	v27 =	vld [tilespmem:s16+$0x810];
	_ =	sdelay $0x4  }
0x493: {  	v28 =	vmul.f32 v28, v24;
	v27 =	vmul.f32 v27, v29;
	_ =	sdelay $0x1  }
0x494: {  	v27 =	vadd.f32 v27, v28  }
0x495: {  	s25 =	sor.u32 $0xC10, s24  }
0x496: {  	[tilespmem:s25+$0x0] =	vst.add.f32.msk $0xffff, v27  }
0x497: {  	v27 =	vld [tilespmem:s16+$0xFFFFF420]  }
0x498: {  	v60 =	vld [tilespmem:s23+$0xFFFFFC20];
	_ =	sdelay $0x2  }
0x499: {  	v61 =	vld [tilespmem:s16+$0xFFFFF820]  }
0x49a: {  	v62 =	vld [tilespmem:s16+$0xFFFFFC20]  }
0x49b: {  	v63 =	vld [tilespmem:s23+$0x20];
	v27 =	vmul.f32 v60, v27  }
0x49c: {  	s2 =	sor.u32 $0x20, s24;
	v33 =	vld [tilespmem:s23+$0x420]  }
0x49d: {  	[tilespmem:s2+$0x0] =	vst.add.f32.msk $0xffff, v27  }
0x49e: {  	v27 =	vld [tilespmem:s16+$0x20];
	_ =	sdelay $0x2  }
0x49f: {  	v29 =	vmul.f32 v63, v61;
	v28 =	vmul.f32 v33, v62;
	_ =	sdelay $0x1  }
0x4a0: {  	v30 =	vmul.f32 v28, v26;
	v27 =	vmul.f32 v27, v29;
	_ =	sdelay $0x1  }
0x4a1: {  	v27 =	vadd.f32 v27, v30  }
0x4a2: {  	s18 =	sor.u32 $0x420, s24  }
0x4a3: {  	[tilespmem:s18+$0x0] =	vst.add.f32.msk $0xffff, v27  }
0x4a4: {  	v27 =	vld [tilespmem:s16+$0x420];
	_ =	sdelay $0x4  }
0x4a5: {  	v34 =	vmul.f32 v28, v25;
	v27 =	vmul.f32 v27, v29;
	_ =	sdelay $0x1  }
0x4a6: {  	v27 =	vadd.f32 v27, v34  }
0x4a7: {  	s25 =	sor.u32 $0x820, s24  }
0x4a8: {  	[tilespmem:s25+$0x0] =	vst.add.f32.msk $0xffff, v27  }
0x4a9: {  	v27 =	vld [tilespmem:s16+$0x820];
	_ =	sdelay $0x4  }
0x4aa: {  	v28 =	vmul.f32 v28, v24;
	v27 =	vmul.f32 v27, v29;
	_ =	sdelay $0x1  }
0x4ab: {  	v27 =	vadd.f32 v27, v28  }
0x4ac: {  	s2 =	sor.u32 $0xC20, s24  }
0x4ad: {  	[tilespmem:s2+$0x0] =	vst.add.f32.msk $0xffff, v27  }
0x4ae: {  	v27 =	vld [tilespmem:s16+$0xFFFFF430]  }
0x4af: {  	v35 =	vld [tilespmem:s23+$0xFFFFFC30];
	_ =	sdelay $0x2  }
0x4b0: {  	v36 =	vld [tilespmem:s16+$0xFFFFF830]  }
0x4b1: {  	v37 =	vld [tilespmem:s16+$0xFFFFFC30]  }
0x4b2: {  	v38 =	vld [tilespmem:s23+$0x30];
	v27 =	vmul.f32 v35, v27  }
0x4b3: {  	s18 =	sor.u32 $0x30, s24;
	v39 =	vld [tilespmem:s23+$0x430]  }
0x4b4: {  	[tilespmem:s18+$0x0] =	vst.add.f32.msk $0xffff, v27  }
0x4b5: {  	v27 =	vld [tilespmem:s16+$0x30];
	_ =	sdelay $0x2  }
0x4b6: {  	v29 =	vmul.f32 v38, v36;
	v28 =	vmul.f32 v39, v37;
	_ =	sdelay $0x1  }
0x4b7: {  	v30 =	vmul.f32 v28, v26;
	v27 =	vmul.f32 v27, v29;
	_ =	sdelay $0x1  }
0x4b8: {  	v27 =	vadd.f32 v27, v30  }
0x4b9: {  	s25 =	sor.u32 $0x430, s24  }
0x4ba: {  	[tilespmem:s25+$0x0] =	vst.add.f32.msk $0xffff, v27  }
0x4bb: {  	v27 =	vld [tilespmem:s16+$0x430];
	_ =	sdelay $0x4  }
0x4bc: {  	v40 =	vmul.f32 v28, v25;
	v27 =	vmul.f32 v27, v29;
	_ =	sdelay $0x1  }
0x4bd: {  	v27 =	vadd.f32 v27, v40  }
0x4be: {  	s2 =	sor.u32 $0x830, s24  }
0x4bf: {  	[tilespmem:s2+$0x0] =	vst.add.f32.msk $0xffff, v27  }
0x4c0: {  	v27 =	vld [tilespmem:s16+$0x830];
	_ =	sdelay $0x4  }
0x4c1: {  	v28 =	vmul.f32 v28, v24;
	v27 =	vmul.f32 v27, v29;
	_ =	sdelay $0x1  }
0x4c2: {  	v27 =	vadd.f32 v27, v28  }
0x4c3: {  	s18 =	sor.u32 $0xC30, s24  }
0x4c4: {  	[tilespmem:s18+$0x0] =	vst.add.f32.msk $0xffff, v27  }
0x4c5: {  	v27 =	vld [tilespmem:s16+$0xFFFFF440]  }
0x4c6: {  	v41 =	vld [tilespmem:s23+$0xFFFFFC40];
	_ =	sdelay $0x2  }
0x4c7: {  	v42 =	vld [tilespmem:s16+$0xFFFFF840]  }
0x4c8: {  	v43 =	vld [tilespmem:s16+$0xFFFFFC40]  }
0x4c9: {  	v44 =	vld [tilespmem:s23+$0x40];
	v27 =	vmul.f32 v41, v27  }
0x4ca: {  	s25 =	sor.u32 $0x40, s24;
	v45 =	vld [tilespmem:s23+$0x440]  }
0x4cb: {  	[tilespmem:s25+$0x0] =	vst.add.f32.msk $0xffff, v27  }
0x4cc: {  	v27 =	vld [tilespmem:s16+$0x40];
	_ =	sdelay $0x2  }
0x4cd: {  	v29 =	vmul.f32 v44, v42;
	v28 =	vmul.f32 v45, v43;
	_ =	sdelay $0x1  }
0x4ce: {  	v30 =	vmul.f32 v28, v26;
	v27 =	vmul.f32 v27, v29;
	_ =	sdelay $0x1  }
0x4cf: {  	v27 =	vadd.f32 v27, v30  }
0x4d0: {  	s2 =	sor.u32 $0x440, s24  }
0x4d1: {  	[tilespmem:s2+$0x0] =	vst.add.f32.msk $0xffff, v27  }
0x4d2: {  	v27 =	vld [tilespmem:s16+$0x440];
	_ =	sdelay $0x4  }
0x4d3: {  	v46 =	vmul.f32 v28, v25;
	v27 =	vmul.f32 v27, v29;
	_ =	sdelay $0x1  }
0x4d4: {  	v27 =	vadd.f32 v27, v46  }
0x4d5: {  	s18 =	sor.u32 $0x840, s24  }
0x4d6: {  	[tilespmem:s18+$0x0] =	vst.add.f32.msk $0xffff, v27  }
0x4d7: {  	v27 =	vld [tilespmem:s16+$0x840];
	_ =	sdelay $0x4  }
0x4d8: {  	v28 =	vmul.f32 v28, v24;
	v27 =	vmul.f32 v27, v29;
	_ =	sdelay $0x1  }
0x4d9: {  	v27 =	vadd.f32 v27, v28  }
0x4da: {  	s25 =	sor.u32 $0xC40, s24  }
0x4db: {  	[tilespmem:s25+$0x0] =	vst.add.f32.msk $0xffff, v27  }
0x4dc: {  	v27 =	vld [tilespmem:s16+$0xFFFFF450]  }
0x4dd: {  	v47 =	vld [tilespmem:s23+$0xFFFFFC50];
	_ =	sdelay $0x2  }
0x4de: {  	v48 =	vld [tilespmem:s16+$0xFFFFF850]  }
0x4df: {  	v49 =	vld [tilespmem:s16+$0xFFFFFC50]  }
0x4e0: {  	v50 =	vld [tilespmem:s23+$0x50];
	v27 =	vmul.f32 v47, v27  }
0x4e1: {  	s2 =	sor.u32 $0x50, s24;
	v51 =	vld [tilespmem:s23+$0x450]  }
0x4e2: {  	[tilespmem:s2+$0x0] =	vst.add.f32.msk $0xffff, v27  }
0x4e3: {  	v27 =	vld [tilespmem:s16+$0x50];
	_ =	sdelay $0x2  }
0x4e4: {  	v29 =	vmul.f32 v50, v48;
	v28 =	vmul.f32 v51, v49;
	_ =	sdelay $0x1  }
0x4e5: {  	v30 =	vmul.f32 v28, v26;
	v27 =	vmul.f32 v27, v29;
	_ =	sdelay $0x1  }
0x4e6: {  	v27 =	vadd.f32 v27, v30  }
0x4e7: {  	s18 =	sor.u32 $0x450, s24  }
0x4e8: {  	[tilespmem:s18+$0x0] =	vst.add.f32.msk $0xffff, v27  }
0x4e9: {  	v27 =	vld [tilespmem:s16+$0x450];
	_ =	sdelay $0x4  }
0x4ea: {  	v52 =	vmul.f32 v28, v25;
	v27 =	vmul.f32 v27, v29;
	_ =	sdelay $0x1  }
0x4eb: {  	v27 =	vadd.f32 v27, v52  }
0x4ec: {  	s25 =	sor.u32 $0x850, s24  }
0x4ed: {  	[tilespmem:s25+$0x0] =	vst.add.f32.msk $0xffff, v27  }
0x4ee: {  	v27 =	vld [tilespmem:s16+$0x850];
	_ =	sdelay $0x4  }
0x4ef: {  	v28 =	vmul.f32 v28, v24;
	v27 =	vmul.f32 v27, v29;
	_ =	sdelay $0x1  }
0x4f0: {  	v27 =	vadd.f32 v27, v28  }
0x4f1: {  	s2 =	sor.u32 $0xC50, s24  }
0x4f2: {  	[tilespmem:s2+$0x0] =	vst.add.f32.msk $0xffff, v27  }
0x4f3: {  	v27 =	vld [tilespmem:s16+$0xFFFFF460]  }
0x4f4: {  	v53 =	vld [tilespmem:s23+$0xFFFFFC60];
	_ =	sdelay $0x2  }
0x4f5: {  	v54 =	vld [tilespmem:s16+$0xFFFFF860]  }
0x4f6: {  	v55 =	vld [tilespmem:s16+$0xFFFFFC60]  }
0x4f7: {  	v56 =	vld [tilespmem:s23+$0x60];
	v27 =	vmul.f32 v53, v27  }
0x4f8: {  	s18 =	sor.u32 $0x60, s24;
	v57 =	vld [tilespmem:s23+$0x460]  }
0x4f9: {  	[tilespmem:s18+$0x0] =	vst.add.f32.msk $0xffff, v27  }
0x4fa: {  	v27 =	vld [tilespmem:s16+$0x60];
	_ =	sdelay $0x2  }
0x4fb: {  	v29 =	vmul.f32 v56, v54;
	v28 =	vmul.f32 v57, v55;
	_ =	sdelay $0x1  }
0x4fc: {  	v30 =	vmul.f32 v28, v26;
	v27 =	vmul.f32 v27, v29;
	_ =	sdelay $0x1  }
0x4fd: {  	v27 =	vadd.f32 v27, v30  }
0x4fe: {  	s25 =	sor.u32 $0x460, s24  }
0x4ff: {  	[tilespmem:s25+$0x0] =	vst.add.f32.msk $0xffff, v27  }
0x500: {  	v27 =	vld [tilespmem:s16+$0x460];
	_ =	sdelay $0x4  }
0x501: {  	v58 =	vmul.f32 v28, v25;
	v27 =	vmul.f32 v27, v29;
	_ =	sdelay $0x1  }
0x502: {  	v27 =	vadd.f32 v27, v58  }
0x503: {  	s2 =	sor.u32 $0x860, s24  }
0x504: {  	[tilespmem:s2+$0x0] =	vst.add.f32.msk $0xffff, v27  }
0x505: {  	v27 =	vld [tilespmem:s16+$0x860];
	_ =	sdelay $0x4  }
0x506: {  	v28 =	vmul.f32 v28, v24;
	v27 =	vmul.f32 v27, v29;
	_ =	sdelay $0x1  }
0x507: {  	v27 =	vadd.f32 v27, v28  }
0x508: {  	s18 =	sor.u32 $0xC60, s24  }
0x509: {  	[tilespmem:s18+$0x0] =	vst.add.f32.msk $0xffff, v27  }
0x50a: {  	v27 =	vld [tilespmem:s16+$0xFFFFF470]  }
0x50b: {  	v59 =	vld [tilespmem:s23+$0xFFFFFC70];
	_ =	sdelay $0x2  }
0x50c: {  	v60 =	vld [tilespmem:s16+$0xFFFFF870]  }
0x50d: {  	v61 =	vld [tilespmem:s16+$0xFFFFFC70]  }
0x50e: {  	v62 =	vld [tilespmem:s23+$0x70];
	v27 =	vmul.f32 v59, v27  }
0x50f: {  	s25 =	sor.u32 $0x70, s24;
	v63 =	vld [tilespmem:s23+$0x470]  }
0x510: {  	[tilespmem:s25+$0x0] =	vst.add.f32.msk $0xffff, v27  }
0x511: {  	v27 =	vld [tilespmem:s16+$0x70];
	_ =	sdelay $0x2  }
0x512: {  	v29 =	vmul.f32 v62, v60;
	v28 =	vmul.f32 v63, v61;
	_ =	sdelay $0x1  }
0x513: {  	v26 =	vmul.f32 v28, v26;
	v27 =	vmul.f32 v27, v29;
	_ =	sdelay $0x1  }
0x514: {  	v26 =	vadd.f32 v27, v26  }
0x515: {  	s2 =	sor.u32 $0x470, s24  }
0x516: {  	[tilespmem:s2+$0x0] =	vst.add.f32.msk $0xffff, v26  }
0x517: {  	v26 =	vld [tilespmem:s16+$0x470];
	_ =	sdelay $0x4  }
0x518: {  	v25 =	vmul.f32 v28, v25;
	v26 =	vmul.f32 v26, v29;
	_ =	sdelay $0x1  }
0x519: {  	v25 =	vadd.f32 v26, v25  }
0x51a: {  	s18 =	sor.u32 $0x870, s24  }
0x51b: {  	[tilespmem:s18+$0x0] =	vst.add.f32.msk $0xffff, v25  }
0x51c: {  	v25 =	vld [tilespmem:s16+$0x870];
	_ =	sdelay $0x3  }
0x51d: {  	p1 =	sne.s32 s14, $0x7  }
.Ltmp20:
0x51e: {  	v24 =	vmul.f32 v28, v24;
	v25 =	vmul.f32 v25, v29;
	(pc) =	sbr.rel @p1 .LBB2_18-.Ltmp20, $4  }
0x51f: {  	_ = 	snop  }
0x520: {  	v24 =	vadd.f32 v25, v24  }
0x521: {  	s6 =	sadd.s32 $0x1, s6;
	s25 =	sor.u32 $0xC70, s24  }
0x522: {  	s14 =	sadd.s32 $0x1, s14;
	s23 =	sadd.s32 $0x80, s23;
	s16 =	sadd.s32 $0x80, s16;
	[tilespmem:s25+$0x0] =	vst.add.f32.msk $0xffff, v24  }
0x523: {  	p1 =	seq.s32 s15, $0x0  }
.Ltmp21:
0x524: {  	_ = 	snop;
	(pc) =	sbr.rel @p1 .LBB2_22-.Ltmp21, $1  }
0x525: {  	_ =	sdelay $0x3  }
.LBB2_20:
0x526: {  	s10 =	sadd.s32 $0x1, s9  }
0x527: {  	p1 =	sge.s32 s10, s5  }
0x528: {  	s1 =	sshll.u32 @!p1 s10, $0x3  }
0x529: {  	v24 =	vld.msk @!p1 [tilespmem:s1+$0x14D00], $0xff;
	_ =	sdelay $0x4  }
0x52a: {  	v25 =	vshrl.u32 @!p1 v24, $0x3  }
0x52b: {  	v25 =	vmul.u32 @!p1 $0x30, v25  }
0x52c: {  	v26 =	vlaneseq.u32 @!p1;
	v24 =	vand.u32 @!p1 $0x7, v24  }
0x52d: {  	v24 =	vor.u32 @!p1 v24, v25;
	v25 =	vand.u32 @!p1 $0x7, v26;
	v26 =	vshrl.u32 @!p1 v26, $0x3  }
0x52e: {  	v24 =	vperm.xlane @!p1 v24, v25;
	v26 =	vmul.u32 @!p1 $0x8, v26;
	_ =	sdelay $0x1  }
0x52f: {  	v24 =	vadd.s32 @!p1 v26, v24;
	_ =	sdelay $0x3  }
0x530: {  	vm1 =	vmmov @!p1 $0xffff;
	s2 =	simm.s32 @!p1 $0x0;
	s6 =	simm.s32 @!p1 $0x19900  }
0x531: {  	[tilespmem:s6], [sflag:$0x1] =	stream.indirect_vreg.gather @!p1 [hbm4b:s4+s2], $0x80, v24, vm1, $0xb8;
	[tilespmem:$0x1E900] =	vst v63  }
0x532: {  	s6 =	simm.s32 @!p1 $0x1A100  }
0x533: {  	[tilespmem:s6], [sflag:$0x1] =	stream.indirect_vreg.gather @!p1 [hbm4b:s11+s2], $0x80, v24, vm1, $0xb8;
	[tilespmem:$0x1E900] =	vst v63  }
0x534: {  	s6 =	simm.s32 @!p1 $0x1A900  }
0x535: {  	[tilespmem:s6], [sflag:$0x1] =	stream.indirect_vreg.gather @!p1 [hbm4b:s12+s2], $0x80, v24, vm1, $0xb8;
	[tilespmem:$0x1E900] =	vst v63  }
0x536: {  	v24 =	vld.msk @!p1 [tilespmem:s1+$0x15A00], $0xff;
	_ =	sdelay $0x4  }
0x537: {  	v27 =	vshll.u32 @!p1 v24, $0x2  }
0x538: {  	v24 =	vand.u32 @!p1 $0x7, v24;
	v27 =	vand.u32 @!p1 $0xFFFFFFE0, v27  }
0x539: {  	v24 =	vor.u32 @!p1 v24, v27  }
0x53a: {  	v24 =	vperm.xlane @!p1 v24, v25;
	_ =	sdelay $0x1  }
0x53b: {  	v24 =	vadd.s32 @!p1 v26, v24;
	_ =	sdelay $0x3  }
0x53c: {  	s1 =	simm.s32 @!p1 $0x1B100  }
0x53d: {  	[tilespmem:s1], [sflag:$0x2] =	stream.indirect_vreg.gather @!p1 [hbm4b:s7+s2], $0x80, v24, vm1, $0xb8;
	[tilespmem:$0x1E900] =	vst v63  }
0x53e: {  	s1 =	simm.s32 @!p1 $0x1B900  }
0x53f: {  	[tilespmem:s1], [sflag:$0x2] =	stream.indirect_vreg.gather @!p1 [hbm4b:s13+s2], $0x80, v24, vm1, $0xb8;
	[tilespmem:$0x1E900] =	vst v63  }
0x540: {  	_ =	swait.ge [sflag:s29], $0x1800  }
0x541: {  	[sflag:s29] =	ssyncset.done $0x0  }
0x542: {  	[sflag:s29] =	ssyncadd.s32 $0xFFFFE800  }
0x543: {  	_ =	swait.ge [sflag:s30], $0x1000  }
0x544: {  	s2 =	sshll.u32 s9, $0x5;
	[sflag:s30] =	ssyncset.done $0x0  }
0x545: {  	s9 =	sshra.s32 s2, $0x2;
	[sflag:s30] =	ssyncadd.s32 $0xFFFFF000  }
0x546: {  	v48 =	vld [tilespmem:s9+$0x14000];
	_ =	sdelay $0x4  }
0x547: {  	(v2sf) =	vpush v48, $0x0;
	_ =	sdelay $0x9  }
0x548: {  	v29 =	vld.idx.msk [tilespmem:v5+s31+$0x0], $0xffff  }
0x549: {  	v49 =	vld [tilespmem:$0x1C100]  }
0x54a: {  	v50 =	vld [tilespmem:$0x1D900]  }
0x54b: {  	v28 =	vld.idx.msk [tilespmem:v6+s31+$0x0], $0xffff  }
0x54c: {  	v27 =	vld.idx.msk [tilespmem:v7+s31+$0x0], $0xffff  }
0x54d: {  	v51 =	vld [tilespmem:$0x1C500];
	s6 =	spop (v2sf)  }
0x54e: {  	v30 =	vld [tilespmem:$0x1C900];
	s14 =	sshll.u32 s6, $0x9;
	s1 =	sshll.u32 s6, $0x7  }
0x54f: {  	v31 =	vld [tilespmem:$0x1DD00];
	v24 =	vmul.f32 v50, v49;
	s2 =	sand.u32 $0xFFFFF000, s14;
	s1 =	sand.u32 $0x380, s1  }
0x550: {  	v52 =	vld [tilespmem:$0x1E100];
	s14 =	sor.u32 s1, s2  }
0x551: {  	[tilespmem:s14+$0x0] =	vst.add.f32.msk $0xffff, v24  }
0x552: {  	v24 =	vld [tilespmem:$0x1CD00];
	_ =	sdelay $0x2  }
0x553: {  	v26 =	vmul.f32 v31, v51;
	v25 =	vmul.f32 v52, v30;
	_ =	sdelay $0x1  }
0x554: {  	v30 =	vmul.f32 v25, v29;
	v24 =	vmul.f32 v24, v26;
	_ =	sdelay $0x1  }
0x555: {  	v24 =	vadd.f32 v24, v30  }
0x556: {  	s1 =	sor.u32 $0x400, s14  }
0x557: {  	[tilespmem:s1+$0x0] =	vst.add.f32.msk $0xffff, v24  }
0x558: {  	v24 =	vld [tilespmem:$0x1D100];
	_ =	sdelay $0x4  }
0x559: {  	v53 =	vmul.f32 v25, v28;
	v24 =	vmul.f32 v24, v26;
	_ =	sdelay $0x1  }
0x55a: {  	v24 =	vadd.f32 v24, v53  }
0x55b: {  	s15 =	sor.u32 $0x800, s14  }
0x55c: {  	[tilespmem:s15+$0x0] =	vst.add.f32.msk $0xffff, v24  }
0x55d: {  	v24 =	vld [tilespmem:$0x1D500];
	_ =	sdelay $0x4  }
0x55e: {  	v25 =	vmul.f32 v25, v27;
	v24 =	vmul.f32 v24, v26;
	_ =	sdelay $0x1  }
0x55f: {  	v24 =	vadd.f32 v24, v25  }
0x560: {  	s16 =	sor.u32 $0xC00, s14  }
0x561: {  	[tilespmem:s16+$0x0] =	vst.add.f32.msk $0xffff, v24  }
0x562: {  	v24 =	vld [tilespmem:$0x1C110]  }
0x563: {  	v54 =	vld [tilespmem:$0x1D910];
	_ =	sdelay $0x2  }
0x564: {  	v55 =	vld [tilespmem:$0x1C510]  }
0x565: {  	v56 =	vld [tilespmem:$0x1C910]  }
0x566: {  	v57 =	vld [tilespmem:$0x1DD10];
	v24 =	vmul.f32 v54, v24  }
0x567: {  	s18 =	sor.u32 $0x10, s14;
	v58 =	vld [tilespmem:$0x1E110]  }
0x568: {  	[tilespmem:s18+$0x0] =	vst.add.f32.msk $0xffff, v24  }
0x569: {  	v24 =	vld [tilespmem:$0x1CD10];
	_ =	sdelay $0x2  }
0x56a: {  	v26 =	vmul.f32 v57, v55;
	v25 =	vmul.f32 v58, v56;
	_ =	sdelay $0x1  }
0x56b: {  	v30 =	vmul.f32 v25, v29;
	v24 =	vmul.f32 v24, v26;
	_ =	sdelay $0x1  }
0x56c: {  	v24 =	vadd.f32 v24, v30  }
0x56d: {  	s23 =	sor.u32 $0x410, s14  }
0x56e: {  	[tilespmem:s23+$0x0] =	vst.add.f32.msk $0xffff, v24  }
0x56f: {  	v24 =	vld [tilespmem:$0x1D110];
	_ =	sdelay $0x4  }
0x570: {  	v59 =	vmul.f32 v25, v28;
	v24 =	vmul.f32 v24, v26;
	_ =	sdelay $0x1  }
0x571: {  	v24 =	vadd.f32 v24, v59  }
0x572: {  	s24 =	sor.u32 $0x810, s14  }
0x573: {  	[tilespmem:s24+$0x0] =	vst.add.f32.msk $0xffff, v24  }
0x574: {  	v24 =	vld [tilespmem:$0x1D510];
	_ =	sdelay $0x4  }
0x575: {  	v25 =	vmul.f32 v25, v27;
	v24 =	vmul.f32 v24, v26;
	_ =	sdelay $0x1  }
0x576: {  	v24 =	vadd.f32 v24, v25  }
0x577: {  	s25 =	sor.u32 $0xC10, s14  }
0x578: {  	[tilespmem:s25+$0x0] =	vst.add.f32.msk $0xffff, v24  }
0x579: {  	v24 =	vld [tilespmem:$0x1C120]  }
0x57a: {  	v60 =	vld [tilespmem:$0x1D920];
	_ =	sdelay $0x2  }
0x57b: {  	v61 =	vld [tilespmem:$0x1C520]  }
0x57c: {  	v62 =	vld [tilespmem:$0x1C920]  }
0x57d: {  	v63 =	vld [tilespmem:$0x1DD20];
	v24 =	vmul.f32 v60, v24  }
0x57e: {  	s2 =	sor.u32 $0x20, s14;
	v32 =	vld [tilespmem:$0x1E120]  }
0x57f: {  	[tilespmem:s2+$0x0] =	vst.add.f32.msk $0xffff, v24  }
0x580: {  	v24 =	vld [tilespmem:$0x1CD20];
	_ =	sdelay $0x2  }
0x581: {  	v26 =	vmul.f32 v63, v61;
	v25 =	vmul.f32 v32, v62;
	_ =	sdelay $0x1  }
0x582: {  	v30 =	vmul.f32 v25, v29;
	v24 =	vmul.f32 v24, v26;
	_ =	sdelay $0x1  }
0x583: {  	v24 =	vadd.f32 v24, v30  }
0x584: {  	s6 =	sor.u32 $0x420, s14  }
0x585: {  	[tilespmem:s6+$0x0] =	vst.add.f32.msk $0xffff, v24  }
0x586: {  	v24 =	vld [tilespmem:$0x1D120];
	_ =	sdelay $0x4  }
0x587: {  	v33 =	vmul.f32 v25, v28;
	v24 =	vmul.f32 v24, v26;
	_ =	sdelay $0x1  }
0x588: {  	v24 =	vadd.f32 v24, v33  }
0x589: {  	s15 =	sor.u32 $0x820, s14  }
0x58a: {  	[tilespmem:s15+$0x0] =	vst.add.f32.msk $0xffff, v24  }
0x58b: {  	v24 =	vld [tilespmem:$0x1D520];
	_ =	sdelay $0x4  }
0x58c: {  	v25 =	vmul.f32 v25, v27;
	v24 =	vmul.f32 v24, v26;
	_ =	sdelay $0x1  }
0x58d: {  	v24 =	vadd.f32 v24, v25  }
0x58e: {  	s16 =	sor.u32 $0xC20, s14  }
0x58f: {  	[tilespmem:s16+$0x0] =	vst.add.f32.msk $0xffff, v24  }
0x590: {  	v24 =	vld [tilespmem:$0x1C130]  }
0x591: {  	v34 =	vld [tilespmem:$0x1D930];
	_ =	sdelay $0x2  }
0x592: {  	v35 =	vld [tilespmem:$0x1C530]  }
0x593: {  	v36 =	vld [tilespmem:$0x1C930]  }
0x594: {  	v37 =	vld [tilespmem:$0x1DD30];
	v24 =	vmul.f32 v34, v24  }
0x595: {  	s18 =	sor.u32 $0x30, s14;
	v38 =	vld [tilespmem:$0x1E130]  }
0x596: {  	[tilespmem:s18+$0x0] =	vst.add.f32.msk $0xffff, v24  }
0x597: {  	v24 =	vld [tilespmem:$0x1CD30];
	_ =	sdelay $0x2  }
0x598: {  	v26 =	vmul.f32 v37, v35;
	v25 =	vmul.f32 v38, v36;
	_ =	sdelay $0x1  }
0x599: {  	v30 =	vmul.f32 v25, v29;
	v24 =	vmul.f32 v24, v26;
	_ =	sdelay $0x1  }
0x59a: {  	v24 =	vadd.f32 v24, v30  }
0x59b: {  	s23 =	sor.u32 $0x430, s14  }
0x59c: {  	[tilespmem:s23+$0x0] =	vst.add.f32.msk $0xffff, v24  }
0x59d: {  	v24 =	vld [tilespmem:$0x1D130];
	_ =	sdelay $0x4  }
0x59e: {  	v39 =	vmul.f32 v25, v28;
	v24 =	vmul.f32 v24, v26;
	_ =	sdelay $0x1  }
0x59f: {  	v24 =	vadd.f32 v24, v39  }
0x5a0: {  	s24 =	sor.u32 $0x830, s14  }
0x5a1: {  	[tilespmem:s24+$0x0] =	vst.add.f32.msk $0xffff, v24  }
0x5a2: {  	v24 =	vld [tilespmem:$0x1D530];
	_ =	sdelay $0x4  }
0x5a3: {  	v25 =	vmul.f32 v25, v27;
	v24 =	vmul.f32 v24, v26;
	_ =	sdelay $0x1  }
0x5a4: {  	v24 =	vadd.f32 v24, v25  }
0x5a5: {  	s25 =	sor.u32 $0xC30, s14  }
0x5a6: {  	[tilespmem:s25+$0x0] =	vst.add.f32.msk $0xffff, v24  }
0x5a7: {  	v24 =	vld [tilespmem:$0x1C140]  }
0x5a8: {  	v40 =	vld [tilespmem:$0x1D940];
	_ =	sdelay $0x2  }
0x5a9: {  	v41 =	vld [tilespmem:$0x1C540]  }
0x5aa: {  	v42 =	vld [tilespmem:$0x1C940]  }
0x5ab: {  	v43 =	vld [tilespmem:$0x1DD40];
	v24 =	vmul.f32 v40, v24  }
0x5ac: {  	s2 =	sor.u32 $0x40, s14;
	v44 =	vld [tilespmem:$0x1E140]  }
0x5ad: {  	[tilespmem:s2+$0x0] =	vst.add.f32.msk $0xffff, v24  }
0x5ae: {  	v24 =	vld [tilespmem:$0x1CD40];
	_ =	sdelay $0x2  }
0x5af: {  	v26 =	vmul.f32 v43, v41;
	v25 =	vmul.f32 v44, v42;
	_ =	sdelay $0x1  }
0x5b0: {  	v30 =	vmul.f32 v25, v29;
	v24 =	vmul.f32 v24, v26;
	_ =	sdelay $0x1  }
0x5b1: {  	v24 =	vadd.f32 v24, v30  }
0x5b2: {  	s6 =	sor.u32 $0x440, s14  }
0x5b3: {  	[tilespmem:s6+$0x0] =	vst.add.f32.msk $0xffff, v24  }
0x5b4: {  	v24 =	vld [tilespmem:$0x1D140];
	_ =	sdelay $0x4  }
0x5b5: {  	v45 =	vmul.f32 v25, v28;
	v24 =	vmul.f32 v24, v26;
	_ =	sdelay $0x1  }
0x5b6: {  	v24 =	vadd.f32 v24, v45  }
0x5b7: {  	s15 =	sor.u32 $0x840, s14  }
0x5b8: {  	[tilespmem:s15+$0x0] =	vst.add.f32.msk $0xffff, v24  }
0x5b9: {  	v24 =	vld [tilespmem:$0x1D540];
	_ =	sdelay $0x4  }
0x5ba: {  	v25 =	vmul.f32 v25, v27;
	v24 =	vmul.f32 v24, v26  }
0x5bb: {  	v49 =	vld [tilespmem:s9+$0x14001]  }
0x5bc: {  	v24 =	vadd.f32 v24, v25  }
0x5bd: {  	s16 =	sor.u32 $0xC40, s14  }
0x5be: {  	[tilespmem:s16+$0x0] =	vst.add.f32.msk $0xffff, v24  }
0x5bf: {  	v24 =	vld [tilespmem:$0x1C150]  }
0x5c0: {  	(v2sf) =	vpush v49, $0x0;
	v46 =	vld [tilespmem:$0x1D950];
	_ =	sdelay $0x2  }
0x5c1: {  	v47 =	vld [tilespmem:$0x1C550]  }
0x5c2: {  	v48 =	vld [tilespmem:$0x1C950]  }
0x5c3: {  	v32 =	vld [tilespmem:$0x1DD50];
	v24 =	vmul.f32 v46, v24  }
0x5c4: {  	s18 =	sor.u32 $0x50, s14;
	v50 =	vld [tilespmem:$0x1E150]  }
0x5c5: {  	[tilespmem:s18+$0x0] =	vst.add.f32.msk $0xffff, v24  }
0x5c6: {  	v24 =	vld [tilespmem:$0x1CD50]  }
0x5c7: {  	v53 =	vld [tilespmem:$0x1E180]  }
0x5c8: {  	v33 =	vld [tilespmem:$0x1C180]  }
0x5c9: {  	v34 =	vld [tilespmem:$0x1D980];
	v51 =	vmul.f32 v32, v47;
	v30 =	vmul.f32 v50, v48  }
0x5ca: {  	v35 =	vld [tilespmem:$0x1C580]  }
0x5cb: {  	v36 =	vld [tilespmem:$0x1C980];
	v25 =	vmul.f32 v30, v29;
	v24 =	vmul.f32 v24, v51  }
0x5cc: {  	v37 =	vld [tilespmem:$0x1DD80]  }
0x5cd: {  	s24 =	spop (v2sf);
	v26 =	vld.idx.msk [tilespmem:v8+s31+$0x0], $0xffff;
	v24 =	vadd.f32 v24, v25  }
0x5ce: {  	s23 =	sor.u32 $0x450, s14;
	s1 =	sshll.u32 s24, $0x7;
	s25 =	sshll.u32 s24, $0x9;
	v25 =	vld.idx.msk [tilespmem:v9+s31+$0x0], $0xffff  }
0x5cf: {  	v33 =	vmul.f32 v34, v33;
	s1 =	sand.u32 $0x380, s1;
	s2 =	sand.u32 $0xFFFFF000, s25;
	[tilespmem:s23+$0x0] =	vst.add.f32.msk $0xffff, v24  }
0x5d0: {  	s6 =	sor.u32 s1, s2;
	v24 =	vld.idx.msk [tilespmem:v10+s31+$0x0], $0xffff  }
0x5d1: {  	[tilespmem:s6+$0x0] =	vst.add.f32.msk $0xffff, v33  }
0x5d2: {  	v52 =	vld [tilespmem:$0x1D150]  }
0x5d3: {  	v33 =	vld [tilespmem:$0x1CD80];
	_ =	sdelay $0x2  }
0x5d4: {  	v35 =	vmul.f32 v37, v35;
	v34 =	vmul.f32 v53, v36  }
0x5d5: {  	v38 =	vmul.f32 v30, v28;
	v32 =	vmul.f32 v52, v51  }
0x5d6: {  	v36 =	vmul.f32 v34, v26;
	v33 =	vmul.f32 v33, v35  }
0x5d7: {  	v32 =	vadd.f32 v32, v38  }
0x5d8: {  	s2 =	sor.u32 $0x850, s14;
	v54 =	vadd.f32 v33, v36  }
0x5d9: {  	s15 =	sor.u32 $0x400, s6;
	[tilespmem:s2+$0x0] =	vst.add.f32.msk $0xffff, v32  }
0x5da: {  	[tilespmem:s15+$0x0] =	vst.add.f32.msk $0xffff, v54  }
0x5db: {  	v55 =	vld [tilespmem:$0x1D550]  }
0x5dc: {  	v32 =	vld [tilespmem:$0x1D180];
	_ =	sdelay $0x3  }
0x5dd: {  	v30 =	vmul.f32 v30, v27;
	v31 =	vmul.f32 v55, v51  }
0x5de: {  	v57 =	vmul.f32 v34, v25;
	v56 =	vmul.f32 v32, v35  }
0x5df: {  	v30 =	vadd.f32 v31, v30  }
0x5e0: {  	s16 =	sor.u32 $0xC50, s14;
	v58 =	vadd.f32 v56, v57  }
0x5e1: {  	s18 =	sor.u32 $0x800, s6;
	[tilespmem:s16+$0x0] =	vst.add.f32.msk $0xffff, v30  }
0x5e2: {  	[tilespmem:s18+$0x0] =	vst.add.f32.msk $0xffff, v58  }
0x5e3: {  	v59 =	vld [tilespmem:$0x1C160]  }
0x5e4: {  	v30 =	vld [tilespmem:$0x1D580]  }
0x5e5: {  	v60 =	vld [tilespmem:$0x1D960];
	_ =	sdelay $0x2  }
0x5e6: {  	v61 =	vld [tilespmem:$0x1C560]  }
0x5e7: {  	v34 =	vmul.f32 v34, v24;
	v62 =	vld [tilespmem:$0x1C960];
	v30 =	vmul.f32 v30, v35  }
0x5e8: {  	v63 =	vld [tilespmem:$0x1DD60];
	v31 =	vmul.f32 v60, v59  }
0x5e9: {  	s23 =	sor.u32 $0x60, s14;
	v40 =	vld [tilespmem:$0x1E160];
	v30 =	vadd.f32 v30, v34  }
0x5ea: {  	s24 =	sor.u32 $0xC00, s6;
	[tilespmem:s23+$0x0] =	vst.add.f32.msk $0xffff, v31  }
0x5eb: {  	[tilespmem:s24+$0x0] =	vst.add.f32.msk $0xffff, v30  }
0x5ec: {  	v30 =	vld [tilespmem:$0x1C190]  }
0x5ed: {  	v41 =	vld [tilespmem:$0x1D990]  }
0x5ee: {  	v42 =	vld [tilespmem:$0x1CD60];
	_ =	sdelay $0x1  }
0x5ef: {  	v43 =	vld [tilespmem:$0x1C590]  }
0x5f0: {  	v33 =	vmul.f32 v63, v61;
	v32 =	vmul.f32 v40, v62;
	v44 =	vld [tilespmem:$0x1C990]  }
0x5f1: {  	v45 =	vld [tilespmem:$0x1DD90];
	v30 =	vmul.f32 v41, v30  }
0x5f2: {  	s25 =	sor.u32 $0x10, s6;
	v47 =	vmul.f32 v32, v29;
	v48 =	vld [tilespmem:$0x1E190];
	v46 =	vmul.f32 v42, v33  }
0x5f3: {  	[tilespmem:s25+$0x0] =	vst.add.f32.msk $0xffff, v30  }
0x5f4: {  	v49 =	vadd.f32 v46, v47;
	v50 =	vld [tilespmem:$0x1CD90]  }
0x5f5: {  	s2 =	sor.u32 $0x460, s14  }
0x5f6: {  	[tilespmem:s2+$0x0] =	vst.add.f32.msk $0xffff, v49  }
0x5f7: {  	v51 =	vmul.f32 v45, v43;
	v35 =	vmul.f32 v48, v44;
	v30 =	vld [tilespmem:$0x1D160];
	_ =	sdelay $0x1  }
0x5f8: {  	v52 =	vmul.f32 v35, v26;
	v31 =	vmul.f32 v50, v51;
	_ =	sdelay $0x1  }
0x5f9: {  	v31 =	vadd.f32 v31, v52  }
0x5fa: {  	s15 =	sor.u32 $0x410, s6;
	v53 =	vmul.f32 v32, v28;
	v30 =	vmul.f32 v30, v33  }
0x5fb: {  	[tilespmem:s15+$0x0] =	vst.add.f32.msk $0xffff, v31  }
0x5fc: {  	v30 =	vadd.f32 v30, v53;
	v31 =	vld [tilespmem:$0x1D190]  }
0x5fd: {  	s16 =	sor.u32 $0x860, s14  }
0x5fe: {  	[tilespmem:s16+$0x0] =	vst.add.f32.msk $0xffff, v30  }
0x5ff: {  	v30 =	vld [tilespmem:$0x1D560];
	_ =	sdelay $0x1  }
0x600: {  	v54 =	vmul.f32 v35, v25;
	v31 =	vmul.f32 v31, v51;
	_ =	sdelay $0x1  }
0x601: {  	v31 =	vadd.f32 v31, v54  }
0x602: {  	s18 =	sor.u32 $0x810, s6;
	v32 =	vmul.f32 v32, v27;
	v30 =	vmul.f32 v30, v33  }
0x603: {  	[tilespmem:s18+$0x0] =	vst.add.f32.msk $0xffff, v31  }
0x604: {  	v30 =	vadd.f32 v30, v32;
	v31 =	vld [tilespmem:$0x1D590]  }
0x605: {  	s23 =	sor.u32 $0xC60, s14  }
0x606: {  	[tilespmem:s23+$0x0] =	vst.add.f32.msk $0xffff, v30  }
0x607: {  	v30 =	vld [tilespmem:$0x1C170]  }
0x608: {  	v55 =	vld [tilespmem:$0x1C570]  }
0x609: {  	v57 =	vmul.f32 v35, v24;
	v56 =	vld [tilespmem:$0x1D970];
	v31 =	vmul.f32 v31, v51  }
0x60a: {  	v58 =	vld [tilespmem:$0x1C970]  }
0x60b: {  	v59 =	vld [tilespmem:$0x1DD70];
	v31 =	vadd.f32 v31, v57  }
0x60c: {  	s24 =	sor.u32 $0xC10, s6;
	v60 =	vld [tilespmem:$0x1E170]  }
0x60d: {  	[tilespmem:s24+$0x0] =	vst.add.f32.msk $0xffff, v31  }
0x60e: {  	v30 =	vmul.f32 v56, v30;
	v31 =	vld [tilespmem:$0x1C1A0]  }
0x60f: {  	s25 =	sor.u32 $0x70, s14;
	v61 =	vld [tilespmem:$0x1D9A0]  }
0x610: {  	[tilespmem:s25+$0x0] =	vst.add.f32.msk $0xffff, v30  }
0x611: {  	v30 =	vld [tilespmem:$0x1CD70]  }
0x612: {  	v62 =	vld [tilespmem:$0x1C5A0]  }
0x613: {  	v63 =	vld [tilespmem:$0x1C9A0]  }
0x614: {  	v39 =	vld [tilespmem:$0x1DDA0];
	v31 =	vmul.f32 v61, v31  }
0x615: {  	s2 =	sor.u32 $0x20, s6;
	v40 =	vld [tilespmem:$0x1E1A0]  }
0x616: {  	[tilespmem:s2+$0x0] =	vst.add.f32.msk $0xffff, v31  }
0x617: {  	v41 =	vmul.f32 v59, v55;
	v42 =	vmul.f32 v60, v58;
	v43 =	vld [tilespmem:$0x1CDA0];
	_ =	sdelay $0x1  }
0x618: {  	v29 =	vmul.f32 v42, v29;
	v30 =	vmul.f32 v30, v41  }
0x619: {  	v44 =	vmul.f32 v39, v62;
	v33 =	vmul.f32 v40, v63;
	_ =	sdelay $0x1  }
0x61a: {  	v29 =	vadd.f32 v30, v29;
	v46 =	vmul.f32 v33, v26;
	v45 =	vmul.f32 v43, v44  }
0x61b: {  	s15 =	sor.u32 $0x470, s14  }
0x61c: {  	[tilespmem:s15+$0x0] =	vst.add.f32.msk $0xffff, v29;
	v47 =	vadd.f32 v45, v46  }
0x61d: {  	s16 =	sor.u32 $0x420, s6;
	v48 =	vld [tilespmem:$0x1D170]  }
0x61e: {  	[tilespmem:s16+$0x0] =	vst.add.f32.msk $0xffff, v47  }
0x61f: {  	v29 =	vld [tilespmem:$0x1D1A0];
	_ =	sdelay $0x2  }
0x620: {  	v28 =	vmul.f32 v42, v28;
	v30 =	vmul.f32 v48, v41;
	_ =	sdelay $0x1  }
0x621: {  	v49 =	vmul.f32 v33, v25;
	v28 =	vadd.f32 v30, v28;
	v29 =	vmul.f32 v29, v44  }
0x622: {  	s18 =	sor.u32 $0x870, s14  }
0x623: {  	[tilespmem:s18+$0x0] =	vst.add.f32.msk $0xffff, v28;
	v50 =	vadd.f32 v29, v49  }
0x624: {  	s23 =	sor.u32 $0x820, s6;
	v51 =	vld [tilespmem:$0x1D570]  }
0x625: {  	[tilespmem:s23+$0x0] =	vst.add.f32.msk $0xffff, v50  }
0x626: {  	v28 =	vld [tilespmem:$0x1D5A0];
	_ =	sdelay $0x3  }
0x627: {  	v27 =	vmul.f32 v42, v27;
	v29 =	vmul.f32 v51, v41  }
0x628: {  	v52 =	vmul.f32 v33, v24;
	v28 =	vmul.f32 v28, v44  }
0x629: {  	v27 =	vadd.f32 v29, v27  }
0x62a: {  	s24 =	sor.u32 $0xC70, s14;
	v28 =	vadd.f32 v28, v52  }
0x62b: {  	s25 =	sor.u32 $0xC20, s6;
	[tilespmem:s24+$0x0] =	vst.add.f32.msk $0xffff, v27  }
0x62c: {  	[tilespmem:s25+$0x0] =	vst.add.f32.msk $0xffff, v28  }
0x62d: {  	v53 =	vld [tilespmem:$0x1C1B0]  }
0x62e: {  	v54 =	vld [tilespmem:$0x1C5B0]  }
0x62f: {  	v55 =	vld [tilespmem:$0x1C9B0]  }
0x630: {  	v56 =	vld [tilespmem:$0x1D9B0]  }
0x631: {  	v57 =	vld [tilespmem:$0x1DDB0]  }
0x632: {  	v58 =	vld [tilespmem:$0x1E1B0]  }
0x633: {  	v59 =	vld [tilespmem:s9+$0x14002];
	_ =	sdelay $0x4  }
0x634: {  	(v2sf) =	vpush v59, $0x0;
	_ =	sdelay $0x9  }
0x635: {  	v29 =	vld.idx.msk [tilespmem:v11+s31+$0x0], $0xffff  }
0x636: {  	v60 =	vld [tilespmem:$0x1C200]  }
0x637: {  	v61 =	vld [tilespmem:$0x1DA00]  }
0x638: {  	v28 =	vld.idx.msk [tilespmem:v12+s31+$0x0], $0xffff  }
0x639: {  	v27 =	vld.idx.msk [tilespmem:v13+s31+$0x0], $0xffff  }
0x63a: {  	v62 =	vld [tilespmem:$0x1C600];
	s2 =	spop (v2sf)  }
0x63b: {  	v63 =	vld [tilespmem:$0x1CA00];
	s14 =	sshll.u32 s2, $0x9;
	s1 =	sshll.u32 s2, $0x7  }
0x63c: {  	v40 =	vld [tilespmem:$0x1DE00];
	v36 =	vmul.f32 v61, v60;
	s2 =	sand.u32 $0xFFFFF000, s14;
	s1 =	sand.u32 $0x380, s1  }
0x63d: {  	v42 =	vld [tilespmem:$0x1E200];
	s14 =	sor.u32 s1, s2  }
0x63e: {  	[tilespmem:s14+$0x0] =	vst.add.f32.msk $0xffff, v36  }
0x63f: {  	v36 =	vld [tilespmem:$0x1CE00];
	_ =	sdelay $0x2  }
0x640: {  	v38 =	vmul.f32 v40, v62;
	v37 =	vmul.f32 v42, v63;
	_ =	sdelay $0x1  }
0x641: {  	v39 =	vmul.f32 v37, v29;
	v36 =	vmul.f32 v36, v38;
	_ =	sdelay $0x1  }
0x642: {  	v36 =	vadd.f32 v36, v39  }
0x643: {  	s1 =	sor.u32 $0x400, s14  }
0x644: {  	[tilespmem:s1+$0x0] =	vst.add.f32.msk $0xffff, v36  }
0x645: {  	v36 =	vld [tilespmem:$0x1D200];
	_ =	sdelay $0x4  }
0x646: {  	v43 =	vmul.f32 v37, v28;
	v36 =	vmul.f32 v36, v38;
	_ =	sdelay $0x1  }
0x647: {  	v36 =	vadd.f32 v36, v43  }
0x648: {  	s15 =	sor.u32 $0x800, s14  }
0x649: {  	[tilespmem:s15+$0x0] =	vst.add.f32.msk $0xffff, v36  }
0x64a: {  	v30 =	vmul.f32 v56, v53;
	v44 =	vld [tilespmem:$0x1D600]  }
0x64b: {  	s16 =	sor.u32 $0x30, s6  }
0x64c: {  	[tilespmem:s16+$0x0] =	vst.add.f32.msk $0xffff, v30  }
0x64d: {  	v30 =	vld [tilespmem:$0x1CDB0];
	_ =	sdelay $0x1  }
0x64e: {  	v45 =	vmul.f32 v37, v27;
	v33 =	vmul.f32 v44, v38  }
0x64f: {  	v31 =	vmul.f32 v57, v54;
	v32 =	vmul.f32 v58, v55  }
0x650: {  	v33 =	vadd.f32 v33, v45  }
0x651: {  	v46 =	vmul.f32 v32, v26;
	v30 =	vmul.f32 v30, v31;
	s18 =	sor.u32 $0xC00, s14  }
0x652: {  	[tilespmem:s18+$0x0] =	vst.add.f32.msk $0xffff, v33  }
0x653: {  	v30 =	vadd.f32 v30, v46;
	v33 =	vld [tilespmem:$0x1C210]  }
0x654: {  	s23 =	sor.u32 $0x430, s6;
	v47 =	vld [tilespmem:$0x1DA10]  }
0x655: {  	[tilespmem:s23+$0x0] =	vst.add.f32.msk $0xffff, v30  }
0x656: {  	v30 =	vld [tilespmem:$0x1D1B0]  }
0x657: {  	v48 =	vld [tilespmem:$0x1C610]  }
0x658: {  	v49 =	vld [tilespmem:$0x1CA10]  }
0x659: {  	v50 =	vld [tilespmem:$0x1DE10];
	v33 =	vmul.f32 v47, v33  }
0x65a: {  	s24 =	sor.u32 $0x10, s14;
	v51 =	vld [tilespmem:$0x1E210]  }
0x65b: {  	v52 =	vmul.f32 v32, v25;
	v30 =	vmul.f32 v30, v31;
	[tilespmem:s24+$0x0] =	vst.add.f32.msk $0xffff, v33  }
0x65c: {  	v33 =	vld [tilespmem:$0x1CE10]  }
0x65d: {  	v30 =	vadd.f32 v30, v52  }
0x65e: {  	s25 =	sor.u32 $0x830, s6  }
0x65f: {  	[tilespmem:s25+$0x0] =	vst.add.f32.msk $0xffff, v30;
	v53 =	vmul.f32 v50, v48;
	v34 =	vmul.f32 v51, v49  }
0x660: {  	v54 =	vld [tilespmem:$0x1D5B0]  }
0x661: {  	v36 =	vmul.f32 v34, v29;
	v33 =	vmul.f32 v33, v53;
	_ =	sdelay $0x1  }
0x662: {  	v33 =	vadd.f32 v33, v36  }
0x663: {  	s2 =	sor.u32 $0x410, s14  }
0x664: {  	v32 =	vmul.f32 v32, v24;
	v31 =	vmul.f32 v54, v31;
	[tilespmem:s2+$0x0] =	vst.add.f32.msk $0xffff, v33  }
0x665: {  	v33 =	vld [tilespmem:$0x1D210]  }
0x666: {  	v31 =	vadd.f32 v31, v32  }
0x667: {  	s15 =	sor.u32 $0xC30, s6  }
0x668: {  	[tilespmem:s15+$0x0] =	vst.add.f32.msk $0xffff, v31  }
0x669: {  	v31 =	vld [tilespmem:$0x1C1C0]  }
0x66a: {  	v55 =	vld [tilespmem:$0x1D9C0];
	v56 =	vmul.f32 v34, v28;
	v33 =	vmul.f32 v33, v53  }
0x66b: {  	v57 =	vld [tilespmem:$0x1C5C0]  }
0x66c: {  	v58 =	vld [tilespmem:$0x1C9C0];
	v33 =	vadd.f32 v33, v56  }
0x66d: {  	s16 =	sor.u32 $0x810, s14;
	v59 =	vld [tilespmem:$0x1DDC0]  }
0x66e: {  	[tilespmem:s16+$0x0] =	vst.add.f32.msk $0xffff, v33  }
0x66f: {  	v31 =	vmul.f32 v55, v31;
	v60 =	vld [tilespmem:$0x1D610]  }
0x670: {  	v61 =	vld [tilespmem:$0x1E1C0];
	s18 =	sor.u32 $0x40, s6  }
0x671: {  	[tilespmem:s18+$0x0] =	vst.add.f32.msk $0xffff, v31  }
0x672: {  	v31 =	vld [tilespmem:$0x1CDC0];
	_ =	sdelay $0x1  }
0x673: {  	v62 =	vmul.f32 v34, v27;
	v30 =	vmul.f32 v60, v53  }
0x674: {  	v63 =	vmul.f32 v59, v57;
	v33 =	vmul.f32 v61, v58  }
0x675: {  	v30 =	vadd.f32 v30, v62  }
0x676: {  	s23 =	sor.u32 $0xC10, s14;
	v48 =	vld [tilespmem:s9+$0x14003];
	v31 =	vmul.f32 v31, v63;
	v39 =	vmul.f32 v33, v26  }
0x677: {  	[tilespmem:s23+$0x0] =	vst.add.f32.msk $0xffff, v30  }
0x678: {  	v40 =	vadd.f32 v31, v39;
	v41 =	vld [tilespmem:$0x1C220]  }
0x679: {  	s24 =	sor.u32 $0x440, s6;
	v42 =	vld [tilespmem:$0x1DA20]  }
0x67a: {  	[tilespmem:s24+$0x0] =	vst.add.f32.msk $0xffff, v40  }
0x67b: {  	v30 =	vld [tilespmem:$0x1D1C0]  }
0x67c: {  	v43 =	vld [tilespmem:$0x1C620]  }
0x67d: {  	v44 =	vld [tilespmem:$0x1CA20]  }
0x67e: {  	v45 =	vld [tilespmem:$0x1DE20];
	v31 =	vmul.f32 v42, v41  }
0x67f: {  	s25 =	sor.u32 $0x20, s14;
	v46 =	vld [tilespmem:$0x1E220]  }
0x680: {  	[tilespmem:s25+$0x0] =	vst.add.f32.msk $0xffff, v31  }
0x681: {  	v31 =	vld [tilespmem:$0x1CE20];
	_ =	sdelay $0x1  }
0x682: {  	(v2sf) =	vpush v48, $0x0;
	v47 =	vmul.f32 v33, v25;
	v30 =	vmul.f32 v30, v63  }
0x683: {  	v35 =	vmul.f32 v45, v43;
	v36 =	vmul.f32 v46, v44;
	_ =	sdelay $0x1  }
0x684: {  	v30 =	vadd.f32 v30, v47;
	v32 =	vmul.f32 v36, v29;
	v31 =	vmul.f32 v31, v35  }
0x685: {  	v54 =	vld [tilespmem:$0x1C280];
	s2 =	sor.u32 $0x840, s6  }
0x686: {  	[tilespmem:s2+$0x0] =	vst.add.f32.msk $0xffff, v30;
	v49 =	vadd.f32 v31, v32  }
0x687: {  	s15 =	sor.u32 $0x420, s14;
	v50 =	vld [tilespmem:$0x1D5C0]  }
0x688: {  	[tilespmem:s15+$0x0] =	vst.add.f32.msk $0xffff, v49  }
0x689: {  	v30 =	vld [tilespmem:$0x1D220]  }
0x68a: {  	v55 =	vld [tilespmem:$0x1DA80]  }
0x68b: {  	v57 =	vld [tilespmem:$0x1CA80]  }
0x68c: {  	v56 =	vld [tilespmem:$0x1C680];
	v51 =	vmul.f32 v33, v24;
	v31 =	vmul.f32 v50, v63  }
0x68d: {  	v58 =	vld [tilespmem:$0x1E280]  }
0x68e: {  	v41 =	vld [tilespmem:$0x1DE80];
	v52 =	vmul.f32 v36, v28;
	v31 =	vadd.f32 v31, v51;
	v30 =	vmul.f32 v30, v35  }
0x68f: {  	s16 =	sor.u32 $0xC40, s6;
	v32 =	vld.idx.msk [tilespmem:v14+s31+$0x0], $0xffff  }
0x690: {  	s23 =	spop (v2sf);
	[tilespmem:s16+$0x0] =	vst.add.f32.msk $0xffff, v31;
	v30 =	vadd.f32 v30, v52  }
0x691: {  	s18 =	sor.u32 $0x820, s14;
	s24 =	sshll.u32 s23, $0x9;
	s1 =	sshll.u32 s23, $0x7;
	v31 =	vld.idx.msk [tilespmem:v15+s31+$0x0], $0xffff  }
0x692: {  	v37 =	vmul.f32 v55, v54;
	s1 =	sand.u32 $0x380, s1;
	s2 =	sand.u32 $0xFFFFF000, s24;
	[tilespmem:s18+$0x0] =	vst.add.f32.msk $0xffff, v30  }
0x693: {  	s15 =	sor.u32 s1, s2;
	v30 =	vld.idx.msk [tilespmem:v16+s31+$0x0], $0xffff  }
0x694: {  	[tilespmem:s15+$0x0] =	vst.add.f32.msk $0xffff, v37  }
0x695: {  	v53 =	vld [tilespmem:$0x1D620]  }
0x696: {  	v60 =	vld [tilespmem:$0x1CE80];
	_ =	sdelay $0x1  }
0x697: {  	v33 =	vld [tilespmem:$0x1C1D0]  }
0x698: {  	v38 =	vmul.f32 v58, v57;
	v63 =	vmul.f32 v41, v56;
	v61 =	vld [tilespmem:$0x1C5D0]  }
0x699: {  	v59 =	vmul.f32 v36, v27;
	v62 =	vld [tilespmem:$0x1D9D0];
	v34 =	vmul.f32 v53, v35  }
0x69a: {  	v49 =	vmul.f32 v38, v32;
	v44 =	vld [tilespmem:$0x1C9D0];
	v36 =	vmul.f32 v60, v63  }
0x69b: {  	v54 =	vld [tilespmem:$0x1DDD0];
	v34 =	vadd.f32 v34, v59  }
0x69c: {  	s25 =	sor.u32 $0xC20, s14;
	v46 =	vld [tilespmem:$0x1E1D0];
	v36 =	vadd.f32 v36, v49  }
0x69d: {  	s2 =	sor.u32 $0x400, s15;
	[tilespmem:s25+$0x0] =	vst.add.f32.msk $0xffff, v34  }
0x69e: {  	[tilespmem:s2+$0x0] =	vst.add.f32.msk $0xffff, v36  }
0x69f: {  	v47 =	vld [tilespmem:$0x1C230]  }
0x6a0: {  	v33 =	vmul.f32 v62, v33;
	v48 =	vld [tilespmem:$0x1DA30]  }
0x6a1: {  	s18 =	sor.u32 $0x50, s6;
	v52 =	vld [tilespmem:$0x1D280]  }
0x6a2: {  	[tilespmem:s18+$0x0] =	vst.add.f32.msk $0xffff, v33  }
0x6a3: {  	v56 =	vld [tilespmem:$0x1CDD0]  }
0x6a4: {  	v42 =	vld [tilespmem:$0x1C630]  }
0x6a5: {  	v45 =	vmul.f32 v38, v31;
	v43 =	vld [tilespmem:$0x1CA30]  }
0x6a6: {  	v50 =	vld [tilespmem:$0x1DE30];
	v51 =	vmul.f32 v48, v47;
	v39 =	vmul.f32 v52, v63  }
0x6a7: {  	s16 =	sor.u32 $0x30, s14;
	v53 =	vld [tilespmem:$0x1E230]  }
0x6a8: {  	[tilespmem:s16+$0x0] =	vst.add.f32.msk $0xffff, v51;
	v55 =	vadd.f32 v39, v45  }
0x6a9: {  	s23 =	sor.u32 $0x800, s15;
	v37 =	vmul.f32 v46, v44;
	v35 =	vmul.f32 v54, v61;
	v36 =	vld [tilespmem:$0x1CE30]  }
0x6aa: {  	[tilespmem:s23+$0x0] =	vst.add.f32.msk $0xffff, v55  }
0x6ab: {  	v61 =	vmul.f32 v37, v26;
	v60 =	vmul.f32 v56, v35;
	v59 =	vld [tilespmem:$0x1D680]  }
0x6ac: {  	v41 =	vmul.f32 v50, v42;
	v40 =	vmul.f32 v53, v43;
	_ =	sdelay $0x1  }
0x6ad: {  	v33 =	vadd.f32 v60, v61;
	v57 =	vmul.f32 v40, v29;
	v36 =	vmul.f32 v36, v41  }
0x6ae: {  	s25 =	sor.u32 $0x450, s6  }
0x6af: {  	[tilespmem:s25+$0x0] =	vst.add.f32.msk $0xffff, v33;
	v58 =	vadd.f32 v36, v57;
	v34 =	vmul.f32 v59, v63;
	v63 =	vmul.f32 v38, v30  }
0x6b0: {  	s24 =	sor.u32 $0x430, s14;
	v44 =	vld [tilespmem:$0x1D1D0]  }
0x6b1: {  	[tilespmem:s24+$0x0] =	vst.add.f32.msk $0xffff, v58;
	v43 =	vadd.f32 v34, v63  }
0x6b2: {  	s2 =	sor.u32 $0xC00, s15;
	v62 =	vld [tilespmem:$0x1D230]  }
0x6b3: {  	[tilespmem:s2+$0x0] =	vst.add.f32.msk $0xffff, v43  }
0x6b4: {  	v48 =	vld [tilespmem:$0x1C290]  }
0x6b5: {  	v49 =	vld [tilespmem:$0x1DA90]  }
0x6b6: {  	v52 =	vmul.f32 v37, v25;
	v34 =	vmul.f32 v44, v35;
	v50 =	vld [tilespmem:$0x1C690]  }
0x6b7: {  	v51 =	vld [tilespmem:$0x1CA90]  }
0x6b8: {  	v46 =	vmul.f32 v40, v28;
	v34 =	vadd.f32 v34, v52;
	v53 =	vld [tilespmem:$0x1DE90];
	v45 =	vmul.f32 v62, v41  }
0x6b9: {  	s23 =	sor.u32 $0x850, s6;
	v54 =	vld [tilespmem:$0x1E290]  }
0x6ba: {  	[tilespmem:s23+$0x0] =	vst.add.f32.msk $0xffff, v34;
	v47 =	vadd.f32 v45, v46  }
0x6bb: {  	s16 =	sor.u32 $0x830, s14;
	v34 =	vld [tilespmem:$0x1D5D0];
	v36 =	vmul.f32 v49, v48  }
0x6bc: {  	s18 =	sor.u32 $0x10, s15;
	[tilespmem:s16+$0x0] =	vst.add.f32.msk $0xffff, v47  }
0x6bd: {  	[tilespmem:s18+$0x0] =	vst.add.f32.msk $0xffff, v36  }
0x6be: {  	v33 =	vld [tilespmem:$0x1D630]  }
0x6bf: {  	v36 =	vld [tilespmem:$0x1CE90];
	_ =	sdelay $0x1  }
0x6c0: {  	v45 =	vmul.f32 v37, v24;
	v34 =	vmul.f32 v34, v35  }
0x6c1: {  	v55 =	vmul.f32 v53, v50;
	v38 =	vmul.f32 v54, v51  }
0x6c2: {  	v40 =	vmul.f32 v40, v27;
	v34 =	vadd.f32 v34, v45;
	v33 =	vmul.f32 v33, v41  }
0x6c3: {  	v58 =	vmul.f32 v38, v32;
	s16 =	sor.u32 $0xC50, s6;
	v36 =	vmul.f32 v36, v55  }
0x6c4: {  	[tilespmem:s16+$0x0] =	vst.add.f32.msk $0xffff, v34;
	v33 =	vadd.f32 v33, v40  }
0x6c5: {  	s24 =	sor.u32 $0xC30, s14;
	v51 =	vld [tilespmem:$0x1C1E0];
	v36 =	vadd.f32 v36, v58  }
0x6c6: {  	s25 =	sor.u32 $0x410, s15;
	[tilespmem:s24+$0x0] =	vst.add.f32.msk $0xffff, v33  }
0x6c7: {  	[tilespmem:s25+$0x0] =	vst.add.f32.msk $0xffff, v36  }
0x6c8: {  	v56 =	vld [tilespmem:$0x1C240]  }
0x6c9: {  	v57 =	vld [tilespmem:$0x1DA40]  }
0x6ca: {  	v63 =	vld [tilespmem:$0x1D290]  }
0x6cb: {  	v52 =	vld [tilespmem:$0x1C5E0]  }
0x6cc: {  	v59 =	vld [tilespmem:$0x1C640]  }
0x6cd: {  	v60 =	vld [tilespmem:$0x1CA40]  }
0x6ce: {  	v61 =	vld [tilespmem:$0x1DE40];
	v62 =	vmul.f32 v57, v56  }
0x6cf: {  	s2 =	sor.u32 $0x40, s14;
	v47 =	vmul.f32 v38, v31;
	v44 =	vld [tilespmem:$0x1E240];
	v46 =	vmul.f32 v63, v55  }
0x6d0: {  	[tilespmem:s2+$0x0] =	vst.add.f32.msk $0xffff, v62  }
0x6d1: {  	v37 =	vadd.f32 v46, v47;
	v36 =	vld [tilespmem:$0x1CE40]  }
0x6d2: {  	s18 =	sor.u32 $0x810, s15;
	v53 =	vld [tilespmem:$0x1C9E0]  }
0x6d3: {  	[tilespmem:s18+$0x0] =	vst.add.f32.msk $0xffff, v37  }
0x6d4: {  	v35 =	vmul.f32 v61, v59;
	v40 =	vmul.f32 v44, v60;
	v50 =	vld [tilespmem:$0x1D690]  }
0x6d5: {  	v56 =	vld [tilespmem:$0x1DDE0]  }
0x6d6: {  	v57 =	vld [tilespmem:$0x1E1E0];
	v49 =	vmul.f32 v40, v29;
	v48 =	vmul.f32 v36, v35  }
0x6d7: {  	v47 =	vld [tilespmem:$0x1C300]  }
0x6d8: {  	v36 =	vld.idx.msk [tilespmem:v17+s31+$0x0], $0xffff;
	v34 =	vadd.f32 v48, v49  }
0x6d9: {  	s23 =	sor.u32 $0x440, s14;
	v54 =	vmul.f32 v38, v30;
	v33 =	vmul.f32 v50, v55;
	v55 =	vld [tilespmem:$0x1D9E0]  }
0x6da: {  	[tilespmem:s23+$0x0] =	vst.add.f32.msk $0xffff, v34  }
0x6db: {  	v33 =	vadd.f32 v33, v54;
	v54 =	vld [tilespmem:s9+$0x14004]  }
0x6dc: {  	s24 =	sor.u32 $0xC10, s15;
	v34 =	vld [tilespmem:$0x1D240]  }
0x6dd: {  	[tilespmem:s24+$0x0] =	vst.add.f32.msk $0xffff, v33  }
0x6de: {  	v59 =	vld [tilespmem:$0x1C2A0]  }
0x6df: {  	v60 =	vld [tilespmem:$0x1DAA0];
	v37 =	vmul.f32 v55, v51  }
0x6e0: {  	s16 =	sor.u32 $0x60, s6;
	v61 =	vld [tilespmem:$0x1C6A0]  }
0x6e1: {  	[tilespmem:s16+$0x0] =	vst.add.f32.msk $0xffff, v37  }
0x6e2: {  	v43 =	vmul.f32 v40, v28;
	v34 =	vmul.f32 v34, v35;
	v37 =	vld [tilespmem:$0x1CDE0]  }
0x6e3: {  	v62 =	vld [tilespmem:$0x1CAA0]  }
0x6e4: {  	v63 =	vld [tilespmem:$0x1DEA0];
	v58 =	vadd.f32 v34, v43  }
0x6e5: {  	s25 =	sor.u32 $0x840, s14;
	v42 =	vmul.f32 v56, v52;
	v41 =	vmul.f32 v57, v53;
	v48 =	vld [tilespmem:$0x1E2A0]  }
0x6e6: {  	v34 =	vmul.f32 v60, v59;
	[tilespmem:s25+$0x0] =	vst.add.f32.msk $0xffff, v58  }
0x6e7: {  	s2 =	sor.u32 $0x20, s15;
	v53 =	vmul.f32 v41, v26;
	v33 =	vld [tilespmem:$0x1D640];
	v37 =	vmul.f32 v37, v42  }
0x6e8: {  	[tilespmem:s2+$0x0] =	vst.add.f32.msk $0xffff, v34  }
0x6e9: {  	v34 =	vld [tilespmem:$0x1CEA0];
	v37 =	vadd.f32 v37, v53  }
0x6ea: {  	s24 =	sor.u32 $0x460, s6;
	v38 =	vmul.f32 v48, v62;
	v48 =	vld [tilespmem:$0x1DB00]  }
0x6eb: {  	v49 =	vmul.f32 v40, v27;
	[tilespmem:s24+$0x0] =	vst.add.f32.msk $0xffff, v37  }
0x6ec: {  	v33 =	vmul.f32 v33, v35;
	v35 =	vmul.f32 v63, v61;
	v37 =	vld [tilespmem:$0x1D1E0]  }
0x6ed: {  	v63 =	vld [tilespmem:$0x1E300]  }
0x6ee: {  	v33 =	vadd.f32 v33, v49;
	v50 =	vmul.f32 v34, v35;
	v34 =	vld.idx.msk [tilespmem:v18+s31+$0x0], $0xffff  }
0x6ef: {  	s18 =	sor.u32 $0xC40, s14;
	v51 =	vmul.f32 v38, v32;
	v49 =	vld [tilespmem:$0x1C700]  }
0x6f0: {  	(v2sf) =	vpush v54, $0x0;
	[tilespmem:s18+$0x0] =	vst.add.f32.msk $0xffff, v33  }
0x6f1: {  	v33 =	vadd.f32 v50, v51;
	v50 =	vld [tilespmem:$0x1CB00]  }
0x6f2: {  	v51 =	vld [tilespmem:s9+$0x14005]  }
0x6f3: {  	v52 =	vld [tilespmem:$0x1C250]  }
0x6f4: {  	v55 =	vld [tilespmem:$0x1DA50]  }
0x6f5: {  	v39 =	vld [tilespmem:$0x1C650]  }
0x6f6: {  	s23 =	sor.u32 $0x420, s15;
	v56 =	vld [tilespmem:$0x1CA50]  }
0x6f7: {  	v53 =	vmul.f32 v41, v25;
	v37 =	vmul.f32 v37, v42;
	[tilespmem:s23+$0x0] =	vst.add.f32.msk $0xffff, v33  }
0x6f8: {  	v33 =	vld [tilespmem:$0x1D2A0]  }
0x6f9: {  	v58 =	vld [tilespmem:$0x1DE50];
	v37 =	vadd.f32 v37, v53  }
0x6fa: {  	v60 =	vld [tilespmem:$0x1E250];
	s23 =	sor.u32 $0x860, s6  }
0x6fb: {  	v59 =	vmul.f32 v38, v31;
	[tilespmem:s23+$0x0] =	vst.add.f32.msk $0xffff, v37  }
0x6fc: {  	v47 =	vmul.f32 v48, v47;
	v48 =	vmul.f32 v63, v50;
	v63 =	vld [tilespmem:$0x1C380]  }
0x6fd: {  	v37 =	vld.idx.msk [tilespmem:v21+s31+$0x0], $0xffff;
	v57 =	vmul.f32 v55, v52;
	v33 =	vmul.f32 v33, v35  }
0x6fe: {  	s25 =	sor.u32 $0x50, s14;
	v52 =	vld [tilespmem:$0x1DF00]  }
0x6ff: {  	s16 =	spop (v2sf);
	[tilespmem:s25+$0x0] =	vst.add.f32.msk $0xffff, v57;
	v33 =	vadd.f32 v33, v59  }
0x700: {  	s2 =	sor.u32 $0x820, s15;
	s18 =	sshll.u32 s16, $0x9;
	s1 =	sshll.u32 s16, $0x7;
	(v2sf) =	vpush v51, $0x0;
	v61 =	vld [tilespmem:$0x1CE50]  }
0x701: {  	s1 =	sand.u32 $0x380, s1;
	[tilespmem:s2+$0x0] =	vst.add.f32.msk $0xffff, v33;
	s2 =	sand.u32 $0xFFFFF000, s18  }
0x702: {  	v33 =	vld.idx.msk [tilespmem:v19+s31+$0x0], $0xffff;
	s16 =	sor.u32 s1, s2  }
0x703: {  	v39 =	vmul.f32 v58, v39;
	v40 =	vmul.f32 v60, v56;
	[tilespmem:s16+$0x0] =	vst.add.f32.msk $0xffff, v47  }
0x704: {  	v56 =	vld [tilespmem:$0x1CF00]  }
0x705: {  	v44 =	vld [tilespmem:$0x1D5E0];
	v58 =	vmul.f32 v40, v29;
	v57 =	vmul.f32 v61, v39  }
0x706: {  	v62 =	vld [tilespmem:$0x1D6A0]  }
0x707: {  	v47 =	vmul.f32 v52, v49;
	v59 =	vadd.f32 v57, v58;
	v57 =	vld [tilespmem:$0x1C780]  }
0x708: {  	s24 =	sor.u32 $0x450, s14;
	v58 =	vld [tilespmem:$0x1CB80]  }
0x709: {  	v60 =	vmul.f32 v48, v36;
	[tilespmem:s24+$0x0] =	vst.add.f32.msk $0xffff, v59;
	v43 =	vmul.f32 v56, v47  }
0x70a: {  	v59 =	vld [tilespmem:$0x1DF80]  }
0x70b: {  	v46 =	vld [tilespmem:$0x1D250];
	v61 =	vadd.f32 v43, v60  }
0x70c: {  	v38 =	vmul.f32 v38, v30;
	s2 =	sor.u32 $0x400, s16;
	v35 =	vmul.f32 v62, v35;
	v56 =	vld [tilespmem:$0x1DB80]  }
0x70d: {  	[tilespmem:s2+$0x0] =	vst.add.f32.msk $0xffff, v61  }
0x70e: {  	v35 =	vadd.f32 v35, v38;
	v62 =	vld [tilespmem:$0x1D300]  }
0x70f: {  	s25 =	sor.u32 $0xC20, s15;
	v38 =	vld.idx.msk [tilespmem:v20+s31+$0x0], $0xffff;
	s18 =	spop (v2sf)  }
0x710: {  	s23 =	sshll.u32 s18, $0x9;
	s1 =	sshll.u32 s18, $0x7;
	[tilespmem:s25+$0x0] =	vst.add.f32.msk $0xffff, v35  }
0x711: {  	v35 =	vld.idx.msk [tilespmem:v22+s31+$0x0], $0xffff;
	s1 =	sand.u32 $0x380, s1;
	s2 =	sand.u32 $0xFFFFF000, s23;
	v45 =	vmul.f32 v56, v63  }
0x712: {  	v60 =	vld [tilespmem:$0x1E380];
	s23 =	sor.u32 s1, s2  }
0x713: {  	v61 =	vmul.f32 v48, v34;
	[tilespmem:s23+$0x0] =	vst.add.f32.msk $0xffff, v45;
	v43 =	vmul.f32 v62, v47  }
0x714: {  	v45 =	vld [tilespmem:$0x1CF80]  }
0x715: {  	v54 =	vld [tilespmem:$0x1C2B0];
	v43 =	vadd.f32 v43, v61  }
0x716: {  	s24 =	sor.u32 $0x800, s16;
	v51 =	vld [tilespmem:$0x1C6B0]  }
0x717: {  	v49 =	vmul.f32 v60, v58;
	[tilespmem:s24+$0x0] =	vst.add.f32.msk $0xffff, v43;
	v43 =	vmul.f32 v59, v57  }
0x718: {  	v62 =	vld [tilespmem:$0x1DAB0]  }
0x719: {  	v60 =	vmul.f32 v49, v38;
	v63 =	vld [tilespmem:$0x1D700];
	v45 =	vmul.f32 v45, v43  }
0x71a: {  	v55 =	vld [tilespmem:$0x1CAB0]  }
0x71b: {  	v56 =	vld [tilespmem:$0x1DEB0];
	v45 =	vadd.f32 v45, v60  }
0x71c: {  	v41 =	vmul.f32 v41, v24;
	v42 =	vmul.f32 v44, v42;
	s25 =	sor.u32 $0x400, s23;
	v61 =	vld [tilespmem:$0x1E2B0]  }
0x71d: {  	v53 =	vmul.f32 v62, v54;
	[tilespmem:s25+$0x0] =	vst.add.f32.msk $0xffff, v45  }
0x71e: {  	v41 =	vadd.f32 v42, v41;
	v48 =	vmul.f32 v48, v33;
	s2 =	sor.u32 $0x30, s15;
	v47 =	vmul.f32 v63, v47;
	v45 =	vld [tilespmem:$0x1D380]  }
0x71f: {  	[tilespmem:s2+$0x0] =	vst.add.f32.msk $0xffff, v53;
	s2 =	sor.u32 $0xC60, s6  }
0x720: {  	[tilespmem:s2+$0x0] =	vst.add.f32.msk $0xffff, v41;
	v47 =	vadd.f32 v47, v48  }
0x721: {  	s18 =	sor.u32 $0xC00, s16;
	v48 =	vld [tilespmem:$0x1CEB0]  }
0x722: {  	[tilespmem:s18+$0x0] =	vst.add.f32.msk $0xffff, v47  }
0x723: {  	v63 =	vmul.f32 v49, v37;
	v47 =	vld [tilespmem:$0x1C310];
	v45 =	vmul.f32 v45, v43  }
0x724: {  	v62 =	vld [tilespmem:$0x1DB10]  }
0x725: {  	v54 =	vld [tilespmem:$0x1C710];
	v45 =	vadd.f32 v45, v63  }
0x726: {  	s24 =	sor.u32 $0x800, s23;
	v57 =	vld [tilespmem:$0x1CB10]  }
0x727: {  	v46 =	vmul.f32 v46, v39;
	v58 =	vmul.f32 v40, v28;
	[tilespmem:s24+$0x0] =	vst.add.f32.msk $0xffff, v45  }
0x728: {  	v59 =	vld [tilespmem:$0x1D780]  }
0x729: {  	v51 =	vmul.f32 v56, v51;
	v52 =	vmul.f32 v61, v55;
	v61 =	vadd.f32 v46, v58;
	v44 =	vld [tilespmem:$0x1DF10]  }
0x72a: {  	s18 =	sor.u32 $0x850, s14;
	v60 =	vld [tilespmem:$0x1E310];
	v47 =	vmul.f32 v62, v47  }
0x72b: {  	s25 =	sor.u32 $0x10, s16;
	[tilespmem:s18+$0x0] =	vst.add.f32.msk $0xffff, v61;
	v63 =	vmul.f32 v52, v32;
	v62 =	vmul.f32 v48, v51  }
0x72c: {  	[tilespmem:s25+$0x0] =	vst.add.f32.msk $0xffff, v47  }
0x72d: {  	v56 =	vmul.f32 v49, v35;
	v48 =	vadd.f32 v62, v63;
	v47 =	vld [tilespmem:$0x1CF10];
	v55 =	vmul.f32 v59, v43  }
0x72e: {  	v45 =	vld [tilespmem:$0x1D650];
	s24 =	sor.u32 $0x430, s15  }
0x72f: {  	v46 =	vmul.f32 v60, v57;
	[tilespmem:s24+$0x0] =	vst.add.f32.msk $0xffff, v48;
	v57 =	vadd.f32 v55, v56  }
0x730: {  	v44 =	vmul.f32 v44, v54;
	s25 =	sor.u32 $0xC00, s23;
	v58 =	vld [tilespmem:$0x1D2B0]  }
0x731: {  	[tilespmem:s25+$0x0] =	vst.add.f32.msk $0xffff, v57  }
0x732: {  	v60 =	vmul.f32 v46, v36;
	v59 =	vmul.f32 v47, v44;
	v62 =	vld [tilespmem:$0x1C390]  }
0x733: {  	v63 =	vld [tilespmem:$0x1DB90]  }
0x734: {  	v61 =	vadd.f32 v59, v60;
	v56 =	vld [tilespmem:$0x1C790]  }
0x735: {  	s2 =	sor.u32 $0x410, s16;
	v57 =	vld [tilespmem:$0x1CB90]  }
0x736: {  	v42 =	vmul.f32 v58, v51;
	v58 =	vmul.f32 v52, v31;
	[tilespmem:s2+$0x0] =	vst.add.f32.msk $0xffff, v61  }
0x737: {  	v41 =	vld [tilespmem:$0x1D310]  }
0x738: {  	v59 =	vld [tilespmem:$0x1DF90];
	v42 =	vadd.f32 v42, v58  }
0x739: {  	s24 =	sor.u32 $0x830, s15;
	v60 =	vld [tilespmem:$0x1E390]  }
0x73a: {  	[tilespmem:s24+$0x0] =	vst.add.f32.msk $0xffff, v42;
	v43 =	vmul.f32 v63, v62  }
0x73b: {  	s18 =	sor.u32 $0x10, s23;
	v42 =	vld [tilespmem:$0x1D6B0]  }
0x73c: {  	v61 =	vmul.f32 v46, v34;
	v41 =	vmul.f32 v41, v44;
	[tilespmem:s18+$0x0] =	vst.add.f32.msk $0xffff, v43  }
0x73d: {  	v43 =	vld [tilespmem:$0x1CF90]  }
0x73e: {  	v41 =	vadd.f32 v41, v61  }
0x73f: {  	v40 =	vmul.f32 v40, v27;
	v39 =	vmul.f32 v45, v39;
	s25 =	sor.u32 $0x810, s16  }
0x740: {  	v45 =	vmul.f32 v59, v56;
	v47 =	vmul.f32 v60, v57;
	[tilespmem:s25+$0x0] =	vst.add.f32.msk $0xffff, v41  }
0x741: {  	v40 =	vadd.f32 v39, v40;
	v52 =	vmul.f32 v52, v30;
	v63 =	vmul.f32 v42, v51;
	v62 =	vld [tilespmem:$0x1D710]  }
0x742: {  	s2 =	sor.u32 $0xC50, s14;
	v49 =	vmul.f32 v47, v38;
	v43 =	vmul.f32 v43, v45  }
0x743: {  	[tilespmem:s2+$0x0] =	vst.add.f32.msk $0xffff, v40;
	v40 =	vadd.f32 v63, v52  }
0x744: {  	s24 =	sor.u32 $0xC30, s15;
	v43 =	vadd.f32 v43, v49  }
0x745: {  	s18 =	sor.u32 $0x410, s23;
	[tilespmem:s24+$0x0] =	vst.add.f32.msk $0xffff, v40  }
0x746: {  	v54 =	vmul.f32 v46, v33;
	v53 =	vmul.f32 v62, v44;
	[tilespmem:s18+$0x0] =	vst.add.f32.msk $0xffff, v43  }
0x747: {  	v43 =	vld [tilespmem:$0x1D390]  }
0x748: {  	v42 =	vld [tilespmem:$0x1C2C0];
	v55 =	vadd.f32 v53, v54  }
0x749: {  	s25 =	sor.u32 $0xC10, s16;
	v51 =	vld [tilespmem:$0x1C6C0]  }
0x74a: {  	[tilespmem:s25+$0x0] =	vst.add.f32.msk $0xffff, v55  }
0x74b: {  	v40 =	vld [tilespmem:$0x1C320]  }
0x74c: {  	v57 =	vmul.f32 v47, v37;
	v56 =	vld [tilespmem:$0x1DB20];
	v43 =	vmul.f32 v43, v45  }
0x74d: {  	v58 =	vld [tilespmem:$0x1C720]  }
0x74e: {  	v59 =	vld [tilespmem:$0x1CB20];
	v43 =	vadd.f32 v43, v57  }
0x74f: {  	s2 =	sor.u32 $0x810, s23;
	v60 =	vld [tilespmem:$0x1DF20]  }
0x750: {  	[tilespmem:s2+$0x0] =	vst.add.f32.msk $0xffff, v43  }
0x751: {  	v40 =	vmul.f32 v56, v40;
	v43 =	vld [tilespmem:$0x1D790]  }
0x752: {  	s18 =	sor.u32 $0x20, s16;
	v61 =	vld [tilespmem:$0x1E320]  }
0x753: {  	[tilespmem:s18+$0x0] =	vst.add.f32.msk $0xffff, v40  }
0x754: {  	v40 =	vld [tilespmem:$0x1CF20]  }
0x755: {  	v52 =	vld [tilespmem:$0x1CAC0]  }
0x756: {  	v63 =	vld [tilespmem:$0x1DAC0];
	v62 =	vmul.f32 v47, v35;
	v43 =	vmul.f32 v43, v45  }
0x757: {  	v49 =	vld [tilespmem:$0x1C260];
	v46 =	vmul.f32 v60, v58;
	v44 =	vmul.f32 v61, v59  }
0x758: {  	v57 =	vld [tilespmem:$0x1DEC0];
	v43 =	vadd.f32 v43, v62  }
0x759: {  	s24 =	sor.u32 $0xC10, s23;
	v58 =	vld [tilespmem:$0x1E2C0];
	v50 =	vmul.f32 v44, v36;
	v40 =	vmul.f32 v40, v46  }
0x75a: {  	[tilespmem:s24+$0x0] =	vst.add.f32.msk $0xffff, v43  }
0x75b: {  	v40 =	vadd.f32 v40, v50;
	v43 =	vld [tilespmem:$0x1C3A0]  }
0x75c: {  	s25 =	sor.u32 $0x420, s16;
	v59 =	vld [tilespmem:$0x1DBA0]  }
0x75d: {  	[tilespmem:s25+$0x0] =	vst.add.f32.msk $0xffff, v40  }
0x75e: {  	v40 =	vld [tilespmem:$0x1D320]  }
0x75f: {  	v60 =	vld [tilespmem:$0x1C7A0]  }
0x760: {  	v61 =	vld [tilespmem:$0x1CBA0]  }
0x761: {  	v62 =	vld [tilespmem:$0x1DFA0];
	v43 =	vmul.f32 v59, v43  }
0x762: {  	v42 =	vmul.f32 v63, v42;
	s2 =	sor.u32 $0x20, s23;
	v63 =	vld [tilespmem:$0x1E3A0]  }
0x763: {  	v56 =	vmul.f32 v44, v34;
	v40 =	vmul.f32 v40, v46;
	[tilespmem:s2+$0x0] =	vst.add.f32.msk $0xffff, v43  }
0x764: {  	s18 =	sor.u32 $0x40, s15;
	v43 =	vld [tilespmem:$0x1CFA0]  }
0x765: {  	[tilespmem:s18+$0x0] =	vst.add.f32.msk $0xffff, v42;
	v40 =	vadd.f32 v40, v56  }
0x766: {  	v42 =	vld [tilespmem:$0x1CEC0];
	s24 =	sor.u32 $0x820, s16  }
0x767: {  	v47 =	vmul.f32 v63, v61;
	[tilespmem:s24+$0x0] =	vst.add.f32.msk $0xffff, v40;
	v40 =	vmul.f32 v62, v60  }
0x768: {  	v53 =	vld [tilespmem:$0x1CA60];
	v48 =	vmul.f32 v57, v51;
	v50 =	vmul.f32 v58, v52  }
0x769: {  	v54 =	vld [tilespmem:$0x1DA60];
	v58 =	vmul.f32 v47, v38;
	v43 =	vmul.f32 v43, v40  }
0x76a: {  	v57 =	vld [tilespmem:$0x1D720]  }
0x76b: {  	v51 =	vld [tilespmem:$0x1C660];
	v42 =	vmul.f32 v42, v48;
	v59 =	vmul.f32 v50, v32;
	v43 =	vadd.f32 v43, v58  }
0x76c: {  	v52 =	vld [tilespmem:$0x1DE60];
	s25 =	sor.u32 $0x420, s23  }
0x76d: {  	v42 =	vadd.f32 v42, v59;
	[tilespmem:s25+$0x0] =	vst.add.f32.msk $0xffff, v43  }
0x76e: {  	s2 =	sor.u32 $0x440, s15;
	v43 =	vld [tilespmem:$0x1D3A0]  }
0x76f: {  	v44 =	vmul.f32 v44, v33;
	[tilespmem:s2+$0x0] =	vst.add.f32.msk $0xffff, v42;
	v45 =	vmul.f32 v57, v46  }
0x770: {  	v49 =	vmul.f32 v54, v49;
	v61 =	vld [tilespmem:$0x1D2C0]  }
0x771: {  	s2 =	sor.u32 $0x60, s14;
	v57 =	vld [tilespmem:$0x1E260];
	v60 =	vadd.f32 v45, v44  }
0x772: {  	s18 =	sor.u32 $0xC20, s16;
	[tilespmem:s2+$0x0] =	vst.add.f32.msk $0xffff, v49  }
0x773: {  	v63 =	vmul.f32 v47, v37;
	[tilespmem:s18+$0x0] =	vst.add.f32.msk $0xffff, v60;
	v43 =	vmul.f32 v43, v40  }
0x774: {  	v42 =	vld [tilespmem:$0x1C330]  }
0x775: {  	v62 =	vld [tilespmem:$0x1DB30];
	v43 =	vadd.f32 v43, v63  }
0x776: {  	s24 =	sor.u32 $0x820, s23;
	v55 =	vld [tilespmem:$0x1C730]  }
0x777: {  	[tilespmem:s24+$0x0] =	vst.add.f32.msk $0xffff, v43  }
0x778: {  	v43 =	vld [tilespmem:$0x1D7A0]  }
0x779: {  	v56 =	vld [tilespmem:$0x1CB30]  }
0x77a: {  	v46 =	vld [tilespmem:$0x1DF30];
	v42 =	vmul.f32 v62, v42  }
0x77b: {  	v61 =	vmul.f32 v61, v48;
	s25 =	sor.u32 $0x30, s16;
	v60 =	vld [tilespmem:$0x1E330];
	v62 =	vmul.f32 v50, v31  }
0x77c: {  	[tilespmem:s25+$0x0] =	vst.add.f32.msk $0xffff, v42  }
0x77d: {  	v58 =	vmul.f32 v47, v35;
	v42 =	vadd.f32 v61, v62;
	v63 =	vld [tilespmem:$0x1CF30];
	v40 =	vmul.f32 v43, v40  }
0x77e: {  	v47 =	vld [tilespmem:$0x1CE60];
	s18 =	sor.u32 $0x840, s15  }
0x77f: {  	[tilespmem:s18+$0x0] =	vst.add.f32.msk $0xffff, v42;
	v40 =	vadd.f32 v40, v58  }
0x780: {  	v46 =	vmul.f32 v46, v55;
	v49 =	vmul.f32 v60, v56;
	s24 =	sor.u32 $0xC20, s23;
	v42 =	vld [tilespmem:$0x1D6C0]  }
0x781: {  	[tilespmem:s24+$0x0] =	vst.add.f32.msk $0xffff, v40  }
0x782: {  	v60 =	vmul.f32 v49, v36;
	v59 =	vmul.f32 v63, v46;
	v62 =	vld [tilespmem:$0x1C3B0]  }
0x783: {  	v63 =	vld [tilespmem:$0x1DBB0]  }
0x784: {  	v61 =	vadd.f32 v59, v60;
	v54 =	vld [tilespmem:$0x1C7B0]  }
0x785: {  	s25 =	sor.u32 $0x430, s16;
	v55 =	vld [tilespmem:$0x1CBB0]  }
0x786: {  	[tilespmem:s25+$0x0] =	vst.add.f32.msk $0xffff, v61  }
0x787: {  	v44 =	vmul.f32 v52, v51;
	v40 =	vld [tilespmem:$0x1D330]  }
0x788: {  	v45 =	vmul.f32 v57, v53;
	v60 =	vld [tilespmem:$0x1DFB0];
	v43 =	vmul.f32 v63, v62  }
0x789: {  	s2 =	sor.u32 $0x30, s23;
	v61 =	vld [tilespmem:$0x1E3B0]  }
0x78a: {  	v47 =	vmul.f32 v47, v44;
	v57 =	vmul.f32 v45, v29;
	[tilespmem:s2+$0x0] =	vst.add.f32.msk $0xffff, v43  }
0x78b: {  	v43 =	vld [tilespmem:$0x1CFB0]  }
0x78c: {  	v39 =	vld [tilespmem:$0x1C5F0];
	v47 =	vadd.f32 v47, v57;
	v63 =	vmul.f32 v49, v34;
	v62 =	vmul.f32 v40, v46  }
0x78d: {  	v41 =	vld [tilespmem:$0x1C1F0];
	v58 =	vmul.f32 v50, v30;
	v42 =	vmul.f32 v42, v48;
	s24 =	sor.u32 $0x460, s14  }
0x78e: {  	[tilespmem:s24+$0x0] =	vst.add.f32.msk $0xffff, v47;
	v50 =	vmul.f32 v60, v54;
	v51 =	vmul.f32 v61, v55;
	v52 =	vadd.f32 v62, v63  }
0x78f: {  	s18 =	sor.u32 $0x830, s16;
	v48 =	vld [tilespmem:$0x1D260]  }
0x790: {  	v42 =	vadd.f32 v42, v58;
	v59 =	vmul.f32 v51, v38;
	[tilespmem:s18+$0x0] =	vst.add.f32.msk $0xffff, v52;
	v43 =	vmul.f32 v43, v50  }
0x791: {  	s25 =	sor.u32 $0xC40, s15;
	v52 =	vld [tilespmem:$0x1D730]  }
0x792: {  	[tilespmem:s25+$0x0] =	vst.add.f32.msk $0xffff, v42;
	v60 =	vadd.f32 v43, v59  }
0x793: {  	v47 =	vld [tilespmem:$0x1DAD0];
	s2 =	sor.u32 $0x430, s23  }
0x794: {  	[tilespmem:s2+$0x0] =	vst.add.f32.msk $0xffff, v60  }
0x795: {  	v42 =	vld [tilespmem:$0x1D3B0]  }
0x796: {  	v57 =	vld [tilespmem:$0x1CAD0];
	v61 =	vmul.f32 v49, v33;
	v46 =	vmul.f32 v52, v46  }
0x797: {  	v58 =	vld [tilespmem:$0x1E2D0]  }
0x798: {  	v49 =	vld [tilespmem:$0x1C6D0];
	v46 =	vadd.f32 v46, v61  }
0x799: {  	s18 =	sor.u32 $0xC30, s16;
	v43 =	vld [tilespmem:$0x1C2D0]  }
0x79a: {  	v63 =	vmul.f32 v51, v37;
	[tilespmem:s18+$0x0] =	vst.add.f32.msk $0xffff, v46;
	v42 =	vmul.f32 v42, v50  }
0x79b: {  	v46 =	vld [tilespmem:$0x1C340]  }
0x79c: {  	v62 =	vld [tilespmem:$0x1DB40];
	v42 =	vadd.f32 v42, v63  }
0x79d: {  	s24 =	sor.u32 $0x830, s23;
	v55 =	vld [tilespmem:$0x1C740]  }
0x79e: {  	[tilespmem:s24+$0x0] =	vst.add.f32.msk $0xffff, v42  }
0x79f: {  	v61 =	vld [tilespmem:$0x1D7B0]  }
0x7a0: {  	v56 =	vld [tilespmem:$0x1CB40]  }
0x7a1: {  	v54 =	vld [tilespmem:$0x1DF40];
	v60 =	vmul.f32 v62, v46  }
0x7a2: {  	s25 =	sor.u32 $0x40, s16;
	v62 =	vld [tilespmem:$0x1E340]  }
0x7a3: {  	v43 =	vmul.f32 v47, v43;
	[tilespmem:s25+$0x0] =	vst.add.f32.msk $0xffff, v60  }
0x7a4: {  	v63 =	vmul.f32 v51, v35;
	v42 =	vld [tilespmem:$0x1CF40];
	v46 =	vmul.f32 v61, v50  }
0x7a5: {  	s2 =	sor.u32 $0x50, s15;
	v47 =	vld [tilespmem:$0x1DED0]  }
0x7a6: {  	[tilespmem:s2+$0x0] =	vst.add.f32.msk $0xffff, v43;
	v59 =	vadd.f32 v46, v63  }
0x7a7: {  	s18 =	sor.u32 $0xC30, s23;
	v54 =	vmul.f32 v54, v55;
	v60 =	vld [tilespmem:$0x1CED0];
	v52 =	vmul.f32 v62, v56  }
0x7a8: {  	[tilespmem:s18+$0x0] =	vst.add.f32.msk $0xffff, v59  }
0x7a9: {  	v61 =	vmul.f32 v52, v36;
	v42 =	vmul.f32 v42, v54;
	v43 =	vld [tilespmem:$0x1C3C0]  }
0x7aa: {  	v62 =	vld [tilespmem:$0x1DBC0]  }
0x7ab: {  	v47 =	vmul.f32 v47, v49;
	v49 =	vmul.f32 v58, v57;
	v42 =	vadd.f32 v42, v61;
	v51 =	vld [tilespmem:$0x1C7C0]  }
0x7ac: {  	s24 =	sor.u32 $0x440, s16;
	v55 =	vld [tilespmem:$0x1CBC0]  }
0x7ad: {  	v46 =	vmul.f32 v60, v47;
	v63 =	vmul.f32 v49, v32;
	[tilespmem:s24+$0x0] =	vst.add.f32.msk $0xffff, v42  }
0x7ae: {  	v42 =	vld [tilespmem:$0x1D340]  }
0x7af: {  	v46 =	vadd.f32 v46, v63;
	v57 =	vld [tilespmem:$0x1DFC0]  }
0x7b0: {  	s2 =	sor.u32 $0x450, s15;
	v50 =	vld [tilespmem:$0x1E3C0]  }
0x7b1: {  	[tilespmem:s2+$0x0] =	vst.add.f32.msk $0xffff, v46;
	v43 =	vmul.f32 v62, v43  }
0x7b2: {  	s25 =	sor.u32 $0x40, s23;
	v63 =	vld [tilespmem:$0x1D2D0]  }
0x7b3: {  	v60 =	vmul.f32 v52, v34;
	v42 =	vmul.f32 v42, v54;
	[tilespmem:s25+$0x0] =	vst.add.f32.msk $0xffff, v43  }
0x7b4: {  	v43 =	vld [tilespmem:$0x1CFC0]  }
0x7b5: {  	v53 =	vld [tilespmem:$0x1D9F0];
	v61 =	vmul.f32 v48, v44;
	v62 =	vmul.f32 v45, v28;
	v42 =	vadd.f32 v42, v60  }
0x7b6: {  	v40 =	vld [tilespmem:$0x1C9F0];
	s18 =	sor.u32 $0x840, s16  }
0x7b7: {  	v51 =	vmul.f32 v57, v51;
	v50 =	vmul.f32 v50, v55;
	v46 =	vadd.f32 v61, v62;
	[tilespmem:s18+$0x0] =	vst.add.f32.msk $0xffff, v42  }
0x7b8: {  	s24 =	sor.u32 $0x860, s14;
	v62 =	vmul.f32 v63, v47;
	v63 =	vmul.f32 v49, v31;
	v55 =	vld [tilespmem:$0x1D740]  }
0x7b9: {  	v61 =	vmul.f32 v50, v38;
	[tilespmem:s24+$0x0] =	vst.add.f32.msk $0xffff, v46;
	v60 =	vmul.f32 v43, v51  }
0x7ba: {  	v46 =	vadd.f32 v62, v63;
	v57 =	vld [tilespmem:$0x1D660]  }
0x7bb: {  	s2 =	sor.u32 $0x850, s15;
	v42 =	vld [tilespmem:$0x1DDF0];
	v48 =	vadd.f32 v60, v61  }
0x7bc: {  	s25 =	sor.u32 $0x440, s23;
	[tilespmem:s2+$0x0] =	vst.add.f32.msk $0xffff, v46  }
0x7bd: {  	v52 =	vmul.f32 v52, v33;
	v54 =	vmul.f32 v55, v54;
	[tilespmem:s25+$0x0] =	vst.add.f32.msk $0xffff, v48  }
0x7be: {  	v48 =	vld [tilespmem:$0x1D3C0]  }
0x7bf: {  	v43 =	vld [tilespmem:$0x1E1F0];
	v60 =	vadd.f32 v54, v52  }
0x7c0: {  	s18 =	sor.u32 $0xC40, s16;
	v61 =	vld [tilespmem:$0x1D6D0]  }
0x7c1: {  	[tilespmem:s18+$0x0] =	vst.add.f32.msk $0xffff, v60  }
0x7c2: {  	v46 =	vld [tilespmem:$0x1C350]  }
0x7c3: {  	v63 =	vmul.f32 v50, v37;
	v62 =	vld [tilespmem:$0x1DB50];
	v48 =	vmul.f32 v48, v51  }
0x7c4: {  	v56 =	vld [tilespmem:$0x1C750]  }
0x7c5: {  	v58 =	vld [tilespmem:$0x1CB50];
	v48 =	vadd.f32 v48, v63  }
0x7c6: {  	s24 =	sor.u32 $0x840, s23;
	v59 =	vld [tilespmem:$0x1DF50]  }
0x7c7: {  	[tilespmem:s24+$0x0] =	vst.add.f32.msk $0xffff, v48  }
0x7c8: {  	v46 =	vmul.f32 v62, v46;
	v48 =	vld [tilespmem:$0x1D7C0]  }
0x7c9: {  	v41 =	vmul.f32 v53, v41;
	s25 =	sor.u32 $0x50, s16;
	v60 =	vld [tilespmem:$0x1E350]  }
0x7ca: {  	v45 =	vmul.f32 v45, v27;
	v44 =	vmul.f32 v57, v44;
	[tilespmem:s25+$0x0] =	vst.add.f32.msk $0xffff, v46  }
0x7cb: {  	s2 =	sor.u32 $0x70, s6;
	v46 =	vld [tilespmem:$0x1CF50]  }
0x7cc: {  	[tilespmem:s2+$0x0] =	vst.add.f32.msk $0xffff, v41;
	v44 =	vadd.f32 v44, v45;
	v61 =	vmul.f32 v61, v47;
	v62 =	vmul.f32 v49, v30  }
0x7cd: {  	v41 =	vld [tilespmem:$0x1CDF0];
	s18 =	sor.u32 $0xC60, s14;
	v63 =	vmul.f32 v50, v35;
	v48 =	vmul.f32 v48, v51  }
0x7ce: {  	[tilespmem:s18+$0x0] =	vst.add.f32.msk $0xffff, v44;
	v45 =	vmul.f32 v59, v56;
	v47 =	vmul.f32 v60, v58;
	v52 =	vadd.f32 v61, v62  }
0x7cf: {  	v50 =	vld [tilespmem:$0x1C270];
	s24 =	sor.u32 $0xC50, s15;
	v48 =	vadd.f32 v48, v63  }
0x7d0: {  	v55 =	vmul.f32 v47, v36;
	s25 =	sor.u32 $0xC40, s23;
	[tilespmem:s24+$0x0] =	vst.add.f32.msk $0xffff, v52;
	v54 =	vmul.f32 v46, v45  }
0x7d1: {  	[tilespmem:s25+$0x0] =	vst.add.f32.msk $0xffff, v48  }
0x7d2: {  	v44 =	vadd.f32 v54, v55;
	v56 =	vld [tilespmem:$0x1C3D0]  }
0x7d3: {  	s2 =	sor.u32 $0x450, s16;
	v48 =	vld [tilespmem:$0x1DBD0]  }
0x7d4: {  	[tilespmem:s2+$0x0] =	vst.add.f32.msk $0xffff, v44  }
0x7d5: {  	v44 =	vld [tilespmem:$0x1D350]  }
0x7d6: {  	v57 =	vld [tilespmem:$0x1C7D0]  }
0x7d7: {  	v58 =	vld [tilespmem:$0x1CBD0]  }
0x7d8: {  	v59 =	vld [tilespmem:$0x1DFD0];
	v46 =	vmul.f32 v48, v56  }
0x7d9: {  	s18 =	sor.u32 $0x50, s23;
	v60 =	vld [tilespmem:$0x1E3D0]  }
0x7da: {  	v53 =	vmul.f32 v47, v34;
	v44 =	vmul.f32 v44, v45;
	[tilespmem:s18+$0x0] =	vst.add.f32.msk $0xffff, v46  }
0x7db: {  	v46 =	vld [tilespmem:$0x1CFD0]  }
0x7dc: {  	v61 =	vld [tilespmem:$0x1DAE0];
	v44 =	vadd.f32 v44, v53  }
0x7dd: {  	s24 =	sor.u32 $0x850, s16;
	v51 =	vld [tilespmem:$0x1C6E0]  }
0x7de: {  	v48 =	vmul.f32 v60, v58;
	[tilespmem:s24+$0x0] =	vst.add.f32.msk $0xffff, v44;
	v44 =	vmul.f32 v59, v57  }
0x7df: {  	v54 =	vld [tilespmem:$0x1C2E0]  }
0x7e0: {  	v55 =	vld [tilespmem:$0x1CAE0];
	v63 =	vmul.f32 v48, v38;
	v46 =	vmul.f32 v46, v44  }
0x7e1: {  	v56 =	vld [tilespmem:$0x1DEE0]  }
0x7e2: {  	v62 =	vld [tilespmem:$0x1D750];
	v46 =	vadd.f32 v46, v63  }
0x7e3: {  	s25 =	sor.u32 $0x450, s23;
	v60 =	vld [tilespmem:$0x1E2E0]  }
0x7e4: {  	[tilespmem:s25+$0x0] =	vst.add.f32.msk $0xffff, v46  }
0x7e5: {  	v46 =	vld [tilespmem:$0x1D3D0]  }
0x7e6: {  	v47 =	vmul.f32 v47, v33;
	v58 =	vld [tilespmem:$0x1CA70];
	v53 =	vmul.f32 v61, v54  }
0x7e7: {  	s2 =	sor.u32 $0x60, s15;
	v49 =	vmul.f32 v56, v51;
	v56 =	vld [tilespmem:$0x1C670];
	v45 =	vmul.f32 v62, v45  }
0x7e8: {  	[tilespmem:s2+$0x0] =	vst.add.f32.msk $0xffff, v53  }
0x7e9: {  	v61 =	vld [tilespmem:$0x1CEE0];
	v45 =	vadd.f32 v45, v47  }
0x7ea: {  	s18 =	sor.u32 $0xC50, s16;
	v63 =	vmul.f32 v48, v37;
	v47 =	vld [tilespmem:$0x1DA70];
	v46 =	vmul.f32 v46, v44  }
0x7eb: {  	[tilespmem:s18+$0x0] =	vst.add.f32.msk $0xffff, v45  }
0x7ec: {  	v45 =	vld [tilespmem:$0x1C360];
	v46 =	vadd.f32 v46, v63  }
0x7ed: {  	s24 =	sor.u32 $0x850, s23;
	v62 =	vld [tilespmem:$0x1DB60]  }
0x7ee: {  	[tilespmem:s24+$0x0] =	vst.add.f32.msk $0xffff, v46  }
0x7ef: {  	v46 =	vld [tilespmem:$0x1D7D0]  }
0x7f0: {  	v51 =	vmul.f32 v60, v55;
	v54 =	vld [tilespmem:$0x1C760]  }
0x7f1: {  	v60 =	vmul.f32 v61, v49;
	v57 =	vld [tilespmem:$0x1CB60]  }
0x7f2: {  	v61 =	vmul.f32 v51, v32;
	v53 =	vld [tilespmem:$0x1DF60];
	v45 =	vmul.f32 v62, v45  }
0x7f3: {  	s25 =	sor.u32 $0x60, s16;
	v52 =	vld [tilespmem:$0x1E360]  }
0x7f4: {  	v63 =	vmul.f32 v48, v35;
	[tilespmem:s25+$0x0] =	vst.add.f32.msk $0xffff, v45;
	v45 =	vadd.f32 v60, v61;
	v44 =	vmul.f32 v46, v44  }
0x7f5: {  	s2 =	sor.u32 $0x460, s15;
	v62 =	vld [tilespmem:$0x1CF60]  }
0x7f6: {  	[tilespmem:s2+$0x0] =	vst.add.f32.msk $0xffff, v45;
	v44 =	vadd.f32 v44, v63  }
0x7f7: {  	s18 =	sor.u32 $0xC50, s23;
	v45 =	vld [tilespmem:$0x1D2E0]  }
0x7f8: {  	v48 =	vmul.f32 v53, v54;
	v52 =	vmul.f32 v52, v57;
	[tilespmem:s18+$0x0] =	vst.add.f32.msk $0xffff, v44  }
0x7f9: {  	v46 =	vld [tilespmem:$0x1C3E0]  }
0x7fa: {  	v59 =	vmul.f32 v52, v36;
	v57 =	vmul.f32 v62, v48;
	v61 =	vld [tilespmem:$0x1DBE0]  }
0x7fb: {  	v62 =	vld [tilespmem:$0x1C7E0]  }
0x7fc: {  	v60 =	vadd.f32 v57, v59;
	v63 =	vld [tilespmem:$0x1CBE0]  }
0x7fd: {  	s24 =	sor.u32 $0x460, s16;
	v59 =	vld [tilespmem:$0x1DFE0]  }
0x7fe: {  	v45 =	vmul.f32 v45, v49;
	[tilespmem:s24+$0x0] =	vst.add.f32.msk $0xffff, v60  }
0x7ff: {  	v60 =	vmul.f32 v51, v31;
	v44 =	vld [tilespmem:$0x1D360];
	v46 =	vmul.f32 v61, v46  }
0x800: {  	s25 =	sor.u32 $0x60, s23;
	v61 =	vld [tilespmem:$0x1E3E0]  }
0x801: {  	v45 =	vadd.f32 v45, v60;
	[tilespmem:s25+$0x0] =	vst.add.f32.msk $0xffff, v46  }
0x802: {  	s2 =	sor.u32 $0x860, s15;
	v46 =	vld [tilespmem:$0x1CFE0]  }
0x803: {  	v47 =	vmul.f32 v47, v50;
	[tilespmem:s2+$0x0] =	vst.add.f32.msk $0xffff, v45  }
0x804: {  	v50 =	vmul.f32 v59, v62;
	v62 =	vmul.f32 v52, v34;
	v45 =	vld [tilespmem:$0x1D6E0]  }
0x805: {  	v55 =	vld [tilespmem:$0x1E270];
	v44 =	vmul.f32 v44, v48;
	v53 =	vmul.f32 v61, v63  }
0x806: {  	v54 =	vld [tilespmem:$0x1DE70];
	s18 =	sor.u32 $0x70, s14  }
0x807: {  	[tilespmem:s18+$0x0] =	vst.add.f32.msk $0xffff, v47;
	v44 =	vadd.f32 v44, v62;
	v63 =	vmul.f32 v53, v38;
	v46 =	vmul.f32 v46, v50  }
0x808: {  	v57 =	vld [tilespmem:$0x1CE70];
	s24 =	sor.u32 $0x860, s16  }
0x809: {  	v59 =	vmul.f32 v51, v30;
	v45 =	vmul.f32 v45, v49;
	[tilespmem:s24+$0x0] =	vst.add.f32.msk $0xffff, v44;
	v60 =	vadd.f32 v46, v63  }
0x80a: {  	s25 =	sor.u32 $0x460, s23;
	v61 =	vld [tilespmem:$0x1D760]  }
0x80b: {  	v45 =	vadd.f32 v45, v59;
	[tilespmem:s25+$0x0] =	vst.add.f32.msk $0xffff, v60  }
0x80c: {  	s2 =	sor.u32 $0xC60, s15;
	v44 =	vld [tilespmem:$0x1D3E0]  }
0x80d: {  	[tilespmem:s2+$0x0] =	vst.add.f32.msk $0xffff, v45  }
0x80e: {  	v45 =	vld [tilespmem:$0x1C2F0]  }
0x80f: {  	v47 =	vld [tilespmem:$0x1C6F0]  }
0x810: {  	v62 =	vmul.f32 v52, v33;
	v49 =	vld [tilespmem:$0x1CAF0];
	v46 =	vmul.f32 v61, v48  }
0x811: {  	v59 =	vmul.f32 v53, v37;
	v63 =	vld [tilespmem:$0x1DAF0];
	v44 =	vmul.f32 v44, v50  }
0x812: {  	v52 =	vld [tilespmem:$0x1DEF0];
	v46 =	vadd.f32 v46, v62  }
0x813: {  	s18 =	sor.u32 $0xC60, s16;
	v61 =	vld [tilespmem:$0x1E2F0];
	v44 =	vadd.f32 v44, v59  }
0x814: {  	s24 =	sor.u32 $0x860, s23;
	[tilespmem:s18+$0x0] =	vst.add.f32.msk $0xffff, v46  }
0x815: {  	[tilespmem:s24+$0x0] =	vst.add.f32.msk $0xffff, v44  }
0x816: {  	v44 =	vld [tilespmem:$0x1D7E0]  }
0x817: {  	v46 =	vld [tilespmem:$0x1C370]  }
0x818: {  	v45 =	vmul.f32 v63, v45;
	v60 =	vld [tilespmem:$0x1DB70]  }
0x819: {  	s25 =	sor.u32 $0x70, s15;
	v48 =	vld [tilespmem:$0x1DF70]  }
0x81a: {  	[tilespmem:s25+$0x0] =	vst.add.f32.msk $0xffff, v45  }
0x81b: {  	v53 =	vmul.f32 v53, v35;
	v45 =	vld [tilespmem:$0x1C770];
	v44 =	vmul.f32 v44, v50  }
0x81c: {  	v63 =	vld [tilespmem:$0x1CEF0]  }
0x81d: {  	v50 =	vld [tilespmem:$0x1CB70];
	v44 =	vadd.f32 v44, v53  }
0x81e: {  	s18 =	sor.u32 $0xC60, s23;
	v53 =	vld [tilespmem:$0x1E370]  }
0x81f: {  	[tilespmem:s18+$0x0] =	vst.add.f32.msk $0xffff, v44  }
0x820: {  	v46 =	vmul.f32 v60, v46;
	v44 =	vld [tilespmem:$0x1C3F0]  }
0x821: {  	s2 =	sor.u32 $0x70, s16;
	v62 =	vld [tilespmem:$0x1DBF0]  }
0x822: {  	v39 =	vmul.f32 v42, v39;
	[tilespmem:s2+$0x0] =	vst.add.f32.msk $0xffff, v46  }
0x823: {  	v40 =	vmul.f32 v43, v40;
	v43 =	vmul.f32 v54, v56;
	v54 =	vld [tilespmem:$0x1CF70]  }
0x824: {  	v41 =	vmul.f32 v41, v39;
	v56 =	vld [tilespmem:$0x1C7F0]  }
0x825: {  	v26 =	vmul.f32 v40, v26;
	v47 =	vmul.f32 v52, v47;
	v52 =	vld [tilespmem:$0x1CBF0]  }
0x826: {  	v55 =	vmul.f32 v55, v58;
	v60 =	vld [tilespmem:$0x1DFF0];
	v44 =	vmul.f32 v62, v44  }
0x827: {  	v49 =	vmul.f32 v61, v49;
	s24 =	sor.u32 $0x70, s23;
	v62 =	vld [tilespmem:$0x1E3F0]  }
0x828: {  	v26 =	vadd.f32 v41, v26;
	v29 =	vmul.f32 v55, v29;
	v61 =	vmul.f32 v57, v43;
	[tilespmem:s24+$0x0] =	vst.add.f32.msk $0xffff, v44  }
0x829: {  	s25 =	sor.u32 $0x470, s6;
	v32 =	vmul.f32 v49, v32;
	v42 =	vmul.f32 v48, v45;
	v48 =	vld [tilespmem:$0x1CFF0]  }
0x82a: {  	v29 =	vadd.f32 v61, v29;
	[tilespmem:s25+$0x0] =	vst.add.f32.msk $0xffff, v26;
	v63 =	vmul.f32 v63, v47;
	v44 =	vmul.f32 v53, v50  }
0x82b: {  	v58 =	vld [tilespmem:$0x1D1F0];
	s2 =	sor.u32 $0x470, s14;
	v26 =	vmul.f32 v60, v56;
	v53 =	vmul.f32 v54, v42  }
0x82c: {  	[tilespmem:s2+$0x0] =	vst.add.f32.msk $0xffff, v29;
	v50 =	vadd.f32 v63, v32;
	v54 =	vmul.f32 v44, v36;
	v36 =	vmul.f32 v62, v52  }
0x82d: {  	s18 =	sor.u32 $0x470, s15;
	v59 =	vld [tilespmem:$0x1D270]  }
0x82e: {  	[tilespmem:s18+$0x0] =	vst.add.f32.msk $0xffff, v50;
	v29 =	vadd.f32 v53, v54;
	v38 =	vmul.f32 v36, v38;
	v45 =	vmul.f32 v48, v26  }
0x82f: {  	s24 =	sor.u32 $0x470, s16;
	v60 =	vld [tilespmem:$0x1D2F0]  }
0x830: {  	v25 =	vmul.f32 v40, v25;
	v41 =	vmul.f32 v58, v39;
	[tilespmem:s24+$0x0] =	vst.add.f32.msk $0xffff, v29;
	v38 =	vadd.f32 v45, v38  }
0x831: {  	s25 =	sor.u32 $0x470, s23;
	v61 =	vld [tilespmem:$0x1D370]  }
0x832: {  	v28 =	vmul.f32 v55, v28;
	v25 =	vadd.f32 v41, v25;
	v32 =	vmul.f32 v59, v43;
	[tilespmem:s25+$0x0] =	vst.add.f32.msk $0xffff, v38  }
0x833: {  	s2 =	sor.u32 $0x870, s6;
	v38 =	vld [tilespmem:$0x1D3F0]  }
0x834: {  	v31 =	vmul.f32 v49, v31;
	[tilespmem:s2+$0x0] =	vst.add.f32.msk $0xffff, v25;
	v28 =	vadd.f32 v32, v28;
	v29 =	vmul.f32 v60, v47  }
0x835: {  	s18 =	sor.u32 $0x870, s14;
	v50 =	vld [tilespmem:$0x1D5F0]  }
0x836: {  	v34 =	vmul.f32 v44, v34;
	[tilespmem:s18+$0x0] =	vst.add.f32.msk $0xffff, v28;
	v63 =	vadd.f32 v29, v31;
	v62 =	vmul.f32 v61, v42  }
0x837: {  	v51 =	vld [tilespmem:$0x1D670];
	s24 =	sor.u32 $0x870, s15  }
0x838: {  	v45 =	vmul.f32 v36, v37;
	[tilespmem:s24+$0x0] =	vst.add.f32.msk $0xffff, v63;
	v46 =	vadd.f32 v62, v34;
	v41 =	vmul.f32 v38, v26  }
0x839: {  	s25 =	sor.u32 $0x870, s16;
	v52 =	vld [tilespmem:$0x1D6F0]  }
0x83a: {  	[tilespmem:s25+$0x0] =	vst.add.f32.msk $0xffff, v46;
	v48 =	vadd.f32 v41, v45  }
0x83b: {  	s2 =	sor.u32 $0x870, s23;
	v53 =	vld [tilespmem:$0x1D770]  }
0x83c: {  	[tilespmem:s2+$0x0] =	vst.add.f32.msk $0xffff, v48  }
0x83d: {  	v54 =	vld [tilespmem:$0x1D7F0]  }
0x83e: {  	v24 =	vmul.f32 v40, v24;
	v25 =	vmul.f32 v50, v39  }
0x83f: {  	v27 =	vmul.f32 v55, v27;
	v28 =	vmul.f32 v51, v43  }
0x840: {  	v56 =	vmul.f32 v49, v30;
	v24 =	vadd.f32 v25, v24;
	v55 =	vmul.f32 v52, v47  }
0x841: {  	s6 =	sor.u32 $0xC70, s6;
	v58 =	vmul.f32 v44, v33;
	v27 =	vadd.f32 v28, v27;
	v57 =	vmul.f32 v53, v42  }
0x842: {  	s14 =	sor.u32 $0xC70, s14;
	[tilespmem:s6+$0x0] =	vst.add.f32.msk $0xffff, v24;
	v61 =	vmul.f32 v36, v35;
	v59 =	vadd.f32 v55, v56;
	v60 =	vmul.f32 v54, v26  }
0x843: {  	s18 =	sor.u32 $0xC70, s15;
	[tilespmem:s14+$0x0] =	vst.add.f32.msk $0xffff, v27;
	v62 =	vadd.f32 v57, v58  }
0x844: {  	s24 =	sor.u32 $0xC70, s16;
	[tilespmem:s18+$0x0] =	vst.add.f32.msk $0xffff, v59;
	v63 =	vadd.f32 v60, v61  }
0x845: {  	s15 =	simm.s32 $0x1E000;
	s25 =	sor.u32 $0xC70, s23;
	[tilespmem:s24+$0x0] =	vst.add.f32.msk $0xffff, v62  }
0x846: {  	s6 =	sadd.s32 $0x14006, s9;
	s9 =	simm.s32 $0x6;
	s14 =	simm.s32 $0x1D000;
	[tilespmem:s25+$0x0] =	vst.add.f32.msk $0xffff, v63  }
.LBB2_21:
0x847: {  	v24 =	vld [tilespmem:s6+$0x0];
	_ =	sdelay $0x4  }
0x848: {  	(v2sf) =	vpush v24, $0x0;
	_ =	sdelay $0x5  }
0x849: {  	v25 =	vmov s9  }
0x84a: {  	v48 =	vshll.u32 v25, $0x7  }
0x84b: {  	v24 =	vand.u32 $0x380, v48  }
0x84c: {  	v24 =	vor.u32 $0xC00, v24  }
0x84d: {  	v28 =	vld [tilespmem:s14+$0xFFFFF400];
	v24 =	vbroadcast v24, $0x0  }
0x84e: {  	v29 =	vld [tilespmem:s15+$0xFFFFFC00]  }
0x84f: {  	v50 =	vld [tilespmem:s14+$0xFFFFF800];
	v49 =	vor.u32 $0x1, v24  }
0x850: {  	v30 =	vld [tilespmem:s14+$0xFFFFFC00];
	v27 =	vor.u32 $0x2, v24  }
0x851: {  	v31 =	vld [tilespmem:s15+$0x0]  }
0x852: {  	v51 =	vld [tilespmem:s15+$0x400];
	s1 =	spop (v2sf)  }
0x853: {  	v26 =	vld.idx.msk [tilespmem:v24+s31+$0x0], $0xffff;
	s2 =	sshll.u32 s1, $0x9;
	s1 =	sshll.u32 s1, $0x7  }
0x854: {  	v28 =	vmul.f32 v29, v28;
	v25 =	vld.idx.msk [tilespmem:v49+s31+$0x0], $0xffff;
	s2 =	sand.u32 $0xFFFFF000, s2;
	s1 =	sand.u32 $0x380, s1  }
0x855: {  	v24 =	vld.idx.msk [tilespmem:v27+s31+$0x0], $0xffff;
	s16 =	sor.u32 s1, s2  }
0x856: {  	[tilespmem:s16+$0x0] =	vst.add.f32.msk $0xffff, v28  }
0x857: {  	v28 =	vld [tilespmem:s14+$0x0];
	_ =	sdelay $0x2  }
0x858: {  	v29 =	vmul.f32 v51, v30;
	v27 =	vmul.f32 v31, v50;
	_ =	sdelay $0x1  }
0x859: {  	v30 =	vmul.f32 v29, v26;
	v28 =	vmul.f32 v28, v27;
	_ =	sdelay $0x1  }
0x85a: {  	v28 =	vadd.f32 v28, v30  }
0x85b: {  	s1 =	sor.u32 $0x400, s16  }
0x85c: {  	[tilespmem:s1+$0x0] =	vst.add.f32.msk $0xffff, v28  }
0x85d: {  	v28 =	vld [tilespmem:s14+$0x400];
	_ =	sdelay $0x4  }
0x85e: {  	v52 =	vmul.f32 v29, v25;
	v28 =	vmul.f32 v28, v27;
	_ =	sdelay $0x1  }
0x85f: {  	v28 =	vadd.f32 v28, v52  }
0x860: {  	s2 =	sor.u32 $0x800, s16  }
0x861: {  	[tilespmem:s2+$0x0] =	vst.add.f32.msk $0xffff, v28  }
0x862: {  	v28 =	vld [tilespmem:s14+$0x800];
	_ =	sdelay $0x4  }
0x863: {  	v53 =	vmul.f32 v29, v24;
	v27 =	vmul.f32 v28, v27;
	_ =	sdelay $0x1  }
0x864: {  	v27 =	vadd.f32 v27, v53  }
0x865: {  	s18 =	sor.u32 $0xC00, s16  }
0x866: {  	[tilespmem:s18+$0x0] =	vst.add.f32.msk $0xffff, v27  }
0x867: {  	v27 =	vld [tilespmem:s14+$0xFFFFF410]  }
0x868: {  	v54 =	vld [tilespmem:s15+$0xFFFFFC10];
	_ =	sdelay $0x2  }
0x869: {  	v55 =	vld [tilespmem:s14+$0xFFFFF810]  }
0x86a: {  	v56 =	vld [tilespmem:s14+$0xFFFFFC10]  }
0x86b: {  	v57 =	vld [tilespmem:s15+$0x10];
	v27 =	vmul.f32 v54, v27  }
0x86c: {  	s23 =	sor.u32 $0x10, s16;
	v58 =	vld [tilespmem:s15+$0x410]  }
0x86d: {  	[tilespmem:s23+$0x0] =	vst.add.f32.msk $0xffff, v27  }
0x86e: {  	v27 =	vld [tilespmem:s14+$0x10];
	_ =	sdelay $0x2  }
0x86f: {  	v29 =	vmul.f32 v57, v55;
	v28 =	vmul.f32 v58, v56;
	_ =	sdelay $0x1  }
0x870: {  	v30 =	vmul.f32 v28, v26;
	v27 =	vmul.f32 v27, v29;
	_ =	sdelay $0x1  }
0x871: {  	v27 =	vadd.f32 v27, v30  }
0x872: {  	s24 =	sor.u32 $0x410, s16  }
0x873: {  	[tilespmem:s24+$0x0] =	vst.add.f32.msk $0xffff, v27  }
0x874: {  	v27 =	vld [tilespmem:s14+$0x410];
	_ =	sdelay $0x4  }
0x875: {  	v59 =	vmul.f32 v28, v25;
	v27 =	vmul.f32 v27, v29;
	_ =	sdelay $0x1  }
0x876: {  	v27 =	vadd.f32 v27, v59  }
0x877: {  	s25 =	sor.u32 $0x810, s16  }
0x878: {  	[tilespmem:s25+$0x0] =	vst.add.f32.msk $0xffff, v27  }
0x879: {  	v27 =	vld [tilespmem:s14+$0x810];
	_ =	sdelay $0x4  }
0x87a: {  	v28 =	vmul.f32 v28, v24;
	v27 =	vmul.f32 v27, v29;
	_ =	sdelay $0x1  }
0x87b: {  	v27 =	vadd.f32 v27, v28  }
0x87c: {  	s2 =	sor.u32 $0xC10, s16  }
0x87d: {  	[tilespmem:s2+$0x0] =	vst.add.f32.msk $0xffff, v27  }
0x87e: {  	v27 =	vld [tilespmem:s14+$0xFFFFF420]  }
0x87f: {  	v60 =	vld [tilespmem:s15+$0xFFFFFC20];
	_ =	sdelay $0x2  }
0x880: {  	v61 =	vld [tilespmem:s14+$0xFFFFF820]  }
0x881: {  	v62 =	vld [tilespmem:s14+$0xFFFFFC20]  }
0x882: {  	v63 =	vld [tilespmem:s15+$0x20];
	v27 =	vmul.f32 v60, v27  }
0x883: {  	s18 =	sor.u32 $0x20, s16;
	v33 =	vld [tilespmem:s15+$0x420]  }
0x884: {  	[tilespmem:s18+$0x0] =	vst.add.f32.msk $0xffff, v27  }
0x885: {  	v27 =	vld [tilespmem:s14+$0x20];
	_ =	sdelay $0x2  }
0x886: {  	v29 =	vmul.f32 v63, v61;
	v28 =	vmul.f32 v33, v62;
	_ =	sdelay $0x1  }
0x887: {  	v30 =	vmul.f32 v28, v26;
	v27 =	vmul.f32 v27, v29;
	_ =	sdelay $0x1  }
0x888: {  	v27 =	vadd.f32 v27, v30  }
0x889: {  	s23 =	sor.u32 $0x420, s16  }
0x88a: {  	[tilespmem:s23+$0x0] =	vst.add.f32.msk $0xffff, v27  }
0x88b: {  	v27 =	vld [tilespmem:s14+$0x420];
	_ =	sdelay $0x4  }
0x88c: {  	v34 =	vmul.f32 v28, v25;
	v27 =	vmul.f32 v27, v29;
	_ =	sdelay $0x1  }
0x88d: {  	v27 =	vadd.f32 v27, v34  }
0x88e: {  	s24 =	sor.u32 $0x820, s16  }
0x88f: {  	[tilespmem:s24+$0x0] =	vst.add.f32.msk $0xffff, v27  }
0x890: {  	v27 =	vld [tilespmem:s14+$0x820];
	_ =	sdelay $0x4  }
0x891: {  	v28 =	vmul.f32 v28, v24;
	v27 =	vmul.f32 v27, v29;
	_ =	sdelay $0x1  }
0x892: {  	v27 =	vadd.f32 v27, v28  }
0x893: {  	s25 =	sor.u32 $0xC20, s16  }
0x894: {  	[tilespmem:s25+$0x0] =	vst.add.f32.msk $0xffff, v27  }
0x895: {  	v27 =	vld [tilespmem:s14+$0xFFFFF430]  }
0x896: {  	v35 =	vld [tilespmem:s15+$0xFFFFFC30];
	_ =	sdelay $0x2  }
0x897: {  	v36 =	vld [tilespmem:s14+$0xFFFFF830]  }
0x898: {  	v37 =	vld [tilespmem:s14+$0xFFFFFC30]  }
0x899: {  	v38 =	vld [tilespmem:s15+$0x30];
	v27 =	vmul.f32 v35, v27  }
0x89a: {  	s2 =	sor.u32 $0x30, s16;
	v39 =	vld [tilespmem:s15+$0x430]  }
0x89b: {  	[tilespmem:s2+$0x0] =	vst.add.f32.msk $0xffff, v27  }
0x89c: {  	v27 =	vld [tilespmem:s14+$0x30];
	_ =	sdelay $0x2  }
0x89d: {  	v29 =	vmul.f32 v38, v36;
	v28 =	vmul.f32 v39, v37;
	_ =	sdelay $0x1  }
0x89e: {  	v30 =	vmul.f32 v28, v26;
	v27 =	vmul.f32 v27, v29;
	_ =	sdelay $0x1  }
0x89f: {  	v27 =	vadd.f32 v27, v30  }
0x8a0: {  	s18 =	sor.u32 $0x430, s16  }
0x8a1: {  	[tilespmem:s18+$0x0] =	vst.add.f32.msk $0xffff, v27  }
0x8a2: {  	v27 =	vld [tilespmem:s14+$0x430];
	_ =	sdelay $0x4  }
0x8a3: {  	v40 =	vmul.f32 v28, v25;
	v27 =	vmul.f32 v27, v29;
	_ =	sdelay $0x1  }
0x8a4: {  	v27 =	vadd.f32 v27, v40  }
0x8a5: {  	s23 =	sor.u32 $0x830, s16  }
0x8a6: {  	[tilespmem:s23+$0x0] =	vst.add.f32.msk $0xffff, v27  }
0x8a7: {  	v27 =	vld [tilespmem:s14+$0x830];
	_ =	sdelay $0x4  }
0x8a8: {  	v28 =	vmul.f32 v28, v24;
	v27 =	vmul.f32 v27, v29;
	_ =	sdelay $0x1  }
0x8a9: {  	v27 =	vadd.f32 v27, v28  }
0x8aa: {  	s24 =	sor.u32 $0xC30, s16  }
0x8ab: {  	[tilespmem:s24+$0x0] =	vst.add.f32.msk $0xffff, v27  }
0x8ac: {  	v27 =	vld [tilespmem:s14+$0xFFFFF440]  }
0x8ad: {  	v41 =	vld [tilespmem:s15+$0xFFFFFC40];
	_ =	sdelay $0x2  }
0x8ae: {  	v42 =	vld [tilespmem:s14+$0xFFFFF840]  }
0x8af: {  	v43 =	vld [tilespmem:s14+$0xFFFFFC40]  }
0x8b0: {  	v44 =	vld [tilespmem:s15+$0x40];
	v27 =	vmul.f32 v41, v27  }
0x8b1: {  	s25 =	sor.u32 $0x40, s16;
	v45 =	vld [tilespmem:s15+$0x440]  }
0x8b2: {  	[tilespmem:s25+$0x0] =	vst.add.f32.msk $0xffff, v27  }
0x8b3: {  	v27 =	vld [tilespmem:s14+$0x40];
	_ =	sdelay $0x2  }
0x8b4: {  	v29 =	vmul.f32 v44, v42;
	v28 =	vmul.f32 v45, v43;
	_ =	sdelay $0x1  }
0x8b5: {  	v30 =	vmul.f32 v28, v26;
	v27 =	vmul.f32 v27, v29;
	_ =	sdelay $0x1  }
0x8b6: {  	v27 =	vadd.f32 v27, v30  }
0x8b7: {  	s2 =	sor.u32 $0x440, s16  }
0x8b8: {  	[tilespmem:s2+$0x0] =	vst.add.f32.msk $0xffff, v27  }
0x8b9: {  	v27 =	vld [tilespmem:s14+$0x440];
	_ =	sdelay $0x4  }
0x8ba: {  	v46 =	vmul.f32 v28, v25;
	v27 =	vmul.f32 v27, v29;
	_ =	sdelay $0x1  }
0x8bb: {  	v27 =	vadd.f32 v27, v46  }
0x8bc: {  	s18 =	sor.u32 $0x840, s16  }
0x8bd: {  	[tilespmem:s18+$0x0] =	vst.add.f32.msk $0xffff, v27  }
0x8be: {  	v27 =	vld [tilespmem:s14+$0x840];
	_ =	sdelay $0x4  }
0x8bf: {  	v28 =	vmul.f32 v28, v24;
	v27 =	vmul.f32 v27, v29;
	_ =	sdelay $0x1  }
0x8c0: {  	v27 =	vadd.f32 v27, v28  }
0x8c1: {  	s23 =	sor.u32 $0xC40, s16  }
0x8c2: {  	[tilespmem:s23+$0x0] =	vst.add.f32.msk $0xffff, v27  }
0x8c3: {  	v27 =	vld [tilespmem:s14+$0xFFFFF450]  }
0x8c4: {  	v47 =	vld [tilespmem:s15+$0xFFFFFC50];
	_ =	sdelay $0x2  }
0x8c5: {  	v48 =	vld [tilespmem:s14+$0xFFFFF850]  }
0x8c6: {  	v49 =	vld [tilespmem:s14+$0xFFFFFC50]  }
0x8c7: {  	v50 =	vld [tilespmem:s15+$0x50];
	v27 =	vmul.f32 v47, v27  }
0x8c8: {  	s24 =	sor.u32 $0x50, s16;
	v51 =	vld [tilespmem:s15+$0x450]  }
0x8c9: {  	[tilespmem:s24+$0x0] =	vst.add.f32.msk $0xffff, v27  }
0x8ca: {  	v27 =	vld [tilespmem:s14+$0x50];
	_ =	sdelay $0x2  }
0x8cb: {  	v29 =	vmul.f32 v50, v48;
	v28 =	vmul.f32 v51, v49;
	_ =	sdelay $0x1  }
0x8cc: {  	v30 =	vmul.f32 v28, v26;
	v27 =	vmul.f32 v27, v29;
	_ =	sdelay $0x1  }
0x8cd: {  	v27 =	vadd.f32 v27, v30  }
0x8ce: {  	s25 =	sor.u32 $0x450, s16  }
0x8cf: {  	[tilespmem:s25+$0x0] =	vst.add.f32.msk $0xffff, v27  }
0x8d0: {  	v27 =	vld [tilespmem:s14+$0x450];
	_ =	sdelay $0x4  }
0x8d1: {  	v52 =	vmul.f32 v28, v25;
	v27 =	vmul.f32 v27, v29;
	_ =	sdelay $0x1  }
0x8d2: {  	v27 =	vadd.f32 v27, v52  }
0x8d3: {  	s2 =	sor.u32 $0x850, s16  }
0x8d4: {  	[tilespmem:s2+$0x0] =	vst.add.f32.msk $0xffff, v27  }
0x8d5: {  	v27 =	vld [tilespmem:s14+$0x850];
	_ =	sdelay $0x4  }
0x8d6: {  	v28 =	vmul.f32 v28, v24;
	v27 =	vmul.f32 v27, v29;
	_ =	sdelay $0x1  }
0x8d7: {  	v27 =	vadd.f32 v27, v28  }
0x8d8: {  	s18 =	sor.u32 $0xC50, s16  }
0x8d9: {  	[tilespmem:s18+$0x0] =	vst.add.f32.msk $0xffff, v27  }
0x8da: {  	v27 =	vld [tilespmem:s14+$0xFFFFF460]  }
0x8db: {  	v53 =	vld [tilespmem:s15+$0xFFFFFC60];
	_ =	sdelay $0x2  }
0x8dc: {  	v54 =	vld [tilespmem:s14+$0xFFFFF860]  }
0x8dd: {  	v55 =	vld [tilespmem:s14+$0xFFFFFC60]  }
0x8de: {  	v56 =	vld [tilespmem:s15+$0x60];
	v27 =	vmul.f32 v53, v27  }
0x8df: {  	s23 =	sor.u32 $0x60, s16;
	v57 =	vld [tilespmem:s15+$0x460]  }
0x8e0: {  	[tilespmem:s23+$0x0] =	vst.add.f32.msk $0xffff, v27  }
0x8e1: {  	v27 =	vld [tilespmem:s14+$0x60];
	_ =	sdelay $0x2  }
0x8e2: {  	v29 =	vmul.f32 v56, v54;
	v28 =	vmul.f32 v57, v55;
	_ =	sdelay $0x1  }
0x8e3: {  	v30 =	vmul.f32 v28, v26;
	v27 =	vmul.f32 v27, v29;
	_ =	sdelay $0x1  }
0x8e4: {  	v27 =	vadd.f32 v27, v30  }
0x8e5: {  	s24 =	sor.u32 $0x460, s16  }
0x8e6: {  	[tilespmem:s24+$0x0] =	vst.add.f32.msk $0xffff, v27  }
0x8e7: {  	v27 =	vld [tilespmem:s14+$0x460];
	_ =	sdelay $0x4  }
0x8e8: {  	v58 =	vmul.f32 v28, v25;
	v27 =	vmul.f32 v27, v29;
	_ =	sdelay $0x1  }
0x8e9: {  	v27 =	vadd.f32 v27, v58  }
0x8ea: {  	s25 =	sor.u32 $0x860, s16  }
0x8eb: {  	[tilespmem:s25+$0x0] =	vst.add.f32.msk $0xffff, v27  }
0x8ec: {  	v27 =	vld [tilespmem:s14+$0x860];
	_ =	sdelay $0x4  }
0x8ed: {  	v28 =	vmul.f32 v28, v24;
	v27 =	vmul.f32 v27, v29;
	_ =	sdelay $0x1  }
0x8ee: {  	v27 =	vadd.f32 v27, v28  }
0x8ef: {  	s2 =	sor.u32 $0xC60, s16  }
0x8f0: {  	[tilespmem:s2+$0x0] =	vst.add.f32.msk $0xffff, v27  }
0x8f1: {  	v27 =	vld [tilespmem:s14+$0xFFFFF470]  }
0x8f2: {  	v59 =	vld [tilespmem:s15+$0xFFFFFC70];
	_ =	sdelay $0x2  }
0x8f3: {  	v60 =	vld [tilespmem:s14+$0xFFFFF870]  }
0x8f4: {  	v61 =	vld [tilespmem:s14+$0xFFFFFC70]  }
0x8f5: {  	v62 =	vld [tilespmem:s15+$0x70];
	v27 =	vmul.f32 v59, v27  }
0x8f6: {  	s18 =	sor.u32 $0x70, s16;
	v63 =	vld [tilespmem:s15+$0x470]  }
0x8f7: {  	[tilespmem:s18+$0x0] =	vst.add.f32.msk $0xffff, v27  }
0x8f8: {  	v27 =	vld [tilespmem:s14+$0x70];
	_ =	sdelay $0x2  }
0x8f9: {  	v29 =	vmul.f32 v62, v60;
	v28 =	vmul.f32 v63, v61;
	_ =	sdelay $0x1  }
0x8fa: {  	v26 =	vmul.f32 v28, v26;
	v27 =	vmul.f32 v27, v29;
	_ =	sdelay $0x1  }
0x8fb: {  	v26 =	vadd.f32 v27, v26  }
0x8fc: {  	s23 =	sor.u32 $0x470, s16  }
0x8fd: {  	[tilespmem:s23+$0x0] =	vst.add.f32.msk $0xffff, v26  }
0x8fe: {  	v26 =	vld [tilespmem:s14+$0x470];
	_ =	sdelay $0x4  }
0x8ff: {  	v25 =	vmul.f32 v28, v25;
	v26 =	vmul.f32 v26, v29;
	_ =	sdelay $0x1  }
0x900: {  	v25 =	vadd.f32 v26, v25  }
0x901: {  	s24 =	sor.u32 $0x870, s16  }
0x902: {  	[tilespmem:s24+$0x0] =	vst.add.f32.msk $0xffff, v25  }
0x903: {  	v25 =	vld [tilespmem:s14+$0x870];
	_ =	sdelay $0x3  }
0x904: {  	p1 =	sne.s32 s9, $0x7  }
.Ltmp22:
0x905: {  	v24 =	vmul.f32 v28, v24;
	v25 =	vmul.f32 v25, v29;
	(pc) =	sbr.rel @p1 .LBB2_21-.Ltmp22, $4  }
0x906: {  	_ = 	snop  }
0x907: {  	v24 =	vadd.f32 v25, v24  }
0x908: {  	s6 =	sadd.s32 $0x1, s6;
	s25 =	sor.u32 $0xC70, s16  }
0x909: {  	s9 =	sadd.s32 $0x1, s9;
	s15 =	sadd.s32 $0x80, s15;
	s14 =	sadd.s32 $0x80, s14;
	[tilespmem:s25+$0x0] =	vst.add.f32.msk $0xffff, v24  }
.Ltmp23:
0x90a: {  	_ = 	snop;
	(pc) =	sbr.rel .LBB2_22-.Ltmp23, $1  }
0x90b: {  	_ =	sdelay $0x3  }
.LBB2_26:
0x90c: {  	_ =	sfence.sel $0x180000  }
0x90d: {  	[bflag:$0x0] =	sbarrier.arrive $0xFFFF  }
0x90e: {  	_ =	strace $0x90000047  }
0x90f: {  	s0 =	stileid.u32;
	[bflag:$0x2] =	sbarrier.arrive $0xFFFF  }
0x910: {  	p0 =	sne.s32 s0, $0x0;
	s0 =	rddreg [dreg:$0x3]  }
0x911: {  	s0 =	sadd.s32 @!p0 $0x100000, s0  }
0x912: {  	[sflag:s0] =	ssyncadd.tile.s32 @!p0 $0x1;
	_ =	shalt  }
.Lfunc_end2:
_tile_overlayer_lowered:
.L_overlay_start_2:
0x913: {  	(tag) =	ssettag $0x2  }
0x914: {  	s0 =	rddreg [dreg:$0x0];
	s2 =	stileid.u32  }
0x915: {  	s1 =	rddreg [dreg:$0x1];
	p0 =	sne.s32 s2, $0x0  }
0x916: {  	s3 =	rddreg [dreg:$0x2];
	[bflag:$0x3] =	sbarrier.arrive $0xFFFF;
	s2 =	simm.s32 @!p0 $0x1C07  }
0x917: {  	[timem:s3], [sflag:s2] =	dma.local @!p0 [hbm:s0], s1  }
0x918: {  	s0 =	simm.s32 @!p0 $0x7  }
0x919: {  	_ =	swait.ge @!p0 [sflag:s0], s1  }
0x91a: {  	s1 =	ssub.s32 @!p0 $0x0, s1;
	[sflag:s0] =	ssyncset.done @!p0 $0x0  }
0x91b: {  	[sflag:s0] =	ssyncadd.s32 @!p0 s1  }
0x91c: {  	[bflag:$0x3] =	sbarrier.arrive $0xFFFF  }
0x91d: {  	_ =	shalt  }

</sc_bundles>
